<compile_context>
chip_gen: v7x
topology: tpu7x:2x2x1
jax: 0.10.2.dev20260603
libtpu: 0.0.44.dev20260713+nightly
codegen_flags: <defaults>
</compile_context>

<pallas_src>
import functools

import jax
import jax.numpy as jnp
from jax import lax
from jax.experimental import pallas as pl
from jax.experimental.pallas import tpu as pltpu
from jax.experimental.pallas import tpu_sc as plsc

_B = 128
_N = 32768
_NW = 32
_RPW = _B // _NW
_L = 16
_NCH = _N // _L

_LEVELS = ((24, 7), (18, 6), (12, 6), (6, 6), (0, 6))
_MAXBINS = 1 << 7


def _body(scores_hbm, k_hbm, out_hbm, row_v, coll_v, hist_v, tot_v, kv_v):
    nc = 2
    wid = lax.axis_index("s") * nc + lax.axis_index("c")
    pltpu.sync_copy(k_hbm, kv_v)
    k0 = kv_v[pl.ds(0, _L)][0]
    iota = lax.iota(jnp.int32, _L)
    ones = jnp.ones((_L,), jnp.int32)
    msk31 = jnp.int32(0x7FFFFFFF)

    def histogram_scan(nbins, k_cur):
        nch = nbins // _L

        def merge_chunk(c, _):
            acc = hist_v[pl.ds(c * _L, _L)]
            for l in range(1, _L):
                acc = acc + hist_v[pl.ds(l * nbins + c * _L, _L)]
            tot_v[pl.ds(c * _L, _L)] = acc
            return 0

        lax.fori_loop(0, nch, merge_chunk, 0, unroll=True)

        def scan_chunk(j, carry):
            after, best_d, best_k = carry
            c = nch - 1 - j
            v = tot_v[pl.ds(c * _L, _L)]
            cs = plsc.cumsum(v)
            tot = cs[_L - 1]
            suffix_incl = after + tot - cs + v
            feas = suffix_incl >= k_cur
            lane = jnp.sum(feas.astype(jnp.int32)) - 1
            above = jnp.sum(jnp.where(iota == lane, suffix_incl - v,
                                      jnp.int32(0)))
            found = (lane >= 0) & (best_d < 0)
            best_d = jnp.where(found, c * _L + lane, best_d)
            best_k = jnp.where(found, k_cur - above, best_k)
            return after + tot, best_d, best_k

        _, d, k_new = lax.fori_loop(
            0, nch, scan_chunk,
            (jnp.int32(0), jnp.int32(-1), jnp.int32(0)))
        return d, k_new

    def zero_hist(nbins):
        @plsc.parallel_loop(0, nbins, unroll=8)
        def _(i):
            hist_v[pl.ds(i * _L, _L)] = jnp.zeros((_L,), jnp.int32)

    def do_row(row, row_v):
        def _apply(thresh):
            @plsc.parallel_loop(0, _NCH, unroll=16)
            def _(i):
                x = row_v[pl.ds(i * _L, _L)]
                bits = plsc.bitcast(x, jnp.int32) & msk31
                keep = bits >= thresh
                row_v[pl.ds(i * _L, _L)] = jnp.where(keep, x,
                                                     jnp.float32(0.0))

        sh0, w0 = _LEVELS[0]
        nbins0 = 1 << w0
        zero_hist(nbins0)
        lane_base = iota * nbins0

        @plsc.parallel_loop(0, _NCH, unroll=16)
        def _(i):
            x = row_v[pl.ds(i * _L, _L)]
            bits = plsc.bitcast(x, jnp.int32) & msk31
            digit = lax.shift_right_logical(bits, jnp.int32(sh0))
            plsc.addupdate_scatter(hist_v, [lane_base + digit], ones)

        d1, k_cur = histogram_scan(nbins0, k0)
        prefix = d1

        @plsc.parallel_loop(0, _NCH, unroll=8, carry=jnp.int32(0))
        def m1(i, off):
            x = row_v[pl.ds(i * _L, _L)]
            bits = plsc.bitcast(x, jnp.int32) & msk31
            match = lax.shift_right_logical(bits, jnp.int32(sh0)) == prefix
            plsc.store_compressed(coll_v.at[pl.ds(off, _L)], bits,
                                  mask=match)
            return off + plsc.all_reduce_population_count(match)[0]

        sh1, w1 = _LEVELS[1]
        nbins1 = 1 << w1
        zero_hist(nbins1)
        nit1 = (m1 + (_L - 1)) // _L
        lane_base1 = iota * nbins1

        def lv2_hist(i, _):
            b = coll_v[pl.ds(i * _L, _L)]
            valid = (i * _L + iota) < m1
            digit = lax.shift_right_logical(b, jnp.int32(sh1)) \
                & jnp.int32(nbins1 - 1)
            plsc.addupdate_scatter(hist_v, [lane_base1 + digit], ones,
                                   mask=valid)
            return 0

        lax.fori_loop(0, nit1, lv2_hist, 0)
        d2, k_cur = histogram_scan(nbins1, k_cur)
        prefix = (prefix << w1) | d2

        def lv2_collect(i, off):
            b = coll_v[pl.ds(i * _L, _L)]
            valid = (i * _L + iota) < m1
            match = valid & (
                lax.shift_right_logical(b, jnp.int32(sh1)) == prefix)
            plsc.store_compressed(coll_v.at[pl.ds(off, _L)], b, mask=match)
            return off + plsc.all_reduce_population_count(match)[0]

        m2 = lax.fori_loop(0, nit1, lv2_collect, jnp.int32(0))

        def _fast(_):
            b0 = coll_v[pl.ds(0, _L)]
            vals = jnp.where(iota < m2, b0, jnp.int32(-1))
            s = lax.sort(vals)
            return jnp.sum(jnp.where(iota == (_L - k_cur), s, jnp.int32(0)))

        def _slow(_):
            pref = prefix
            k_c = k_cur
            m = m2
            for lvl in range(2, len(_LEVELS)):
                sh, w = _LEVELS[lvl]
                nbins = 1 << w
                zero_hist(nbins)
                nit = (m + (_L - 1)) // _L
                lane_b = iota * nbins

                def lv_hist(i, _, sh=sh, nbins=nbins, m=m, lane_b=lane_b):
                    b = coll_v[pl.ds(i * _L, _L)]
                    valid = (i * _L + iota) < m
                    digit = lax.shift_right_logical(b, jnp.int32(sh)) \
                        & jnp.int32(nbins - 1)
                    plsc.addupdate_scatter(hist_v, [lane_b + digit], ones,
                                           mask=valid)
                    return 0

                lax.fori_loop(0, nit, lv_hist, 0)
                d, k_c = histogram_scan(nbins, k_c)
                pref = (pref << w) | d

                if lvl < len(_LEVELS) - 1:
                    def lv_collect(i, off, sh=sh, m=m, pref=pref):
                        b = coll_v[pl.ds(i * _L, _L)]
                        valid = (i * _L + iota) < m
                        match = valid & (
                            lax.shift_right_logical(b, jnp.int32(sh))
                            == pref)
                        plsc.store_compressed(coll_v.at[pl.ds(off, _L)], b,
                                              mask=match)
                        return off + \
                            plsc.all_reduce_population_count(match)[0]

                    m = lax.fori_loop(0, nit, lv_collect, jnp.int32(0))
            return pref

        thresh = lax.cond(m2 <= _L, _fast, _slow, jnp.int32(0))
        _apply(thresh)

    base = wid * _RPW

    def row_step(r, _):
        pltpu.sync_copy(scores_hbm.at[base + r], row_v)
        do_row(base + r, row_v)
        pltpu.sync_copy(row_v, out_hbm.at[base + r])
        return 0

    lax.fori_loop(0, _RPW, row_step, 0)


@jax.jit
def _run(scores, kk):
    mesh = plsc.VectorSubcoreMesh(core_axis_name="c", subcore_axis_name="s")
    fn = functools.partial(
        pl.kernel,
        mesh=mesh,
        out_type=jax.ShapeDtypeStruct((_B, _N), jnp.float32),
        compiler_params=pltpu.CompilerParams(needs_layout_passes=False),
        scratch_types=[
            pltpu.VMEM((_N,), jnp.float32),
            pltpu.VMEM((_N + _L,), jnp.int32),
            pltpu.VMEM((_MAXBINS * _L,), jnp.int32),
            pltpu.VMEM((_MAXBINS,), jnp.int32),
            pltpu.VMEM((_L,), jnp.int32),
        ],
    )(_body)
    return fn(scores, kk)


def kernel(scores, k):
    kk = jnp.full((_L,), k, dtype=jnp.int32)
    return _run(scores, kk)

# --- scband reference (transcript-rebuilt; emitter-appended) ---
"""Pipeline reference for scband-dstscheduler2-80590766342414 (READ-ONLY COPY).

The authoritative reference and input builder live on the scoring server;
editing this copy changes nothing except your own understanding.
"""

import jax, jax.numpy as jnp
import numpy as np

B = 128
N = 32768
K = 22938  # keep fraction = 1 - death_rate = 0.7


def setup_inputs(seed: int = 0) -> dict:
    key = jax.random.key(seed)
    scores = jax.random.normal(key, (B, N), dtype=jnp.float32)
    return {"scores": scores, "k": K}


def reference(scores, k):
    # Magnitude-based top-k masking (DST 'magnitude' death mode, unstructured):
    # per row, keep the k largest-magnitude entries, zero (prune) the rest.
    mag = jnp.abs(scores)
    sorted_desc = jnp.sort(mag, axis=-1)[:, ::-1]
    idx = jnp.full((mag.shape[0], 1), k - 1, dtype=jnp.int32)
    thresh = jnp.take_along_axis(sorted_desc, idx, axis=1)  # kth largest magnitude per row
    mask = (mag >= thresh).astype(scores.dtype)
    return scores * mask

if __name__ == "__main__":
    import jax
    _d = setup_inputs()
    print(jax.jit(kernel)(*tuple(_d.values())))

</pallas_src>

<mosaic_0001>
#map = affine_map<(d0, d1) -> (0, 0)>
#map1 = affine_map<(d0, d1) -> (0)>
module attributes {stable_mosaic.version = 14 : i64} {
  func.func @_body(%arg0: i32, %arg1: i32, %arg2: memref<128x32768xf32, #tpu.memory_space<hbm>>, %arg3: memref<16xi32, #tpu.memory_space<hbm>>, %arg4: memref<128x32768xf32, #tpu.memory_space<hbm>>, %arg5: memref<32768xf32, #tpu.memory_space<vmem>>, %arg6: memref<32784xi32, #tpu.memory_space<vmem>>, %arg7: memref<2048xi32, #tpu.memory_space<vmem>>, %arg8: memref<128xi32, #tpu.memory_space<vmem>>, %arg9: memref<16xi32, #tpu.memory_space<vmem>>) attributes {dimension_semantics = [#tpu.dimension_semantics<core_parallel>, #tpu.dimension_semantics<subcore_parallel>], iteration_bounds = array<i64: 2, 16>, scalar_prefetch = 0 : i64, scratch_operands = 5 : i64, tpu.core_type = #tpu.core_type<sc_vector_subcore>, window_params = [{transform_indices = #map}, {transform_indices = #map1}, {transform_indices = #map}]} {
    %mul3A = arith.constant 2 : i32
    %mul3A_0 = arith.muli %arg1, %mul3A : i32
    %add3A = arith.addi %mul3A_0, %arg0 : i32
    "tpu.region"() ({
      %run_scoped3A = tpu.sem_alloc : memref<!tpu.dma_semaphore, #tpu.memory_space<semaphore_mem>>
      tpu.enqueue_dma source(%arg3 : memref<16xi32, #tpu.memory_space<hbm>>) target(%arg9 : memref<16xi32, #tpu.memory_space<vmem>>) target_semaphore(%run_scoped3A : memref<!tpu.dma_semaphore, #tpu.memory_space<semaphore_mem>>)
      tpu.wait_dma2 semaphore(%run_scoped3A : memref<!tpu.dma_semaphore, #tpu.memory_space<semaphore_mem>>) src(%arg3 : memref<16xi32, #tpu.memory_space<hbm>>) dst(%arg9 : memref<16xi32, #tpu.memory_space<vmem>>)
      tpu.yield
    }) : () -> ()
    %get3A = arith.constant 0 : index
    %get3A_1 = tpu.vector_load %arg9[%get3A] {strides = array<i32>} : memref<16xi32, #tpu.memory_space<vmem>>, vector<16xi32>,
    %slice3A = vector.extract_strided_slice %get3A_1 {offsets = [0], sizes = [1], strides = [1]} : vector<16xi32> to vector<1xi32>
    %squeeze3A = vector.extract %slice3A[0] : i32 from vector<1xi32>
    %iota3A = tpu.iota {dimensions = array<i32: 0>} : vector<16xi32>
    %broadcast_in_dim3A = arith.constant 1 : i32
    %broadcast_in_dim3A_2 = vector.broadcast %broadcast_in_dim3A : i32 to vector<16xi32>
    %mul3A_3 = arith.constant 4 : i32
    %mul3A_4 = arith.muli %add3A, %mul3A_3 : i32
    %scan3A = arith.constant 2147483647 : i32
    %scan3A_5 = arith.constant 0 : i32
    %scan3A_6 = arith.constant 0 : i32
    %scan3A_7 = arith.constant 4 : i32
    %scan3A_8 = arith.addi %scan3A_6, %scan3A_7 : i32
    %scan3A_9 = arith.constant 1 : i32
    %scan3A_10 = scf.for %scan3A_12 = %scan3A_6 to %scan3A_8 step %scan3A_9 iter_args(%scan3A_13 = %scan3A_5) -> (i32)  : i32 {
      %add3A_14 = arith.addi %mul3A_4, %scan3A_12 : i32
      "tpu.region"() ({
        %run_scoped3A = tpu.sem_alloc : memref<!tpu.dma_semaphore, #tpu.memory_space<semaphore_mem>>
        %dma_start3A = arith.constant 0 : i32
        %dma_start3A_1487 = tpu.memref_slice %arg2[%add3A_14, %dma_start3A] : memref<128x32768xf32, #tpu.memory_space<hbm>> -> memref<1x32768xf32, #tpu.memory_space<hbm>>
        %dma_start3A_1488 = tpu.memref_squeeze %dma_start3A_1487 : memref<1x32768xf32, #tpu.memory_space<hbm>> -> memref<32768xf32, #tpu.memory_space<hbm>>
        %dma_start3A_1489 = arith.constant 0 : i32
        %dma_start3A_1490 = tpu.memref_slice %arg2[%add3A_14, %dma_start3A_1489] : memref<128x32768xf32, #tpu.memory_space<hbm>> -> memref<1x32768xf32, #tpu.memory_space<hbm>>
        %dma_start3A_1491 = tpu.memref_squeeze %dma_start3A_1490 : memref<1x32768xf32, #tpu.memory_space<hbm>> -> memref<32768xf32, #tpu.memory_space<hbm>>
        tpu.enqueue_dma source(%dma_start3A_1491 : memref<32768xf32, #tpu.memory_space<hbm>>) target(%arg5 : memref<32768xf32, #tpu.memory_space<vmem>>) target_semaphore(%run_scoped3A : memref<!tpu.dma_semaphore, #tpu.memory_space<semaphore_mem>>)
        %dma_wait3A = arith.constant 0 : i32
        %dma_wait3A_1492 = tpu.memref_slice %arg2[%add3A_14, %dma_wait3A] : memref<128x32768xf32, #tpu.memory_space<hbm>> -> memref<1x32768xf32, #tpu.memory_space<hbm>>
        %dma_wait3A_1493 = tpu.memref_squeeze %dma_wait3A_1492 : memref<1x32768xf32, #tpu.memory_space<hbm>> -> memref<32768xf32, #tpu.memory_space<hbm>>
        %dma_wait3A_1494 = arith.constant 0 : i32
        %dma_wait3A_1495 = tpu.memref_slice %arg2[%add3A_14, %dma_wait3A_1494] : memref<128x32768xf32, #tpu.memory_space<hbm>> -> memref<1x32768xf32, #tpu.memory_space<hbm>>
        %dma_wait3A_1496 = tpu.memref_squeeze %dma_wait3A_1495 : memref<1x32768xf32, #tpu.memory_space<hbm>> -> memref<32768xf32, #tpu.memory_space<hbm>>
        tpu.wait_dma2 semaphore(%run_scoped3A : memref<!tpu.dma_semaphore, #tpu.memory_space<semaphore_mem>>) src(%dma_wait3A_1496 : memref<32768xf32, #tpu.memory_space<hbm>>) dst(%arg5 : memref<32768xf32, #tpu.memory_space<vmem>>)
        tpu.yield
      }) : () -> ()
      %add3A_15 = arith.addi %mul3A_4, %scan3A_12 : i32
      %parallel_loop3A = arith.constant 0 : i32
      %parallel_loop3A_16 = arith.constant 128 : i32
      %parallel_loop3A_17 = arith.constant 1 : i32
      scf.for %parallel_loop3A_1487 = %parallel_loop3A to %parallel_loop3A_16 step %parallel_loop3A_17  : i32 {
        %parallel_loop3A_1488 = arith.constant 0 : i32
        %parallel_loop3A_1489 = vector.broadcast %parallel_loop3A_1488 : i32 to vector<16xi32>
        %parallel_loop3A_1490 = arith.constant 16 : i32
        %parallel_loop3A_1491 = arith.muli %parallel_loop3A_1487, %parallel_loop3A_1490 : i32
        %parallel_loop3A_1492 = arith.index_cast %parallel_loop3A_1491 : i32 to index
        %parallel_loop3A_1493 = tpu.vector_load %arg7[%parallel_loop3A_1492] {strides = array<i32>} : memref<2048xi32, #tpu.memory_space<vmem>>, vector<16xi32>,
        tpu.vector_store %arg7[%parallel_loop3A_1492], %parallel_loop3A_1489 {strides = array<i32>} : memref<2048xi32, #tpu.memory_space<vmem>>, vector<16xi32>,
      } {sc.loop_unroll_factor = 8 : i64, sc.parallel_access}
      %mul3A_18 = arith.constant 128 : i32
      %mul3A_19 = vector.broadcast %mul3A_18 : i32 to vector<16xi32>
      %mul3A_20 = arith.muli %iota3A, %mul3A_19 : vector<16xi32>
      %parallel_loop3A_21 = arith.constant 0 : i32
      %parallel_loop3A_22 = arith.constant 2048 : i32
      %parallel_loop3A_23 = arith.constant 1 : i32
      scf.for %parallel_loop3A_1487 = %parallel_loop3A_21 to %parallel_loop3A_22 step %parallel_loop3A_23  : i32 {
        %parallel_loop3A_1488 = arith.constant 16 : i32
        %parallel_loop3A_1489 = arith.muli %parallel_loop3A_1487, %parallel_loop3A_1488 : i32
        %parallel_loop3A_1490 = arith.index_cast %parallel_loop3A_1489 : i32 to index
        %parallel_loop3A_1491 = tpu.vector_load %arg5[%parallel_loop3A_1490] {strides = array<i32>} : memref<32768xf32, #tpu.memory_space<vmem>>, vector<16xf32>,
        %parallel_loop3A_1492 = vector.bitcast %parallel_loop3A_1491 : vector<16xf32> to vector<16xi32>
        %parallel_loop3A_1493 = vector.broadcast %scan3A : i32 to vector<16xi32>
        %parallel_loop3A_1494 = arith.andi %parallel_loop3A_1492, %parallel_loop3A_1493 : vector<16xi32>
        %parallel_loop3A_1495 = arith.constant 24 : i32
        %parallel_loop3A_1496 = vector.broadcast %parallel_loop3A_1495 : i32 to vector<16xi32>
        %parallel_loop3A_1497 = arith.shrui %parallel_loop3A_1494, %parallel_loop3A_1496 : vector<16xi32>
        %parallel_loop3A_1498 = arith.addi %mul3A_20, %parallel_loop3A_1497 : vector<16xi32>
        tpu.vector_store_idx %arg7[%parallel_loop3A_1498], %broadcast_in_dim3A_2 {add = true} : memref<2048xi32, #tpu.memory_space<vmem>>[vector<16xi32>], vector<16xi32>,
      } {sc.loop_unroll_factor = 16 : i64, sc.parallel_access}
      %scan3A_24 = arith.constant 0 : i32
      %scan3A_25 = arith.constant 0 : i32
      %mul3A_26 = arith.constant 16 : i32
      %mul3A_27 = arith.muli %scan3A_25, %mul3A_26 : i32
      %get3A_28 = arith.index_cast %mul3A_27 : i32 to index
      %get3A_29 = tpu.vector_load %arg7[%get3A_28] {strides = array<i32>} : memref<2048xi32, #tpu.memory_space<vmem>>, vector<16xi32>,
      %mul3A_30 = arith.constant 16 : i32
      %mul3A_31 = arith.muli %scan3A_25, %mul3A_30 : i32
      %add3A_32 = arith.constant 128 : i32
      %add3A_33 = arith.addi %add3A_32, %mul3A_31 : i32
      %get3A_34 = arith.index_cast %add3A_33 : i32 to index
      %get3A_35 = tpu.vector_load %arg7[%get3A_34] {strides = array<i32>} : memref<2048xi32, #tpu.memory_space<vmem>>, vector<16xi32>,
      %add3A_36 = arith.addi %get3A_29, %get3A_35 : vector<16xi32>
      %mul3A_37 = arith.constant 16 : i32
      %mul3A_38 = arith.muli %scan3A_25, %mul3A_37 : i32
      %add3A_39 = arith.constant 256 : i32
      %add3A_40 = arith.addi %add3A_39, %mul3A_38 : i32
      %get3A_41 = arith.index_cast %add3A_40 : i32 to index
      %get3A_42 = tpu.vector_load %arg7[%get3A_41] {strides = array<i32>} : memref<2048xi32, #tpu.memory_space<vmem>>, vector<16xi32>,
      %add3A_43 = arith.addi %add3A_36, %get3A_42 : vector<16xi32>
      %mul3A_44 = arith.constant 16 : i32
      %mul3A_45 = arith.muli %scan3A_25, %mul3A_44 : i32
      %add3A_46 = arith.constant 384 : i32
      %add3A_47 = arith.addi %add3A_46, %mul3A_45 : i32
      %get3A_48 = arith.index_cast %add3A_47 : i32 to index
      %get3A_49 = tpu.vector_load %arg7[%get3A_48] {strides = array<i32>} : memref<2048xi32, #tpu.memory_space<vmem>>, vector<16xi32>,
      %add3A_50 = arith.addi %add3A_43, %get3A_49 : vector<16xi32>
      %mul3A_51 = arith.constant 16 : i32
      %mul3A_52 = arith.muli %scan3A_25, %mul3A_51 : i32
      %add3A_53 = arith.constant 512 : i32
      %add3A_54 = arith.addi %add3A_53, %mul3A_52 : i32
      %get3A_55 = arith.index_cast %add3A_54 : i32 to index
      %get3A_56 = tpu.vector_load %arg7[%get3A_55] {strides = array<i32>} : memref<2048xi32, #tpu.memory_space<vmem>>, vector<16xi32>,
      %add3A_57 = arith.addi %add3A_50, %get3A_56 : vector<16xi32>
      %mul3A_58 = arith.constant 16 : i32
      %mul3A_59 = arith.muli %scan3A_25, %mul3A_58 : i32
      %add3A_60 = arith.constant 640 : i32
      %add3A_61 = arith.addi %add3A_60, %mul3A_59 : i32
      %get3A_62 = arith.index_cast %add3A_61 : i32 to index
      %get3A_63 = tpu.vector_load %arg7[%get3A_62] {strides = array<i32>} : memref<2048xi32, #tpu.memory_space<vmem>>, vector<16xi32>,
      %add3A_64 = arith.addi %add3A_57, %get3A_63 : vector<16xi32>
      %mul3A_65 = arith.constant 16 : i32
      %mul3A_66 = arith.muli %scan3A_25, %mul3A_65 : i32
      %add3A_67 = arith.constant 768 : i32
      %add3A_68 = arith.addi %add3A_67, %mul3A_66 : i32
      %get3A_69 = arith.index_cast %add3A_68 : i32 to index
      %get3A_70 = tpu.vector_load %arg7[%get3A_69] {strides = array<i32>} : memref<2048xi32, #tpu.memory_space<vmem>>, vector<16xi32>,
      %add3A_71 = arith.addi %add3A_64, %get3A_70 : vector<16xi32>
      %mul3A_72 = arith.constant 16 : i32
      %mul3A_73 = arith.muli %scan3A_25, %mul3A_72 : i32
      %add3A_74 = arith.constant 896 : i32
      %add3A_75 = arith.addi %add3A_74, %mul3A_73 : i32
      %get3A_76 = arith.index_cast %add3A_75 : i32 to index
      %get3A_77 = tpu.vector_load %arg7[%get3A_76] {strides = array<i32>} : memref<2048xi32, #tpu.memory_space<vmem>>, vector<16xi32>,
      %add3A_78 = arith.addi %add3A_71, %get3A_77 : vector<16xi32>
      %mul3A_79 = arith.constant 16 : i32
      %mul3A_80 = arith.muli %scan3A_25, %mul3A_79 : i32
      %add3A_81 = arith.constant 1024 : i32
      %add3A_82 = arith.addi %add3A_81, %mul3A_80 : i32
      %get3A_83 = arith.index_cast %add3A_82 : i32 to index
      %get3A_84 = tpu.vector_load %arg7[%get3A_83] {strides = array<i32>} : memref<2048xi32, #tpu.memory_space<vmem>>, vector<16xi32>,
      %add3A_85 = arith.addi %add3A_78, %get3A_84 : vector<16xi32>
      %mul3A_86 = arith.constant 16 : i32
      %mul3A_87 = arith.muli %scan3A_25, %mul3A_86 : i32
      %add3A_88 = arith.constant 1152 : i32
      %add3A_89 = arith.addi %add3A_88, %mul3A_87 : i32
      %get3A_90 = arith.index_cast %add3A_89 : i32 to index
      %get3A_91 = tpu.vector_load %arg7[%get3A_90] {strides = array<i32>} : memref<2048xi32, #tpu.memory_space<vmem>>, vector<16xi32>,
      %add3A_92 = arith.addi %add3A_85, %get3A_91 : vector<16xi32>
      %mul3A_93 = arith.constant 16 : i32
      %mul3A_94 = arith.muli %scan3A_25, %mul3A_93 : i32
      %add3A_95 = arith.constant 1280 : i32
      %add3A_96 = arith.addi %add3A_95, %mul3A_94 : i32
      %get3A_97 = arith.index_cast %add3A_96 : i32 to index
      %get3A_98 = tpu.vector_load %arg7[%get3A_97] {strides = array<i32>} : memref<2048xi32, #tpu.memory_space<vmem>>, vector<16xi32>,
      %add3A_99 = arith.addi %add3A_92, %get3A_98 : vector<16xi32>
      %mul3A_100 = arith.constant 16 : i32
      %mul3A_101 = arith.muli %scan3A_25, %mul3A_100 : i32
      %add3A_102 = arith.constant 1408 : i32
      %add3A_103 = arith.addi %add3A_102, %mul3A_101 : i32
      %get3A_104 = arith.index_cast %add3A_103 : i32 to index
      %get3A_105 = tpu.vector_load %arg7[%get3A_104] {strides = array<i32>} : memref<2048xi32, #tpu.memory_space<vmem>>, vector<16xi32>,
      %add3A_106 = arith.addi %add3A_99, %get3A_105 : vector<16xi32>
      %mul3A_107 = arith.constant 16 : i32
      %mul3A_108 = arith.muli %scan3A_25, %mul3A_107 : i32
      %add3A_109 = arith.constant 1536 : i32
      %add3A_110 = arith.addi %add3A_109, %mul3A_108 : i32
      %get3A_111 = arith.index_cast %add3A_110 : i32 to index
      %get3A_112 = tpu.vector_load %arg7[%get3A_111] {strides = array<i32>} : memref<2048xi32, #tpu.memory_space<vmem>>, vector<16xi32>,
      %add3A_113 = arith.addi %add3A_106, %get3A_112 : vector<16xi32>
      %mul3A_114 = arith.constant 16 : i32
      %mul3A_115 = arith.muli %scan3A_25, %mul3A_114 : i32
      %add3A_116 = arith.constant 1664 : i32
      %add3A_117 = arith.addi %add3A_116, %mul3A_115 : i32
      %get3A_118 = arith.index_cast %add3A_117 : i32 to index
      %get3A_119 = tpu.vector_load %arg7[%get3A_118] {strides = array<i32>} : memref<2048xi32, #tpu.memory_space<vmem>>, vector<16xi32>,
      %add3A_120 = arith.addi %add3A_113, %get3A_119 : vector<16xi32>
      %mul3A_121 = arith.constant 16 : i32
      %mul3A_122 = arith.muli %scan3A_25, %mul3A_121 : i32
      %add3A_123 = arith.constant 1792 : i32
      %add3A_124 = arith.addi %add3A_123, %mul3A_122 : i32
      %get3A_125 = arith.index_cast %add3A_124 : i32 to index
      %get3A_126 = tpu.vector_load %arg7[%get3A_125] {strides = array<i32>} : memref<2048xi32, #tpu.memory_space<vmem>>, vector<16xi32>,
      %add3A_127 = arith.addi %add3A_120, %get3A_126 : vector<16xi32>
      %mul3A_128 = arith.constant 16 : i32
      %mul3A_129 = arith.muli %scan3A_25, %mul3A_128 : i32
      %add3A_130 = arith.constant 1920 : i32
      %add3A_131 = arith.addi %add3A_130, %mul3A_129 : i32
      %get3A_132 = arith.index_cast %add3A_131 : i32 to index
      %get3A_133 = tpu.vector_load %arg7[%get3A_132] {strides = array<i32>} : memref<2048xi32, #tpu.memory_space<vmem>>, vector<16xi32>,
      %add3A_134 = arith.addi %add3A_127, %get3A_133 : vector<16xi32>
      %mul3A_135 = arith.constant 16 : i32
      %mul3A_136 = arith.muli %scan3A_25, %mul3A_135 : i32
      %swap3A = arith.index_cast %mul3A_136 : i32 to index
      %swap3A_137 = tpu.vector_load %arg8[%swap3A] {strides = array<i32>} : memref<128xi32, #tpu.memory_space<vmem>>, vector<16xi32>,
      tpu.vector_store %arg8[%swap3A], %add3A_134 {strides = array<i32>} : memref<128xi32, #tpu.memory_space<vmem>>, vector<16xi32>,
      %scan3A_138 = arith.constant 0 : i32
      %scan3A_139 = arith.constant 1 : i32
      %mul3A_140 = arith.constant 16 : i32
      %mul3A_141 = arith.muli %scan3A_139, %mul3A_140 : i32
      %get3A_142 = arith.index_cast %mul3A_141 : i32 to index
      %get3A_143 = tpu.vector_load %arg7[%get3A_142] {strides = array<i32>} : memref<2048xi32, #tpu.memory_space<vmem>>, vector<16xi32>,
      %mul3A_144 = arith.constant 16 : i32
      %mul3A_145 = arith.muli %scan3A_139, %mul3A_144 : i32
      %add3A_146 = arith.constant 128 : i32
      %add3A_147 = arith.addi %add3A_146, %mul3A_145 : i32
      %get3A_148 = arith.index_cast %add3A_147 : i32 to index
      %get3A_149 = tpu.vector_load %arg7[%get3A_148] {strides = array<i32>} : memref<2048xi32, #tpu.memory_space<vmem>>, vector<16xi32>,
      %add3A_150 = arith.addi %get3A_143, %get3A_149 : vector<16xi32>
      %mul3A_151 = arith.constant 16 : i32
      %mul3A_152 = arith.muli %scan3A_139, %mul3A_151 : i32
      %add3A_153 = arith.constant 256 : i32
      %add3A_154 = arith.addi %add3A_153, %mul3A_152 : i32
      %get3A_155 = arith.index_cast %add3A_154 : i32 to index
      %get3A_156 = tpu.vector_load %arg7[%get3A_155] {strides = array<i32>} : memref<2048xi32, #tpu.memory_space<vmem>>, vector<16xi32>,
      %add3A_157 = arith.addi %add3A_150, %get3A_156 : vector<16xi32>
      %mul3A_158 = arith.constant 16 : i32
      %mul3A_159 = arith.muli %scan3A_139, %mul3A_158 : i32
      %add3A_160 = arith.constant 384 : i32
      %add3A_161 = arith.addi %add3A_160, %mul3A_159 : i32
      %get3A_162 = arith.index_cast %add3A_161 : i32 to index
      %get3A_163 = tpu.vector_load %arg7[%get3A_162] {strides = array<i32>} : memref<2048xi32, #tpu.memory_space<vmem>>, vector<16xi32>,
      %add3A_164 = arith.addi %add3A_157, %get3A_163 : vector<16xi32>
      %mul3A_165 = arith.constant 16 : i32
      %mul3A_166 = arith.muli %scan3A_139, %mul3A_165 : i32
      %add3A_167 = arith.constant 512 : i32
      %add3A_168 = arith.addi %add3A_167, %mul3A_166 : i32
      %get3A_169 = arith.index_cast %add3A_168 : i32 to index
      %get3A_170 = tpu.vector_load %arg7[%get3A_169] {strides = array<i32>} : memref<2048xi32, #tpu.memory_space<vmem>>, vector<16xi32>,
      %add3A_171 = arith.addi %add3A_164, %get3A_170 : vector<16xi32>
      %mul3A_172 = arith.constant 16 : i32
      %mul3A_173 = arith.muli %scan3A_139, %mul3A_172 : i32
      %add3A_174 = arith.constant 640 : i32
      %add3A_175 = arith.addi %add3A_174, %mul3A_173 : i32
      %get3A_176 = arith.index_cast %add3A_175 : i32 to index
      %get3A_177 = tpu.vector_load %arg7[%get3A_176] {strides = array<i32>} : memref<2048xi32, #tpu.memory_space<vmem>>, vector<16xi32>,
      %add3A_178 = arith.addi %add3A_171, %get3A_177 : vector<16xi32>
      %mul3A_179 = arith.constant 16 : i32
      %mul3A_180 = arith.muli %scan3A_139, %mul3A_179 : i32
      %add3A_181 = arith.constant 768 : i32
      %add3A_182 = arith.addi %add3A_181, %mul3A_180 : i32
      %get3A_183 = arith.index_cast %add3A_182 : i32 to index
      %get3A_184 = tpu.vector_load %arg7[%get3A_183] {strides = array<i32>} : memref<2048xi32, #tpu.memory_space<vmem>>, vector<16xi32>,
      %add3A_185 = arith.addi %add3A_178, %get3A_184 : vector<16xi32>
      %mul3A_186 = arith.constant 16 : i32
      %mul3A_187 = arith.muli %scan3A_139, %mul3A_186 : i32
      %add3A_188 = arith.constant 896 : i32
      %add3A_189 = arith.addi %add3A_188, %mul3A_187 : i32
      %get3A_190 = arith.index_cast %add3A_189 : i32 to index
      %get3A_191 = tpu.vector_load %arg7[%get3A_190] {strides = array<i32>} : memref<2048xi32, #tpu.memory_space<vmem>>, vector<16xi32>,
      %add3A_192 = arith.addi %add3A_185, %get3A_191 : vector<16xi32>
      %mul3A_193 = arith.constant 16 : i32
      %mul3A_194 = arith.muli %scan3A_139, %mul3A_193 : i32
      %add3A_195 = arith.constant 1024 : i32
      %add3A_196 = arith.addi %add3A_195, %mul3A_194 : i32
      %get3A_197 = arith.index_cast %add3A_196 : i32 to index
      %get3A_198 = tpu.vector_load %arg7[%get3A_197] {strides = array<i32>} : memref<2048xi32, #tpu.memory_space<vmem>>, vector<16xi32>,
      %add3A_199 = arith.addi %add3A_192, %get3A_198 : vector<16xi32>
      %mul3A_200 = arith.constant 16 : i32
      %mul3A_201 = arith.muli %scan3A_139, %mul3A_200 : i32
      %add3A_202 = arith.constant 1152 : i32
      %add3A_203 = arith.addi %add3A_202, %mul3A_201 : i32
      %get3A_204 = arith.index_cast %add3A_203 : i32 to index
      %get3A_205 = tpu.vector_load %arg7[%get3A_204] {strides = array<i32>} : memref<2048xi32, #tpu.memory_space<vmem>>, vector<16xi32>,
      %add3A_206 = arith.addi %add3A_199, %get3A_205 : vector<16xi32>
      %mul3A_207 = arith.constant 16 : i32
      %mul3A_208 = arith.muli %scan3A_139, %mul3A_207 : i32
      %add3A_209 = arith.constant 1280 : i32
      %add3A_210 = arith.addi %add3A_209, %mul3A_208 : i32
      %get3A_211 = arith.index_cast %add3A_210 : i32 to index
      %get3A_212 = tpu.vector_load %arg7[%get3A_211] {strides = array<i32>} : memref<2048xi32, #tpu.memory_space<vmem>>, vector<16xi32>,
      %add3A_213 = arith.addi %add3A_206, %get3A_212 : vector<16xi32>
      %mul3A_214 = arith.constant 16 : i32
      %mul3A_215 = arith.muli %scan3A_139, %mul3A_214 : i32
      %add3A_216 = arith.constant 1408 : i32
      %add3A_217 = arith.addi %add3A_216, %mul3A_215 : i32
      %get3A_218 = arith.index_cast %add3A_217 : i32 to index
      %get3A_219 = tpu.vector_load %arg7[%get3A_218] {strides = array<i32>} : memref<2048xi32, #tpu.memory_space<vmem>>, vector<16xi32>,
      %add3A_220 = arith.addi %add3A_213, %get3A_219 : vector<16xi32>
      %mul3A_221 = arith.constant 16 : i32
      %mul3A_222 = arith.muli %scan3A_139, %mul3A_221 : i32
      %add3A_223 = arith.constant 1536 : i32
      %add3A_224 = arith.addi %add3A_223, %mul3A_222 : i32
      %get3A_225 = arith.index_cast %add3A_224 : i32 to index
      %get3A_226 = tpu.vector_load %arg7[%get3A_225] {strides = array<i32>} : memref<2048xi32, #tpu.memory_space<vmem>>, vector<16xi32>,
      %add3A_227 = arith.addi %add3A_220, %get3A_226 : vector<16xi32>
      %mul3A_228 = arith.constant 16 : i32
      %mul3A_229 = arith.muli %scan3A_139, %mul3A_228 : i32
      %add3A_230 = arith.constant 1664 : i32
      %add3A_231 = arith.addi %add3A_230, %mul3A_229 : i32
      %get3A_232 = arith.index_cast %add3A_231 : i32 to index
      %get3A_233 = tpu.vector_load %arg7[%get3A_232] {strides = array<i32>} : memref<2048xi32, #tpu.memory_space<vmem>>, vector<16xi32>,
      %add3A_234 = arith.addi %add3A_227, %get3A_233 : vector<16xi32>
      %mul3A_235 = arith.constant 16 : i32
      %mul3A_236 = arith.muli %scan3A_139, %mul3A_235 : i32
      %add3A_237 = arith.constant 1792 : i32
      %add3A_238 = arith.addi %add3A_237, %mul3A_236 : i32
      %get3A_239 = arith.index_cast %add3A_238 : i32 to index
      %get3A_240 = tpu.vector_load %arg7[%get3A_239] {strides = array<i32>} : memref<2048xi32, #tpu.memory_space<vmem>>, vector<16xi32>,
      %add3A_241 = arith.addi %add3A_234, %get3A_240 : vector<16xi32>
      %mul3A_242 = arith.constant 16 : i32
      %mul3A_243 = arith.muli %scan3A_139, %mul3A_242 : i32
      %add3A_244 = arith.constant 1920 : i32
      %add3A_245 = arith.addi %add3A_244, %mul3A_243 : i32
      %get3A_246 = arith.index_cast %add3A_245 : i32 to index
      %get3A_247 = tpu.vector_load %arg7[%get3A_246] {strides = array<i32>} : memref<2048xi32, #tpu.memory_space<vmem>>, vector<16xi32>,
      %add3A_248 = arith.addi %add3A_241, %get3A_247 : vector<16xi32>
      %mul3A_249 = arith.constant 16 : i32
      %mul3A_250 = arith.muli %scan3A_139, %mul3A_249 : i32
      %swap3A_251 = arith.index_cast %mul3A_250 : i32 to index
      %swap3A_252 = tpu.vector_load %arg8[%swap3A_251] {strides = array<i32>} : memref<128xi32, #tpu.memory_space<vmem>>, vector<16xi32>,
      tpu.vector_store %arg8[%swap3A_251], %add3A_248 {strides = array<i32>} : memref<128xi32, #tpu.memory_space<vmem>>, vector<16xi32>,
      %scan3A_253 = arith.constant 0 : i32
      %scan3A_254 = arith.constant 2 : i32
      %mul3A_255 = arith.constant 16 : i32
      %mul3A_256 = arith.muli %scan3A_254, %mul3A_255 : i32
      %get3A_257 = arith.index_cast %mul3A_256 : i32 to index
      %get3A_258 = tpu.vector_load %arg7[%get3A_257] {strides = array<i32>} : memref<2048xi32, #tpu.memory_space<vmem>>, vector<16xi32>,
      %mul3A_259 = arith.constant 16 : i32
      %mul3A_260 = arith.muli %scan3A_254, %mul3A_259 : i32
      %add3A_261 = arith.constant 128 : i32
      %add3A_262 = arith.addi %add3A_261, %mul3A_260 : i32
      %get3A_263 = arith.index_cast %add3A_262 : i32 to index
      %get3A_264 = tpu.vector_load %arg7[%get3A_263] {strides = array<i32>} : memref<2048xi32, #tpu.memory_space<vmem>>, vector<16xi32>,
      %add3A_265 = arith.addi %get3A_258, %get3A_264 : vector<16xi32>
      %mul3A_266 = arith.constant 16 : i32
      %mul3A_267 = arith.muli %scan3A_254, %mul3A_266 : i32
      %add3A_268 = arith.constant 256 : i32
      %add3A_269 = arith.addi %add3A_268, %mul3A_267 : i32
      %get3A_270 = arith.index_cast %add3A_269 : i32 to index
      %get3A_271 = tpu.vector_load %arg7[%get3A_270] {strides = array<i32>} : memref<2048xi32, #tpu.memory_space<vmem>>, vector<16xi32>,
      %add3A_272 = arith.addi %add3A_265, %get3A_271 : vector<16xi32>
      %mul3A_273 = arith.constant 16 : i32
      %mul3A_274 = arith.muli %scan3A_254, %mul3A_273 : i32
      %add3A_275 = arith.constant 384 : i32
      %add3A_276 = arith.addi %add3A_275, %mul3A_274 : i32
      %get3A_277 = arith.index_cast %add3A_276 : i32 to index
      %get3A_278 = tpu.vector_load %arg7[%get3A_277] {strides = array<i32>} : memref<2048xi32, #tpu.memory_space<vmem>>, vector<16xi32>,
      %add3A_279 = arith.addi %add3A_272, %get3A_278 : vector<16xi32>
      %mul3A_280 = arith.constant 16 : i32
      %mul3A_281 = arith.muli %scan3A_254, %mul3A_280 : i32
      %add3A_282 = arith.constant 512 : i32
      %add3A_283 = arith.addi %add3A_282, %mul3A_281 : i32
      %get3A_284 = arith.index_cast %add3A_283 : i32 to index
      %get3A_285 = tpu.vector_load %arg7[%get3A_284] {strides = array<i32>} : memref<2048xi32, #tpu.memory_space<vmem>>, vector<16xi32>,
      %add3A_286 = arith.addi %add3A_279, %get3A_285 : vector<16xi32>
      %mul3A_287 = arith.constant 16 : i32
      %mul3A_288 = arith.muli %scan3A_254, %mul3A_287 : i32
      %add3A_289 = arith.constant 640 : i32
      %add3A_290 = arith.addi %add3A_289, %mul3A_288 : i32
      %get3A_291 = arith.index_cast %add3A_290 : i32 to index
      %get3A_292 = tpu.vector_load %arg7[%get3A_291] {strides = array<i32>} : memref<2048xi32, #tpu.memory_space<vmem>>, vector<16xi32>,
      %add3A_293 = arith.addi %add3A_286, %get3A_292 : vector<16xi32>
      %mul3A_294 = arith.constant 16 : i32
      %mul3A_295 = arith.muli %scan3A_254, %mul3A_294 : i32
      %add3A_296 = arith.constant 768 : i32
      %add3A_297 = arith.addi %add3A_296, %mul3A_295 : i32
      %get3A_298 = arith.index_cast %add3A_297 : i32 to index
      %get3A_299 = tpu.vector_load %arg7[%get3A_298] {strides = array<i32>} : memref<2048xi32, #tpu.memory_space<vmem>>, vector<16xi32>,
      %add3A_300 = arith.addi %add3A_293, %get3A_299 : vector<16xi32>
      %mul3A_301 = arith.constant 16 : i32
      %mul3A_302 = arith.muli %scan3A_254, %mul3A_301 : i32
      %add3A_303 = arith.constant 896 : i32
      %add3A_304 = arith.addi %add3A_303, %mul3A_302 : i32
      %get3A_305 = arith.index_cast %add3A_304 : i32 to index
      %get3A_306 = tpu.vector_load %arg7[%get3A_305] {strides = array<i32>} : memref<2048xi32, #tpu.memory_space<vmem>>, vector<16xi32>,
      %add3A_307 = arith.addi %add3A_300, %get3A_306 : vector<16xi32>
      %mul3A_308 = arith.constant 16 : i32
      %mul3A_309 = arith.muli %scan3A_254, %mul3A_308 : i32
      %add3A_310 = arith.constant 1024 : i32
      %add3A_311 = arith.addi %add3A_310, %mul3A_309 : i32
      %get3A_312 = arith.index_cast %add3A_311 : i32 to index
      %get3A_313 = tpu.vector_load %arg7[%get3A_312] {strides = array<i32>} : memref<2048xi32, #tpu.memory_space<vmem>>, vector<16xi32>,
      %add3A_314 = arith.addi %add3A_307, %get3A_313 : vector<16xi32>
      %mul3A_315 = arith.constant 16 : i32
      %mul3A_316 = arith.muli %scan3A_254, %mul3A_315 : i32
      %add3A_317 = arith.constant 1152 : i32
      %add3A_318 = arith.addi %add3A_317, %mul3A_316 : i32
      %get3A_319 = arith.index_cast %add3A_318 : i32 to index
      %get3A_320 = tpu.vector_load %arg7[%get3A_319] {strides = array<i32>} : memref<2048xi32, #tpu.memory_space<vmem>>, vector<16xi32>,
      %add3A_321 = arith.addi %add3A_314, %get3A_320 : vector<16xi32>
      %mul3A_322 = arith.constant 16 : i32
      %mul3A_323 = arith.muli %scan3A_254, %mul3A_322 : i32
      %add3A_324 = arith.constant 1280 : i32
      %add3A_325 = arith.addi %add3A_324, %mul3A_323 : i32
      %get3A_326 = arith.index_cast %add3A_325 : i32 to index
      %get3A_327 = tpu.vector_load %arg7[%get3A_326] {strides = array<i32>} : memref<2048xi32, #tpu.memory_space<vmem>>, vector<16xi32>,
      %add3A_328 = arith.addi %add3A_321, %get3A_327 : vector<16xi32>
      %mul3A_329 = arith.constant 16 : i32
      %mul3A_330 = arith.muli %scan3A_254, %mul3A_329 : i32
      %add3A_331 = arith.constant 1408 : i32
      %add3A_332 = arith.addi %add3A_331, %mul3A_330 : i32
      %get3A_333 = arith.index_cast %add3A_332 : i32 to index
      %get3A_334 = tpu.vector_load %arg7[%get3A_333] {strides = array<i32>} : memref<2048xi32, #tpu.memory_space<vmem>>, vector<16xi32>,
      %add3A_335 = arith.addi %add3A_328, %get3A_334 : vector<16xi32>
      %mul3A_336 = arith.constant 16 : i32
      %mul3A_337 = arith.muli %scan3A_254, %mul3A_336 : i32
      %add3A_338 = arith.constant 1536 : i32
      %add3A_339 = arith.addi %add3A_338, %mul3A_337 : i32
      %get3A_340 = arith.index_cast %add3A_339 : i32 to index
      %get3A_341 = tpu.vector_load %arg7[%get3A_340] {strides = array<i32>} : memref<2048xi32, #tpu.memory_space<vmem>>, vector<16xi32>,
      %add3A_342 = arith.addi %add3A_335, %get3A_341 : vector<16xi32>
      %mul3A_343 = arith.constant 16 : i32
      %mul3A_344 = arith.muli %scan3A_254, %mul3A_343 : i32
      %add3A_345 = arith.constant 1664 : i32
      %add3A_346 = arith.addi %add3A_345, %mul3A_344 : i32
      %get3A_347 = arith.index_cast %add3A_346 : i32 to index
      %get3A_348 = tpu.vector_load %arg7[%get3A_347] {strides = array<i32>} : memref<2048xi32, #tpu.memory_space<vmem>>, vector<16xi32>,
      %add3A_349 = arith.addi %add3A_342, %get3A_348 : vector<16xi32>
      %mul3A_350 = arith.constant 16 : i32
      %mul3A_351 = arith.muli %scan3A_254, %mul3A_350 : i32
      %add3A_352 = arith.constant 1792 : i32
      %add3A_353 = arith.addi %add3A_352, %mul3A_351 : i32
      %get3A_354 = arith.index_cast %add3A_353 : i32 to index
      %get3A_355 = tpu.vector_load %arg7[%get3A_354] {strides = array<i32>} : memref<2048xi32, #tpu.memory_space<vmem>>, vector<16xi32>,
      %add3A_356 = arith.addi %add3A_349, %get3A_355 : vector<16xi32>
      %mul3A_357 = arith.constant 16 : i32
      %mul3A_358 = arith.muli %scan3A_254, %mul3A_357 : i32
      %add3A_359 = arith.constant 1920 : i32
      %add3A_360 = arith.addi %add3A_359, %mul3A_358 : i32
      %get3A_361 = arith.index_cast %add3A_360 : i32 to index
      %get3A_362 = tpu.vector_load %arg7[%get3A_361] {strides = array<i32>} : memref<2048xi32, #tpu.memory_space<vmem>>, vector<16xi32>,
      %add3A_363 = arith.addi %add3A_356, %get3A_362 : vector<16xi32>
      %mul3A_364 = arith.constant 16 : i32
      %mul3A_365 = arith.muli %scan3A_254, %mul3A_364 : i32
      %swap3A_366 = arith.index_cast %mul3A_365 : i32 to index
      %swap3A_367 = tpu.vector_load %arg8[%swap3A_366] {strides = array<i32>} : memref<128xi32, #tpu.memory_space<vmem>>, vector<16xi32>,
      tpu.vector_store %arg8[%swap3A_366], %add3A_363 {strides = array<i32>} : memref<128xi32, #tpu.memory_space<vmem>>, vector<16xi32>,
      %scan3A_368 = arith.constant 0 : i32
      %scan3A_369 = arith.constant 3 : i32
      %mul3A_370 = arith.constant 16 : i32
      %mul3A_371 = arith.muli %scan3A_369, %mul3A_370 : i32
      %get3A_372 = arith.index_cast %mul3A_371 : i32 to index
      %get3A_373 = tpu.vector_load %arg7[%get3A_372] {strides = array<i32>} : memref<2048xi32, #tpu.memory_space<vmem>>, vector<16xi32>,
      %mul3A_374 = arith.constant 16 : i32
      %mul3A_375 = arith.muli %scan3A_369, %mul3A_374 : i32
      %add3A_376 = arith.constant 128 : i32
      %add3A_377 = arith.addi %add3A_376, %mul3A_375 : i32
      %get3A_378 = arith.index_cast %add3A_377 : i32 to index
      %get3A_379 = tpu.vector_load %arg7[%get3A_378] {strides = array<i32>} : memref<2048xi32, #tpu.memory_space<vmem>>, vector<16xi32>,
      %add3A_380 = arith.addi %get3A_373, %get3A_379 : vector<16xi32>
      %mul3A_381 = arith.constant 16 : i32
      %mul3A_382 = arith.muli %scan3A_369, %mul3A_381 : i32
      %add3A_383 = arith.constant 256 : i32
      %add3A_384 = arith.addi %add3A_383, %mul3A_382 : i32
      %get3A_385 = arith.index_cast %add3A_384 : i32 to index
      %get3A_386 = tpu.vector_load %arg7[%get3A_385] {strides = array<i32>} : memref<2048xi32, #tpu.memory_space<vmem>>, vector<16xi32>,
      %add3A_387 = arith.addi %add3A_380, %get3A_386 : vector<16xi32>
      %mul3A_388 = arith.constant 16 : i32
      %mul3A_389 = arith.muli %scan3A_369, %mul3A_388 : i32
      %add3A_390 = arith.constant 384 : i32
      %add3A_391 = arith.addi %add3A_390, %mul3A_389 : i32
      %get3A_392 = arith.index_cast %add3A_391 : i32 to index
      %get3A_393 = tpu.vector_load %arg7[%get3A_392] {strides = array<i32>} : memref<2048xi32, #tpu.memory_space<vmem>>, vector<16xi32>,
      %add3A_394 = arith.addi %add3A_387, %get3A_393 : vector<16xi32>
      %mul3A_395 = arith.constant 16 : i32
      %mul3A_396 = arith.muli %scan3A_369, %mul3A_395 : i32
      %add3A_397 = arith.constant 512 : i32
      %add3A_398 = arith.addi %add3A_397, %mul3A_396 : i32
      %get3A_399 = arith.index_cast %add3A_398 : i32 to index
      %get3A_400 = tpu.vector_load %arg7[%get3A_399] {strides = array<i32>} : memref<2048xi32, #tpu.memory_space<vmem>>, vector<16xi32>,
      %add3A_401 = arith.addi %add3A_394, %get3A_400 : vector<16xi32>
      %mul3A_402 = arith.constant 16 : i32
      %mul3A_403 = arith.muli %scan3A_369, %mul3A_402 : i32
      %add3A_404 = arith.constant 640 : i32
      %add3A_405 = arith.addi %add3A_404, %mul3A_403 : i32
      %get3A_406 = arith.index_cast %add3A_405 : i32 to index
      %get3A_407 = tpu.vector_load %arg7[%get3A_406] {strides = array<i32>} : memref<2048xi32, #tpu.memory_space<vmem>>, vector<16xi32>,
      %add3A_408 = arith.addi %add3A_401, %get3A_407 : vector<16xi32>
      %mul3A_409 = arith.constant 16 : i32
      %mul3A_410 = arith.muli %scan3A_369, %mul3A_409 : i32
      %add3A_411 = arith.constant 768 : i32
      %add3A_412 = arith.addi %add3A_411, %mul3A_410 : i32
      %get3A_413 = arith.index_cast %add3A_412 : i32 to index
      %get3A_414 = tpu.vector_load %arg7[%get3A_413] {strides = array<i32>} : memref<2048xi32, #tpu.memory_space<vmem>>, vector<16xi32>,
      %add3A_415 = arith.addi %add3A_408, %get3A_414 : vector<16xi32>
      %mul3A_416 = arith.constant 16 : i32
      %mul3A_417 = arith.muli %scan3A_369, %mul3A_416 : i32
      %add3A_418 = arith.constant 896 : i32
      %add3A_419 = arith.addi %add3A_418, %mul3A_417 : i32
      %get3A_420 = arith.index_cast %add3A_419 : i32 to index
      %get3A_421 = tpu.vector_load %arg7[%get3A_420] {strides = array<i32>} : memref<2048xi32, #tpu.memory_space<vmem>>, vector<16xi32>,
      %add3A_422 = arith.addi %add3A_415, %get3A_421 : vector<16xi32>
      %mul3A_423 = arith.constant 16 : i32
      %mul3A_424 = arith.muli %scan3A_369, %mul3A_423 : i32
      %add3A_425 = arith.constant 1024 : i32
      %add3A_426 = arith.addi %add3A_425, %mul3A_424 : i32
      %get3A_427 = arith.index_cast %add3A_426 : i32 to index
      %get3A_428 = tpu.vector_load %arg7[%get3A_427] {strides = array<i32>} : memref<2048xi32, #tpu.memory_space<vmem>>, vector<16xi32>,
      %add3A_429 = arith.addi %add3A_422, %get3A_428 : vector<16xi32>
      %mul3A_430 = arith.constant 16 : i32
      %mul3A_431 = arith.muli %scan3A_369, %mul3A_430 : i32
      %add3A_432 = arith.constant 1152 : i32
      %add3A_433 = arith.addi %add3A_432, %mul3A_431 : i32
      %get3A_434 = arith.index_cast %add3A_433 : i32 to index
      %get3A_435 = tpu.vector_load %arg7[%get3A_434] {strides = array<i32>} : memref<2048xi32, #tpu.memory_space<vmem>>, vector<16xi32>,
      %add3A_436 = arith.addi %add3A_429, %get3A_435 : vector<16xi32>
      %mul3A_437 = arith.constant 16 : i32
      %mul3A_438 = arith.muli %scan3A_369, %mul3A_437 : i32
      %add3A_439 = arith.constant 1280 : i32
      %add3A_440 = arith.addi %add3A_439, %mul3A_438 : i32
      %get3A_441 = arith.index_cast %add3A_440 : i32 to index
      %get3A_442 = tpu.vector_load %arg7[%get3A_441] {strides = array<i32>} : memref<2048xi32, #tpu.memory_space<vmem>>, vector<16xi32>,
      %add3A_443 = arith.addi %add3A_436, %get3A_442 : vector<16xi32>
      %mul3A_444 = arith.constant 16 : i32
      %mul3A_445 = arith.muli %scan3A_369, %mul3A_444 : i32
      %add3A_446 = arith.constant 1408 : i32
      %add3A_447 = arith.addi %add3A_446, %mul3A_445 : i32
      %get3A_448 = arith.index_cast %add3A_447 : i32 to index
      %get3A_449 = tpu.vector_load %arg7[%get3A_448] {strides = array<i32>} : memref<2048xi32, #tpu.memory_space<vmem>>, vector<16xi32>,
      %add3A_450 = arith.addi %add3A_443, %get3A_449 : vector<16xi32>
      %mul3A_451 = arith.constant 16 : i32
      %mul3A_452 = arith.muli %scan3A_369, %mul3A_451 : i32
      %add3A_453 = arith.constant 1536 : i32
      %add3A_454 = arith.addi %add3A_453, %mul3A_452 : i32
      %get3A_455 = arith.index_cast %add3A_454 : i32 to index
      %get3A_456 = tpu.vector_load %arg7[%get3A_455] {strides = array<i32>} : memref<2048xi32, #tpu.memory_space<vmem>>, vector<16xi32>,
      %add3A_457 = arith.addi %add3A_450, %get3A_456 : vector<16xi32>
      %mul3A_458 = arith.constant 16 : i32
      %mul3A_459 = arith.muli %scan3A_369, %mul3A_458 : i32
      %add3A_460 = arith.constant 1664 : i32
      %add3A_461 = arith.addi %add3A_460, %mul3A_459 : i32
      %get3A_462 = arith.index_cast %add3A_461 : i32 to index
      %get3A_463 = tpu.vector_load %arg7[%get3A_462] {strides = array<i32>} : memref<2048xi32, #tpu.memory_space<vmem>>, vector<16xi32>,
      %add3A_464 = arith.addi %add3A_457, %get3A_463 : vector<16xi32>
      %mul3A_465 = arith.constant 16 : i32
      %mul3A_466 = arith.muli %scan3A_369, %mul3A_465 : i32
      %add3A_467 = arith.constant 1792 : i32
      %add3A_468 = arith.addi %add3A_467, %mul3A_466 : i32
      %get3A_469 = arith.index_cast %add3A_468 : i32 to index
      %get3A_470 = tpu.vector_load %arg7[%get3A_469] {strides = array<i32>} : memref<2048xi32, #tpu.memory_space<vmem>>, vector<16xi32>,
      %add3A_471 = arith.addi %add3A_464, %get3A_470 : vector<16xi32>
      %mul3A_472 = arith.constant 16 : i32
      %mul3A_473 = arith.muli %scan3A_369, %mul3A_472 : i32
      %add3A_474 = arith.constant 1920 : i32
      %add3A_475 = arith.addi %add3A_474, %mul3A_473 : i32
      %get3A_476 = arith.index_cast %add3A_475 : i32 to index
      %get3A_477 = tpu.vector_load %arg7[%get3A_476] {strides = array<i32>} : memref<2048xi32, #tpu.memory_space<vmem>>, vector<16xi32>,
      %add3A_478 = arith.addi %add3A_471, %get3A_477 : vector<16xi32>
      %mul3A_479 = arith.constant 16 : i32
      %mul3A_480 = arith.muli %scan3A_369, %mul3A_479 : i32
      %swap3A_481 = arith.index_cast %mul3A_480 : i32 to index
      %swap3A_482 = tpu.vector_load %arg8[%swap3A_481] {strides = array<i32>} : memref<128xi32, #tpu.memory_space<vmem>>, vector<16xi32>,
      tpu.vector_store %arg8[%swap3A_481], %add3A_478 {strides = array<i32>} : memref<128xi32, #tpu.memory_space<vmem>>, vector<16xi32>,
      %scan3A_483 = arith.constant 0 : i32
      %scan3A_484 = arith.constant 4 : i32
      %mul3A_485 = arith.constant 16 : i32
      %mul3A_486 = arith.muli %scan3A_484, %mul3A_485 : i32
      %get3A_487 = arith.index_cast %mul3A_486 : i32 to index
      %get3A_488 = tpu.vector_load %arg7[%get3A_487] {strides = array<i32>} : memref<2048xi32, #tpu.memory_space<vmem>>, vector<16xi32>,
      %mul3A_489 = arith.constant 16 : i32
      %mul3A_490 = arith.muli %scan3A_484, %mul3A_489 : i32
      %add3A_491 = arith.constant 128 : i32
      %add3A_492 = arith.addi %add3A_491, %mul3A_490 : i32
      %get3A_493 = arith.index_cast %add3A_492 : i32 to index
      %get3A_494 = tpu.vector_load %arg7[%get3A_493] {strides = array<i32>} : memref<2048xi32, #tpu.memory_space<vmem>>, vector<16xi32>,
      %add3A_495 = arith.addi %get3A_488, %get3A_494 : vector<16xi32>
      %mul3A_496 = arith.constant 16 : i32
      %mul3A_497 = arith.muli %scan3A_484, %mul3A_496 : i32
      %add3A_498 = arith.constant 256 : i32
      %add3A_499 = arith.addi %add3A_498, %mul3A_497 : i32
      %get3A_500 = arith.index_cast %add3A_499 : i32 to index
      %get3A_501 = tpu.vector_load %arg7[%get3A_500] {strides = array<i32>} : memref<2048xi32, #tpu.memory_space<vmem>>, vector<16xi32>,
      %add3A_502 = arith.addi %add3A_495, %get3A_501 : vector<16xi32>
      %mul3A_503 = arith.constant 16 : i32
      %mul3A_504 = arith.muli %scan3A_484, %mul3A_503 : i32
      %add3A_505 = arith.constant 384 : i32
      %add3A_506 = arith.addi %add3A_505, %mul3A_504 : i32
      %get3A_507 = arith.index_cast %add3A_506 : i32 to index
      %get3A_508 = tpu.vector_load %arg7[%get3A_507] {strides = array<i32>} : memref<2048xi32, #tpu.memory_space<vmem>>, vector<16xi32>,
      %add3A_509 = arith.addi %add3A_502, %get3A_508 : vector<16xi32>
      %mul3A_510 = arith.constant 16 : i32
      %mul3A_511 = arith.muli %scan3A_484, %mul3A_510 : i32
      %add3A_512 = arith.constant 512 : i32
      %add3A_513 = arith.addi %add3A_512, %mul3A_511 : i32
      %get3A_514 = arith.index_cast %add3A_513 : i32 to index
      %get3A_515 = tpu.vector_load %arg7[%get3A_514] {strides = array<i32>} : memref<2048xi32, #tpu.memory_space<vmem>>, vector<16xi32>,
      %add3A_516 = arith.addi %add3A_509, %get3A_515 : vector<16xi32>
      %mul3A_517 = arith.constant 16 : i32
      %mul3A_518 = arith.muli %scan3A_484, %mul3A_517 : i32
      %add3A_519 = arith.constant 640 : i32
      %add3A_520 = arith.addi %add3A_519, %mul3A_518 : i32
      %get3A_521 = arith.index_cast %add3A_520 : i32 to index
      %get3A_522 = tpu.vector_load %arg7[%get3A_521] {strides = array<i32>} : memref<2048xi32, #tpu.memory_space<vmem>>, vector<16xi32>,
      %add3A_523 = arith.addi %add3A_516, %get3A_522 : vector<16xi32>
      %mul3A_524 = arith.constant 16 : i32
      %mul3A_525 = arith.muli %scan3A_484, %mul3A_524 : i32
      %add3A_526 = arith.constant 768 : i32
      %add3A_527 = arith.addi %add3A_526, %mul3A_525 : i32
      %get3A_528 = arith.index_cast %add3A_527 : i32 to index
      %get3A_529 = tpu.vector_load %arg7[%get3A_528] {strides = array<i32>} : memref<2048xi32, #tpu.memory_space<vmem>>, vector<16xi32>,
      %add3A_530 = arith.addi %add3A_523, %get3A_529 : vector<16xi32>
      %mul3A_531 = arith.constant 16 : i32
      %mul3A_532 = arith.muli %scan3A_484, %mul3A_531 : i32
      %add3A_533 = arith.constant 896 : i32
      %add3A_534 = arith.addi %add3A_533, %mul3A_532 : i32
      %get3A_535 = arith.index_cast %add3A_534 : i32 to index
      %get3A_536 = tpu.vector_load %arg7[%get3A_535] {strides = array<i32>} : memref<2048xi32, #tpu.memory_space<vmem>>, vector<16xi32>,
      %add3A_537 = arith.addi %add3A_530, %get3A_536 : vector<16xi32>
      %mul3A_538 = arith.constant 16 : i32
      %mul3A_539 = arith.muli %scan3A_484, %mul3A_538 : i32
      %add3A_540 = arith.constant 1024 : i32
      %add3A_541 = arith.addi %add3A_540, %mul3A_539 : i32
      %get3A_542 = arith.index_cast %add3A_541 : i32 to index
      %get3A_543 = tpu.vector_load %arg7[%get3A_542] {strides = array<i32>} : memref<2048xi32, #tpu.memory_space<vmem>>, vector<16xi32>,
      %add3A_544 = arith.addi %add3A_537, %get3A_543 : vector<16xi32>
      %mul3A_545 = arith.constant 16 : i32
      %mul3A_546 = arith.muli %scan3A_484, %mul3A_545 : i32
      %add3A_547 = arith.constant 1152 : i32
      %add3A_548 = arith.addi %add3A_547, %mul3A_546 : i32
      %get3A_549 = arith.index_cast %add3A_548 : i32 to index
      %get3A_550 = tpu.vector_load %arg7[%get3A_549] {strides = array<i32>} : memref<2048xi32, #tpu.memory_space<vmem>>, vector<16xi32>,
      %add3A_551 = arith.addi %add3A_544, %get3A_550 : vector<16xi32>
      %mul3A_552 = arith.constant 16 : i32
      %mul3A_553 = arith.muli %scan3A_484, %mul3A_552 : i32
      %add3A_554 = arith.constant 1280 : i32
      %add3A_555 = arith.addi %add3A_554, %mul3A_553 : i32
      %get3A_556 = arith.index_cast %add3A_555 : i32 to index
      %get3A_557 = tpu.vector_load %arg7[%get3A_556] {strides = array<i32>} : memref<2048xi32, #tpu.memory_space<vmem>>, vector<16xi32>,
      %add3A_558 = arith.addi %add3A_551, %get3A_557 : vector<16xi32>
      %mul3A_559 = arith.constant 16 : i32
      %mul3A_560 = arith.muli %scan3A_484, %mul3A_559 : i32
      %add3A_561 = arith.constant 1408 : i32
      %add3A_562 = arith.addi %add3A_561, %mul3A_560 : i32
      %get3A_563 = arith.index_cast %add3A_562 : i32 to index
      %get3A_564 = tpu.vector_load %arg7[%get3A_563] {strides = array<i32>} : memref<2048xi32, #tpu.memory_space<vmem>>, vector<16xi32>,
      %add3A_565 = arith.addi %add3A_558, %get3A_564 : vector<16xi32>
      %mul3A_566 = arith.constant 16 : i32
      %mul3A_567 = arith.muli %scan3A_484, %mul3A_566 : i32
      %add3A_568 = arith.constant 1536 : i32
      %add3A_569 = arith.addi %add3A_568, %mul3A_567 : i32
      %get3A_570 = arith.index_cast %add3A_569 : i32 to index
      %get3A_571 = tpu.vector_load %arg7[%get3A_570] {strides = array<i32>} : memref<2048xi32, #tpu.memory_space<vmem>>, vector<16xi32>,
      %add3A_572 = arith.addi %add3A_565, %get3A_571 : vector<16xi32>
      %mul3A_573 = arith.constant 16 : i32
      %mul3A_574 = arith.muli %scan3A_484, %mul3A_573 : i32
      %add3A_575 = arith.constant 1664 : i32
      %add3A_576 = arith.addi %add3A_575, %mul3A_574 : i32
      %get3A_577 = arith.index_cast %add3A_576 : i32 to index
      %get3A_578 = tpu.vector_load %arg7[%get3A_577] {strides = array<i32>} : memref<2048xi32, #tpu.memory_space<vmem>>, vector<16xi32>,
      %add3A_579 = arith.addi %add3A_572, %get3A_578 : vector<16xi32>
      %mul3A_580 = arith.constant 16 : i32
      %mul3A_581 = arith.muli %scan3A_484, %mul3A_580 : i32
      %add3A_582 = arith.constant 1792 : i32
      %add3A_583 = arith.addi %add3A_582, %mul3A_581 : i32
      %get3A_584 = arith.index_cast %add3A_583 : i32 to index
      %get3A_585 = tpu.vector_load %arg7[%get3A_584] {strides = array<i32>} : memref<2048xi32, #tpu.memory_space<vmem>>, vector<16xi32>,
      %add3A_586 = arith.addi %add3A_579, %get3A_585 : vector<16xi32>
      %mul3A_587 = arith.constant 16 : i32
      %mul3A_588 = arith.muli %scan3A_484, %mul3A_587 : i32
      %add3A_589 = arith.constant 1920 : i32
      %add3A_590 = arith.addi %add3A_589, %mul3A_588 : i32
      %get3A_591 = arith.index_cast %add3A_590 : i32 to index
      %get3A_592 = tpu.vector_load %arg7[%get3A_591] {strides = array<i32>} : memref<2048xi32, #tpu.memory_space<vmem>>, vector<16xi32>,
      %add3A_593 = arith.addi %add3A_586, %get3A_592 : vector<16xi32>
      %mul3A_594 = arith.constant 16 : i32
      %mul3A_595 = arith.muli %scan3A_484, %mul3A_594 : i32
      %swap3A_596 = arith.index_cast %mul3A_595 : i32 to index
      %swap3A_597 = tpu.vector_load %arg8[%swap3A_596] {strides = array<i32>} : memref<128xi32, #tpu.memory_space<vmem>>, vector<16xi32>,
      tpu.vector_store %arg8[%swap3A_596], %add3A_593 {strides = array<i32>} : memref<128xi32, #tpu.memory_space<vmem>>, vector<16xi32>,
      %scan3A_598 = arith.constant 0 : i32
      %scan3A_599 = arith.constant 5 : i32
      %mul3A_600 = arith.constant 16 : i32
      %mul3A_601 = arith.muli %scan3A_599, %mul3A_600 : i32
      %get3A_602 = arith.index_cast %mul3A_601 : i32 to index
      %get3A_603 = tpu.vector_load %arg7[%get3A_602] {strides = array<i32>} : memref<2048xi32, #tpu.memory_space<vmem>>, vector<16xi32>,
      %mul3A_604 = arith.constant 16 : i32
      %mul3A_605 = arith.muli %scan3A_599, %mul3A_604 : i32
      %add3A_606 = arith.constant 128 : i32
      %add3A_607 = arith.addi %add3A_606, %mul3A_605 : i32
      %get3A_608 = arith.index_cast %add3A_607 : i32 to index
      %get3A_609 = tpu.vector_load %arg7[%get3A_608] {strides = array<i32>} : memref<2048xi32, #tpu.memory_space<vmem>>, vector<16xi32>,
      %add3A_610 = arith.addi %get3A_603, %get3A_609 : vector<16xi32>
      %mul3A_611 = arith.constant 16 : i32
      %mul3A_612 = arith.muli %scan3A_599, %mul3A_611 : i32
      %add3A_613 = arith.constant 256 : i32
      %add3A_614 = arith.addi %add3A_613, %mul3A_612 : i32
      %get3A_615 = arith.index_cast %add3A_614 : i32 to index
      %get3A_616 = tpu.vector_load %arg7[%get3A_615] {strides = array<i32>} : memref<2048xi32, #tpu.memory_space<vmem>>, vector<16xi32>,
      %add3A_617 = arith.addi %add3A_610, %get3A_616 : vector<16xi32>
      %mul3A_618 = arith.constant 16 : i32
      %mul3A_619 = arith.muli %scan3A_599, %mul3A_618 : i32
      %add3A_620 = arith.constant 384 : i32
      %add3A_621 = arith.addi %add3A_620, %mul3A_619 : i32
      %get3A_622 = arith.index_cast %add3A_621 : i32 to index
      %get3A_623 = tpu.vector_load %arg7[%get3A_622] {strides = array<i32>} : memref<2048xi32, #tpu.memory_space<vmem>>, vector<16xi32>,
      %add3A_624 = arith.addi %add3A_617, %get3A_623 : vector<16xi32>
      %mul3A_625 = arith.constant 16 : i32
      %mul3A_626 = arith.muli %scan3A_599, %mul3A_625 : i32
      %add3A_627 = arith.constant 512 : i32
      %add3A_628 = arith.addi %add3A_627, %mul3A_626 : i32
      %get3A_629 = arith.index_cast %add3A_628 : i32 to index
      %get3A_630 = tpu.vector_load %arg7[%get3A_629] {strides = array<i32>} : memref<2048xi32, #tpu.memory_space<vmem>>, vector<16xi32>,
      %add3A_631 = arith.addi %add3A_624, %get3A_630 : vector<16xi32>
      %mul3A_632 = arith.constant 16 : i32
      %mul3A_633 = arith.muli %scan3A_599, %mul3A_632 : i32
      %add3A_634 = arith.constant 640 : i32
      %add3A_635 = arith.addi %add3A_634, %mul3A_633 : i32
      %get3A_636 = arith.index_cast %add3A_635 : i32 to index
      %get3A_637 = tpu.vector_load %arg7[%get3A_636] {strides = array<i32>} : memref<2048xi32, #tpu.memory_space<vmem>>, vector<16xi32>,
      %add3A_638 = arith.addi %add3A_631, %get3A_637 : vector<16xi32>
      %mul3A_639 = arith.constant 16 : i32
      %mul3A_640 = arith.muli %scan3A_599, %mul3A_639 : i32
      %add3A_641 = arith.constant 768 : i32
      %add3A_642 = arith.addi %add3A_641, %mul3A_640 : i32
      %get3A_643 = arith.index_cast %add3A_642 : i32 to index
      %get3A_644 = tpu.vector_load %arg7[%get3A_643] {strides = array<i32>} : memref<2048xi32, #tpu.memory_space<vmem>>, vector<16xi32>,
      %add3A_645 = arith.addi %add3A_638, %get3A_644 : vector<16xi32>
      %mul3A_646 = arith.constant 16 : i32
      %mul3A_647 = arith.muli %scan3A_599, %mul3A_646 : i32
      %add3A_648 = arith.constant 896 : i32
      %add3A_649 = arith.addi %add3A_648, %mul3A_647 : i32
      %get3A_650 = arith.index_cast %add3A_649 : i32 to index
      %get3A_651 = tpu.vector_load %arg7[%get3A_650] {strides = array<i32>} : memref<2048xi32, #tpu.memory_space<vmem>>, vector<16xi32>,
      %add3A_652 = arith.addi %add3A_645, %get3A_651 : vector<16xi32>
      %mul3A_653 = arith.constant 16 : i32
      %mul3A_654 = arith.muli %scan3A_599, %mul3A_653 : i32
      %add3A_655 = arith.constant 1024 : i32
      %add3A_656 = arith.addi %add3A_655, %mul3A_654 : i32
      %get3A_657 = arith.index_cast %add3A_656 : i32 to index
      %get3A_658 = tpu.vector_load %arg7[%get3A_657] {strides = array<i32>} : memref<2048xi32, #tpu.memory_space<vmem>>, vector<16xi32>,
      %add3A_659 = arith.addi %add3A_652, %get3A_658 : vector<16xi32>
      %mul3A_660 = arith.constant 16 : i32
      %mul3A_661 = arith.muli %scan3A_599, %mul3A_660 : i32
      %add3A_662 = arith.constant 1152 : i32
      %add3A_663 = arith.addi %add3A_662, %mul3A_661 : i32
      %get3A_664 = arith.index_cast %add3A_663 : i32 to index
      %get3A_665 = tpu.vector_load %arg7[%get3A_664] {strides = array<i32>} : memref<2048xi32, #tpu.memory_space<vmem>>, vector<16xi32>,
      %add3A_666 = arith.addi %add3A_659, %get3A_665 : vector<16xi32>
      %mul3A_667 = arith.constant 16 : i32
      %mul3A_668 = arith.muli %scan3A_599, %mul3A_667 : i32
      %add3A_669 = arith.constant 1280 : i32
      %add3A_670 = arith.addi %add3A_669, %mul3A_668 : i32
      %get3A_671 = arith.index_cast %add3A_670 : i32 to index
      %get3A_672 = tpu.vector_load %arg7[%get3A_671] {strides = array<i32>} : memref<2048xi32, #tpu.memory_space<vmem>>, vector<16xi32>,
      %add3A_673 = arith.addi %add3A_666, %get3A_672 : vector<16xi32>
      %mul3A_674 = arith.constant 16 : i32
      %mul3A_675 = arith.muli %scan3A_599, %mul3A_674 : i32
      %add3A_676 = arith.constant 1408 : i32
      %add3A_677 = arith.addi %add3A_676, %mul3A_675 : i32
      %get3A_678 = arith.index_cast %add3A_677 : i32 to index
      %get3A_679 = tpu.vector_load %arg7[%get3A_678] {strides = array<i32>} : memref<2048xi32, #tpu.memory_space<vmem>>, vector<16xi32>,
      %add3A_680 = arith.addi %add3A_673, %get3A_679 : vector<16xi32>
      %mul3A_681 = arith.constant 16 : i32
      %mul3A_682 = arith.muli %scan3A_599, %mul3A_681 : i32
      %add3A_683 = arith.constant 1536 : i32
      %add3A_684 = arith.addi %add3A_683, %mul3A_682 : i32
      %get3A_685 = arith.index_cast %add3A_684 : i32 to index
      %get3A_686 = tpu.vector_load %arg7[%get3A_685] {strides = array<i32>} : memref<2048xi32, #tpu.memory_space<vmem>>, vector<16xi32>,
      %add3A_687 = arith.addi %add3A_680, %get3A_686 : vector<16xi32>
      %mul3A_688 = arith.constant 16 : i32
      %mul3A_689 = arith.muli %scan3A_599, %mul3A_688 : i32
      %add3A_690 = arith.constant 1664 : i32
      %add3A_691 = arith.addi %add3A_690, %mul3A_689 : i32
      %get3A_692 = arith.index_cast %add3A_691 : i32 to index
      %get3A_693 = tpu.vector_load %arg7[%get3A_692] {strides = array<i32>} : memref<2048xi32, #tpu.memory_space<vmem>>, vector<16xi32>,
      %add3A_694 = arith.addi %add3A_687, %get3A_693 : vector<16xi32>
      %mul3A_695 = arith.constant 16 : i32
      %mul3A_696 = arith.muli %scan3A_599, %mul3A_695 : i32
      %add3A_697 = arith.constant 1792 : i32
      %add3A_698 = arith.addi %add3A_697, %mul3A_696 : i32
      %get3A_699 = arith.index_cast %add3A_698 : i32 to index
      %get3A_700 = tpu.vector_load %arg7[%get3A_699] {strides = array<i32>} : memref<2048xi32, #tpu.memory_space<vmem>>, vector<16xi32>,
      %add3A_701 = arith.addi %add3A_694, %get3A_700 : vector<16xi32>
      %mul3A_702 = arith.constant 16 : i32
      %mul3A_703 = arith.muli %scan3A_599, %mul3A_702 : i32
      %add3A_704 = arith.constant 1920 : i32
      %add3A_705 = arith.addi %add3A_704, %mul3A_703 : i32
      %get3A_706 = arith.index_cast %add3A_705 : i32 to index
      %get3A_707 = tpu.vector_load %arg7[%get3A_706] {strides = array<i32>} : memref<2048xi32, #tpu.memory_space<vmem>>, vector<16xi32>,
      %add3A_708 = arith.addi %add3A_701, %get3A_707 : vector<16xi32>
      %mul3A_709 = arith.constant 16 : i32
      %mul3A_710 = arith.muli %scan3A_599, %mul3A_709 : i32
      %swap3A_711 = arith.index_cast %mul3A_710 : i32 to index
      %swap3A_712 = tpu.vector_load %arg8[%swap3A_711] {strides = array<i32>} : memref<128xi32, #tpu.memory_space<vmem>>, vector<16xi32>,
      tpu.vector_store %arg8[%swap3A_711], %add3A_708 {strides = array<i32>} : memref<128xi32, #tpu.memory_space<vmem>>, vector<16xi32>,
      %scan3A_713 = arith.constant 0 : i32
      %scan3A_714 = arith.constant 6 : i32
      %mul3A_715 = arith.constant 16 : i32
      %mul3A_716 = arith.muli %scan3A_714, %mul3A_715 : i32
      %get3A_717 = arith.index_cast %mul3A_716 : i32 to index
      %get3A_718 = tpu.vector_load %arg7[%get3A_717] {strides = array<i32>} : memref<2048xi32, #tpu.memory_space<vmem>>, vector<16xi32>,
      %mul3A_719 = arith.constant 16 : i32
      %mul3A_720 = arith.muli %scan3A_714, %mul3A_719 : i32
      %add3A_721 = arith.constant 128 : i32
      %add3A_722 = arith.addi %add3A_721, %mul3A_720 : i32
      %get3A_723 = arith.index_cast %add3A_722 : i32 to index
      %get3A_724 = tpu.vector_load %arg7[%get3A_723] {strides = array<i32>} : memref<2048xi32, #tpu.memory_space<vmem>>, vector<16xi32>,
      %add3A_725 = arith.addi %get3A_718, %get3A_724 : vector<16xi32>
      %mul3A_726 = arith.constant 16 : i32
      %mul3A_727 = arith.muli %scan3A_714, %mul3A_726 : i32
      %add3A_728 = arith.constant 256 : i32
      %add3A_729 = arith.addi %add3A_728, %mul3A_727 : i32
      %get3A_730 = arith.index_cast %add3A_729 : i32 to index
      %get3A_731 = tpu.vector_load %arg7[%get3A_730] {strides = array<i32>} : memref<2048xi32, #tpu.memory_space<vmem>>, vector<16xi32>,
      %add3A_732 = arith.addi %add3A_725, %get3A_731 : vector<16xi32>
      %mul3A_733 = arith.constant 16 : i32
      %mul3A_734 = arith.muli %scan3A_714, %mul3A_733 : i32
      %add3A_735 = arith.constant 384 : i32
      %add3A_736 = arith.addi %add3A_735, %mul3A_734 : i32
      %get3A_737 = arith.index_cast %add3A_736 : i32 to index
      %get3A_738 = tpu.vector_load %arg7[%get3A_737] {strides = array<i32>} : memref<2048xi32, #tpu.memory_space<vmem>>, vector<16xi32>,
      %add3A_739 = arith.addi %add3A_732, %get3A_738 : vector<16xi32>
      %mul3A_740 = arith.constant 16 : i32
      %mul3A_741 = arith.muli %scan3A_714, %mul3A_740 : i32
      %add3A_742 = arith.constant 512 : i32
      %add3A_743 = arith.addi %add3A_742, %mul3A_741 : i32
      %get3A_744 = arith.index_cast %add3A_743 : i32 to index
      %get3A_745 = tpu.vector_load %arg7[%get3A_744] {strides = array<i32>} : memref<2048xi32, #tpu.memory_space<vmem>>, vector<16xi32>,
      %add3A_746 = arith.addi %add3A_739, %get3A_745 : vector<16xi32>
      %mul3A_747 = arith.constant 16 : i32
      %mul3A_748 = arith.muli %scan3A_714, %mul3A_747 : i32
      %add3A_749 = arith.constant 640 : i32
      %add3A_750 = arith.addi %add3A_749, %mul3A_748 : i32
      %get3A_751 = arith.index_cast %add3A_750 : i32 to index
      %get3A_752 = tpu.vector_load %arg7[%get3A_751] {strides = array<i32>} : memref<2048xi32, #tpu.memory_space<vmem>>, vector<16xi32>,
      %add3A_753 = arith.addi %add3A_746, %get3A_752 : vector<16xi32>
      %mul3A_754 = arith.constant 16 : i32
      %mul3A_755 = arith.muli %scan3A_714, %mul3A_754 : i32
      %add3A_756 = arith.constant 768 : i32
      %add3A_757 = arith.addi %add3A_756, %mul3A_755 : i32
      %get3A_758 = arith.index_cast %add3A_757 : i32 to index
      %get3A_759 = tpu.vector_load %arg7[%get3A_758] {strides = array<i32>} : memref<2048xi32, #tpu.memory_space<vmem>>, vector<16xi32>,
      %add3A_760 = arith.addi %add3A_753, %get3A_759 : vector<16xi32>
      %mul3A_761 = arith.constant 16 : i32
      %mul3A_762 = arith.muli %scan3A_714, %mul3A_761 : i32
      %add3A_763 = arith.constant 896 : i32
      %add3A_764 = arith.addi %add3A_763, %mul3A_762 : i32
      %get3A_765 = arith.index_cast %add3A_764 : i32 to index
      %get3A_766 = tpu.vector_load %arg7[%get3A_765] {strides = array<i32>} : memref<2048xi32, #tpu.memory_space<vmem>>, vector<16xi32>,
      %add3A_767 = arith.addi %add3A_760, %get3A_766 : vector<16xi32>
      %mul3A_768 = arith.constant 16 : i32
      %mul3A_769 = arith.muli %scan3A_714, %mul3A_768 : i32
      %add3A_770 = arith.constant 1024 : i32
      %add3A_771 = arith.addi %add3A_770, %mul3A_769 : i32
      %get3A_772 = arith.index_cast %add3A_771 : i32 to index
      %get3A_773 = tpu.vector_load %arg7[%get3A_772] {strides = array<i32>} : memref<2048xi32, #tpu.memory_space<vmem>>, vector<16xi32>,
      %add3A_774 = arith.addi %add3A_767, %get3A_773 : vector<16xi32>
      %mul3A_775 = arith.constant 16 : i32
      %mul3A_776 = arith.muli %scan3A_714, %mul3A_775 : i32
      %add3A_777 = arith.constant 1152 : i32
      %add3A_778 = arith.addi %add3A_777, %mul3A_776 : i32
      %get3A_779 = arith.index_cast %add3A_778 : i32 to index
      %get3A_780 = tpu.vector_load %arg7[%get3A_779] {strides = array<i32>} : memref<2048xi32, #tpu.memory_space<vmem>>, vector<16xi32>,
      %add3A_781 = arith.addi %add3A_774, %get3A_780 : vector<16xi32>
      %mul3A_782 = arith.constant 16 : i32
      %mul3A_783 = arith.muli %scan3A_714, %mul3A_782 : i32
      %add3A_784 = arith.constant 1280 : i32
      %add3A_785 = arith.addi %add3A_784, %mul3A_783 : i32
      %get3A_786 = arith.index_cast %add3A_785 : i32 to index
      %get3A_787 = tpu.vector_load %arg7[%get3A_786] {strides = array<i32>} : memref<2048xi32, #tpu.memory_space<vmem>>, vector<16xi32>,
      %add3A_788 = arith.addi %add3A_781, %get3A_787 : vector<16xi32>
      %mul3A_789 = arith.constant 16 : i32
      %mul3A_790 = arith.muli %scan3A_714, %mul3A_789 : i32
      %add3A_791 = arith.constant 1408 : i32
      %add3A_792 = arith.addi %add3A_791, %mul3A_790 : i32
      %get3A_793 = arith.index_cast %add3A_792 : i32 to index
      %get3A_794 = tpu.vector_load %arg7[%get3A_793] {strides = array<i32>} : memref<2048xi32, #tpu.memory_space<vmem>>, vector<16xi32>,
      %add3A_795 = arith.addi %add3A_788, %get3A_794 : vector<16xi32>
      %mul3A_796 = arith.constant 16 : i32
      %mul3A_797 = arith.muli %scan3A_714, %mul3A_796 : i32
      %add3A_798 = arith.constant 1536 : i32
      %add3A_799 = arith.addi %add3A_798, %mul3A_797 : i32
      %get3A_800 = arith.index_cast %add3A_799 : i32 to index
      %get3A_801 = tpu.vector_load %arg7[%get3A_800] {strides = array<i32>} : memref<2048xi32, #tpu.memory_space<vmem>>, vector<16xi32>,
      %add3A_802 = arith.addi %add3A_795, %get3A_801 : vector<16xi32>
      %mul3A_803 = arith.constant 16 : i32
      %mul3A_804 = arith.muli %scan3A_714, %mul3A_803 : i32
      %add3A_805 = arith.constant 1664 : i32
      %add3A_806 = arith.addi %add3A_805, %mul3A_804 : i32
      %get3A_807 = arith.index_cast %add3A_806 : i32 to index
      %get3A_808 = tpu.vector_load %arg7[%get3A_807] {strides = array<i32>} : memref<2048xi32, #tpu.memory_space<vmem>>, vector<16xi32>,
      %add3A_809 = arith.addi %add3A_802, %get3A_808 : vector<16xi32>
      %mul3A_810 = arith.constant 16 : i32
      %mul3A_811 = arith.muli %scan3A_714, %mul3A_810 : i32
      %add3A_812 = arith.constant 1792 : i32
      %add3A_813 = arith.addi %add3A_812, %mul3A_811 : i32
      %get3A_814 = arith.index_cast %add3A_813 : i32 to index
      %get3A_815 = tpu.vector_load %arg7[%get3A_814] {strides = array<i32>} : memref<2048xi32, #tpu.memory_space<vmem>>, vector<16xi32>,
      %add3A_816 = arith.addi %add3A_809, %get3A_815 : vector<16xi32>
      %mul3A_817 = arith.constant 16 : i32
      %mul3A_818 = arith.muli %scan3A_714, %mul3A_817 : i32
      %add3A_819 = arith.constant 1920 : i32
      %add3A_820 = arith.addi %add3A_819, %mul3A_818 : i32
      %get3A_821 = arith.index_cast %add3A_820 : i32 to index
      %get3A_822 = tpu.vector_load %arg7[%get3A_821] {strides = array<i32>} : memref<2048xi32, #tpu.memory_space<vmem>>, vector<16xi32>,
      %add3A_823 = arith.addi %add3A_816, %get3A_822 : vector<16xi32>
      %mul3A_824 = arith.constant 16 : i32
      %mul3A_825 = arith.muli %scan3A_714, %mul3A_824 : i32
      %swap3A_826 = arith.index_cast %mul3A_825 : i32 to index
      %swap3A_827 = tpu.vector_load %arg8[%swap3A_826] {strides = array<i32>} : memref<128xi32, #tpu.memory_space<vmem>>, vector<16xi32>,
      tpu.vector_store %arg8[%swap3A_826], %add3A_823 {strides = array<i32>} : memref<128xi32, #tpu.memory_space<vmem>>, vector<16xi32>,
      %scan3A_828 = arith.constant 0 : i32
      %scan3A_829 = arith.constant 7 : i32
      %mul3A_830 = arith.constant 16 : i32
      %mul3A_831 = arith.muli %scan3A_829, %mul3A_830 : i32
      %get3A_832 = arith.index_cast %mul3A_831 : i32 to index
      %get3A_833 = tpu.vector_load %arg7[%get3A_832] {strides = array<i32>} : memref<2048xi32, #tpu.memory_space<vmem>>, vector<16xi32>,
      %mul3A_834 = arith.constant 16 : i32
      %mul3A_835 = arith.muli %scan3A_829, %mul3A_834 : i32
      %add3A_836 = arith.constant 128 : i32
      %add3A_837 = arith.addi %add3A_836, %mul3A_835 : i32
      %get3A_838 = arith.index_cast %add3A_837 : i32 to index
      %get3A_839 = tpu.vector_load %arg7[%get3A_838] {strides = array<i32>} : memref<2048xi32, #tpu.memory_space<vmem>>, vector<16xi32>,
      %add3A_840 = arith.addi %get3A_833, %get3A_839 : vector<16xi32>
      %mul3A_841 = arith.constant 16 : i32
      %mul3A_842 = arith.muli %scan3A_829, %mul3A_841 : i32
      %add3A_843 = arith.constant 256 : i32
      %add3A_844 = arith.addi %add3A_843, %mul3A_842 : i32
      %get3A_845 = arith.index_cast %add3A_844 : i32 to index
      %get3A_846 = tpu.vector_load %arg7[%get3A_845] {strides = array<i32>} : memref<2048xi32, #tpu.memory_space<vmem>>, vector<16xi32>,
      %add3A_847 = arith.addi %add3A_840, %get3A_846 : vector<16xi32>
      %mul3A_848 = arith.constant 16 : i32
      %mul3A_849 = arith.muli %scan3A_829, %mul3A_848 : i32
      %add3A_850 = arith.constant 384 : i32
      %add3A_851 = arith.addi %add3A_850, %mul3A_849 : i32
      %get3A_852 = arith.index_cast %add3A_851 : i32 to index
      %get3A_853 = tpu.vector_load %arg7[%get3A_852] {strides = array<i32>} : memref<2048xi32, #tpu.memory_space<vmem>>, vector<16xi32>,
      %add3A_854 = arith.addi %add3A_847, %get3A_853 : vector<16xi32>
      %mul3A_855 = arith.constant 16 : i32
      %mul3A_856 = arith.muli %scan3A_829, %mul3A_855 : i32
      %add3A_857 = arith.constant 512 : i32
      %add3A_858 = arith.addi %add3A_857, %mul3A_856 : i32
      %get3A_859 = arith.index_cast %add3A_858 : i32 to index
      %get3A_860 = tpu.vector_load %arg7[%get3A_859] {strides = array<i32>} : memref<2048xi32, #tpu.memory_space<vmem>>, vector<16xi32>,
      %add3A_861 = arith.addi %add3A_854, %get3A_860 : vector<16xi32>
      %mul3A_862 = arith.constant 16 : i32
      %mul3A_863 = arith.muli %scan3A_829, %mul3A_862 : i32
      %add3A_864 = arith.constant 640 : i32
      %add3A_865 = arith.addi %add3A_864, %mul3A_863 : i32
      %get3A_866 = arith.index_cast %add3A_865 : i32 to index
      %get3A_867 = tpu.vector_load %arg7[%get3A_866] {strides = array<i32>} : memref<2048xi32, #tpu.memory_space<vmem>>, vector<16xi32>,
      %add3A_868 = arith.addi %add3A_861, %get3A_867 : vector<16xi32>
      %mul3A_869 = arith.constant 16 : i32
      %mul3A_870 = arith.muli %scan3A_829, %mul3A_869 : i32
      %add3A_871 = arith.constant 768 : i32
      %add3A_872 = arith.addi %add3A_871, %mul3A_870 : i32
      %get3A_873 = arith.index_cast %add3A_872 : i32 to index
      %get3A_874 = tpu.vector_load %arg7[%get3A_873] {strides = array<i32>} : memref<2048xi32, #tpu.memory_space<vmem>>, vector<16xi32>,
      %add3A_875 = arith.addi %add3A_868, %get3A_874 : vector<16xi32>
      %mul3A_876 = arith.constant 16 : i32
      %mul3A_877 = arith.muli %scan3A_829, %mul3A_876 : i32
      %add3A_878 = arith.constant 896 : i32
      %add3A_879 = arith.addi %add3A_878, %mul3A_877 : i32
      %get3A_880 = arith.index_cast %add3A_879 : i32 to index
      %get3A_881 = tpu.vector_load %arg7[%get3A_880] {strides = array<i32>} : memref<2048xi32, #tpu.memory_space<vmem>>, vector<16xi32>,
      %add3A_882 = arith.addi %add3A_875, %get3A_881 : vector<16xi32>
      %mul3A_883 = arith.constant 16 : i32
      %mul3A_884 = arith.muli %scan3A_829, %mul3A_883 : i32
      %add3A_885 = arith.constant 1024 : i32
      %add3A_886 = arith.addi %add3A_885, %mul3A_884 : i32
      %get3A_887 = arith.index_cast %add3A_886 : i32 to index
      %get3A_888 = tpu.vector_load %arg7[%get3A_887] {strides = array<i32>} : memref<2048xi32, #tpu.memory_space<vmem>>, vector<16xi32>,
      %add3A_889 = arith.addi %add3A_882, %get3A_888 : vector<16xi32>
      %mul3A_890 = arith.constant 16 : i32
      %mul3A_891 = arith.muli %scan3A_829, %mul3A_890 : i32
      %add3A_892 = arith.constant 1152 : i32
      %add3A_893 = arith.addi %add3A_892, %mul3A_891 : i32
      %get3A_894 = arith.index_cast %add3A_893 : i32 to index
      %get3A_895 = tpu.vector_load %arg7[%get3A_894] {strides = array<i32>} : memref<2048xi32, #tpu.memory_space<vmem>>, vector<16xi32>,
      %add3A_896 = arith.addi %add3A_889, %get3A_895 : vector<16xi32>
      %mul3A_897 = arith.constant 16 : i32
      %mul3A_898 = arith.muli %scan3A_829, %mul3A_897 : i32
      %add3A_899 = arith.constant 1280 : i32
      %add3A_900 = arith.addi %add3A_899, %mul3A_898 : i32
      %get3A_901 = arith.index_cast %add3A_900 : i32 to index
      %get3A_902 = tpu.vector_load %arg7[%get3A_901] {strides = array<i32>} : memref<2048xi32, #tpu.memory_space<vmem>>, vector<16xi32>,
      %add3A_903 = arith.addi %add3A_896, %get3A_902 : vector<16xi32>
      %mul3A_904 = arith.constant 16 : i32
      %mul3A_905 = arith.muli %scan3A_829, %mul3A_904 : i32
      %add3A_906 = arith.constant 1408 : i32
      %add3A_907 = arith.addi %add3A_906, %mul3A_905 : i32
      %get3A_908 = arith.index_cast %add3A_907 : i32 to index
      %get3A_909 = tpu.vector_load %arg7[%get3A_908] {strides = array<i32>} : memref<2048xi32, #tpu.memory_space<vmem>>, vector<16xi32>,
      %add3A_910 = arith.addi %add3A_903, %get3A_909 : vector<16xi32>
      %mul3A_911 = arith.constant 16 : i32
      %mul3A_912 = arith.muli %scan3A_829, %mul3A_911 : i32
      %add3A_913 = arith.constant 1536 : i32
      %add3A_914 = arith.addi %add3A_913, %mul3A_912 : i32
      %get3A_915 = arith.index_cast %add3A_914 : i32 to index
      %get3A_916 = tpu.vector_load %arg7[%get3A_915] {strides = array<i32>} : memref<2048xi32, #tpu.memory_space<vmem>>, vector<16xi32>,
      %add3A_917 = arith.addi %add3A_910, %get3A_916 : vector<16xi32>
      %mul3A_918 = arith.constant 16 : i32
      %mul3A_919 = arith.muli %scan3A_829, %mul3A_918 : i32
      %add3A_920 = arith.constant 1664 : i32
      %add3A_921 = arith.addi %add3A_920, %mul3A_919 : i32
      %get3A_922 = arith.index_cast %add3A_921 : i32 to index
      %get3A_923 = tpu.vector_load %arg7[%get3A_922] {strides = array<i32>} : memref<2048xi32, #tpu.memory_space<vmem>>, vector<16xi32>,
      %add3A_924 = arith.addi %add3A_917, %get3A_923 : vector<16xi32>
      %mul3A_925 = arith.constant 16 : i32
      %mul3A_926 = arith.muli %scan3A_829, %mul3A_925 : i32
      %add3A_927 = arith.constant 1792 : i32
      %add3A_928 = arith.addi %add3A_927, %mul3A_926 : i32
      %get3A_929 = arith.index_cast %add3A_928 : i32 to index
      %get3A_930 = tpu.vector_load %arg7[%get3A_929] {strides = array<i32>} : memref<2048xi32, #tpu.memory_space<vmem>>, vector<16xi32>,
      %add3A_931 = arith.addi %add3A_924, %get3A_930 : vector<16xi32>
      %mul3A_932 = arith.constant 16 : i32
      %mul3A_933 = arith.muli %scan3A_829, %mul3A_932 : i32
      %add3A_934 = arith.constant 1920 : i32
      %add3A_935 = arith.addi %add3A_934, %mul3A_933 : i32
      %get3A_936 = arith.index_cast %add3A_935 : i32 to index
      %get3A_937 = tpu.vector_load %arg7[%get3A_936] {strides = array<i32>} : memref<2048xi32, #tpu.memory_space<vmem>>, vector<16xi32>,
      %add3A_938 = arith.addi %add3A_931, %get3A_937 : vector<16xi32>
      %mul3A_939 = arith.constant 16 : i32
      %mul3A_940 = arith.muli %scan3A_829, %mul3A_939 : i32
      %swap3A_941 = arith.index_cast %mul3A_940 : i32 to index
      %swap3A_942 = tpu.vector_load %arg8[%swap3A_941] {strides = array<i32>} : memref<128xi32, #tpu.memory_space<vmem>>, vector<16xi32>,
      tpu.vector_store %arg8[%swap3A_941], %add3A_938 {strides = array<i32>} : memref<128xi32, #tpu.memory_space<vmem>>, vector<16xi32>,
      %scan3A_943 = arith.constant 0 : i32
      %scan3A_944 = arith.constant 8 : i32
      %scan3A_945 = arith.constant 0 : i32
      %scan3A_946 = arith.constant -1 : i32
      %scan3A_947 = arith.constant 0 : i32
      %scan3A_948 = arith.constant 0 : i32
      %scan3A_949 = arith.constant 8 : i32
      %scan3A_950 = arith.addi %scan3A_948, %scan3A_949 : i32
      %scan3A_951 = arith.constant 1 : i32
      %scan3A_952:3 = scf.for %scan3A_1487 = %scan3A_948 to %scan3A_950 step %scan3A_951 iter_args(%scan3A_1488 = %scan3A_945, %scan3A_1489 = %scan3A_946, %scan3A_1490 = %scan3A_947) -> (i32, i32, i32)  : i32 {
        %sub3A_1491 = arith.constant 7 : i32
        %sub3A_1492 = arith.subi %sub3A_1491, %scan3A_1487 : i32
        %mul3A_1493 = arith.constant 16 : i32
        %mul3A_1494 = arith.muli %sub3A_1492, %mul3A_1493 : i32
        %get3A_1495 = arith.index_cast %mul3A_1494 : i32 to index
        %get3A_1496 = tpu.vector_load %arg8[%get3A_1495] {strides = array<i32>} : memref<128xi32, #tpu.memory_space<vmem>>, vector<16xi32>,
        %broadcast_in_dim3A_1497 = arith.constant true
        %broadcast_in_dim3A_1498 = vector.broadcast %broadcast_in_dim3A_1497 : i1 to vector<16xi1>
        %masked_cumsum3A = tpu.scan <sum>, %get3A_1496 masked %broadcast_in_dim3A_1498 : vector<16xi32>, vector<16xi1> -> vector<16xi32>
        %slice3A_1499 = vector.extract_strided_slice %masked_cumsum3A {offsets = [15], sizes = [1], strides = [1]} : vector<16xi32> to vector<1xi32>
        %squeeze3A_1500 = vector.extract %slice3A_1499[0] : i32 from vector<1xi32>
        %add3A_1501 = arith.addi %scan3A_1488, %squeeze3A_1500 : i32
        %sub3A_1502 = vector.broadcast %add3A_1501 : i32 to vector<16xi32>
        %sub3A_1503 = arith.subi %sub3A_1502, %masked_cumsum3A : vector<16xi32>
        %add3A_1504 = arith.addi %sub3A_1503, %get3A_1496 : vector<16xi32>
        %ge3A = vector.broadcast %squeeze3A : i32 to vector<16xi32>
        %ge3A_1505 = arith.cmpi sge, %add3A_1504, %ge3A : vector<16xi32>
        %convert_element_type3A_1506 = arith.extui %ge3A_1505 : vector<16xi1> to vector<16xi32>
        %reduce_sum3A = arith.constant true
        %reduce_sum3A_1507 = vector.broadcast %reduce_sum3A : i1 to vector<16xi1>
        %reduce_sum3A_1508 = tpu.scan <sum>, %convert_element_type3A_1506 masked %reduce_sum3A_1507 : vector<16xi32>, vector<16xi1> -> vector<16xi32>
        %reduce_sum3A_1509 = vector.extract %reduce_sum3A_1508[15] : i32 from vector<16xi32>
        %sub3A_1510 = arith.constant 1 : i32
        %sub3A_1511 = arith.subi %reduce_sum3A_1509, %sub3A_1510 : i32
        %eq3A = vector.broadcast %sub3A_1511 : i32 to vector<16xi32>
        %eq3A_1512 = arith.cmpi eq, %iota3A, %eq3A : vector<16xi32>
        %sub3A_1513 = arith.subi %add3A_1504, %get3A_1496 : vector<16xi32>
        %jit3A_1514 = arith.constant 0 : i32
        %broadcast_in_dim3A_1515 = vector.broadcast %jit3A_1514 : i32 to vector<16xi32>
        %select_n3A_1516 = arith.select %eq3A_1512, %sub3A_1513, %broadcast_in_dim3A_1515 : vector<16xi1>, vector<16xi32>
        %reduce_sum3A_1517 = arith.constant true
        %reduce_sum3A_1518 = vector.broadcast %reduce_sum3A_1517 : i1 to vector<16xi1>
        %reduce_sum3A_1519 = tpu.scan <sum>, %select_n3A_1516 masked %reduce_sum3A_1518 : vector<16xi32>, vector<16xi1> -> vector<16xi32>
        %reduce_sum3A_1520 = vector.extract %reduce_sum3A_1519[15] : i32 from vector<16xi32>
        %ge3A_1521 = arith.constant 0 : i32
        %ge3A_1522 = arith.cmpi sge, %sub3A_1511, %ge3A_1521 : i32
        %lt3A = arith.constant 0 : i32
        %lt3A_1523 = arith.cmpi slt, %scan3A_1489, %lt3A : i32
        %and3A_1524 = arith.andi %ge3A_1522, %lt3A_1523 : i1
        %mul3A_1525 = arith.constant 16 : i32
        %mul3A_1526 = arith.muli %sub3A_1492, %mul3A_1525 : i32
        %add3A_1527 = arith.addi %mul3A_1526, %sub3A_1511 : i32
        %select_n3A_1528 = arith.select %and3A_1524, %add3A_1527, %scan3A_1489 : i32
        %sub3A_1529 = arith.subi %squeeze3A, %reduce_sum3A_1520 : i32
        %select_n3A_1530 = arith.select %and3A_1524, %sub3A_1529, %scan3A_1490 : i32
        %add3A_1531 = arith.addi %scan3A_1488, %squeeze3A_1500 : i32
        scf.yield %add3A_1531, %select_n3A_1528, %select_n3A_1530 : i32, i32, i32
      }
      %scan3A_953 = arith.constant 8 : i32
      %parallel_loop3A_954 = arith.constant 0 : i32
      %parallel_loop3A_955 = arith.constant 2048 : i32
      %parallel_loop3A_956 = arith.constant 1 : i32
      %parallel_loop3A_957 = arith.constant 0 : i32
      %parallel_loop3A_958 = scf.for %parallel_loop3A_1487 = %parallel_loop3A_954 to %parallel_loop3A_955 step %parallel_loop3A_956 iter_args(%parallel_loop3A_1488 = %parallel_loop3A_957) -> (i32)  : i32 {
        %parallel_loop3A_1489 = arith.constant 16 : i32
        %parallel_loop3A_1490 = arith.muli %parallel_loop3A_1487, %parallel_loop3A_1489 : i32
        %parallel_loop3A_1491 = arith.index_cast %parallel_loop3A_1490 : i32 to index
        %parallel_loop3A_1492 = tpu.vector_load %arg5[%parallel_loop3A_1491] {strides = array<i32>} : memref<32768xf32, #tpu.memory_space<vmem>>, vector<16xf32>,
        %parallel_loop3A_1493 = vector.bitcast %parallel_loop3A_1492 : vector<16xf32> to vector<16xi32>
        %parallel_loop3A_1494 = vector.broadcast %scan3A : i32 to vector<16xi32>
        %parallel_loop3A_1495 = arith.andi %parallel_loop3A_1493, %parallel_loop3A_1494 : vector<16xi32>
        %parallel_loop3A_1496 = arith.constant 24 : i32
        %parallel_loop3A_1497 = vector.broadcast %parallel_loop3A_1496 : i32 to vector<16xi32>
        %parallel_loop3A_1498 = arith.shrui %parallel_loop3A_1495, %parallel_loop3A_1497 : vector<16xi32>
        %parallel_loop3A_1499 = vector.broadcast %scan3A_952#1 : i32 to vector<16xi32>
        %parallel_loop3A_1500 = arith.cmpi eq, %parallel_loop3A_1498, %parallel_loop3A_1499 : vector<16xi32>
        %parallel_loop3A_1501 = arith.index_cast %parallel_loop3A_1488 : i32 to index
        %parallel_loop3A_1502 = tpu.vector_load %arg6[%parallel_loop3A_1501] masked %parallel_loop3A_1500 {strides = array<i32>} : memref<32784xi32, #tpu.memory_space<vmem>>, vector<16xi32>, vector<16xi1>
        tpu.vector_store %arg6[%parallel_loop3A_1501], %parallel_loop3A_1495 masked %parallel_loop3A_1500 {strides = array<i32>} : memref<32784xi32, #tpu.memory_space<vmem>>, vector<16xi32>, vector<16xi1>
        %parallel_loop3A_1503 = tpu.all_reduce %parallel_loop3A_1500 {dim = 0 : i64, kind = #tpu.reduction_kind<sum>} : vector<16xi1> -> vector<16xi32>
        %parallel_loop3A_1504 = vector.extract_strided_slice %parallel_loop3A_1503 {offsets = [0], sizes = [1], strides = [1]} : vector<16xi32> to vector<1xi32>
        %parallel_loop3A_1505 = vector.extract %parallel_loop3A_1504[0] : i32 from vector<1xi32>
        %parallel_loop3A_1506 = arith.addi %parallel_loop3A_1488, %parallel_loop3A_1505 : i32
        scf.yield %parallel_loop3A_1506 : i32
      } {sc.loop_unroll_factor = 8 : i64, sc.parallel_access}
      %parallel_loop3A_959 = arith.constant 0 : i32
      %parallel_loop3A_960 = arith.constant 64 : i32
      %parallel_loop3A_961 = arith.constant 1 : i32
      scf.for %parallel_loop3A_1487 = %parallel_loop3A_959 to %parallel_loop3A_960 step %parallel_loop3A_961  : i32 {
        %parallel_loop3A_1488 = arith.constant 0 : i32
        %parallel_loop3A_1489 = vector.broadcast %parallel_loop3A_1488 : i32 to vector<16xi32>
        %parallel_loop3A_1490 = arith.constant 16 : i32
        %parallel_loop3A_1491 = arith.muli %parallel_loop3A_1487, %parallel_loop3A_1490 : i32
        %parallel_loop3A_1492 = arith.index_cast %parallel_loop3A_1491 : i32 to index
        %parallel_loop3A_1493 = tpu.vector_load %arg7[%parallel_loop3A_1492] {strides = array<i32>} : memref<2048xi32, #tpu.memory_space<vmem>>, vector<16xi32>,
        tpu.vector_store %arg7[%parallel_loop3A_1492], %parallel_loop3A_1489 {strides = array<i32>} : memref<2048xi32, #tpu.memory_space<vmem>>, vector<16xi32>,
      } {sc.loop_unroll_factor = 8 : i64, sc.parallel_access}
      %add3A_962 = arith.constant 15 : i32
      %add3A_963 = arith.addi %parallel_loop3A_958, %add3A_962 : i32
      %jit3A = arith.constant 16 : i32
      %div3A = arith.divsi %add3A_963, %jit3A : i32
      %sign3A = arith.constant 0 : i32
      %sign3A_964 = arith.cmpi sgt, %add3A_963, %sign3A : i32
      %sign3A_965 = arith.extui %sign3A_964 : i1 to i32
      %sign3A_966 = arith.constant 0 : i32
      %sign3A_967 = arith.cmpi slt, %add3A_963, %sign3A_966 : i32
      %sign3A_968 = arith.extui %sign3A_967 : i1 to i32
      %sign3A_969 = arith.subi %sign3A_965, %sign3A_968 : i32
      %sign3A_970 = arith.constant 0 : i32
      %sign3A_971 = arith.cmpi sgt, %jit3A, %sign3A_970 : i32
      %sign3A_972 = arith.extui %sign3A_971 : i1 to i32
      %sign3A_973 = arith.constant 0 : i32
      %sign3A_974 = arith.cmpi slt, %jit3A, %sign3A_973 : i32
      %sign3A_975 = arith.extui %sign3A_974 : i1 to i32
      %sign3A_976 = arith.subi %sign3A_972, %sign3A_975 : i32
      %ne3A = arith.cmpi ne, %sign3A_969, %sign3A_976 : i32
      %rem3A = arith.remsi %add3A_963, %jit3A : i32
      %ne3A_977 = arith.constant 0 : i32
      %ne3A_978 = arith.cmpi ne, %rem3A, %ne3A_977 : i32
      %and3A = arith.andi %ne3A, %ne3A_978 : i1
      %sub3A = arith.constant 1 : i32
      %sub3A_979 = arith.subi %div3A, %sub3A : i32
      %select_n3A = arith.select %and3A, %sub3A_979, %div3A : i32
      %mul3A_980 = arith.constant 64 : i32
      %mul3A_981 = vector.broadcast %mul3A_980 : i32 to vector<16xi32>
      %mul3A_982 = arith.muli %iota3A, %mul3A_981 : vector<16xi32>
      %while3A = arith.constant 0 : i32
      %while3A_983 = arith.constant 0 : i32
      %while3A_984 = arith.subi %select_n3A, %while3A : i32
      %while3A_985 = arith.addi %while3A, %while3A_984 : i32
      %while3A_986 = arith.constant 1 : i32
      %while3A_987 = arith.divsi %while3A_984, %while3A_986 : i32
      %while3A_988 = arith.muli %while3A_987, %while3A_986 : i32
      %while3A_989 = arith.addi %while3A, %while3A_988 : i32
      %while3A_990 = arith.constant 1 : i32
      %while3A_991 = scf.for %while3A_1487 = %while3A to %while3A_989 step %while3A_990 iter_args(%while3A_1488 = %while3A_983) -> (i32)  : i32 {
        %mul3A_1489 = arith.constant 16 : i32
        %mul3A_1490 = arith.muli %while3A_1487, %mul3A_1489 : i32
        %get3A_1491 = arith.index_cast %mul3A_1490 : i32 to index
        %get3A_1492 = tpu.vector_load %arg6[%get3A_1491] {strides = array<i32>} : memref<32784xi32, #tpu.memory_space<vmem>>, vector<16xi32>,
        %mul3A_1493 = arith.constant 16 : i32
        %mul3A_1494 = arith.muli %while3A_1487, %mul3A_1493 : i32
        %add3A_1495 = vector.broadcast %mul3A_1494 : i32 to vector<16xi32>
        %add3A_1496 = arith.addi %add3A_1495, %iota3A : vector<16xi32>
        %lt3A = vector.broadcast %parallel_loop3A_958 : i32 to vector<16xi32>
        %lt3A_1497 = arith.cmpi slt, %add3A_1496, %lt3A : vector<16xi32>
        %shift_right_logical3A = arith.constant 18 : i32
        %shift_right_logical3A_1498 = vector.broadcast %shift_right_logical3A : i32 to vector<16xi32>
        %shift_right_logical3A_1499 = arith.shrui %get3A_1492, %shift_right_logical3A_1498 : vector<16xi32>
        %and3A_1500 = arith.constant 63 : i32
        %and3A_1501 = vector.broadcast %and3A_1500 : i32 to vector<16xi32>
        %and3A_1502 = arith.andi %shift_right_logical3A_1499, %and3A_1501 : vector<16xi32>
        %add3A_1503 = arith.addi %mul3A_982, %and3A_1502 : vector<16xi32>
        tpu.vector_store_idx %arg7[%add3A_1503], %broadcast_in_dim3A_2 masked %lt3A_1497 {add = true} : memref<2048xi32, #tpu.memory_space<vmem>>[vector<16xi32>], vector<16xi32>, vector<16xi1>
        %while3A_1504 = arith.constant 0 : i32
        scf.yield %while3A_1504 : i32
      }
      %while3A_992 = arith.constant 1 : i32
      %while3A_993 = scf.for %while3A_1487 = %while3A_989 to %while3A_985 step %while3A_992 iter_args(%while3A_1488 = %while3A_991) -> (i32)  : i32 {
        %mul3A_1489 = arith.constant 16 : i32
        %mul3A_1490 = arith.muli %while3A_1487, %mul3A_1489 : i32
        %get3A_1491 = arith.index_cast %mul3A_1490 : i32 to index
        %get3A_1492 = tpu.vector_load %arg6[%get3A_1491] {strides = array<i32>} : memref<32784xi32, #tpu.memory_space<vmem>>, vector<16xi32>,
        %mul3A_1493 = arith.constant 16 : i32
        %mul3A_1494 = arith.muli %while3A_1487, %mul3A_1493 : i32
        %add3A_1495 = vector.broadcast %mul3A_1494 : i32 to vector<16xi32>
        %add3A_1496 = arith.addi %add3A_1495, %iota3A : vector<16xi32>
        %lt3A = vector.broadcast %parallel_loop3A_958 : i32 to vector<16xi32>
        %lt3A_1497 = arith.cmpi slt, %add3A_1496, %lt3A : vector<16xi32>
        %shift_right_logical3A = arith.constant 18 : i32
        %shift_right_logical3A_1498 = vector.broadcast %shift_right_logical3A : i32 to vector<16xi32>
        %shift_right_logical3A_1499 = arith.shrui %get3A_1492, %shift_right_logical3A_1498 : vector<16xi32>
        %and3A_1500 = arith.constant 63 : i32
        %and3A_1501 = vector.broadcast %and3A_1500 : i32 to vector<16xi32>
        %and3A_1502 = arith.andi %shift_right_logical3A_1499, %and3A_1501 : vector<16xi32>
        %add3A_1503 = arith.addi %mul3A_982, %and3A_1502 : vector<16xi32>
        tpu.vector_store_idx %arg7[%add3A_1503], %broadcast_in_dim3A_2 masked %lt3A_1497 {add = true} : memref<2048xi32, #tpu.memory_space<vmem>>[vector<16xi32>], vector<16xi32>, vector<16xi1>
        %while3A_1504 = arith.constant 0 : i32
        scf.yield %while3A_1504 : i32
      }
      %scan3A_994 = arith.constant 0 : i32
      %scan3A_995 = arith.constant 0 : i32
      %mul3A_996 = arith.constant 16 : i32
      %mul3A_997 = arith.muli %scan3A_995, %mul3A_996 : i32
      %get3A_998 = arith.index_cast %mul3A_997 : i32 to index
      %get3A_999 = tpu.vector_load %arg7[%get3A_998] {strides = array<i32>} : memref<2048xi32, #tpu.memory_space<vmem>>, vector<16xi32>,
      %mul3A_1000 = arith.constant 16 : i32
      %mul3A_1001 = arith.muli %scan3A_995, %mul3A_1000 : i32
      %add3A_1002 = arith.constant 64 : i32
      %add3A_1003 = arith.addi %add3A_1002, %mul3A_1001 : i32
      %get3A_1004 = arith.index_cast %add3A_1003 : i32 to index
      %get3A_1005 = tpu.vector_load %arg7[%get3A_1004] {strides = array<i32>} : memref<2048xi32, #tpu.memory_space<vmem>>, vector<16xi32>,
      %add3A_1006 = arith.addi %get3A_999, %get3A_1005 : vector<16xi32>
      %mul3A_1007 = arith.constant 16 : i32
      %mul3A_1008 = arith.muli %scan3A_995, %mul3A_1007 : i32
      %add3A_1009 = arith.constant 128 : i32
      %add3A_1010 = arith.addi %add3A_1009, %mul3A_1008 : i32
      %get3A_1011 = arith.index_cast %add3A_1010 : i32 to index
      %get3A_1012 = tpu.vector_load %arg7[%get3A_1011] {strides = array<i32>} : memref<2048xi32, #tpu.memory_space<vmem>>, vector<16xi32>,
      %add3A_1013 = arith.addi %add3A_1006, %get3A_1012 : vector<16xi32>
      %mul3A_1014 = arith.constant 16 : i32
      %mul3A_1015 = arith.muli %scan3A_995, %mul3A_1014 : i32
      %add3A_1016 = arith.constant 192 : i32
      %add3A_1017 = arith.addi %add3A_1016, %mul3A_1015 : i32
      %get3A_1018 = arith.index_cast %add3A_1017 : i32 to index
      %get3A_1019 = tpu.vector_load %arg7[%get3A_1018] {strides = array<i32>} : memref<2048xi32, #tpu.memory_space<vmem>>, vector<16xi32>,
      %add3A_1020 = arith.addi %add3A_1013, %get3A_1019 : vector<16xi32>
      %mul3A_1021 = arith.constant 16 : i32
      %mul3A_1022 = arith.muli %scan3A_995, %mul3A_1021 : i32
      %add3A_1023 = arith.constant 256 : i32
      %add3A_1024 = arith.addi %add3A_1023, %mul3A_1022 : i32
      %get3A_1025 = arith.index_cast %add3A_1024 : i32 to index
      %get3A_1026 = tpu.vector_load %arg7[%get3A_1025] {strides = array<i32>} : memref<2048xi32, #tpu.memory_space<vmem>>, vector<16xi32>,
      %add3A_1027 = arith.addi %add3A_1020, %get3A_1026 : vector<16xi32>
      %mul3A_1028 = arith.constant 16 : i32
      %mul3A_1029 = arith.muli %scan3A_995, %mul3A_1028 : i32
      %add3A_1030 = arith.constant 320 : i32
      %add3A_1031 = arith.addi %add3A_1030, %mul3A_1029 : i32
      %get3A_1032 = arith.index_cast %add3A_1031 : i32 to index
      %get3A_1033 = tpu.vector_load %arg7[%get3A_1032] {strides = array<i32>} : memref<2048xi32, #tpu.memory_space<vmem>>, vector<16xi32>,
      %add3A_1034 = arith.addi %add3A_1027, %get3A_1033 : vector<16xi32>
      %mul3A_1035 = arith.constant 16 : i32
      %mul3A_1036 = arith.muli %scan3A_995, %mul3A_1035 : i32
      %add3A_1037 = arith.constant 384 : i32
      %add3A_1038 = arith.addi %add3A_1037, %mul3A_1036 : i32
      %get3A_1039 = arith.index_cast %add3A_1038 : i32 to index
      %get3A_1040 = tpu.vector_load %arg7[%get3A_1039] {strides = array<i32>} : memref<2048xi32, #tpu.memory_space<vmem>>, vector<16xi32>,
      %add3A_1041 = arith.addi %add3A_1034, %get3A_1040 : vector<16xi32>
      %mul3A_1042 = arith.constant 16 : i32
      %mul3A_1043 = arith.muli %scan3A_995, %mul3A_1042 : i32
      %add3A_1044 = arith.constant 448 : i32
      %add3A_1045 = arith.addi %add3A_1044, %mul3A_1043 : i32
      %get3A_1046 = arith.index_cast %add3A_1045 : i32 to index
      %get3A_1047 = tpu.vector_load %arg7[%get3A_1046] {strides = array<i32>} : memref<2048xi32, #tpu.memory_space<vmem>>, vector<16xi32>,
      %add3A_1048 = arith.addi %add3A_1041, %get3A_1047 : vector<16xi32>
      %mul3A_1049 = arith.constant 16 : i32
      %mul3A_1050 = arith.muli %scan3A_995, %mul3A_1049 : i32
      %add3A_1051 = arith.constant 512 : i32
      %add3A_1052 = arith.addi %add3A_1051, %mul3A_1050 : i32
      %get3A_1053 = arith.index_cast %add3A_1052 : i32 to index
      %get3A_1054 = tpu.vector_load %arg7[%get3A_1053] {strides = array<i32>} : memref<2048xi32, #tpu.memory_space<vmem>>, vector<16xi32>,
      %add3A_1055 = arith.addi %add3A_1048, %get3A_1054 : vector<16xi32>
      %mul3A_1056 = arith.constant 16 : i32
      %mul3A_1057 = arith.muli %scan3A_995, %mul3A_1056 : i32
      %add3A_1058 = arith.constant 576 : i32
      %add3A_1059 = arith.addi %add3A_1058, %mul3A_1057 : i32
      %get3A_1060 = arith.index_cast %add3A_1059 : i32 to index
      %get3A_1061 = tpu.vector_load %arg7[%get3A_1060] {strides = array<i32>} : memref<2048xi32, #tpu.memory_space<vmem>>, vector<16xi32>,
      %add3A_1062 = arith.addi %add3A_1055, %get3A_1061 : vector<16xi32>
      %mul3A_1063 = arith.constant 16 : i32
      %mul3A_1064 = arith.muli %scan3A_995, %mul3A_1063 : i32
      %add3A_1065 = arith.constant 640 : i32
      %add3A_1066 = arith.addi %add3A_1065, %mul3A_1064 : i32
      %get3A_1067 = arith.index_cast %add3A_1066 : i32 to index
      %get3A_1068 = tpu.vector_load %arg7[%get3A_1067] {strides = array<i32>} : memref<2048xi32, #tpu.memory_space<vmem>>, vector<16xi32>,
      %add3A_1069 = arith.addi %add3A_1062, %get3A_1068 : vector<16xi32>
      %mul3A_1070 = arith.constant 16 : i32
      %mul3A_1071 = arith.muli %scan3A_995, %mul3A_1070 : i32
      %add3A_1072 = arith.constant 704 : i32
      %add3A_1073 = arith.addi %add3A_1072, %mul3A_1071 : i32
      %get3A_1074 = arith.index_cast %add3A_1073 : i32 to index
      %get3A_1075 = tpu.vector_load %arg7[%get3A_1074] {strides = array<i32>} : memref<2048xi32, #tpu.memory_space<vmem>>, vector<16xi32>,
      %add3A_1076 = arith.addi %add3A_1069, %get3A_1075 : vector<16xi32>
      %mul3A_1077 = arith.constant 16 : i32
      %mul3A_1078 = arith.muli %scan3A_995, %mul3A_1077 : i32
      %add3A_1079 = arith.constant 768 : i32
      %add3A_1080 = arith.addi %add3A_1079, %mul3A_1078 : i32
      %get3A_1081 = arith.index_cast %add3A_1080 : i32 to index
      %get3A_1082 = tpu.vector_load %arg7[%get3A_1081] {strides = array<i32>} : memref<2048xi32, #tpu.memory_space<vmem>>, vector<16xi32>,
      %add3A_1083 = arith.addi %add3A_1076, %get3A_1082 : vector<16xi32>
      %mul3A_1084 = arith.constant 16 : i32
      %mul3A_1085 = arith.muli %scan3A_995, %mul3A_1084 : i32
      %add3A_1086 = arith.constant 832 : i32
      %add3A_1087 = arith.addi %add3A_1086, %mul3A_1085 : i32
      %get3A_1088 = arith.index_cast %add3A_1087 : i32 to index
      %get3A_1089 = tpu.vector_load %arg7[%get3A_1088] {strides = array<i32>} : memref<2048xi32, #tpu.memory_space<vmem>>, vector<16xi32>,
      %add3A_1090 = arith.addi %add3A_1083, %get3A_1089 : vector<16xi32>
      %mul3A_1091 = arith.constant 16 : i32
      %mul3A_1092 = arith.muli %scan3A_995, %mul3A_1091 : i32
      %add3A_1093 = arith.constant 896 : i32
      %add3A_1094 = arith.addi %add3A_1093, %mul3A_1092 : i32
      %get3A_1095 = arith.index_cast %add3A_1094 : i32 to index
      %get3A_1096 = tpu.vector_load %arg7[%get3A_1095] {strides = array<i32>} : memref<2048xi32, #tpu.memory_space<vmem>>, vector<16xi32>,
      %add3A_1097 = arith.addi %add3A_1090, %get3A_1096 : vector<16xi32>
      %mul3A_1098 = arith.constant 16 : i32
      %mul3A_1099 = arith.muli %scan3A_995, %mul3A_1098 : i32
      %add3A_1100 = arith.constant 960 : i32
      %add3A_1101 = arith.addi %add3A_1100, %mul3A_1099 : i32
      %get3A_1102 = arith.index_cast %add3A_1101 : i32 to index
      %get3A_1103 = tpu.vector_load %arg7[%get3A_1102] {strides = array<i32>} : memref<2048xi32, #tpu.memory_space<vmem>>, vector<16xi32>,
      %add3A_1104 = arith.addi %add3A_1097, %get3A_1103 : vector<16xi32>
      %mul3A_1105 = arith.constant 16 : i32
      %mul3A_1106 = arith.muli %scan3A_995, %mul3A_1105 : i32
      %swap3A_1107 = arith.index_cast %mul3A_1106 : i32 to index
      %swap3A_1108 = tpu.vector_load %arg8[%swap3A_1107] {strides = array<i32>} : memref<128xi32, #tpu.memory_space<vmem>>, vector<16xi32>,
      tpu.vector_store %arg8[%swap3A_1107], %add3A_1104 {strides = array<i32>} : memref<128xi32, #tpu.memory_space<vmem>>, vector<16xi32>,
      %scan3A_1109 = arith.constant 0 : i32
      %scan3A_1110 = arith.constant 1 : i32
      %mul3A_1111 = arith.constant 16 : i32
      %mul3A_1112 = arith.muli %scan3A_1110, %mul3A_1111 : i32
      %get3A_1113 = arith.index_cast %mul3A_1112 : i32 to index
      %get3A_1114 = tpu.vector_load %arg7[%get3A_1113] {strides = array<i32>} : memref<2048xi32, #tpu.memory_space<vmem>>, vector<16xi32>,
      %mul3A_1115 = arith.constant 16 : i32
      %mul3A_1116 = arith.muli %scan3A_1110, %mul3A_1115 : i32
      %add3A_1117 = arith.constant 64 : i32
      %add3A_1118 = arith.addi %add3A_1117, %mul3A_1116 : i32
      %get3A_1119 = arith.index_cast %add3A_1118 : i32 to index
      %get3A_1120 = tpu.vector_load %arg7[%get3A_1119] {strides = array<i32>} : memref<2048xi32, #tpu.memory_space<vmem>>, vector<16xi32>,
      %add3A_1121 = arith.addi %get3A_1114, %get3A_1120 : vector<16xi32>
      %mul3A_1122 = arith.constant 16 : i32
      %mul3A_1123 = arith.muli %scan3A_1110, %mul3A_1122 : i32
      %add3A_1124 = arith.constant 128 : i32
      %add3A_1125 = arith.addi %add3A_1124, %mul3A_1123 : i32
      %get3A_1126 = arith.index_cast %add3A_1125 : i32 to index
      %get3A_1127 = tpu.vector_load %arg7[%get3A_1126] {strides = array<i32>} : memref<2048xi32, #tpu.memory_space<vmem>>, vector<16xi32>,
      %add3A_1128 = arith.addi %add3A_1121, %get3A_1127 : vector<16xi32>
      %mul3A_1129 = arith.constant 16 : i32
      %mul3A_1130 = arith.muli %scan3A_1110, %mul3A_1129 : i32
      %add3A_1131 = arith.constant 192 : i32
      %add3A_1132 = arith.addi %add3A_1131, %mul3A_1130 : i32
      %get3A_1133 = arith.index_cast %add3A_1132 : i32 to index
      %get3A_1134 = tpu.vector_load %arg7[%get3A_1133] {strides = array<i32>} : memref<2048xi32, #tpu.memory_space<vmem>>, vector<16xi32>,
      %add3A_1135 = arith.addi %add3A_1128, %get3A_1134 : vector<16xi32>
      %mul3A_1136 = arith.constant 16 : i32
      %mul3A_1137 = arith.muli %scan3A_1110, %mul3A_1136 : i32
      %add3A_1138 = arith.constant 256 : i32
      %add3A_1139 = arith.addi %add3A_1138, %mul3A_1137 : i32
      %get3A_1140 = arith.index_cast %add3A_1139 : i32 to index
      %get3A_1141 = tpu.vector_load %arg7[%get3A_1140] {strides = array<i32>} : memref<2048xi32, #tpu.memory_space<vmem>>, vector<16xi32>,
      %add3A_1142 = arith.addi %add3A_1135, %get3A_1141 : vector<16xi32>
      %mul3A_1143 = arith.constant 16 : i32
      %mul3A_1144 = arith.muli %scan3A_1110, %mul3A_1143 : i32
      %add3A_1145 = arith.constant 320 : i32
      %add3A_1146 = arith.addi %add3A_1145, %mul3A_1144 : i32
      %get3A_1147 = arith.index_cast %add3A_1146 : i32 to index
      %get3A_1148 = tpu.vector_load %arg7[%get3A_1147] {strides = array<i32>} : memref<2048xi32, #tpu.memory_space<vmem>>, vector<16xi32>,
      %add3A_1149 = arith.addi %add3A_1142, %get3A_1148 : vector<16xi32>
      %mul3A_1150 = arith.constant 16 : i32
      %mul3A_1151 = arith.muli %scan3A_1110, %mul3A_1150 : i32
      %add3A_1152 = arith.constant 384 : i32
      %add3A_1153 = arith.addi %add3A_1152, %mul3A_1151 : i32
      %get3A_1154 = arith.index_cast %add3A_1153 : i32 to index
      %get3A_1155 = tpu.vector_load %arg7[%get3A_1154] {strides = array<i32>} : memref<2048xi32, #tpu.memory_space<vmem>>, vector<16xi32>,
      %add3A_1156 = arith.addi %add3A_1149, %get3A_1155 : vector<16xi32>
      %mul3A_1157 = arith.constant 16 : i32
      %mul3A_1158 = arith.muli %scan3A_1110, %mul3A_1157 : i32
      %add3A_1159 = arith.constant 448 : i32
      %add3A_1160 = arith.addi %add3A_1159, %mul3A_1158 : i32
      %get3A_1161 = arith.index_cast %add3A_1160 : i32 to index
      %get3A_1162 = tpu.vector_load %arg7[%get3A_1161] {strides = array<i32>} : memref<2048xi32, #tpu.memory_space<vmem>>, vector<16xi32>,
      %add3A_1163 = arith.addi %add3A_1156, %get3A_1162 : vector<16xi32>
      %mul3A_1164 = arith.constant 16 : i32
      %mul3A_1165 = arith.muli %scan3A_1110, %mul3A_1164 : i32
      %add3A_1166 = arith.constant 512 : i32
      %add3A_1167 = arith.addi %add3A_1166, %mul3A_1165 : i32
      %get3A_1168 = arith.index_cast %add3A_1167 : i32 to index
      %get3A_1169 = tpu.vector_load %arg7[%get3A_1168] {strides = array<i32>} : memref<2048xi32, #tpu.memory_space<vmem>>, vector<16xi32>,
      %add3A_1170 = arith.addi %add3A_1163, %get3A_1169 : vector<16xi32>
      %mul3A_1171 = arith.constant 16 : i32
      %mul3A_1172 = arith.muli %scan3A_1110, %mul3A_1171 : i32
      %add3A_1173 = arith.constant 576 : i32
      %add3A_1174 = arith.addi %add3A_1173, %mul3A_1172 : i32
      %get3A_1175 = arith.index_cast %add3A_1174 : i32 to index
      %get3A_1176 = tpu.vector_load %arg7[%get3A_1175] {strides = array<i32>} : memref<2048xi32, #tpu.memory_space<vmem>>, vector<16xi32>,
      %add3A_1177 = arith.addi %add3A_1170, %get3A_1176 : vector<16xi32>
      %mul3A_1178 = arith.constant 16 : i32
      %mul3A_1179 = arith.muli %scan3A_1110, %mul3A_1178 : i32
      %add3A_1180 = arith.constant 640 : i32
      %add3A_1181 = arith.addi %add3A_1180, %mul3A_1179 : i32
      %get3A_1182 = arith.index_cast %add3A_1181 : i32 to index
      %get3A_1183 = tpu.vector_load %arg7[%get3A_1182] {strides = array<i32>} : memref<2048xi32, #tpu.memory_space<vmem>>, vector<16xi32>,
      %add3A_1184 = arith.addi %add3A_1177, %get3A_1183 : vector<16xi32>
      %mul3A_1185 = arith.constant 16 : i32
      %mul3A_1186 = arith.muli %scan3A_1110, %mul3A_1185 : i32
      %add3A_1187 = arith.constant 704 : i32
      %add3A_1188 = arith.addi %add3A_1187, %mul3A_1186 : i32
      %get3A_1189 = arith.index_cast %add3A_1188 : i32 to index
      %get3A_1190 = tpu.vector_load %arg7[%get3A_1189] {strides = array<i32>} : memref<2048xi32, #tpu.memory_space<vmem>>, vector<16xi32>,
      %add3A_1191 = arith.addi %add3A_1184, %get3A_1190 : vector<16xi32>
      %mul3A_1192 = arith.constant 16 : i32
      %mul3A_1193 = arith.muli %scan3A_1110, %mul3A_1192 : i32
      %add3A_1194 = arith.constant 768 : i32
      %add3A_1195 = arith.addi %add3A_1194, %mul3A_1193 : i32
      %get3A_1196 = arith.index_cast %add3A_1195 : i32 to index
      %get3A_1197 = tpu.vector_load %arg7[%get3A_1196] {strides = array<i32>} : memref<2048xi32, #tpu.memory_space<vmem>>, vector<16xi32>,
      %add3A_1198 = arith.addi %add3A_1191, %get3A_1197 : vector<16xi32>
      %mul3A_1199 = arith.constant 16 : i32
      %mul3A_1200 = arith.muli %scan3A_1110, %mul3A_1199 : i32
      %add3A_1201 = arith.constant 832 : i32
      %add3A_1202 = arith.addi %add3A_1201, %mul3A_1200 : i32
      %get3A_1203 = arith.index_cast %add3A_1202 : i32 to index
      %get3A_1204 = tpu.vector_load %arg7[%get3A_1203] {strides = array<i32>} : memref<2048xi32, #tpu.memory_space<vmem>>, vector<16xi32>,
      %add3A_1205 = arith.addi %add3A_1198, %get3A_1204 : vector<16xi32>
      %mul3A_1206 = arith.constant 16 : i32
      %mul3A_1207 = arith.muli %scan3A_1110, %mul3A_1206 : i32
      %add3A_1208 = arith.constant 896 : i32
      %add3A_1209 = arith.addi %add3A_1208, %mul3A_1207 : i32
      %get3A_1210 = arith.index_cast %add3A_1209 : i32 to index
      %get3A_1211 = tpu.vector_load %arg7[%get3A_1210] {strides = array<i32>} : memref<2048xi32, #tpu.memory_space<vmem>>, vector<16xi32>,
      %add3A_1212 = arith.addi %add3A_1205, %get3A_1211 : vector<16xi32>
      %mul3A_1213 = arith.constant 16 : i32
      %mul3A_1214 = arith.muli %scan3A_1110, %mul3A_1213 : i32
      %add3A_1215 = arith.constant 960 : i32
      %add3A_1216 = arith.addi %add3A_1215, %mul3A_1214 : i32
      %get3A_1217 = arith.index_cast %add3A_1216 : i32 to index
      %get3A_1218 = tpu.vector_load %arg7[%get3A_1217] {strides = array<i32>} : memref<2048xi32, #tpu.memory_space<vmem>>, vector<16xi32>,
      %add3A_1219 = arith.addi %add3A_1212, %get3A_1218 : vector<16xi32>
      %mul3A_1220 = arith.constant 16 : i32
      %mul3A_1221 = arith.muli %scan3A_1110, %mul3A_1220 : i32
      %swap3A_1222 = arith.index_cast %mul3A_1221 : i32 to index
      %swap3A_1223 = tpu.vector_load %arg8[%swap3A_1222] {strides = array<i32>} : memref<128xi32, #tpu.memory_space<vmem>>, vector<16xi32>,
      tpu.vector_store %arg8[%swap3A_1222], %add3A_1219 {strides = array<i32>} : memref<128xi32, #tpu.memory_space<vmem>>, vector<16xi32>,
      %scan3A_1224 = arith.constant 0 : i32
      %scan3A_1225 = arith.constant 2 : i32
      %mul3A_1226 = arith.constant 16 : i32
      %mul3A_1227 = arith.muli %scan3A_1225, %mul3A_1226 : i32
      %get3A_1228 = arith.index_cast %mul3A_1227 : i32 to index
      %get3A_1229 = tpu.vector_load %arg7[%get3A_1228] {strides = array<i32>} : memref<2048xi32, #tpu.memory_space<vmem>>, vector<16xi32>,
      %mul3A_1230 = arith.constant 16 : i32
      %mul3A_1231 = arith.muli %scan3A_1225, %mul3A_1230 : i32
      %add3A_1232 = arith.constant 64 : i32
      %add3A_1233 = arith.addi %add3A_1232, %mul3A_1231 : i32
      %get3A_1234 = arith.index_cast %add3A_1233 : i32 to index
      %get3A_1235 = tpu.vector_load %arg7[%get3A_1234] {strides = array<i32>} : memref<2048xi32, #tpu.memory_space<vmem>>, vector<16xi32>,
      %add3A_1236 = arith.addi %get3A_1229, %get3A_1235 : vector<16xi32>
      %mul3A_1237 = arith.constant 16 : i32
      %mul3A_1238 = arith.muli %scan3A_1225, %mul3A_1237 : i32
      %add3A_1239 = arith.constant 128 : i32
      %add3A_1240 = arith.addi %add3A_1239, %mul3A_1238 : i32
      %get3A_1241 = arith.index_cast %add3A_1240 : i32 to index
      %get3A_1242 = tpu.vector_load %arg7[%get3A_1241] {strides = array<i32>} : memref<2048xi32, #tpu.memory_space<vmem>>, vector<16xi32>,
      %add3A_1243 = arith.addi %add3A_1236, %get3A_1242 : vector<16xi32>
      %mul3A_1244 = arith.constant 16 : i32
      %mul3A_1245 = arith.muli %scan3A_1225, %mul3A_1244 : i32
      %add3A_1246 = arith.constant 192 : i32
      %add3A_1247 = arith.addi %add3A_1246, %mul3A_1245 : i32
      %get3A_1248 = arith.index_cast %add3A_1247 : i32 to index
      %get3A_1249 = tpu.vector_load %arg7[%get3A_1248] {strides = array<i32>} : memref<2048xi32, #tpu.memory_space<vmem>>, vector<16xi32>,
      %add3A_1250 = arith.addi %add3A_1243, %get3A_1249 : vector<16xi32>
      %mul3A_1251 = arith.constant 16 : i32
      %mul3A_1252 = arith.muli %scan3A_1225, %mul3A_1251 : i32
      %add3A_1253 = arith.constant 256 : i32
      %add3A_1254 = arith.addi %add3A_1253, %mul3A_1252 : i32
      %get3A_1255 = arith.index_cast %add3A_1254 : i32 to index
      %get3A_1256 = tpu.vector_load %arg7[%get3A_1255] {strides = array<i32>} : memref<2048xi32, #tpu.memory_space<vmem>>, vector<16xi32>,
      %add3A_1257 = arith.addi %add3A_1250, %get3A_1256 : vector<16xi32>
      %mul3A_1258 = arith.constant 16 : i32
      %mul3A_1259 = arith.muli %scan3A_1225, %mul3A_1258 : i32
      %add3A_1260 = arith.constant 320 : i32
      %add3A_1261 = arith.addi %add3A_1260, %mul3A_1259 : i32
      %get3A_1262 = arith.index_cast %add3A_1261 : i32 to index
      %get3A_1263 = tpu.vector_load %arg7[%get3A_1262] {strides = array<i32>} : memref<2048xi32, #tpu.memory_space<vmem>>, vector<16xi32>,
      %add3A_1264 = arith.addi %add3A_1257, %get3A_1263 : vector<16xi32>
      %mul3A_1265 = arith.constant 16 : i32
      %mul3A_1266 = arith.muli %scan3A_1225, %mul3A_1265 : i32
      %add3A_1267 = arith.constant 384 : i32
      %add3A_1268 = arith.addi %add3A_1267, %mul3A_1266 : i32
      %get3A_1269 = arith.index_cast %add3A_1268 : i32 to index
      %get3A_1270 = tpu.vector_load %arg7[%get3A_1269] {strides = array<i32>} : memref<2048xi32, #tpu.memory_space<vmem>>, vector<16xi32>,
      %add3A_1271 = arith.addi %add3A_1264, %get3A_1270 : vector<16xi32>
      %mul3A_1272 = arith.constant 16 : i32
      %mul3A_1273 = arith.muli %scan3A_1225, %mul3A_1272 : i32
      %add3A_1274 = arith.constant 448 : i32
      %add3A_1275 = arith.addi %add3A_1274, %mul3A_1273 : i32
      %get3A_1276 = arith.index_cast %add3A_1275 : i32 to index
      %get3A_1277 = tpu.vector_load %arg7[%get3A_1276] {strides = array<i32>} : memref<2048xi32, #tpu.memory_space<vmem>>, vector<16xi32>,
      %add3A_1278 = arith.addi %add3A_1271, %get3A_1277 : vector<16xi32>
      %mul3A_1279 = arith.constant 16 : i32
      %mul3A_1280 = arith.muli %scan3A_1225, %mul3A_1279 : i32
      %add3A_1281 = arith.constant 512 : i32
      %add3A_1282 = arith.addi %add3A_1281, %mul3A_1280 : i32
      %get3A_1283 = arith.index_cast %add3A_1282 : i32 to index
      %get3A_1284 = tpu.vector_load %arg7[%get3A_1283] {strides = array<i32>} : memref<2048xi32, #tpu.memory_space<vmem>>, vector<16xi32>,
      %add3A_1285 = arith.addi %add3A_1278, %get3A_1284 : vector<16xi32>
      %mul3A_1286 = arith.constant 16 : i32
      %mul3A_1287 = arith.muli %scan3A_1225, %mul3A_1286 : i32
      %add3A_1288 = arith.constant 576 : i32
      %add3A_1289 = arith.addi %add3A_1288, %mul3A_1287 : i32
      %get3A_1290 = arith.index_cast %add3A_1289 : i32 to index
      %get3A_1291 = tpu.vector_load %arg7[%get3A_1290] {strides = array<i32>} : memref<2048xi32, #tpu.memory_space<vmem>>, vector<16xi32>,
      %add3A_1292 = arith.addi %add3A_1285, %get3A_1291 : vector<16xi32>
      %mul3A_1293 = arith.constant 16 : i32
      %mul3A_1294 = arith.muli %scan3A_1225, %mul3A_1293 : i32
      %add3A_1295 = arith.constant 640 : i32
      %add3A_1296 = arith.addi %add3A_1295, %mul3A_1294 : i32
      %get3A_1297 = arith.index_cast %add3A_1296 : i32 to index
      %get3A_1298 = tpu.vector_load %arg7[%get3A_1297] {strides = array<i32>} : memref<2048xi32, #tpu.memory_space<vmem>>, vector<16xi32>,
      %add3A_1299 = arith.addi %add3A_1292, %get3A_1298 : vector<16xi32>
      %mul3A_1300 = arith.constant 16 : i32
      %mul3A_1301 = arith.muli %scan3A_1225, %mul3A_1300 : i32
      %add3A_1302 = arith.constant 704 : i32
      %add3A_1303 = arith.addi %add3A_1302, %mul3A_1301 : i32
      %get3A_1304 = arith.index_cast %add3A_1303 : i32 to index
      %get3A_1305 = tpu.vector_load %arg7[%get3A_1304] {strides = array<i32>} : memref<2048xi32, #tpu.memory_space<vmem>>, vector<16xi32>,
      %add3A_1306 = arith.addi %add3A_1299, %get3A_1305 : vector<16xi32>
      %mul3A_1307 = arith.constant 16 : i32
      %mul3A_1308 = arith.muli %scan3A_1225, %mul3A_1307 : i32
      %add3A_1309 = arith.constant 768 : i32
      %add3A_1310 = arith.addi %add3A_1309, %mul3A_1308 : i32
      %get3A_1311 = arith.index_cast %add3A_1310 : i32 to index
      %get3A_1312 = tpu.vector_load %arg7[%get3A_1311] {strides = array<i32>} : memref<2048xi32, #tpu.memory_space<vmem>>, vector<16xi32>,
      %add3A_1313 = arith.addi %add3A_1306, %get3A_1312 : vector<16xi32>
      %mul3A_1314 = arith.constant 16 : i32
      %mul3A_1315 = arith.muli %scan3A_1225, %mul3A_1314 : i32
      %add3A_1316 = arith.constant 832 : i32
      %add3A_1317 = arith.addi %add3A_1316, %mul3A_1315 : i32
      %get3A_1318 = arith.index_cast %add3A_1317 : i32 to index
      %get3A_1319 = tpu.vector_load %arg7[%get3A_1318] {strides = array<i32>} : memref<2048xi32, #tpu.memory_space<vmem>>, vector<16xi32>,
      %add3A_1320 = arith.addi %add3A_1313, %get3A_1319 : vector<16xi32>
      %mul3A_1321 = arith.constant 16 : i32
      %mul3A_1322 = arith.muli %scan3A_1225, %mul3A_1321 : i32
      %add3A_1323 = arith.constant 896 : i32
      %add3A_1324 = arith.addi %add3A_1323, %mul3A_1322 : i32
      %get3A_1325 = arith.index_cast %add3A_1324 : i32 to index
      %get3A_1326 = tpu.vector_load %arg7[%get3A_1325] {strides = array<i32>} : memref<2048xi32, #tpu.memory_space<vmem>>, vector<16xi32>,
      %add3A_1327 = arith.addi %add3A_1320, %get3A_1326 : vector<16xi32>
      %mul3A_1328 = arith.constant 16 : i32
      %mul3A_1329 = arith.muli %scan3A_1225, %mul3A_1328 : i32
      %add3A_1330 = arith.constant 960 : i32
      %add3A_1331 = arith.addi %add3A_1330, %mul3A_1329 : i32
      %get3A_1332 = arith.index_cast %add3A_1331 : i32 to index
      %get3A_1333 = tpu.vector_load %arg7[%get3A_1332] {strides = array<i32>} : memref<2048xi32, #tpu.memory_space<vmem>>, vector<16xi32>,
      %add3A_1334 = arith.addi %add3A_1327, %get3A_1333 : vector<16xi32>
      %mul3A_1335 = arith.constant 16 : i32
      %mul3A_1336 = arith.muli %scan3A_1225, %mul3A_1335 : i32
      %swap3A_1337 = arith.index_cast %mul3A_1336 : i32 to index
      %swap3A_1338 = tpu.vector_load %arg8[%swap3A_1337] {strides = array<i32>} : memref<128xi32, #tpu.memory_space<vmem>>, vector<16xi32>,
      tpu.vector_store %arg8[%swap3A_1337], %add3A_1334 {strides = array<i32>} : memref<128xi32, #tpu.memory_space<vmem>>, vector<16xi32>,
      %scan3A_1339 = arith.constant 0 : i32
      %scan3A_1340 = arith.constant 3 : i32
      %mul3A_1341 = arith.constant 16 : i32
      %mul3A_1342 = arith.muli %scan3A_1340, %mul3A_1341 : i32
      %get3A_1343 = arith.index_cast %mul3A_1342 : i32 to index
      %get3A_1344 = tpu.vector_load %arg7[%get3A_1343] {strides = array<i32>} : memref<2048xi32, #tpu.memory_space<vmem>>, vector<16xi32>,
      %mul3A_1345 = arith.constant 16 : i32
      %mul3A_1346 = arith.muli %scan3A_1340, %mul3A_1345 : i32
      %add3A_1347 = arith.constant 64 : i32
      %add3A_1348 = arith.addi %add3A_1347, %mul3A_1346 : i32
      %get3A_1349 = arith.index_cast %add3A_1348 : i32 to index
      %get3A_1350 = tpu.vector_load %arg7[%get3A_1349] {strides = array<i32>} : memref<2048xi32, #tpu.memory_space<vmem>>, vector<16xi32>,
      %add3A_1351 = arith.addi %get3A_1344, %get3A_1350 : vector<16xi32>
      %mul3A_1352 = arith.constant 16 : i32
      %mul3A_1353 = arith.muli %scan3A_1340, %mul3A_1352 : i32
      %add3A_1354 = arith.constant 128 : i32
      %add3A_1355 = arith.addi %add3A_1354, %mul3A_1353 : i32
      %get3A_1356 = arith.index_cast %add3A_1355 : i32 to index
      %get3A_1357 = tpu.vector_load %arg7[%get3A_1356] {strides = array<i32>} : memref<2048xi32, #tpu.memory_space<vmem>>, vector<16xi32>,
      %add3A_1358 = arith.addi %add3A_1351, %get3A_1357 : vector<16xi32>
      %mul3A_1359 = arith.constant 16 : i32
      %mul3A_1360 = arith.muli %scan3A_1340, %mul3A_1359 : i32
      %add3A_1361 = arith.constant 192 : i32
      %add3A_1362 = arith.addi %add3A_1361, %mul3A_1360 : i32
      %get3A_1363 = arith.index_cast %add3A_1362 : i32 to index
      %get3A_1364 = tpu.vector_load %arg7[%get3A_1363] {strides = array<i32>} : memref<2048xi32, #tpu.memory_space<vmem>>, vector<16xi32>,
      %add3A_1365 = arith.addi %add3A_1358, %get3A_1364 : vector<16xi32>
      %mul3A_1366 = arith.constant 16 : i32
      %mul3A_1367 = arith.muli %scan3A_1340, %mul3A_1366 : i32
      %add3A_1368 = arith.constant 256 : i32
      %add3A_1369 = arith.addi %add3A_1368, %mul3A_1367 : i32
      %get3A_1370 = arith.index_cast %add3A_1369 : i32 to index
      %get3A_1371 = tpu.vector_load %arg7[%get3A_1370] {strides = array<i32>} : memref<2048xi32, #tpu.memory_space<vmem>>, vector<16xi32>,
      %add3A_1372 = arith.addi %add3A_1365, %get3A_1371 : vector<16xi32>
      %mul3A_1373 = arith.constant 16 : i32
      %mul3A_1374 = arith.muli %scan3A_1340, %mul3A_1373 : i32
      %add3A_1375 = arith.constant 320 : i32
      %add3A_1376 = arith.addi %add3A_1375, %mul3A_1374 : i32
      %get3A_1377 = arith.index_cast %add3A_1376 : i32 to index
      %get3A_1378 = tpu.vector_load %arg7[%get3A_1377] {strides = array<i32>} : memref<2048xi32, #tpu.memory_space<vmem>>, vector<16xi32>,
      %add3A_1379 = arith.addi %add3A_1372, %get3A_1378 : vector<16xi32>
      %mul3A_1380 = arith.constant 16 : i32
      %mul3A_1381 = arith.muli %scan3A_1340, %mul3A_1380 : i32
      %add3A_1382 = arith.constant 384 : i32
      %add3A_1383 = arith.addi %add3A_1382, %mul3A_1381 : i32
      %get3A_1384 = arith.index_cast %add3A_1383 : i32 to index
      %get3A_1385 = tpu.vector_load %arg7[%get3A_1384] {strides = array<i32>} : memref<2048xi32, #tpu.memory_space<vmem>>, vector<16xi32>,
      %add3A_1386 = arith.addi %add3A_1379, %get3A_1385 : vector<16xi32>
      %mul3A_1387 = arith.constant 16 : i32
      %mul3A_1388 = arith.muli %scan3A_1340, %mul3A_1387 : i32
      %add3A_1389 = arith.constant 448 : i32
      %add3A_1390 = arith.addi %add3A_1389, %mul3A_1388 : i32
      %get3A_1391 = arith.index_cast %add3A_1390 : i32 to index
      %get3A_1392 = tpu.vector_load %arg7[%get3A_1391] {strides = array<i32>} : memref<2048xi32, #tpu.memory_space<vmem>>, vector<16xi32>,
      %add3A_1393 = arith.addi %add3A_1386, %get3A_1392 : vector<16xi32>
      %mul3A_1394 = arith.constant 16 : i32
      %mul3A_1395 = arith.muli %scan3A_1340, %mul3A_1394 : i32
      %add3A_1396 = arith.constant 512 : i32
      %add3A_1397 = arith.addi %add3A_1396, %mul3A_1395 : i32
      %get3A_1398 = arith.index_cast %add3A_1397 : i32 to index
      %get3A_1399 = tpu.vector_load %arg7[%get3A_1398] {strides = array<i32>} : memref<2048xi32, #tpu.memory_space<vmem>>, vector<16xi32>,
      %add3A_1400 = arith.addi %add3A_1393, %get3A_1399 : vector<16xi32>
      %mul3A_1401 = arith.constant 16 : i32
      %mul3A_1402 = arith.muli %scan3A_1340, %mul3A_1401 : i32
      %add3A_1403 = arith.constant 576 : i32
      %add3A_1404 = arith.addi %add3A_1403, %mul3A_1402 : i32
      %get3A_1405 = arith.index_cast %add3A_1404 : i32 to index
      %get3A_1406 = tpu.vector_load %arg7[%get3A_1405] {strides = array<i32>} : memref<2048xi32, #tpu.memory_space<vmem>>, vector<16xi32>,
      %add3A_1407 = arith.addi %add3A_1400, %get3A_1406 : vector<16xi32>
      %mul3A_1408 = arith.constant 16 : i32
      %mul3A_1409 = arith.muli %scan3A_1340, %mul3A_1408 : i32
      %add3A_1410 = arith.constant 640 : i32
      %add3A_1411 = arith.addi %add3A_1410, %mul3A_1409 : i32
      %get3A_1412 = arith.index_cast %add3A_1411 : i32 to index
      %get3A_1413 = tpu.vector_load %arg7[%get3A_1412] {strides = array<i32>} : memref<2048xi32, #tpu.memory_space<vmem>>, vector<16xi32>,
      %add3A_1414 = arith.addi %add3A_1407, %get3A_1413 : vector<16xi32>
      %mul3A_1415 = arith.constant 16 : i32
      %mul3A_1416 = arith.muli %scan3A_1340, %mul3A_1415 : i32
      %add3A_1417 = arith.constant 704 : i32
      %add3A_1418 = arith.addi %add3A_1417, %mul3A_1416 : i32
      %get3A_1419 = arith.index_cast %add3A_1418 : i32 to index
      %get3A_1420 = tpu.vector_load %arg7[%get3A_1419] {strides = array<i32>} : memref<2048xi32, #tpu.memory_space<vmem>>, vector<16xi32>,
      %add3A_1421 = arith.addi %add3A_1414, %get3A_1420 : vector<16xi32>
      %mul3A_1422 = arith.constant 16 : i32
      %mul3A_1423 = arith.muli %scan3A_1340, %mul3A_1422 : i32
      %add3A_1424 = arith.constant 768 : i32
      %add3A_1425 = arith.addi %add3A_1424, %mul3A_1423 : i32
      %get3A_1426 = arith.index_cast %add3A_1425 : i32 to index
      %get3A_1427 = tpu.vector_load %arg7[%get3A_1426] {strides = array<i32>} : memref<2048xi32, #tpu.memory_space<vmem>>, vector<16xi32>,
      %add3A_1428 = arith.addi %add3A_1421, %get3A_1427 : vector<16xi32>
      %mul3A_1429 = arith.constant 16 : i32
      %mul3A_1430 = arith.muli %scan3A_1340, %mul3A_1429 : i32
      %add3A_1431 = arith.constant 832 : i32
      %add3A_1432 = arith.addi %add3A_1431, %mul3A_1430 : i32
      %get3A_1433 = arith.index_cast %add3A_1432 : i32 to index
      %get3A_1434 = tpu.vector_load %arg7[%get3A_1433] {strides = array<i32>} : memref<2048xi32, #tpu.memory_space<vmem>>, vector<16xi32>,
      %add3A_1435 = arith.addi %add3A_1428, %get3A_1434 : vector<16xi32>
      %mul3A_1436 = arith.constant 16 : i32
      %mul3A_1437 = arith.muli %scan3A_1340, %mul3A_1436 : i32
      %add3A_1438 = arith.constant 896 : i32
      %add3A_1439 = arith.addi %add3A_1438, %mul3A_1437 : i32
      %get3A_1440 = arith.index_cast %add3A_1439 : i32 to index
      %get3A_1441 = tpu.vector_load %arg7[%get3A_1440] {strides = array<i32>} : memref<2048xi32, #tpu.memory_space<vmem>>, vector<16xi32>,
      %add3A_1442 = arith.addi %add3A_1435, %get3A_1441 : vector<16xi32>
      %mul3A_1443 = arith.constant 16 : i32
      %mul3A_1444 = arith.muli %scan3A_1340, %mul3A_1443 : i32
      %add3A_1445 = arith.constant 960 : i32
      %add3A_1446 = arith.addi %add3A_1445, %mul3A_1444 : i32
      %get3A_1447 = arith.index_cast %add3A_1446 : i32 to index
      %get3A_1448 = tpu.vector_load %arg7[%get3A_1447] {strides = array<i32>} : memref<2048xi32, #tpu.memory_space<vmem>>, vector<16xi32>,
      %add3A_1449 = arith.addi %add3A_1442, %get3A_1448 : vector<16xi32>
      %mul3A_1450 = arith.constant 16 : i32
      %mul3A_1451 = arith.muli %scan3A_1340, %mul3A_1450 : i32
      %swap3A_1452 = arith.index_cast %mul3A_1451 : i32 to index
      %swap3A_1453 = tpu.vector_load %arg8[%swap3A_1452] {strides = array<i32>} : memref<128xi32, #tpu.memory_space<vmem>>, vector<16xi32>,
      tpu.vector_store %arg8[%swap3A_1452], %add3A_1449 {strides = array<i32>} : memref<128xi32, #tpu.memory_space<vmem>>, vector<16xi32>,
      %scan3A_1454 = arith.constant 0 : i32
      %scan3A_1455 = arith.constant 4 : i32
      %scan3A_1456 = arith.constant 0 : i32
      %scan3A_1457 = arith.constant -1 : i32
      %scan3A_1458 = arith.constant 0 : i32
      %scan3A_1459 = arith.constant 0 : i32
      %scan3A_1460 = arith.constant 4 : i32
      %scan3A_1461 = arith.addi %scan3A_1459, %scan3A_1460 : i32
      %scan3A_1462 = arith.constant 1 : i32
      %scan3A_1463:3 = scf.for %scan3A_1487 = %scan3A_1459 to %scan3A_1461 step %scan3A_1462 iter_args(%scan3A_1488 = %scan3A_1456, %scan3A_1489 = %scan3A_1457, %scan3A_1490 = %scan3A_1458) -> (i32, i32, i32)  : i32 {
        %sub3A_1491 = arith.constant 3 : i32
        %sub3A_1492 = arith.subi %sub3A_1491, %scan3A_1487 : i32
        %mul3A_1493 = arith.constant 16 : i32
        %mul3A_1494 = arith.muli %sub3A_1492, %mul3A_1493 : i32
        %get3A_1495 = arith.index_cast %mul3A_1494 : i32 to index
        %get3A_1496 = tpu.vector_load %arg8[%get3A_1495] {strides = array<i32>} : memref<128xi32, #tpu.memory_space<vmem>>, vector<16xi32>,
        %broadcast_in_dim3A_1497 = arith.constant true
        %broadcast_in_dim3A_1498 = vector.broadcast %broadcast_in_dim3A_1497 : i1 to vector<16xi1>
        %masked_cumsum3A = tpu.scan <sum>, %get3A_1496 masked %broadcast_in_dim3A_1498 : vector<16xi32>, vector<16xi1> -> vector<16xi32>
        %slice3A_1499 = vector.extract_strided_slice %masked_cumsum3A {offsets = [15], sizes = [1], strides = [1]} : vector<16xi32> to vector<1xi32>
        %squeeze3A_1500 = vector.extract %slice3A_1499[0] : i32 from vector<1xi32>
        %add3A_1501 = arith.addi %scan3A_1488, %squeeze3A_1500 : i32
        %sub3A_1502 = vector.broadcast %add3A_1501 : i32 to vector<16xi32>
        %sub3A_1503 = arith.subi %sub3A_1502, %masked_cumsum3A : vector<16xi32>
        %add3A_1504 = arith.addi %sub3A_1503, %get3A_1496 : vector<16xi32>
        %ge3A = vector.broadcast %scan3A_952#2 : i32 to vector<16xi32>
        %ge3A_1505 = arith.cmpi sge, %add3A_1504, %ge3A : vector<16xi32>
        %convert_element_type3A_1506 = arith.extui %ge3A_1505 : vector<16xi1> to vector<16xi32>
        %reduce_sum3A = arith.constant true
        %reduce_sum3A_1507 = vector.broadcast %reduce_sum3A : i1 to vector<16xi1>
        %reduce_sum3A_1508 = tpu.scan <sum>, %convert_element_type3A_1506 masked %reduce_sum3A_1507 : vector<16xi32>, vector<16xi1> -> vector<16xi32>
        %reduce_sum3A_1509 = vector.extract %reduce_sum3A_1508[15] : i32 from vector<16xi32>
        %sub3A_1510 = arith.constant 1 : i32
        %sub3A_1511 = arith.subi %reduce_sum3A_1509, %sub3A_1510 : i32
        %eq3A = vector.broadcast %sub3A_1511 : i32 to vector<16xi32>
        %eq3A_1512 = arith.cmpi eq, %iota3A, %eq3A : vector<16xi32>
        %sub3A_1513 = arith.subi %add3A_1504, %get3A_1496 : vector<16xi32>
        %jit3A_1514 = arith.constant 0 : i32
        %broadcast_in_dim3A_1515 = vector.broadcast %jit3A_1514 : i32 to vector<16xi32>
        %select_n3A_1516 = arith.select %eq3A_1512, %sub3A_1513, %broadcast_in_dim3A_1515 : vector<16xi1>, vector<16xi32>
        %reduce_sum3A_1517 = arith.constant true
        %reduce_sum3A_1518 = vector.broadcast %reduce_sum3A_1517 : i1 to vector<16xi1>
        %reduce_sum3A_1519 = tpu.scan <sum>, %select_n3A_1516 masked %reduce_sum3A_1518 : vector<16xi32>, vector<16xi1> -> vector<16xi32>
        %reduce_sum3A_1520 = vector.extract %reduce_sum3A_1519[15] : i32 from vector<16xi32>
        %ge3A_1521 = arith.constant 0 : i32
        %ge3A_1522 = arith.cmpi sge, %sub3A_1511, %ge3A_1521 : i32
        %lt3A = arith.constant 0 : i32
        %lt3A_1523 = arith.cmpi slt, %scan3A_1489, %lt3A : i32
        %and3A_1524 = arith.andi %ge3A_1522, %lt3A_1523 : i1
        %mul3A_1525 = arith.constant 16 : i32
        %mul3A_1526 = arith.muli %sub3A_1492, %mul3A_1525 : i32
        %add3A_1527 = arith.addi %mul3A_1526, %sub3A_1511 : i32
        %select_n3A_1528 = arith.select %and3A_1524, %add3A_1527, %scan3A_1489 : i32
        %sub3A_1529 = arith.subi %scan3A_952#2, %reduce_sum3A_1520 : i32
        %select_n3A_1530 = arith.select %and3A_1524, %sub3A_1529, %scan3A_1490 : i32
        %add3A_1531 = arith.addi %scan3A_1488, %squeeze3A_1500 : i32
        scf.yield %add3A_1531, %select_n3A_1528, %select_n3A_1530 : i32, i32, i32
      }
      %scan3A_1464 = arith.constant 4 : i32
      %shift_left3A = arith.constant 6 : i32
      %shift_left3A_1465 = arith.shli %scan3A_952#1, %shift_left3A : i32
      %or3A = arith.ori %shift_left3A_1465, %scan3A_1463#1 : i32
      %while3A_1466 = arith.constant 0 : i32
      %while3A_1467 = arith.constant 0 : i32
      %while3A_1468 = arith.subi %select_n3A, %while3A_1466 : i32
      %while3A_1469 = arith.addi %while3A_1466, %while3A_1468 : i32
      %while3A_1470 = arith.constant 1 : i32
      %while3A_1471 = arith.divsi %while3A_1468, %while3A_1470 : i32
      %while3A_1472 = arith.muli %while3A_1471, %while3A_1470 : i32
      %while3A_1473 = arith.addi %while3A_1466, %while3A_1472 : i32
      %while3A_1474 = arith.constant 1 : i32
      %while3A_1475 = scf.for %while3A_1487 = %while3A_1466 to %while3A_1473 step %while3A_1474 iter_args(%while3A_1488 = %while3A_1467) -> (i32)  : i32 {
        %mul3A_1489 = arith.constant 16 : i32
        %mul3A_1490 = arith.muli %while3A_1487, %mul3A_1489 : i32
        %get3A_1491 = arith.index_cast %mul3A_1490 : i32 to index
        %get3A_1492 = tpu.vector_load %arg6[%get3A_1491] {strides = array<i32>} : memref<32784xi32, #tpu.memory_space<vmem>>, vector<16xi32>,
        %mul3A_1493 = arith.constant 16 : i32
        %mul3A_1494 = arith.muli %while3A_1487, %mul3A_1493 : i32
        %add3A_1495 = vector.broadcast %mul3A_1494 : i32 to vector<16xi32>
        %add3A_1496 = arith.addi %add3A_1495, %iota3A : vector<16xi32>
        %lt3A = vector.broadcast %parallel_loop3A_958 : i32 to vector<16xi32>
        %lt3A_1497 = arith.cmpi slt, %add3A_1496, %lt3A : vector<16xi32>
        %shift_right_logical3A = arith.constant 18 : i32
        %shift_right_logical3A_1498 = vector.broadcast %shift_right_logical3A : i32 to vector<16xi32>
        %shift_right_logical3A_1499 = arith.shrui %get3A_1492, %shift_right_logical3A_1498 : vector<16xi32>
        %eq3A = vector.broadcast %or3A : i32 to vector<16xi32>
        %eq3A_1500 = arith.cmpi eq, %shift_right_logical3A_1499, %eq3A : vector<16xi32>
        %and3A_1501 = arith.andi %lt3A_1497, %eq3A_1500 : vector<16xi1>
        %swap3A_1502 = arith.index_cast %while3A_1488 : i32 to index
        %swap3A_1503 = tpu.vector_load %arg6[%swap3A_1502] masked %and3A_1501 {strides = array<i32>} : memref<32784xi32, #tpu.memory_space<vmem>>, vector<16xi32>, vector<16xi1>
        tpu.vector_store %arg6[%swap3A_1502], %get3A_1492 masked %and3A_1501 {strides = array<i32>} : memref<32784xi32, #tpu.memory_space<vmem>>, vector<16xi32>, vector<16xi1>
        %all_reduce_population_count3A = tpu.all_reduce %and3A_1501 {dim = 0 : i64, kind = #tpu.reduction_kind<sum>} : vector<16xi1> -> vector<16xi32>
        %slice3A_1504 = vector.extract_strided_slice %all_reduce_population_count3A {offsets = [0], sizes = [1], strides = [1]} : vector<16xi32> to vector<1xi32>
        %squeeze3A_1505 = vector.extract %slice3A_1504[0] : i32 from vector<1xi32>
        %add3A_1506 = arith.addi %while3A_1488, %squeeze3A_1505 : i32
        scf.yield %add3A_1506 : i32
      }
      %while3A_1476 = arith.constant 1 : i32
      %while3A_1477 = scf.for %while3A_1487 = %while3A_1473 to %while3A_1469 step %while3A_1476 iter_args(%while3A_1488 = %while3A_1475) -> (i32)  : i32 {
        %mul3A_1489 = arith.constant 16 : i32
        %mul3A_1490 = arith.muli %while3A_1487, %mul3A_1489 : i32
        %get3A_1491 = arith.index_cast %mul3A_1490 : i32 to index
        %get3A_1492 = tpu.vector_load %arg6[%get3A_1491] {strides = array<i32>} : memref<32784xi32, #tpu.memory_space<vmem>>, vector<16xi32>,
        %mul3A_1493 = arith.constant 16 : i32
        %mul3A_1494 = arith.muli %while3A_1487, %mul3A_1493 : i32
        %add3A_1495 = vector.broadcast %mul3A_1494 : i32 to vector<16xi32>
        %add3A_1496 = arith.addi %add3A_1495, %iota3A : vector<16xi32>
        %lt3A = vector.broadcast %parallel_loop3A_958 : i32 to vector<16xi32>
        %lt3A_1497 = arith.cmpi slt, %add3A_1496, %lt3A : vector<16xi32>
        %shift_right_logical3A = arith.constant 18 : i32
        %shift_right_logical3A_1498 = vector.broadcast %shift_right_logical3A : i32 to vector<16xi32>
        %shift_right_logical3A_1499 = arith.shrui %get3A_1492, %shift_right_logical3A_1498 : vector<16xi32>
        %eq3A = vector.broadcast %or3A : i32 to vector<16xi32>
        %eq3A_1500 = arith.cmpi eq, %shift_right_logical3A_1499, %eq3A : vector<16xi32>
        %and3A_1501 = arith.andi %lt3A_1497, %eq3A_1500 : vector<16xi1>
        %swap3A_1502 = arith.index_cast %while3A_1488 : i32 to index
        %swap3A_1503 = tpu.vector_load %arg6[%swap3A_1502] masked %and3A_1501 {strides = array<i32>} : memref<32784xi32, #tpu.memory_space<vmem>>, vector<16xi32>, vector<16xi1>
        tpu.vector_store %arg6[%swap3A_1502], %get3A_1492 masked %and3A_1501 {strides = array<i32>} : memref<32784xi32, #tpu.memory_space<vmem>>, vector<16xi32>, vector<16xi1>
        %all_reduce_population_count3A = tpu.all_reduce %and3A_1501 {dim = 0 : i64, kind = #tpu.reduction_kind<sum>} : vector<16xi1> -> vector<16xi32>
        %slice3A_1504 = vector.extract_strided_slice %all_reduce_population_count3A {offsets = [0], sizes = [1], strides = [1]} : vector<16xi32> to vector<1xi32>
        %squeeze3A_1505 = vector.extract %slice3A_1504[0] : i32 from vector<1xi32>
        %add3A_1506 = arith.addi %while3A_1488, %squeeze3A_1505 : i32
        scf.yield %add3A_1506 : i32
      }
      %le3A = arith.constant 16 : i32
      %le3A_1478 = arith.cmpi sle, %while3A_1477, %le3A : i32
      %convert_element_type3A = arith.extui %le3A_1478 : i1 to i32
      %cond3A = arith.constant 0 : i32
      %cond3A_1479 = arith.constant 0 : i32
      %cond3A_1480 = arith.cmpi ne, %convert_element_type3A, %cond3A_1479 : i32
      %cond3A_1481 = scf.if %cond3A_1480 -> (i32) {
        %get3A_1487 = arith.constant 0 : index
        %get3A_1488 = tpu.vector_load %arg6[%get3A_1487] {strides = array<i32>} : memref<32784xi32, #tpu.memory_space<vmem>>, vector<16xi32>,
        %lt3A = vector.broadcast %while3A_1477 : i32 to vector<16xi32>
        %lt3A_1489 = arith.cmpi slt, %iota3A, %lt3A : vector<16xi32>
        %jit3A_1490 = arith.constant -1 : i32
        %broadcast_in_dim3A_1491 = vector.broadcast %jit3A_1490 : i32 to vector<16xi32>
        %select_n3A_1492 = arith.select %lt3A_1489, %get3A_1488, %broadcast_in_dim3A_1491 : vector<16xi1>, vector<16xi32>
        %sort3A = arith.constant dense<true> : vector<16xi1>
        %sort3A_1493, %sort3A_1494, %sort3A_1495 = tpu.sort %select_n3A_1492, %select_n3A_1492 masked %sort3A : (vector<16xi32>, vector<16xi32>, vector<16xi1>) -> (vector<16xi1>, vector<16xi32>, vector<16xi32>)
        %sub3A_1496 = arith.constant 16 : i32
        %sub3A_1497 = arith.subi %sub3A_1496, %scan3A_1463#2 : i32
        %eq3A = vector.broadcast %sub3A_1497 : i32 to vector<16xi32>
        %eq3A_1498 = arith.cmpi eq, %iota3A, %eq3A : vector<16xi32>
        %jit3A_1499 = arith.constant 0 : i32
        %broadcast_in_dim3A_1500 = vector.broadcast %jit3A_1499 : i32 to vector<16xi32>
        %select_n3A_1501 = arith.select %eq3A_1498, %sort3A_1494, %broadcast_in_dim3A_1500 : vector<16xi1>, vector<16xi32>
        %reduce_sum3A = arith.constant true
        %reduce_sum3A_1502 = vector.broadcast %reduce_sum3A : i1 to vector<16xi1>
        %reduce_sum3A_1503 = tpu.scan <sum>, %select_n3A_1501 masked %reduce_sum3A_1502 : vector<16xi32>, vector<16xi1> -> vector<16xi32>
        %reduce_sum3A_1504 = vector.extract %reduce_sum3A_1503[15] : i32 from vector<16xi32>
        scf.yield %reduce_sum3A_1504 : i32
      } else {
        %parallel_loop3A_1487 = arith.constant 0 : i32
        %parallel_loop3A_1488 = arith.constant 64 : i32
        %parallel_loop3A_1489 = arith.constant 1 : i32
        scf.for %parallel_loop3A_3065 = %parallel_loop3A_1487 to %parallel_loop3A_1488 step %parallel_loop3A_1489  : i32 {
          %parallel_loop3A_3066 = arith.constant 0 : i32
          %parallel_loop3A_3067 = vector.broadcast %parallel_loop3A_3066 : i32 to vector<16xi32>
          %parallel_loop3A_3068 = arith.constant 16 : i32
          %parallel_loop3A_3069 = arith.muli %parallel_loop3A_3065, %parallel_loop3A_3068 : i32
          %parallel_loop3A_3070 = arith.index_cast %parallel_loop3A_3069 : i32 to index
          %parallel_loop3A_3071 = tpu.vector_load %arg7[%parallel_loop3A_3070] {strides = array<i32>} : memref<2048xi32, #tpu.memory_space<vmem>>, vector<16xi32>,
          tpu.vector_store %arg7[%parallel_loop3A_3070], %parallel_loop3A_3067 {strides = array<i32>} : memref<2048xi32, #tpu.memory_space<vmem>>, vector<16xi32>,
        } {sc.loop_unroll_factor = 8 : i64, sc.parallel_access}
        %add3A_1490 = arith.constant 15 : i32
        %add3A_1491 = arith.addi %while3A_1477, %add3A_1490 : i32
        %jit3A_1492 = arith.constant 16 : i32
        %div3A_1493 = arith.divsi %add3A_1491, %jit3A_1492 : i32
        %sign3A_1494 = arith.constant 0 : i32
        %sign3A_1495 = arith.cmpi sgt, %add3A_1491, %sign3A_1494 : i32
        %sign3A_1496 = arith.extui %sign3A_1495 : i1 to i32
        %sign3A_1497 = arith.constant 0 : i32
        %sign3A_1498 = arith.cmpi slt, %add3A_1491, %sign3A_1497 : i32
        %sign3A_1499 = arith.extui %sign3A_1498 : i1 to i32
        %sign3A_1500 = arith.subi %sign3A_1496, %sign3A_1499 : i32
        %sign3A_1501 = arith.constant 0 : i32
        %sign3A_1502 = arith.cmpi sgt, %jit3A_1492, %sign3A_1501 : i32
        %sign3A_1503 = arith.extui %sign3A_1502 : i1 to i32
        %sign3A_1504 = arith.constant 0 : i32
        %sign3A_1505 = arith.cmpi slt, %jit3A_1492, %sign3A_1504 : i32
        %sign3A_1506 = arith.extui %sign3A_1505 : i1 to i32
        %sign3A_1507 = arith.subi %sign3A_1503, %sign3A_1506 : i32
        %ne3A_1508 = arith.cmpi ne, %sign3A_1500, %sign3A_1507 : i32
        %rem3A_1509 = arith.remsi %add3A_1491, %jit3A_1492 : i32
        %ne3A_1510 = arith.constant 0 : i32
        %ne3A_1511 = arith.cmpi ne, %rem3A_1509, %ne3A_1510 : i32
        %and3A_1512 = arith.andi %ne3A_1508, %ne3A_1511 : i1
        %sub3A_1513 = arith.constant 1 : i32
        %sub3A_1514 = arith.subi %div3A_1493, %sub3A_1513 : i32
        %select_n3A_1515 = arith.select %and3A_1512, %sub3A_1514, %div3A_1493 : i32
        %mul3A_1516 = arith.constant 64 : i32
        %mul3A_1517 = vector.broadcast %mul3A_1516 : i32 to vector<16xi32>
        %mul3A_1518 = arith.muli %iota3A, %mul3A_1517 : vector<16xi32>
        %while3A_1519 = arith.constant 0 : i32
        %while3A_1520 = arith.constant 0 : i32
        %while3A_1521 = arith.subi %select_n3A_1515, %while3A_1519 : i32
        %while3A_1522 = arith.addi %while3A_1519, %while3A_1521 : i32
        %while3A_1523 = arith.constant 1 : i32
        %while3A_1524 = arith.divsi %while3A_1521, %while3A_1523 : i32
        %while3A_1525 = arith.muli %while3A_1524, %while3A_1523 : i32
        %while3A_1526 = arith.addi %while3A_1519, %while3A_1525 : i32
        %while3A_1527 = arith.constant 1 : i32
        %while3A_1528 = scf.for %while3A_3065 = %while3A_1519 to %while3A_1526 step %while3A_1527 iter_args(%while3A_3066 = %while3A_1520) -> (i32)  : i32 {
          %mul3A_3067 = arith.constant 16 : i32
          %mul3A_3068 = arith.muli %while3A_3065, %mul3A_3067 : i32
          %get3A_3069 = arith.index_cast %mul3A_3068 : i32 to index
          %get3A_3070 = tpu.vector_load %arg6[%get3A_3069] {strides = array<i32>} : memref<32784xi32, #tpu.memory_space<vmem>>, vector<16xi32>,
          %mul3A_3071 = arith.constant 16 : i32
          %mul3A_3072 = arith.muli %while3A_3065, %mul3A_3071 : i32
          %add3A_3073 = vector.broadcast %mul3A_3072 : i32 to vector<16xi32>
          %add3A_3074 = arith.addi %add3A_3073, %iota3A : vector<16xi32>
          %lt3A = vector.broadcast %while3A_1477 : i32 to vector<16xi32>
          %lt3A_3075 = arith.cmpi slt, %add3A_3074, %lt3A : vector<16xi32>
          %shift_right_logical3A = arith.constant 12 : i32
          %shift_right_logical3A_3076 = vector.broadcast %shift_right_logical3A : i32 to vector<16xi32>
          %shift_right_logical3A_3077 = arith.shrui %get3A_3070, %shift_right_logical3A_3076 : vector<16xi32>
          %and3A_3078 = arith.constant 63 : i32
          %and3A_3079 = vector.broadcast %and3A_3078 : i32 to vector<16xi32>
          %and3A_3080 = arith.andi %shift_right_logical3A_3077, %and3A_3079 : vector<16xi32>
          %add3A_3081 = arith.addi %mul3A_1518, %and3A_3080 : vector<16xi32>
          tpu.vector_store_idx %arg7[%add3A_3081], %broadcast_in_dim3A_2 masked %lt3A_3075 {add = true} : memref<2048xi32, #tpu.memory_space<vmem>>[vector<16xi32>], vector<16xi32>, vector<16xi1>
          %while3A_3082 = arith.constant 0 : i32
          scf.yield %while3A_3082 : i32
        }
        %while3A_1529 = arith.constant 1 : i32
        %while3A_1530 = scf.for %while3A_3065 = %while3A_1526 to %while3A_1522 step %while3A_1529 iter_args(%while3A_3066 = %while3A_1528) -> (i32)  : i32 {
          %mul3A_3067 = arith.constant 16 : i32
          %mul3A_3068 = arith.muli %while3A_3065, %mul3A_3067 : i32
          %get3A_3069 = arith.index_cast %mul3A_3068 : i32 to index
          %get3A_3070 = tpu.vector_load %arg6[%get3A_3069] {strides = array<i32>} : memref<32784xi32, #tpu.memory_space<vmem>>, vector<16xi32>,
          %mul3A_3071 = arith.constant 16 : i32
          %mul3A_3072 = arith.muli %while3A_3065, %mul3A_3071 : i32
          %add3A_3073 = vector.broadcast %mul3A_3072 : i32 to vector<16xi32>
          %add3A_3074 = arith.addi %add3A_3073, %iota3A : vector<16xi32>
          %lt3A = vector.broadcast %while3A_1477 : i32 to vector<16xi32>
          %lt3A_3075 = arith.cmpi slt, %add3A_3074, %lt3A : vector<16xi32>
          %shift_right_logical3A = arith.constant 12 : i32
          %shift_right_logical3A_3076 = vector.broadcast %shift_right_logical3A : i32 to vector<16xi32>
          %shift_right_logical3A_3077 = arith.shrui %get3A_3070, %shift_right_logical3A_3076 : vector<16xi32>
          %and3A_3078 = arith.constant 63 : i32
          %and3A_3079 = vector.broadcast %and3A_3078 : i32 to vector<16xi32>
          %and3A_3080 = arith.andi %shift_right_logical3A_3077, %and3A_3079 : vector<16xi32>
          %add3A_3081 = arith.addi %mul3A_1518, %and3A_3080 : vector<16xi32>
          tpu.vector_store_idx %arg7[%add3A_3081], %broadcast_in_dim3A_2 masked %lt3A_3075 {add = true} : memref<2048xi32, #tpu.memory_space<vmem>>[vector<16xi32>], vector<16xi32>, vector<16xi1>
          %while3A_3082 = arith.constant 0 : i32
          scf.yield %while3A_3082 : i32
        }
        %scan3A_1531 = arith.constant 0 : i32
        %scan3A_1532 = arith.constant 0 : i32
        %mul3A_1533 = arith.constant 16 : i32
        %mul3A_1534 = arith.muli %scan3A_1532, %mul3A_1533 : i32
        %get3A_1535 = arith.index_cast %mul3A_1534 : i32 to index
        %get3A_1536 = tpu.vector_load %arg7[%get3A_1535] {strides = array<i32>} : memref<2048xi32, #tpu.memory_space<vmem>>, vector<16xi32>,
        %mul3A_1537 = arith.constant 16 : i32
        %mul3A_1538 = arith.muli %scan3A_1532, %mul3A_1537 : i32
        %add3A_1539 = arith.constant 64 : i32
        %add3A_1540 = arith.addi %add3A_1539, %mul3A_1538 : i32
        %get3A_1541 = arith.index_cast %add3A_1540 : i32 to index
        %get3A_1542 = tpu.vector_load %arg7[%get3A_1541] {strides = array<i32>} : memref<2048xi32, #tpu.memory_space<vmem>>, vector<16xi32>,
        %add3A_1543 = arith.addi %get3A_1536, %get3A_1542 : vector<16xi32>
        %mul3A_1544 = arith.constant 16 : i32
        %mul3A_1545 = arith.muli %scan3A_1532, %mul3A_1544 : i32
        %add3A_1546 = arith.constant 128 : i32
        %add3A_1547 = arith.addi %add3A_1546, %mul3A_1545 : i32
        %get3A_1548 = arith.index_cast %add3A_1547 : i32 to index
        %get3A_1549 = tpu.vector_load %arg7[%get3A_1548] {strides = array<i32>} : memref<2048xi32, #tpu.memory_space<vmem>>, vector<16xi32>,
        %add3A_1550 = arith.addi %add3A_1543, %get3A_1549 : vector<16xi32>
        %mul3A_1551 = arith.constant 16 : i32
        %mul3A_1552 = arith.muli %scan3A_1532, %mul3A_1551 : i32
        %add3A_1553 = arith.constant 192 : i32
        %add3A_1554 = arith.addi %add3A_1553, %mul3A_1552 : i32
        %get3A_1555 = arith.index_cast %add3A_1554 : i32 to index
        %get3A_1556 = tpu.vector_load %arg7[%get3A_1555] {strides = array<i32>} : memref<2048xi32, #tpu.memory_space<vmem>>, vector<16xi32>,
        %add3A_1557 = arith.addi %add3A_1550, %get3A_1556 : vector<16xi32>
        %mul3A_1558 = arith.constant 16 : i32
        %mul3A_1559 = arith.muli %scan3A_1532, %mul3A_1558 : i32
        %add3A_1560 = arith.constant 256 : i32
        %add3A_1561 = arith.addi %add3A_1560, %mul3A_1559 : i32
        %get3A_1562 = arith.index_cast %add3A_1561 : i32 to index
        %get3A_1563 = tpu.vector_load %arg7[%get3A_1562] {strides = array<i32>} : memref<2048xi32, #tpu.memory_space<vmem>>, vector<16xi32>,
        %add3A_1564 = arith.addi %add3A_1557, %get3A_1563 : vector<16xi32>
        %mul3A_1565 = arith.constant 16 : i32
        %mul3A_1566 = arith.muli %scan3A_1532, %mul3A_1565 : i32
        %add3A_1567 = arith.constant 320 : i32
        %add3A_1568 = arith.addi %add3A_1567, %mul3A_1566 : i32
        %get3A_1569 = arith.index_cast %add3A_1568 : i32 to index
        %get3A_1570 = tpu.vector_load %arg7[%get3A_1569] {strides = array<i32>} : memref<2048xi32, #tpu.memory_space<vmem>>, vector<16xi32>,
        %add3A_1571 = arith.addi %add3A_1564, %get3A_1570 : vector<16xi32>
        %mul3A_1572 = arith.constant 16 : i32
        %mul3A_1573 = arith.muli %scan3A_1532, %mul3A_1572 : i32
        %add3A_1574 = arith.constant 384 : i32
        %add3A_1575 = arith.addi %add3A_1574, %mul3A_1573 : i32
        %get3A_1576 = arith.index_cast %add3A_1575 : i32 to index
        %get3A_1577 = tpu.vector_load %arg7[%get3A_1576] {strides = array<i32>} : memref<2048xi32, #tpu.memory_space<vmem>>, vector<16xi32>,
        %add3A_1578 = arith.addi %add3A_1571, %get3A_1577 : vector<16xi32>
        %mul3A_1579 = arith.constant 16 : i32
        %mul3A_1580 = arith.muli %scan3A_1532, %mul3A_1579 : i32
        %add3A_1581 = arith.constant 448 : i32
        %add3A_1582 = arith.addi %add3A_1581, %mul3A_1580 : i32
        %get3A_1583 = arith.index_cast %add3A_1582 : i32 to index
        %get3A_1584 = tpu.vector_load %arg7[%get3A_1583] {strides = array<i32>} : memref<2048xi32, #tpu.memory_space<vmem>>, vector<16xi32>,
        %add3A_1585 = arith.addi %add3A_1578, %get3A_1584 : vector<16xi32>
        %mul3A_1586 = arith.constant 16 : i32
        %mul3A_1587 = arith.muli %scan3A_1532, %mul3A_1586 : i32
        %add3A_1588 = arith.constant 512 : i32
        %add3A_1589 = arith.addi %add3A_1588, %mul3A_1587 : i32
        %get3A_1590 = arith.index_cast %add3A_1589 : i32 to index
        %get3A_1591 = tpu.vector_load %arg7[%get3A_1590] {strides = array<i32>} : memref<2048xi32, #tpu.memory_space<vmem>>, vector<16xi32>,
        %add3A_1592 = arith.addi %add3A_1585, %get3A_1591 : vector<16xi32>
        %mul3A_1593 = arith.constant 16 : i32
        %mul3A_1594 = arith.muli %scan3A_1532, %mul3A_1593 : i32
        %add3A_1595 = arith.constant 576 : i32
        %add3A_1596 = arith.addi %add3A_1595, %mul3A_1594 : i32
        %get3A_1597 = arith.index_cast %add3A_1596 : i32 to index
        %get3A_1598 = tpu.vector_load %arg7[%get3A_1597] {strides = array<i32>} : memref<2048xi32, #tpu.memory_space<vmem>>, vector<16xi32>,
        %add3A_1599 = arith.addi %add3A_1592, %get3A_1598 : vector<16xi32>
        %mul3A_1600 = arith.constant 16 : i32
        %mul3A_1601 = arith.muli %scan3A_1532, %mul3A_1600 : i32
        %add3A_1602 = arith.constant 640 : i32
        %add3A_1603 = arith.addi %add3A_1602, %mul3A_1601 : i32
        %get3A_1604 = arith.index_cast %add3A_1603 : i32 to index
        %get3A_1605 = tpu.vector_load %arg7[%get3A_1604] {strides = array<i32>} : memref<2048xi32, #tpu.memory_space<vmem>>, vector<16xi32>,
        %add3A_1606 = arith.addi %add3A_1599, %get3A_1605 : vector<16xi32>
        %mul3A_1607 = arith.constant 16 : i32
        %mul3A_1608 = arith.muli %scan3A_1532, %mul3A_1607 : i32
        %add3A_1609 = arith.constant 704 : i32
        %add3A_1610 = arith.addi %add3A_1609, %mul3A_1608 : i32
        %get3A_1611 = arith.index_cast %add3A_1610 : i32 to index
        %get3A_1612 = tpu.vector_load %arg7[%get3A_1611] {strides = array<i32>} : memref<2048xi32, #tpu.memory_space<vmem>>, vector<16xi32>,
        %add3A_1613 = arith.addi %add3A_1606, %get3A_1612 : vector<16xi32>
        %mul3A_1614 = arith.constant 16 : i32
        %mul3A_1615 = arith.muli %scan3A_1532, %mul3A_1614 : i32
        %add3A_1616 = arith.constant 768 : i32
        %add3A_1617 = arith.addi %add3A_1616, %mul3A_1615 : i32
        %get3A_1618 = arith.index_cast %add3A_1617 : i32 to index
        %get3A_1619 = tpu.vector_load %arg7[%get3A_1618] {strides = array<i32>} : memref<2048xi32, #tpu.memory_space<vmem>>, vector<16xi32>,
        %add3A_1620 = arith.addi %add3A_1613, %get3A_1619 : vector<16xi32>
        %mul3A_1621 = arith.constant 16 : i32
        %mul3A_1622 = arith.muli %scan3A_1532, %mul3A_1621 : i32
        %add3A_1623 = arith.constant 832 : i32
        %add3A_1624 = arith.addi %add3A_1623, %mul3A_1622 : i32
        %get3A_1625 = arith.index_cast %add3A_1624 : i32 to index
        %get3A_1626 = tpu.vector_load %arg7[%get3A_1625] {strides = array<i32>} : memref<2048xi32, #tpu.memory_space<vmem>>, vector<16xi32>,
        %add3A_1627 = arith.addi %add3A_1620, %get3A_1626 : vector<16xi32>
        %mul3A_1628 = arith.constant 16 : i32
        %mul3A_1629 = arith.muli %scan3A_1532, %mul3A_1628 : i32
        %add3A_1630 = arith.constant 896 : i32
        %add3A_1631 = arith.addi %add3A_1630, %mul3A_1629 : i32
        %get3A_1632 = arith.index_cast %add3A_1631 : i32 to index
        %get3A_1633 = tpu.vector_load %arg7[%get3A_1632] {strides = array<i32>} : memref<2048xi32, #tpu.memory_space<vmem>>, vector<16xi32>,
        %add3A_1634 = arith.addi %add3A_1627, %get3A_1633 : vector<16xi32>
        %mul3A_1635 = arith.constant 16 : i32
        %mul3A_1636 = arith.muli %scan3A_1532, %mul3A_1635 : i32
        %add3A_1637 = arith.constant 960 : i32
        %add3A_1638 = arith.addi %add3A_1637, %mul3A_1636 : i32
        %get3A_1639 = arith.index_cast %add3A_1638 : i32 to index
        %get3A_1640 = tpu.vector_load %arg7[%get3A_1639] {strides = array<i32>} : memref<2048xi32, #tpu.memory_space<vmem>>, vector<16xi32>,
        %add3A_1641 = arith.addi %add3A_1634, %get3A_1640 : vector<16xi32>
        %mul3A_1642 = arith.constant 16 : i32
        %mul3A_1643 = arith.muli %scan3A_1532, %mul3A_1642 : i32
        %swap3A_1644 = arith.index_cast %mul3A_1643 : i32 to index
        %swap3A_1645 = tpu.vector_load %arg8[%swap3A_1644] {strides = array<i32>} : memref<128xi32, #tpu.memory_space<vmem>>, vector<16xi32>,
        tpu.vector_store %arg8[%swap3A_1644], %add3A_1641 {strides = array<i32>} : memref<128xi32, #tpu.memory_space<vmem>>, vector<16xi32>,
        %scan3A_1646 = arith.constant 0 : i32
        %scan3A_1647 = arith.constant 1 : i32
        %mul3A_1648 = arith.constant 16 : i32
        %mul3A_1649 = arith.muli %scan3A_1647, %mul3A_1648 : i32
        %get3A_1650 = arith.index_cast %mul3A_1649 : i32 to index
        %get3A_1651 = tpu.vector_load %arg7[%get3A_1650] {strides = array<i32>} : memref<2048xi32, #tpu.memory_space<vmem>>, vector<16xi32>,
        %mul3A_1652 = arith.constant 16 : i32
        %mul3A_1653 = arith.muli %scan3A_1647, %mul3A_1652 : i32
        %add3A_1654 = arith.constant 64 : i32
        %add3A_1655 = arith.addi %add3A_1654, %mul3A_1653 : i32
        %get3A_1656 = arith.index_cast %add3A_1655 : i32 to index
        %get3A_1657 = tpu.vector_load %arg7[%get3A_1656] {strides = array<i32>} : memref<2048xi32, #tpu.memory_space<vmem>>, vector<16xi32>,
        %add3A_1658 = arith.addi %get3A_1651, %get3A_1657 : vector<16xi32>
        %mul3A_1659 = arith.constant 16 : i32
        %mul3A_1660 = arith.muli %scan3A_1647, %mul3A_1659 : i32
        %add3A_1661 = arith.constant 128 : i32
        %add3A_1662 = arith.addi %add3A_1661, %mul3A_1660 : i32
        %get3A_1663 = arith.index_cast %add3A_1662 : i32 to index
        %get3A_1664 = tpu.vector_load %arg7[%get3A_1663] {strides = array<i32>} : memref<2048xi32, #tpu.memory_space<vmem>>, vector<16xi32>,
        %add3A_1665 = arith.addi %add3A_1658, %get3A_1664 : vector<16xi32>
        %mul3A_1666 = arith.constant 16 : i32
        %mul3A_1667 = arith.muli %scan3A_1647, %mul3A_1666 : i32
        %add3A_1668 = arith.constant 192 : i32
        %add3A_1669 = arith.addi %add3A_1668, %mul3A_1667 : i32
        %get3A_1670 = arith.index_cast %add3A_1669 : i32 to index
        %get3A_1671 = tpu.vector_load %arg7[%get3A_1670] {strides = array<i32>} : memref<2048xi32, #tpu.memory_space<vmem>>, vector<16xi32>,
        %add3A_1672 = arith.addi %add3A_1665, %get3A_1671 : vector<16xi32>
        %mul3A_1673 = arith.constant 16 : i32
        %mul3A_1674 = arith.muli %scan3A_1647, %mul3A_1673 : i32
        %add3A_1675 = arith.constant 256 : i32
        %add3A_1676 = arith.addi %add3A_1675, %mul3A_1674 : i32
        %get3A_1677 = arith.index_cast %add3A_1676 : i32 to index
        %get3A_1678 = tpu.vector_load %arg7[%get3A_1677] {strides = array<i32>} : memref<2048xi32, #tpu.memory_space<vmem>>, vector<16xi32>,
        %add3A_1679 = arith.addi %add3A_1672, %get3A_1678 : vector<16xi32>
        %mul3A_1680 = arith.constant 16 : i32
        %mul3A_1681 = arith.muli %scan3A_1647, %mul3A_1680 : i32
        %add3A_1682 = arith.constant 320 : i32
        %add3A_1683 = arith.addi %add3A_1682, %mul3A_1681 : i32
        %get3A_1684 = arith.index_cast %add3A_1683 : i32 to index
        %get3A_1685 = tpu.vector_load %arg7[%get3A_1684] {strides = array<i32>} : memref<2048xi32, #tpu.memory_space<vmem>>, vector<16xi32>,
        %add3A_1686 = arith.addi %add3A_1679, %get3A_1685 : vector<16xi32>
        %mul3A_1687 = arith.constant 16 : i32
        %mul3A_1688 = arith.muli %scan3A_1647, %mul3A_1687 : i32
        %add3A_1689 = arith.constant 384 : i32
        %add3A_1690 = arith.addi %add3A_1689, %mul3A_1688 : i32
        %get3A_1691 = arith.index_cast %add3A_1690 : i32 to index
        %get3A_1692 = tpu.vector_load %arg7[%get3A_1691] {strides = array<i32>} : memref<2048xi32, #tpu.memory_space<vmem>>, vector<16xi32>,
        %add3A_1693 = arith.addi %add3A_1686, %get3A_1692 : vector<16xi32>
        %mul3A_1694 = arith.constant 16 : i32
        %mul3A_1695 = arith.muli %scan3A_1647, %mul3A_1694 : i32
        %add3A_1696 = arith.constant 448 : i32
        %add3A_1697 = arith.addi %add3A_1696, %mul3A_1695 : i32
        %get3A_1698 = arith.index_cast %add3A_1697 : i32 to index
        %get3A_1699 = tpu.vector_load %arg7[%get3A_1698] {strides = array<i32>} : memref<2048xi32, #tpu.memory_space<vmem>>, vector<16xi32>,
        %add3A_1700 = arith.addi %add3A_1693, %get3A_1699 : vector<16xi32>
        %mul3A_1701 = arith.constant 16 : i32
        %mul3A_1702 = arith.muli %scan3A_1647, %mul3A_1701 : i32
        %add3A_1703 = arith.constant 512 : i32
        %add3A_1704 = arith.addi %add3A_1703, %mul3A_1702 : i32
        %get3A_1705 = arith.index_cast %add3A_1704 : i32 to index
        %get3A_1706 = tpu.vector_load %arg7[%get3A_1705] {strides = array<i32>} : memref<2048xi32, #tpu.memory_space<vmem>>, vector<16xi32>,
        %add3A_1707 = arith.addi %add3A_1700, %get3A_1706 : vector<16xi32>
        %mul3A_1708 = arith.constant 16 : i32
        %mul3A_1709 = arith.muli %scan3A_1647, %mul3A_1708 : i32
        %add3A_1710 = arith.constant 576 : i32
        %add3A_1711 = arith.addi %add3A_1710, %mul3A_1709 : i32
        %get3A_1712 = arith.index_cast %add3A_1711 : i32 to index
        %get3A_1713 = tpu.vector_load %arg7[%get3A_1712] {strides = array<i32>} : memref<2048xi32, #tpu.memory_space<vmem>>, vector<16xi32>,
        %add3A_1714 = arith.addi %add3A_1707, %get3A_1713 : vector<16xi32>
        %mul3A_1715 = arith.constant 16 : i32
        %mul3A_1716 = arith.muli %scan3A_1647, %mul3A_1715 : i32
        %add3A_1717 = arith.constant 640 : i32
        %add3A_1718 = arith.addi %add3A_1717, %mul3A_1716 : i32
        %get3A_1719 = arith.index_cast %add3A_1718 : i32 to index
        %get3A_1720 = tpu.vector_load %arg7[%get3A_1719] {strides = array<i32>} : memref<2048xi32, #tpu.memory_space<vmem>>, vector<16xi32>,
        %add3A_1721 = arith.addi %add3A_1714, %get3A_1720 : vector<16xi32>
        %mul3A_1722 = arith.constant 16 : i32
        %mul3A_1723 = arith.muli %scan3A_1647, %mul3A_1722 : i32
        %add3A_1724 = arith.constant 704 : i32
        %add3A_1725 = arith.addi %add3A_1724, %mul3A_1723 : i32
        %get3A_1726 = arith.index_cast %add3A_1725 : i32 to index
        %get3A_1727 = tpu.vector_load %arg7[%get3A_1726] {strides = array<i32>} : memref<2048xi32, #tpu.memory_space<vmem>>, vector<16xi32>,
        %add3A_1728 = arith.addi %add3A_1721, %get3A_1727 : vector<16xi32>
        %mul3A_1729 = arith.constant 16 : i32
        %mul3A_1730 = arith.muli %scan3A_1647, %mul3A_1729 : i32
        %add3A_1731 = arith.constant 768 : i32
        %add3A_1732 = arith.addi %add3A_1731, %mul3A_1730 : i32
        %get3A_1733 = arith.index_cast %add3A_1732 : i32 to index
        %get3A_1734 = tpu.vector_load %arg7[%get3A_1733] {strides = array<i32>} : memref<2048xi32, #tpu.memory_space<vmem>>, vector<16xi32>,
        %add3A_1735 = arith.addi %add3A_1728, %get3A_1734 : vector<16xi32>
        %mul3A_1736 = arith.constant 16 : i32
        %mul3A_1737 = arith.muli %scan3A_1647, %mul3A_1736 : i32
        %add3A_1738 = arith.constant 832 : i32
        %add3A_1739 = arith.addi %add3A_1738, %mul3A_1737 : i32
        %get3A_1740 = arith.index_cast %add3A_1739 : i32 to index
        %get3A_1741 = tpu.vector_load %arg7[%get3A_1740] {strides = array<i32>} : memref<2048xi32, #tpu.memory_space<vmem>>, vector<16xi32>,
        %add3A_1742 = arith.addi %add3A_1735, %get3A_1741 : vector<16xi32>
        %mul3A_1743 = arith.constant 16 : i32
        %mul3A_1744 = arith.muli %scan3A_1647, %mul3A_1743 : i32
        %add3A_1745 = arith.constant 896 : i32
        %add3A_1746 = arith.addi %add3A_1745, %mul3A_1744 : i32
        %get3A_1747 = arith.index_cast %add3A_1746 : i32 to index
        %get3A_1748 = tpu.vector_load %arg7[%get3A_1747] {strides = array<i32>} : memref<2048xi32, #tpu.memory_space<vmem>>, vector<16xi32>,
        %add3A_1749 = arith.addi %add3A_1742, %get3A_1748 : vector<16xi32>
        %mul3A_1750 = arith.constant 16 : i32
        %mul3A_1751 = arith.muli %scan3A_1647, %mul3A_1750 : i32
        %add3A_1752 = arith.constant 960 : i32
        %add3A_1753 = arith.addi %add3A_1752, %mul3A_1751 : i32
        %get3A_1754 = arith.index_cast %add3A_1753 : i32 to index
        %get3A_1755 = tpu.vector_load %arg7[%get3A_1754] {strides = array<i32>} : memref<2048xi32, #tpu.memory_space<vmem>>, vector<16xi32>,
        %add3A_1756 = arith.addi %add3A_1749, %get3A_1755 : vector<16xi32>
        %mul3A_1757 = arith.constant 16 : i32
        %mul3A_1758 = arith.muli %scan3A_1647, %mul3A_1757 : i32
        %swap3A_1759 = arith.index_cast %mul3A_1758 : i32 to index
        %swap3A_1760 = tpu.vector_load %arg8[%swap3A_1759] {strides = array<i32>} : memref<128xi32, #tpu.memory_space<vmem>>, vector<16xi32>,
        tpu.vector_store %arg8[%swap3A_1759], %add3A_1756 {strides = array<i32>} : memref<128xi32, #tpu.memory_space<vmem>>, vector<16xi32>,
        %scan3A_1761 = arith.constant 0 : i32
        %scan3A_1762 = arith.constant 2 : i32
        %mul3A_1763 = arith.constant 16 : i32
        %mul3A_1764 = arith.muli %scan3A_1762, %mul3A_1763 : i32
        %get3A_1765 = arith.index_cast %mul3A_1764 : i32 to index
        %get3A_1766 = tpu.vector_load %arg7[%get3A_1765] {strides = array<i32>} : memref<2048xi32, #tpu.memory_space<vmem>>, vector<16xi32>,
        %mul3A_1767 = arith.constant 16 : i32
        %mul3A_1768 = arith.muli %scan3A_1762, %mul3A_1767 : i32
        %add3A_1769 = arith.constant 64 : i32
        %add3A_1770 = arith.addi %add3A_1769, %mul3A_1768 : i32
        %get3A_1771 = arith.index_cast %add3A_1770 : i32 to index
        %get3A_1772 = tpu.vector_load %arg7[%get3A_1771] {strides = array<i32>} : memref<2048xi32, #tpu.memory_space<vmem>>, vector<16xi32>,
        %add3A_1773 = arith.addi %get3A_1766, %get3A_1772 : vector<16xi32>
        %mul3A_1774 = arith.constant 16 : i32
        %mul3A_1775 = arith.muli %scan3A_1762, %mul3A_1774 : i32
        %add3A_1776 = arith.constant 128 : i32
        %add3A_1777 = arith.addi %add3A_1776, %mul3A_1775 : i32
        %get3A_1778 = arith.index_cast %add3A_1777 : i32 to index
        %get3A_1779 = tpu.vector_load %arg7[%get3A_1778] {strides = array<i32>} : memref<2048xi32, #tpu.memory_space<vmem>>, vector<16xi32>,
        %add3A_1780 = arith.addi %add3A_1773, %get3A_1779 : vector<16xi32>
        %mul3A_1781 = arith.constant 16 : i32
        %mul3A_1782 = arith.muli %scan3A_1762, %mul3A_1781 : i32
        %add3A_1783 = arith.constant 192 : i32
        %add3A_1784 = arith.addi %add3A_1783, %mul3A_1782 : i32
        %get3A_1785 = arith.index_cast %add3A_1784 : i32 to index
        %get3A_1786 = tpu.vector_load %arg7[%get3A_1785] {strides = array<i32>} : memref<2048xi32, #tpu.memory_space<vmem>>, vector<16xi32>,
        %add3A_1787 = arith.addi %add3A_1780, %get3A_1786 : vector<16xi32>
        %mul3A_1788 = arith.constant 16 : i32
        %mul3A_1789 = arith.muli %scan3A_1762, %mul3A_1788 : i32
        %add3A_1790 = arith.constant 256 : i32
        %add3A_1791 = arith.addi %add3A_1790, %mul3A_1789 : i32
        %get3A_1792 = arith.index_cast %add3A_1791 : i32 to index
        %get3A_1793 = tpu.vector_load %arg7[%get3A_1792] {strides = array<i32>} : memref<2048xi32, #tpu.memory_space<vmem>>, vector<16xi32>,
        %add3A_1794 = arith.addi %add3A_1787, %get3A_1793 : vector<16xi32>
        %mul3A_1795 = arith.constant 16 : i32
        %mul3A_1796 = arith.muli %scan3A_1762, %mul3A_1795 : i32
        %add3A_1797 = arith.constant 320 : i32
        %add3A_1798 = arith.addi %add3A_1797, %mul3A_1796 : i32
        %get3A_1799 = arith.index_cast %add3A_1798 : i32 to index
        %get3A_1800 = tpu.vector_load %arg7[%get3A_1799] {strides = array<i32>} : memref<2048xi32, #tpu.memory_space<vmem>>, vector<16xi32>,
        %add3A_1801 = arith.addi %add3A_1794, %get3A_1800 : vector<16xi32>
        %mul3A_1802 = arith.constant 16 : i32
        %mul3A_1803 = arith.muli %scan3A_1762, %mul3A_1802 : i32
        %add3A_1804 = arith.constant 384 : i32
        %add3A_1805 = arith.addi %add3A_1804, %mul3A_1803 : i32
        %get3A_1806 = arith.index_cast %add3A_1805 : i32 to index
        %get3A_1807 = tpu.vector_load %arg7[%get3A_1806] {strides = array<i32>} : memref<2048xi32, #tpu.memory_space<vmem>>, vector<16xi32>,
        %add3A_1808 = arith.addi %add3A_1801, %get3A_1807 : vector<16xi32>
        %mul3A_1809 = arith.constant 16 : i32
        %mul3A_1810 = arith.muli %scan3A_1762, %mul3A_1809 : i32
        %add3A_1811 = arith.constant 448 : i32
        %add3A_1812 = arith.addi %add3A_1811, %mul3A_1810 : i32
        %get3A_1813 = arith.index_cast %add3A_1812 : i32 to index
        %get3A_1814 = tpu.vector_load %arg7[%get3A_1813] {strides = array<i32>} : memref<2048xi32, #tpu.memory_space<vmem>>, vector<16xi32>,
        %add3A_1815 = arith.addi %add3A_1808, %get3A_1814 : vector<16xi32>
        %mul3A_1816 = arith.constant 16 : i32
        %mul3A_1817 = arith.muli %scan3A_1762, %mul3A_1816 : i32
        %add3A_1818 = arith.constant 512 : i32
        %add3A_1819 = arith.addi %add3A_1818, %mul3A_1817 : i32
        %get3A_1820 = arith.index_cast %add3A_1819 : i32 to index
        %get3A_1821 = tpu.vector_load %arg7[%get3A_1820] {strides = array<i32>} : memref<2048xi32, #tpu.memory_space<vmem>>, vector<16xi32>,
        %add3A_1822 = arith.addi %add3A_1815, %get3A_1821 : vector<16xi32>
        %mul3A_1823 = arith.constant 16 : i32
        %mul3A_1824 = arith.muli %scan3A_1762, %mul3A_1823 : i32
        %add3A_1825 = arith.constant 576 : i32
        %add3A_1826 = arith.addi %add3A_1825, %mul3A_1824 : i32
        %get3A_1827 = arith.index_cast %add3A_1826 : i32 to index
        %get3A_1828 = tpu.vector_load %arg7[%get3A_1827] {strides = array<i32>} : memref<2048xi32, #tpu.memory_space<vmem>>, vector<16xi32>,
        %add3A_1829 = arith.addi %add3A_1822, %get3A_1828 : vector<16xi32>
        %mul3A_1830 = arith.constant 16 : i32
        %mul3A_1831 = arith.muli %scan3A_1762, %mul3A_1830 : i32
        %add3A_1832 = arith.constant 640 : i32
        %add3A_1833 = arith.addi %add3A_1832, %mul3A_1831 : i32
        %get3A_1834 = arith.index_cast %add3A_1833 : i32 to index
        %get3A_1835 = tpu.vector_load %arg7[%get3A_1834] {strides = array<i32>} : memref<2048xi32, #tpu.memory_space<vmem>>, vector<16xi32>,
        %add3A_1836 = arith.addi %add3A_1829, %get3A_1835 : vector<16xi32>
        %mul3A_1837 = arith.constant 16 : i32
        %mul3A_1838 = arith.muli %scan3A_1762, %mul3A_1837 : i32
        %add3A_1839 = arith.constant 704 : i32
        %add3A_1840 = arith.addi %add3A_1839, %mul3A_1838 : i32
        %get3A_1841 = arith.index_cast %add3A_1840 : i32 to index
        %get3A_1842 = tpu.vector_load %arg7[%get3A_1841] {strides = array<i32>} : memref<2048xi32, #tpu.memory_space<vmem>>, vector<16xi32>,
        %add3A_1843 = arith.addi %add3A_1836, %get3A_1842 : vector<16xi32>
        %mul3A_1844 = arith.constant 16 : i32
        %mul3A_1845 = arith.muli %scan3A_1762, %mul3A_1844 : i32
        %add3A_1846 = arith.constant 768 : i32
        %add3A_1847 = arith.addi %add3A_1846, %mul3A_1845 : i32
        %get3A_1848 = arith.index_cast %add3A_1847 : i32 to index
        %get3A_1849 = tpu.vector_load %arg7[%get3A_1848] {strides = array<i32>} : memref<2048xi32, #tpu.memory_space<vmem>>, vector<16xi32>,
        %add3A_1850 = arith.addi %add3A_1843, %get3A_1849 : vector<16xi32>
        %mul3A_1851 = arith.constant 16 : i32
        %mul3A_1852 = arith.muli %scan3A_1762, %mul3A_1851 : i32
        %add3A_1853 = arith.constant 832 : i32
        %add3A_1854 = arith.addi %add3A_1853, %mul3A_1852 : i32
        %get3A_1855 = arith.index_cast %add3A_1854 : i32 to index
        %get3A_1856 = tpu.vector_load %arg7[%get3A_1855] {strides = array<i32>} : memref<2048xi32, #tpu.memory_space<vmem>>, vector<16xi32>,
        %add3A_1857 = arith.addi %add3A_1850, %get3A_1856 : vector<16xi32>
        %mul3A_1858 = arith.constant 16 : i32
        %mul3A_1859 = arith.muli %scan3A_1762, %mul3A_1858 : i32
        %add3A_1860 = arith.constant 896 : i32
        %add3A_1861 = arith.addi %add3A_1860, %mul3A_1859 : i32
        %get3A_1862 = arith.index_cast %add3A_1861 : i32 to index
        %get3A_1863 = tpu.vector_load %arg7[%get3A_1862] {strides = array<i32>} : memref<2048xi32, #tpu.memory_space<vmem>>, vector<16xi32>,
        %add3A_1864 = arith.addi %add3A_1857, %get3A_1863 : vector<16xi32>
        %mul3A_1865 = arith.constant 16 : i32
        %mul3A_1866 = arith.muli %scan3A_1762, %mul3A_1865 : i32
        %add3A_1867 = arith.constant 960 : i32
        %add3A_1868 = arith.addi %add3A_1867, %mul3A_1866 : i32
        %get3A_1869 = arith.index_cast %add3A_1868 : i32 to index
        %get3A_1870 = tpu.vector_load %arg7[%get3A_1869] {strides = array<i32>} : memref<2048xi32, #tpu.memory_space<vmem>>, vector<16xi32>,
        %add3A_1871 = arith.addi %add3A_1864, %get3A_1870 : vector<16xi32>
        %mul3A_1872 = arith.constant 16 : i32
        %mul3A_1873 = arith.muli %scan3A_1762, %mul3A_1872 : i32
        %swap3A_1874 = arith.index_cast %mul3A_1873 : i32 to index
        %swap3A_1875 = tpu.vector_load %arg8[%swap3A_1874] {strides = array<i32>} : memref<128xi32, #tpu.memory_space<vmem>>, vector<16xi32>,
        tpu.vector_store %arg8[%swap3A_1874], %add3A_1871 {strides = array<i32>} : memref<128xi32, #tpu.memory_space<vmem>>, vector<16xi32>,
        %scan3A_1876 = arith.constant 0 : i32
        %scan3A_1877 = arith.constant 3 : i32
        %mul3A_1878 = arith.constant 16 : i32
        %mul3A_1879 = arith.muli %scan3A_1877, %mul3A_1878 : i32
        %get3A_1880 = arith.index_cast %mul3A_1879 : i32 to index
        %get3A_1881 = tpu.vector_load %arg7[%get3A_1880] {strides = array<i32>} : memref<2048xi32, #tpu.memory_space<vmem>>, vector<16xi32>,
        %mul3A_1882 = arith.constant 16 : i32
        %mul3A_1883 = arith.muli %scan3A_1877, %mul3A_1882 : i32
        %add3A_1884 = arith.constant 64 : i32
        %add3A_1885 = arith.addi %add3A_1884, %mul3A_1883 : i32
        %get3A_1886 = arith.index_cast %add3A_1885 : i32 to index
        %get3A_1887 = tpu.vector_load %arg7[%get3A_1886] {strides = array<i32>} : memref<2048xi32, #tpu.memory_space<vmem>>, vector<16xi32>,
        %add3A_1888 = arith.addi %get3A_1881, %get3A_1887 : vector<16xi32>
        %mul3A_1889 = arith.constant 16 : i32
        %mul3A_1890 = arith.muli %scan3A_1877, %mul3A_1889 : i32
        %add3A_1891 = arith.constant 128 : i32
        %add3A_1892 = arith.addi %add3A_1891, %mul3A_1890 : i32
        %get3A_1893 = arith.index_cast %add3A_1892 : i32 to index
        %get3A_1894 = tpu.vector_load %arg7[%get3A_1893] {strides = array<i32>} : memref<2048xi32, #tpu.memory_space<vmem>>, vector<16xi32>,
        %add3A_1895 = arith.addi %add3A_1888, %get3A_1894 : vector<16xi32>
        %mul3A_1896 = arith.constant 16 : i32
        %mul3A_1897 = arith.muli %scan3A_1877, %mul3A_1896 : i32
        %add3A_1898 = arith.constant 192 : i32
        %add3A_1899 = arith.addi %add3A_1898, %mul3A_1897 : i32
        %get3A_1900 = arith.index_cast %add3A_1899 : i32 to index
        %get3A_1901 = tpu.vector_load %arg7[%get3A_1900] {strides = array<i32>} : memref<2048xi32, #tpu.memory_space<vmem>>, vector<16xi32>,
        %add3A_1902 = arith.addi %add3A_1895, %get3A_1901 : vector<16xi32>
        %mul3A_1903 = arith.constant 16 : i32
        %mul3A_1904 = arith.muli %scan3A_1877, %mul3A_1903 : i32
        %add3A_1905 = arith.constant 256 : i32
        %add3A_1906 = arith.addi %add3A_1905, %mul3A_1904 : i32
        %get3A_1907 = arith.index_cast %add3A_1906 : i32 to index
        %get3A_1908 = tpu.vector_load %arg7[%get3A_1907] {strides = array<i32>} : memref<2048xi32, #tpu.memory_space<vmem>>, vector<16xi32>,
        %add3A_1909 = arith.addi %add3A_1902, %get3A_1908 : vector<16xi32>
        %mul3A_1910 = arith.constant 16 : i32
        %mul3A_1911 = arith.muli %scan3A_1877, %mul3A_1910 : i32
        %add3A_1912 = arith.constant 320 : i32
        %add3A_1913 = arith.addi %add3A_1912, %mul3A_1911 : i32
        %get3A_1914 = arith.index_cast %add3A_1913 : i32 to index
        %get3A_1915 = tpu.vector_load %arg7[%get3A_1914] {strides = array<i32>} : memref<2048xi32, #tpu.memory_space<vmem>>, vector<16xi32>,
        %add3A_1916 = arith.addi %add3A_1909, %get3A_1915 : vector<16xi32>
        %mul3A_1917 = arith.constant 16 : i32
        %mul3A_1918 = arith.muli %scan3A_1877, %mul3A_1917 : i32
        %add3A_1919 = arith.constant 384 : i32
        %add3A_1920 = arith.addi %add3A_1919, %mul3A_1918 : i32
        %get3A_1921 = arith.index_cast %add3A_1920 : i32 to index
        %get3A_1922 = tpu.vector_load %arg7[%get3A_1921] {strides = array<i32>} : memref<2048xi32, #tpu.memory_space<vmem>>, vector<16xi32>,
        %add3A_1923 = arith.addi %add3A_1916, %get3A_1922 : vector<16xi32>
        %mul3A_1924 = arith.constant 16 : i32
        %mul3A_1925 = arith.muli %scan3A_1877, %mul3A_1924 : i32
        %add3A_1926 = arith.constant 448 : i32
        %add3A_1927 = arith.addi %add3A_1926, %mul3A_1925 : i32
        %get3A_1928 = arith.index_cast %add3A_1927 : i32 to index
        %get3A_1929 = tpu.vector_load %arg7[%get3A_1928] {strides = array<i32>} : memref<2048xi32, #tpu.memory_space<vmem>>, vector<16xi32>,
        %add3A_1930 = arith.addi %add3A_1923, %get3A_1929 : vector<16xi32>
        %mul3A_1931 = arith.constant 16 : i32
        %mul3A_1932 = arith.muli %scan3A_1877, %mul3A_1931 : i32
        %add3A_1933 = arith.constant 512 : i32
        %add3A_1934 = arith.addi %add3A_1933, %mul3A_1932 : i32
        %get3A_1935 = arith.index_cast %add3A_1934 : i32 to index
        %get3A_1936 = tpu.vector_load %arg7[%get3A_1935] {strides = array<i32>} : memref<2048xi32, #tpu.memory_space<vmem>>, vector<16xi32>,
        %add3A_1937 = arith.addi %add3A_1930, %get3A_1936 : vector<16xi32>
        %mul3A_1938 = arith.constant 16 : i32
        %mul3A_1939 = arith.muli %scan3A_1877, %mul3A_1938 : i32
        %add3A_1940 = arith.constant 576 : i32
        %add3A_1941 = arith.addi %add3A_1940, %mul3A_1939 : i32
        %get3A_1942 = arith.index_cast %add3A_1941 : i32 to index
        %get3A_1943 = tpu.vector_load %arg7[%get3A_1942] {strides = array<i32>} : memref<2048xi32, #tpu.memory_space<vmem>>, vector<16xi32>,
        %add3A_1944 = arith.addi %add3A_1937, %get3A_1943 : vector<16xi32>
        %mul3A_1945 = arith.constant 16 : i32
        %mul3A_1946 = arith.muli %scan3A_1877, %mul3A_1945 : i32
        %add3A_1947 = arith.constant 640 : i32
        %add3A_1948 = arith.addi %add3A_1947, %mul3A_1946 : i32
        %get3A_1949 = arith.index_cast %add3A_1948 : i32 to index
        %get3A_1950 = tpu.vector_load %arg7[%get3A_1949] {strides = array<i32>} : memref<2048xi32, #tpu.memory_space<vmem>>, vector<16xi32>,
        %add3A_1951 = arith.addi %add3A_1944, %get3A_1950 : vector<16xi32>
        %mul3A_1952 = arith.constant 16 : i32
        %mul3A_1953 = arith.muli %scan3A_1877, %mul3A_1952 : i32
        %add3A_1954 = arith.constant 704 : i32
        %add3A_1955 = arith.addi %add3A_1954, %mul3A_1953 : i32
        %get3A_1956 = arith.index_cast %add3A_1955 : i32 to index
        %get3A_1957 = tpu.vector_load %arg7[%get3A_1956] {strides = array<i32>} : memref<2048xi32, #tpu.memory_space<vmem>>, vector<16xi32>,
        %add3A_1958 = arith.addi %add3A_1951, %get3A_1957 : vector<16xi32>
        %mul3A_1959 = arith.constant 16 : i32
        %mul3A_1960 = arith.muli %scan3A_1877, %mul3A_1959 : i32
        %add3A_1961 = arith.constant 768 : i32
        %add3A_1962 = arith.addi %add3A_1961, %mul3A_1960 : i32
        %get3A_1963 = arith.index_cast %add3A_1962 : i32 to index
        %get3A_1964 = tpu.vector_load %arg7[%get3A_1963] {strides = array<i32>} : memref<2048xi32, #tpu.memory_space<vmem>>, vector<16xi32>,
        %add3A_1965 = arith.addi %add3A_1958, %get3A_1964 : vector<16xi32>
        %mul3A_1966 = arith.constant 16 : i32
        %mul3A_1967 = arith.muli %scan3A_1877, %mul3A_1966 : i32
        %add3A_1968 = arith.constant 832 : i32
        %add3A_1969 = arith.addi %add3A_1968, %mul3A_1967 : i32
        %get3A_1970 = arith.index_cast %add3A_1969 : i32 to index
        %get3A_1971 = tpu.vector_load %arg7[%get3A_1970] {strides = array<i32>} : memref<2048xi32, #tpu.memory_space<vmem>>, vector<16xi32>,
        %add3A_1972 = arith.addi %add3A_1965, %get3A_1971 : vector<16xi32>
        %mul3A_1973 = arith.constant 16 : i32
        %mul3A_1974 = arith.muli %scan3A_1877, %mul3A_1973 : i32
        %add3A_1975 = arith.constant 896 : i32
        %add3A_1976 = arith.addi %add3A_1975, %mul3A_1974 : i32
        %get3A_1977 = arith.index_cast %add3A_1976 : i32 to index
        %get3A_1978 = tpu.vector_load %arg7[%get3A_1977] {strides = array<i32>} : memref<2048xi32, #tpu.memory_space<vmem>>, vector<16xi32>,
        %add3A_1979 = arith.addi %add3A_1972, %get3A_1978 : vector<16xi32>
        %mul3A_1980 = arith.constant 16 : i32
        %mul3A_1981 = arith.muli %scan3A_1877, %mul3A_1980 : i32
        %add3A_1982 = arith.constant 960 : i32
        %add3A_1983 = arith.addi %add3A_1982, %mul3A_1981 : i32
        %get3A_1984 = arith.index_cast %add3A_1983 : i32 to index
        %get3A_1985 = tpu.vector_load %arg7[%get3A_1984] {strides = array<i32>} : memref<2048xi32, #tpu.memory_space<vmem>>, vector<16xi32>,
        %add3A_1986 = arith.addi %add3A_1979, %get3A_1985 : vector<16xi32>
        %mul3A_1987 = arith.constant 16 : i32
        %mul3A_1988 = arith.muli %scan3A_1877, %mul3A_1987 : i32
        %swap3A_1989 = arith.index_cast %mul3A_1988 : i32 to index
        %swap3A_1990 = tpu.vector_load %arg8[%swap3A_1989] {strides = array<i32>} : memref<128xi32, #tpu.memory_space<vmem>>, vector<16xi32>,
        tpu.vector_store %arg8[%swap3A_1989], %add3A_1986 {strides = array<i32>} : memref<128xi32, #tpu.memory_space<vmem>>, vector<16xi32>,
        %scan3A_1991 = arith.constant 0 : i32
        %scan3A_1992 = arith.constant 4 : i32
        %scan3A_1993 = arith.constant 0 : i32
        %scan3A_1994 = arith.constant -1 : i32
        %scan3A_1995 = arith.constant 0 : i32
        %scan3A_1996 = arith.constant 0 : i32
        %scan3A_1997 = arith.constant 4 : i32
        %scan3A_1998 = arith.addi %scan3A_1996, %scan3A_1997 : i32
        %scan3A_1999 = arith.constant 1 : i32
        %scan3A_2000:3 = scf.for %scan3A_3065 = %scan3A_1996 to %scan3A_1998 step %scan3A_1999 iter_args(%scan3A_3066 = %scan3A_1993, %scan3A_3067 = %scan3A_1994, %scan3A_3068 = %scan3A_1995) -> (i32, i32, i32)  : i32 {
          %sub3A_3069 = arith.constant 3 : i32
          %sub3A_3070 = arith.subi %sub3A_3069, %scan3A_3065 : i32
          %mul3A_3071 = arith.constant 16 : i32
          %mul3A_3072 = arith.muli %sub3A_3070, %mul3A_3071 : i32
          %get3A_3073 = arith.index_cast %mul3A_3072 : i32 to index
          %get3A_3074 = tpu.vector_load %arg8[%get3A_3073] {strides = array<i32>} : memref<128xi32, #tpu.memory_space<vmem>>, vector<16xi32>,
          %broadcast_in_dim3A_3075 = arith.constant true
          %broadcast_in_dim3A_3076 = vector.broadcast %broadcast_in_dim3A_3075 : i1 to vector<16xi1>
          %masked_cumsum3A = tpu.scan <sum>, %get3A_3074 masked %broadcast_in_dim3A_3076 : vector<16xi32>, vector<16xi1> -> vector<16xi32>
          %slice3A_3077 = vector.extract_strided_slice %masked_cumsum3A {offsets = [15], sizes = [1], strides = [1]} : vector<16xi32> to vector<1xi32>
          %squeeze3A_3078 = vector.extract %slice3A_3077[0] : i32 from vector<1xi32>
          %add3A_3079 = arith.addi %scan3A_3066, %squeeze3A_3078 : i32
          %sub3A_3080 = vector.broadcast %add3A_3079 : i32 to vector<16xi32>
          %sub3A_3081 = arith.subi %sub3A_3080, %masked_cumsum3A : vector<16xi32>
          %add3A_3082 = arith.addi %sub3A_3081, %get3A_3074 : vector<16xi32>
          %ge3A = vector.broadcast %scan3A_1463#2 : i32 to vector<16xi32>
          %ge3A_3083 = arith.cmpi sge, %add3A_3082, %ge3A : vector<16xi32>
          %convert_element_type3A_3084 = arith.extui %ge3A_3083 : vector<16xi1> to vector<16xi32>
          %reduce_sum3A = arith.constant true
          %reduce_sum3A_3085 = vector.broadcast %reduce_sum3A : i1 to vector<16xi1>
          %reduce_sum3A_3086 = tpu.scan <sum>, %convert_element_type3A_3084 masked %reduce_sum3A_3085 : vector<16xi32>, vector<16xi1> -> vector<16xi32>
          %reduce_sum3A_3087 = vector.extract %reduce_sum3A_3086[15] : i32 from vector<16xi32>
          %sub3A_3088 = arith.constant 1 : i32
          %sub3A_3089 = arith.subi %reduce_sum3A_3087, %sub3A_3088 : i32
          %eq3A = vector.broadcast %sub3A_3089 : i32 to vector<16xi32>
          %eq3A_3090 = arith.cmpi eq, %iota3A, %eq3A : vector<16xi32>
          %sub3A_3091 = arith.subi %add3A_3082, %get3A_3074 : vector<16xi32>
          %jit3A_3092 = arith.constant 0 : i32
          %broadcast_in_dim3A_3093 = vector.broadcast %jit3A_3092 : i32 to vector<16xi32>
          %select_n3A_3094 = arith.select %eq3A_3090, %sub3A_3091, %broadcast_in_dim3A_3093 : vector<16xi1>, vector<16xi32>
          %reduce_sum3A_3095 = arith.constant true
          %reduce_sum3A_3096 = vector.broadcast %reduce_sum3A_3095 : i1 to vector<16xi1>
          %reduce_sum3A_3097 = tpu.scan <sum>, %select_n3A_3094 masked %reduce_sum3A_3096 : vector<16xi32>, vector<16xi1> -> vector<16xi32>
          %reduce_sum3A_3098 = vector.extract %reduce_sum3A_3097[15] : i32 from vector<16xi32>
          %ge3A_3099 = arith.constant 0 : i32
          %ge3A_3100 = arith.cmpi sge, %sub3A_3089, %ge3A_3099 : i32
          %lt3A = arith.constant 0 : i32
          %lt3A_3101 = arith.cmpi slt, %scan3A_3067, %lt3A : i32
          %and3A_3102 = arith.andi %ge3A_3100, %lt3A_3101 : i1
          %mul3A_3103 = arith.constant 16 : i32
          %mul3A_3104 = arith.muli %sub3A_3070, %mul3A_3103 : i32
          %add3A_3105 = arith.addi %mul3A_3104, %sub3A_3089 : i32
          %select_n3A_3106 = arith.select %and3A_3102, %add3A_3105, %scan3A_3067 : i32
          %sub3A_3107 = arith.subi %scan3A_1463#2, %reduce_sum3A_3098 : i32
          %select_n3A_3108 = arith.select %and3A_3102, %sub3A_3107, %scan3A_3068 : i32
          %add3A_3109 = arith.addi %scan3A_3066, %squeeze3A_3078 : i32
          scf.yield %add3A_3109, %select_n3A_3106, %select_n3A_3108 : i32, i32, i32
        }
        %scan3A_2001 = arith.constant 4 : i32
        %shift_left3A_2002 = arith.constant 6 : i32
        %shift_left3A_2003 = arith.shli %or3A, %shift_left3A_2002 : i32
        %or3A_2004 = arith.ori %shift_left3A_2003, %scan3A_2000#1 : i32
        %while3A_2005 = arith.constant 0 : i32
        %while3A_2006 = arith.constant 0 : i32
        %while3A_2007 = arith.subi %select_n3A_1515, %while3A_2005 : i32
        %while3A_2008 = arith.addi %while3A_2005, %while3A_2007 : i32
        %while3A_2009 = arith.constant 1 : i32
        %while3A_2010 = arith.divsi %while3A_2007, %while3A_2009 : i32
        %while3A_2011 = arith.muli %while3A_2010, %while3A_2009 : i32
        %while3A_2012 = arith.addi %while3A_2005, %while3A_2011 : i32
        %while3A_2013 = arith.constant 1 : i32
        %while3A_2014 = scf.for %while3A_3065 = %while3A_2005 to %while3A_2012 step %while3A_2013 iter_args(%while3A_3066 = %while3A_2006) -> (i32)  : i32 {
          %mul3A_3067 = arith.constant 16 : i32
          %mul3A_3068 = arith.muli %while3A_3065, %mul3A_3067 : i32
          %get3A_3069 = arith.index_cast %mul3A_3068 : i32 to index
          %get3A_3070 = tpu.vector_load %arg6[%get3A_3069] {strides = array<i32>} : memref<32784xi32, #tpu.memory_space<vmem>>, vector<16xi32>,
          %mul3A_3071 = arith.constant 16 : i32
          %mul3A_3072 = arith.muli %while3A_3065, %mul3A_3071 : i32
          %add3A_3073 = vector.broadcast %mul3A_3072 : i32 to vector<16xi32>
          %add3A_3074 = arith.addi %add3A_3073, %iota3A : vector<16xi32>
          %lt3A = vector.broadcast %while3A_1477 : i32 to vector<16xi32>
          %lt3A_3075 = arith.cmpi slt, %add3A_3074, %lt3A : vector<16xi32>
          %shift_right_logical3A = arith.constant 12 : i32
          %shift_right_logical3A_3076 = vector.broadcast %shift_right_logical3A : i32 to vector<16xi32>
          %shift_right_logical3A_3077 = arith.shrui %get3A_3070, %shift_right_logical3A_3076 : vector<16xi32>
          %eq3A = vector.broadcast %or3A_2004 : i32 to vector<16xi32>
          %eq3A_3078 = arith.cmpi eq, %shift_right_logical3A_3077, %eq3A : vector<16xi32>
          %and3A_3079 = arith.andi %lt3A_3075, %eq3A_3078 : vector<16xi1>
          %swap3A_3080 = arith.index_cast %while3A_3066 : i32 to index
          %swap3A_3081 = tpu.vector_load %arg6[%swap3A_3080] masked %and3A_3079 {strides = array<i32>} : memref<32784xi32, #tpu.memory_space<vmem>>, vector<16xi32>, vector<16xi1>
          tpu.vector_store %arg6[%swap3A_3080], %get3A_3070 masked %and3A_3079 {strides = array<i32>} : memref<32784xi32, #tpu.memory_space<vmem>>, vector<16xi32>, vector<16xi1>
          %all_reduce_population_count3A = tpu.all_reduce %and3A_3079 {dim = 0 : i64, kind = #tpu.reduction_kind<sum>} : vector<16xi1> -> vector<16xi32>
          %slice3A_3082 = vector.extract_strided_slice %all_reduce_population_count3A {offsets = [0], sizes = [1], strides = [1]} : vector<16xi32> to vector<1xi32>
          %squeeze3A_3083 = vector.extract %slice3A_3082[0] : i32 from vector<1xi32>
          %add3A_3084 = arith.addi %while3A_3066, %squeeze3A_3083 : i32
          scf.yield %add3A_3084 : i32
        }
        %while3A_2015 = arith.constant 1 : i32
        %while3A_2016 = scf.for %while3A_3065 = %while3A_2012 to %while3A_2008 step %while3A_2015 iter_args(%while3A_3066 = %while3A_2014) -> (i32)  : i32 {
          %mul3A_3067 = arith.constant 16 : i32
          %mul3A_3068 = arith.muli %while3A_3065, %mul3A_3067 : i32
          %get3A_3069 = arith.index_cast %mul3A_3068 : i32 to index
          %get3A_3070 = tpu.vector_load %arg6[%get3A_3069] {strides = array<i32>} : memref<32784xi32, #tpu.memory_space<vmem>>, vector<16xi32>,
          %mul3A_3071 = arith.constant 16 : i32
          %mul3A_3072 = arith.muli %while3A_3065, %mul3A_3071 : i32
          %add3A_3073 = vector.broadcast %mul3A_3072 : i32 to vector<16xi32>
          %add3A_3074 = arith.addi %add3A_3073, %iota3A : vector<16xi32>
          %lt3A = vector.broadcast %while3A_1477 : i32 to vector<16xi32>
          %lt3A_3075 = arith.cmpi slt, %add3A_3074, %lt3A : vector<16xi32>
          %shift_right_logical3A = arith.constant 12 : i32
          %shift_right_logical3A_3076 = vector.broadcast %shift_right_logical3A : i32 to vector<16xi32>
          %shift_right_logical3A_3077 = arith.shrui %get3A_3070, %shift_right_logical3A_3076 : vector<16xi32>
          %eq3A = vector.broadcast %or3A_2004 : i32 to vector<16xi32>
          %eq3A_3078 = arith.cmpi eq, %shift_right_logical3A_3077, %eq3A : vector<16xi32>
          %and3A_3079 = arith.andi %lt3A_3075, %eq3A_3078 : vector<16xi1>
          %swap3A_3080 = arith.index_cast %while3A_3066 : i32 to index
          %swap3A_3081 = tpu.vector_load %arg6[%swap3A_3080] masked %and3A_3079 {strides = array<i32>} : memref<32784xi32, #tpu.memory_space<vmem>>, vector<16xi32>, vector<16xi1>
          tpu.vector_store %arg6[%swap3A_3080], %get3A_3070 masked %and3A_3079 {strides = array<i32>} : memref<32784xi32, #tpu.memory_space<vmem>>, vector<16xi32>, vector<16xi1>
          %all_reduce_population_count3A = tpu.all_reduce %and3A_3079 {dim = 0 : i64, kind = #tpu.reduction_kind<sum>} : vector<16xi1> -> vector<16xi32>
          %slice3A_3082 = vector.extract_strided_slice %all_reduce_population_count3A {offsets = [0], sizes = [1], strides = [1]} : vector<16xi32> to vector<1xi32>
          %squeeze3A_3083 = vector.extract %slice3A_3082[0] : i32 from vector<1xi32>
          %add3A_3084 = arith.addi %while3A_3066, %squeeze3A_3083 : i32
          scf.yield %add3A_3084 : i32
        }
        %parallel_loop3A_2017 = arith.constant 0 : i32
        %parallel_loop3A_2018 = arith.constant 64 : i32
        %parallel_loop3A_2019 = arith.constant 1 : i32
        scf.for %parallel_loop3A_3065 = %parallel_loop3A_2017 to %parallel_loop3A_2018 step %parallel_loop3A_2019  : i32 {
          %parallel_loop3A_3066 = arith.constant 0 : i32
          %parallel_loop3A_3067 = vector.broadcast %parallel_loop3A_3066 : i32 to vector<16xi32>
          %parallel_loop3A_3068 = arith.constant 16 : i32
          %parallel_loop3A_3069 = arith.muli %parallel_loop3A_3065, %parallel_loop3A_3068 : i32
          %parallel_loop3A_3070 = arith.index_cast %parallel_loop3A_3069 : i32 to index
          %parallel_loop3A_3071 = tpu.vector_load %arg7[%parallel_loop3A_3070] {strides = array<i32>} : memref<2048xi32, #tpu.memory_space<vmem>>, vector<16xi32>,
          tpu.vector_store %arg7[%parallel_loop3A_3070], %parallel_loop3A_3067 {strides = array<i32>} : memref<2048xi32, #tpu.memory_space<vmem>>, vector<16xi32>,
        } {sc.loop_unroll_factor = 8 : i64, sc.parallel_access}
        %add3A_2020 = arith.constant 15 : i32
        %add3A_2021 = arith.addi %while3A_2016, %add3A_2020 : i32
        %jit3A_2022 = arith.constant 16 : i32
        %div3A_2023 = arith.divsi %add3A_2021, %jit3A_2022 : i32
        %sign3A_2024 = arith.constant 0 : i32
        %sign3A_2025 = arith.cmpi sgt, %add3A_2021, %sign3A_2024 : i32
        %sign3A_2026 = arith.extui %sign3A_2025 : i1 to i32
        %sign3A_2027 = arith.constant 0 : i32
        %sign3A_2028 = arith.cmpi slt, %add3A_2021, %sign3A_2027 : i32
        %sign3A_2029 = arith.extui %sign3A_2028 : i1 to i32
        %sign3A_2030 = arith.subi %sign3A_2026, %sign3A_2029 : i32
        %sign3A_2031 = arith.constant 0 : i32
        %sign3A_2032 = arith.cmpi sgt, %jit3A_2022, %sign3A_2031 : i32
        %sign3A_2033 = arith.extui %sign3A_2032 : i1 to i32
        %sign3A_2034 = arith.constant 0 : i32
        %sign3A_2035 = arith.cmpi slt, %jit3A_2022, %sign3A_2034 : i32
        %sign3A_2036 = arith.extui %sign3A_2035 : i1 to i32
        %sign3A_2037 = arith.subi %sign3A_2033, %sign3A_2036 : i32
        %ne3A_2038 = arith.cmpi ne, %sign3A_2030, %sign3A_2037 : i32
        %rem3A_2039 = arith.remsi %add3A_2021, %jit3A_2022 : i32
        %ne3A_2040 = arith.constant 0 : i32
        %ne3A_2041 = arith.cmpi ne, %rem3A_2039, %ne3A_2040 : i32
        %and3A_2042 = arith.andi %ne3A_2038, %ne3A_2041 : i1
        %sub3A_2043 = arith.constant 1 : i32
        %sub3A_2044 = arith.subi %div3A_2023, %sub3A_2043 : i32
        %select_n3A_2045 = arith.select %and3A_2042, %sub3A_2044, %div3A_2023 : i32
        %mul3A_2046 = arith.constant 64 : i32
        %mul3A_2047 = vector.broadcast %mul3A_2046 : i32 to vector<16xi32>
        %mul3A_2048 = arith.muli %iota3A, %mul3A_2047 : vector<16xi32>
        %while3A_2049 = arith.constant 0 : i32
        %while3A_2050 = arith.constant 0 : i32
        %while3A_2051 = arith.subi %select_n3A_2045, %while3A_2049 : i32
        %while3A_2052 = arith.addi %while3A_2049, %while3A_2051 : i32
        %while3A_2053 = arith.constant 1 : i32
        %while3A_2054 = arith.divsi %while3A_2051, %while3A_2053 : i32
        %while3A_2055 = arith.muli %while3A_2054, %while3A_2053 : i32
        %while3A_2056 = arith.addi %while3A_2049, %while3A_2055 : i32
        %while3A_2057 = arith.constant 1 : i32
        %while3A_2058 = scf.for %while3A_3065 = %while3A_2049 to %while3A_2056 step %while3A_2057 iter_args(%while3A_3066 = %while3A_2050) -> (i32)  : i32 {
          %mul3A_3067 = arith.constant 16 : i32
          %mul3A_3068 = arith.muli %while3A_3065, %mul3A_3067 : i32
          %get3A_3069 = arith.index_cast %mul3A_3068 : i32 to index
          %get3A_3070 = tpu.vector_load %arg6[%get3A_3069] {strides = array<i32>} : memref<32784xi32, #tpu.memory_space<vmem>>, vector<16xi32>,
          %mul3A_3071 = arith.constant 16 : i32
          %mul3A_3072 = arith.muli %while3A_3065, %mul3A_3071 : i32
          %add3A_3073 = vector.broadcast %mul3A_3072 : i32 to vector<16xi32>
          %add3A_3074 = arith.addi %add3A_3073, %iota3A : vector<16xi32>
          %lt3A = vector.broadcast %while3A_2016 : i32 to vector<16xi32>
          %lt3A_3075 = arith.cmpi slt, %add3A_3074, %lt3A : vector<16xi32>
          %shift_right_logical3A = arith.constant 6 : i32
          %shift_right_logical3A_3076 = vector.broadcast %shift_right_logical3A : i32 to vector<16xi32>
          %shift_right_logical3A_3077 = arith.shrui %get3A_3070, %shift_right_logical3A_3076 : vector<16xi32>
          %and3A_3078 = arith.constant 63 : i32
          %and3A_3079 = vector.broadcast %and3A_3078 : i32 to vector<16xi32>
          %and3A_3080 = arith.andi %shift_right_logical3A_3077, %and3A_3079 : vector<16xi32>
          %add3A_3081 = arith.addi %mul3A_2048, %and3A_3080 : vector<16xi32>
          tpu.vector_store_idx %arg7[%add3A_3081], %broadcast_in_dim3A_2 masked %lt3A_3075 {add = true} : memref<2048xi32, #tpu.memory_space<vmem>>[vector<16xi32>], vector<16xi32>, vector<16xi1>
          %while3A_3082 = arith.constant 0 : i32
          scf.yield %while3A_3082 : i32
        }
        %while3A_2059 = arith.constant 1 : i32
        %while3A_2060 = scf.for %while3A_3065 = %while3A_2056 to %while3A_2052 step %while3A_2059 iter_args(%while3A_3066 = %while3A_2058) -> (i32)  : i32 {
          %mul3A_3067 = arith.constant 16 : i32
          %mul3A_3068 = arith.muli %while3A_3065, %mul3A_3067 : i32
          %get3A_3069 = arith.index_cast %mul3A_3068 : i32 to index
          %get3A_3070 = tpu.vector_load %arg6[%get3A_3069] {strides = array<i32>} : memref<32784xi32, #tpu.memory_space<vmem>>, vector<16xi32>,
          %mul3A_3071 = arith.constant 16 : i32
          %mul3A_3072 = arith.muli %while3A_3065, %mul3A_3071 : i32
          %add3A_3073 = vector.broadcast %mul3A_3072 : i32 to vector<16xi32>
          %add3A_3074 = arith.addi %add3A_3073, %iota3A : vector<16xi32>
          %lt3A = vector.broadcast %while3A_2016 : i32 to vector<16xi32>
          %lt3A_3075 = arith.cmpi slt, %add3A_3074, %lt3A : vector<16xi32>
          %shift_right_logical3A = arith.constant 6 : i32
          %shift_right_logical3A_3076 = vector.broadcast %shift_right_logical3A : i32 to vector<16xi32>
          %shift_right_logical3A_3077 = arith.shrui %get3A_3070, %shift_right_logical3A_3076 : vector<16xi32>
          %and3A_3078 = arith.constant 63 : i32
          %and3A_3079 = vector.broadcast %and3A_3078 : i32 to vector<16xi32>
          %and3A_3080 = arith.andi %shift_right_logical3A_3077, %and3A_3079 : vector<16xi32>
          %add3A_3081 = arith.addi %mul3A_2048, %and3A_3080 : vector<16xi32>
          tpu.vector_store_idx %arg7[%add3A_3081], %broadcast_in_dim3A_2 masked %lt3A_3075 {add = true} : memref<2048xi32, #tpu.memory_space<vmem>>[vector<16xi32>], vector<16xi32>, vector<16xi1>
          %while3A_3082 = arith.constant 0 : i32
          scf.yield %while3A_3082 : i32
        }
        %scan3A_2061 = arith.constant 0 : i32
        %scan3A_2062 = arith.constant 0 : i32
        %mul3A_2063 = arith.constant 16 : i32
        %mul3A_2064 = arith.muli %scan3A_2062, %mul3A_2063 : i32
        %get3A_2065 = arith.index_cast %mul3A_2064 : i32 to index
        %get3A_2066 = tpu.vector_load %arg7[%get3A_2065] {strides = array<i32>} : memref<2048xi32, #tpu.memory_space<vmem>>, vector<16xi32>,
        %mul3A_2067 = arith.constant 16 : i32
        %mul3A_2068 = arith.muli %scan3A_2062, %mul3A_2067 : i32
        %add3A_2069 = arith.constant 64 : i32
        %add3A_2070 = arith.addi %add3A_2069, %mul3A_2068 : i32
        %get3A_2071 = arith.index_cast %add3A_2070 : i32 to index
        %get3A_2072 = tpu.vector_load %arg7[%get3A_2071] {strides = array<i32>} : memref<2048xi32, #tpu.memory_space<vmem>>, vector<16xi32>,
        %add3A_2073 = arith.addi %get3A_2066, %get3A_2072 : vector<16xi32>
        %mul3A_2074 = arith.constant 16 : i32
        %mul3A_2075 = arith.muli %scan3A_2062, %mul3A_2074 : i32
        %add3A_2076 = arith.constant 128 : i32
        %add3A_2077 = arith.addi %add3A_2076, %mul3A_2075 : i32
        %get3A_2078 = arith.index_cast %add3A_2077 : i32 to index
        %get3A_2079 = tpu.vector_load %arg7[%get3A_2078] {strides = array<i32>} : memref<2048xi32, #tpu.memory_space<vmem>>, vector<16xi32>,
        %add3A_2080 = arith.addi %add3A_2073, %get3A_2079 : vector<16xi32>
        %mul3A_2081 = arith.constant 16 : i32
        %mul3A_2082 = arith.muli %scan3A_2062, %mul3A_2081 : i32
        %add3A_2083 = arith.constant 192 : i32
        %add3A_2084 = arith.addi %add3A_2083, %mul3A_2082 : i32
        %get3A_2085 = arith.index_cast %add3A_2084 : i32 to index
        %get3A_2086 = tpu.vector_load %arg7[%get3A_2085] {strides = array<i32>} : memref<2048xi32, #tpu.memory_space<vmem>>, vector<16xi32>,
        %add3A_2087 = arith.addi %add3A_2080, %get3A_2086 : vector<16xi32>
        %mul3A_2088 = arith.constant 16 : i32
        %mul3A_2089 = arith.muli %scan3A_2062, %mul3A_2088 : i32
        %add3A_2090 = arith.constant 256 : i32
        %add3A_2091 = arith.addi %add3A_2090, %mul3A_2089 : i32
        %get3A_2092 = arith.index_cast %add3A_2091 : i32 to index
        %get3A_2093 = tpu.vector_load %arg7[%get3A_2092] {strides = array<i32>} : memref<2048xi32, #tpu.memory_space<vmem>>, vector<16xi32>,
        %add3A_2094 = arith.addi %add3A_2087, %get3A_2093 : vector<16xi32>
        %mul3A_2095 = arith.constant 16 : i32
        %mul3A_2096 = arith.muli %scan3A_2062, %mul3A_2095 : i32
        %add3A_2097 = arith.constant 320 : i32
        %add3A_2098 = arith.addi %add3A_2097, %mul3A_2096 : i32
        %get3A_2099 = arith.index_cast %add3A_2098 : i32 to index
        %get3A_2100 = tpu.vector_load %arg7[%get3A_2099] {strides = array<i32>} : memref<2048xi32, #tpu.memory_space<vmem>>, vector<16xi32>,
        %add3A_2101 = arith.addi %add3A_2094, %get3A_2100 : vector<16xi32>
        %mul3A_2102 = arith.constant 16 : i32
        %mul3A_2103 = arith.muli %scan3A_2062, %mul3A_2102 : i32
        %add3A_2104 = arith.constant 384 : i32
        %add3A_2105 = arith.addi %add3A_2104, %mul3A_2103 : i32
        %get3A_2106 = arith.index_cast %add3A_2105 : i32 to index
        %get3A_2107 = tpu.vector_load %arg7[%get3A_2106] {strides = array<i32>} : memref<2048xi32, #tpu.memory_space<vmem>>, vector<16xi32>,
        %add3A_2108 = arith.addi %add3A_2101, %get3A_2107 : vector<16xi32>
        %mul3A_2109 = arith.constant 16 : i32
        %mul3A_2110 = arith.muli %scan3A_2062, %mul3A_2109 : i32
        %add3A_2111 = arith.constant 448 : i32
        %add3A_2112 = arith.addi %add3A_2111, %mul3A_2110 : i32
        %get3A_2113 = arith.index_cast %add3A_2112 : i32 to index
        %get3A_2114 = tpu.vector_load %arg7[%get3A_2113] {strides = array<i32>} : memref<2048xi32, #tpu.memory_space<vmem>>, vector<16xi32>,
        %add3A_2115 = arith.addi %add3A_2108, %get3A_2114 : vector<16xi32>
        %mul3A_2116 = arith.constant 16 : i32
        %mul3A_2117 = arith.muli %scan3A_2062, %mul3A_2116 : i32
        %add3A_2118 = arith.constant 512 : i32
        %add3A_2119 = arith.addi %add3A_2118, %mul3A_2117 : i32
        %get3A_2120 = arith.index_cast %add3A_2119 : i32 to index
        %get3A_2121 = tpu.vector_load %arg7[%get3A_2120] {strides = array<i32>} : memref<2048xi32, #tpu.memory_space<vmem>>, vector<16xi32>,
        %add3A_2122 = arith.addi %add3A_2115, %get3A_2121 : vector<16xi32>
        %mul3A_2123 = arith.constant 16 : i32
        %mul3A_2124 = arith.muli %scan3A_2062, %mul3A_2123 : i32
        %add3A_2125 = arith.constant 576 : i32
        %add3A_2126 = arith.addi %add3A_2125, %mul3A_2124 : i32
        %get3A_2127 = arith.index_cast %add3A_2126 : i32 to index
        %get3A_2128 = tpu.vector_load %arg7[%get3A_2127] {strides = array<i32>} : memref<2048xi32, #tpu.memory_space<vmem>>, vector<16xi32>,
        %add3A_2129 = arith.addi %add3A_2122, %get3A_2128 : vector<16xi32>
        %mul3A_2130 = arith.constant 16 : i32
        %mul3A_2131 = arith.muli %scan3A_2062, %mul3A_2130 : i32
        %add3A_2132 = arith.constant 640 : i32
        %add3A_2133 = arith.addi %add3A_2132, %mul3A_2131 : i32
        %get3A_2134 = arith.index_cast %add3A_2133 : i32 to index
        %get3A_2135 = tpu.vector_load %arg7[%get3A_2134] {strides = array<i32>} : memref<2048xi32, #tpu.memory_space<vmem>>, vector<16xi32>,
        %add3A_2136 = arith.addi %add3A_2129, %get3A_2135 : vector<16xi32>
        %mul3A_2137 = arith.constant 16 : i32
        %mul3A_2138 = arith.muli %scan3A_2062, %mul3A_2137 : i32
        %add3A_2139 = arith.constant 704 : i32
        %add3A_2140 = arith.addi %add3A_2139, %mul3A_2138 : i32
        %get3A_2141 = arith.index_cast %add3A_2140 : i32 to index
        %get3A_2142 = tpu.vector_load %arg7[%get3A_2141] {strides = array<i32>} : memref<2048xi32, #tpu.memory_space<vmem>>, vector<16xi32>,
        %add3A_2143 = arith.addi %add3A_2136, %get3A_2142 : vector<16xi32>
        %mul3A_2144 = arith.constant 16 : i32
        %mul3A_2145 = arith.muli %scan3A_2062, %mul3A_2144 : i32
        %add3A_2146 = arith.constant 768 : i32
        %add3A_2147 = arith.addi %add3A_2146, %mul3A_2145 : i32
        %get3A_2148 = arith.index_cast %add3A_2147 : i32 to index
        %get3A_2149 = tpu.vector_load %arg7[%get3A_2148] {strides = array<i32>} : memref<2048xi32, #tpu.memory_space<vmem>>, vector<16xi32>,
        %add3A_2150 = arith.addi %add3A_2143, %get3A_2149 : vector<16xi32>
        %mul3A_2151 = arith.constant 16 : i32
        %mul3A_2152 = arith.muli %scan3A_2062, %mul3A_2151 : i32
        %add3A_2153 = arith.constant 832 : i32
        %add3A_2154 = arith.addi %add3A_2153, %mul3A_2152 : i32
        %get3A_2155 = arith.index_cast %add3A_2154 : i32 to index
        %get3A_2156 = tpu.vector_load %arg7[%get3A_2155] {strides = array<i32>} : memref<2048xi32, #tpu.memory_space<vmem>>, vector<16xi32>,
        %add3A_2157 = arith.addi %add3A_2150, %get3A_2156 : vector<16xi32>
        %mul3A_2158 = arith.constant 16 : i32
        %mul3A_2159 = arith.muli %scan3A_2062, %mul3A_2158 : i32
        %add3A_2160 = arith.constant 896 : i32
        %add3A_2161 = arith.addi %add3A_2160, %mul3A_2159 : i32
        %get3A_2162 = arith.index_cast %add3A_2161 : i32 to index
        %get3A_2163 = tpu.vector_load %arg7[%get3A_2162] {strides = array<i32>} : memref<2048xi32, #tpu.memory_space<vmem>>, vector<16xi32>,
        %add3A_2164 = arith.addi %add3A_2157, %get3A_2163 : vector<16xi32>
        %mul3A_2165 = arith.constant 16 : i32
        %mul3A_2166 = arith.muli %scan3A_2062, %mul3A_2165 : i32
        %add3A_2167 = arith.constant 960 : i32
        %add3A_2168 = arith.addi %add3A_2167, %mul3A_2166 : i32
        %get3A_2169 = arith.index_cast %add3A_2168 : i32 to index
        %get3A_2170 = tpu.vector_load %arg7[%get3A_2169] {strides = array<i32>} : memref<2048xi32, #tpu.memory_space<vmem>>, vector<16xi32>,
        %add3A_2171 = arith.addi %add3A_2164, %get3A_2170 : vector<16xi32>
        %mul3A_2172 = arith.constant 16 : i32
        %mul3A_2173 = arith.muli %scan3A_2062, %mul3A_2172 : i32
        %swap3A_2174 = arith.index_cast %mul3A_2173 : i32 to index
        %swap3A_2175 = tpu.vector_load %arg8[%swap3A_2174] {strides = array<i32>} : memref<128xi32, #tpu.memory_space<vmem>>, vector<16xi32>,
        tpu.vector_store %arg8[%swap3A_2174], %add3A_2171 {strides = array<i32>} : memref<128xi32, #tpu.memory_space<vmem>>, vector<16xi32>,
        %scan3A_2176 = arith.constant 0 : i32
        %scan3A_2177 = arith.constant 1 : i32
        %mul3A_2178 = arith.constant 16 : i32
        %mul3A_2179 = arith.muli %scan3A_2177, %mul3A_2178 : i32
        %get3A_2180 = arith.index_cast %mul3A_2179 : i32 to index
        %get3A_2181 = tpu.vector_load %arg7[%get3A_2180] {strides = array<i32>} : memref<2048xi32, #tpu.memory_space<vmem>>, vector<16xi32>,
        %mul3A_2182 = arith.constant 16 : i32
        %mul3A_2183 = arith.muli %scan3A_2177, %mul3A_2182 : i32
        %add3A_2184 = arith.constant 64 : i32
        %add3A_2185 = arith.addi %add3A_2184, %mul3A_2183 : i32
        %get3A_2186 = arith.index_cast %add3A_2185 : i32 to index
        %get3A_2187 = tpu.vector_load %arg7[%get3A_2186] {strides = array<i32>} : memref<2048xi32, #tpu.memory_space<vmem>>, vector<16xi32>,
        %add3A_2188 = arith.addi %get3A_2181, %get3A_2187 : vector<16xi32>
        %mul3A_2189 = arith.constant 16 : i32
        %mul3A_2190 = arith.muli %scan3A_2177, %mul3A_2189 : i32
        %add3A_2191 = arith.constant 128 : i32
        %add3A_2192 = arith.addi %add3A_2191, %mul3A_2190 : i32
        %get3A_2193 = arith.index_cast %add3A_2192 : i32 to index
        %get3A_2194 = tpu.vector_load %arg7[%get3A_2193] {strides = array<i32>} : memref<2048xi32, #tpu.memory_space<vmem>>, vector<16xi32>,
        %add3A_2195 = arith.addi %add3A_2188, %get3A_2194 : vector<16xi32>
        %mul3A_2196 = arith.constant 16 : i32
        %mul3A_2197 = arith.muli %scan3A_2177, %mul3A_2196 : i32
        %add3A_2198 = arith.constant 192 : i32
        %add3A_2199 = arith.addi %add3A_2198, %mul3A_2197 : i32
        %get3A_2200 = arith.index_cast %add3A_2199 : i32 to index
        %get3A_2201 = tpu.vector_load %arg7[%get3A_2200] {strides = array<i32>} : memref<2048xi32, #tpu.memory_space<vmem>>, vector<16xi32>,
        %add3A_2202 = arith.addi %add3A_2195, %get3A_2201 : vector<16xi32>
        %mul3A_2203 = arith.constant 16 : i32
        %mul3A_2204 = arith.muli %scan3A_2177, %mul3A_2203 : i32
        %add3A_2205 = arith.constant 256 : i32
        %add3A_2206 = arith.addi %add3A_2205, %mul3A_2204 : i32
        %get3A_2207 = arith.index_cast %add3A_2206 : i32 to index
        %get3A_2208 = tpu.vector_load %arg7[%get3A_2207] {strides = array<i32>} : memref<2048xi32, #tpu.memory_space<vmem>>, vector<16xi32>,
        %add3A_2209 = arith.addi %add3A_2202, %get3A_2208 : vector<16xi32>
        %mul3A_2210 = arith.constant 16 : i32
        %mul3A_2211 = arith.muli %scan3A_2177, %mul3A_2210 : i32
        %add3A_2212 = arith.constant 320 : i32
        %add3A_2213 = arith.addi %add3A_2212, %mul3A_2211 : i32
        %get3A_2214 = arith.index_cast %add3A_2213 : i32 to index
        %get3A_2215 = tpu.vector_load %arg7[%get3A_2214] {strides = array<i32>} : memref<2048xi32, #tpu.memory_space<vmem>>, vector<16xi32>,
        %add3A_2216 = arith.addi %add3A_2209, %get3A_2215 : vector<16xi32>
        %mul3A_2217 = arith.constant 16 : i32
        %mul3A_2218 = arith.muli %scan3A_2177, %mul3A_2217 : i32
        %add3A_2219 = arith.constant 384 : i32
        %add3A_2220 = arith.addi %add3A_2219, %mul3A_2218 : i32
        %get3A_2221 = arith.index_cast %add3A_2220 : i32 to index
        %get3A_2222 = tpu.vector_load %arg7[%get3A_2221] {strides = array<i32>} : memref<2048xi32, #tpu.memory_space<vmem>>, vector<16xi32>,
        %add3A_2223 = arith.addi %add3A_2216, %get3A_2222 : vector<16xi32>
        %mul3A_2224 = arith.constant 16 : i32
        %mul3A_2225 = arith.muli %scan3A_2177, %mul3A_2224 : i32
        %add3A_2226 = arith.constant 448 : i32
        %add3A_2227 = arith.addi %add3A_2226, %mul3A_2225 : i32
        %get3A_2228 = arith.index_cast %add3A_2227 : i32 to index
        %get3A_2229 = tpu.vector_load %arg7[%get3A_2228] {strides = array<i32>} : memref<2048xi32, #tpu.memory_space<vmem>>, vector<16xi32>,
        %add3A_2230 = arith.addi %add3A_2223, %get3A_2229 : vector<16xi32>
        %mul3A_2231 = arith.constant 16 : i32
        %mul3A_2232 = arith.muli %scan3A_2177, %mul3A_2231 : i32
        %add3A_2233 = arith.constant 512 : i32
        %add3A_2234 = arith.addi %add3A_2233, %mul3A_2232 : i32
        %get3A_2235 = arith.index_cast %add3A_2234 : i32 to index
        %get3A_2236 = tpu.vector_load %arg7[%get3A_2235] {strides = array<i32>} : memref<2048xi32, #tpu.memory_space<vmem>>, vector<16xi32>,
        %add3A_2237 = arith.addi %add3A_2230, %get3A_2236 : vector<16xi32>
        %mul3A_2238 = arith.constant 16 : i32
        %mul3A_2239 = arith.muli %scan3A_2177, %mul3A_2238 : i32
        %add3A_2240 = arith.constant 576 : i32
        %add3A_2241 = arith.addi %add3A_2240, %mul3A_2239 : i32
        %get3A_2242 = arith.index_cast %add3A_2241 : i32 to index
        %get3A_2243 = tpu.vector_load %arg7[%get3A_2242] {strides = array<i32>} : memref<2048xi32, #tpu.memory_space<vmem>>, vector<16xi32>,
        %add3A_2244 = arith.addi %add3A_2237, %get3A_2243 : vector<16xi32>
        %mul3A_2245 = arith.constant 16 : i32
        %mul3A_2246 = arith.muli %scan3A_2177, %mul3A_2245 : i32
        %add3A_2247 = arith.constant 640 : i32
        %add3A_2248 = arith.addi %add3A_2247, %mul3A_2246 : i32
        %get3A_2249 = arith.index_cast %add3A_2248 : i32 to index
        %get3A_2250 = tpu.vector_load %arg7[%get3A_2249] {strides = array<i32>} : memref<2048xi32, #tpu.memory_space<vmem>>, vector<16xi32>,
        %add3A_2251 = arith.addi %add3A_2244, %get3A_2250 : vector<16xi32>
        %mul3A_2252 = arith.constant 16 : i32
        %mul3A_2253 = arith.muli %scan3A_2177, %mul3A_2252 : i32
        %add3A_2254 = arith.constant 704 : i32
        %add3A_2255 = arith.addi %add3A_2254, %mul3A_2253 : i32
        %get3A_2256 = arith.index_cast %add3A_2255 : i32 to index
        %get3A_2257 = tpu.vector_load %arg7[%get3A_2256] {strides = array<i32>} : memref<2048xi32, #tpu.memory_space<vmem>>, vector<16xi32>,
        %add3A_2258 = arith.addi %add3A_2251, %get3A_2257 : vector<16xi32>
        %mul3A_2259 = arith.constant 16 : i32
        %mul3A_2260 = arith.muli %scan3A_2177, %mul3A_2259 : i32
        %add3A_2261 = arith.constant 768 : i32
        %add3A_2262 = arith.addi %add3A_2261, %mul3A_2260 : i32
        %get3A_2263 = arith.index_cast %add3A_2262 : i32 to index
        %get3A_2264 = tpu.vector_load %arg7[%get3A_2263] {strides = array<i32>} : memref<2048xi32, #tpu.memory_space<vmem>>, vector<16xi32>,
        %add3A_2265 = arith.addi %add3A_2258, %get3A_2264 : vector<16xi32>
        %mul3A_2266 = arith.constant 16 : i32
        %mul3A_2267 = arith.muli %scan3A_2177, %mul3A_2266 : i32
        %add3A_2268 = arith.constant 832 : i32
        %add3A_2269 = arith.addi %add3A_2268, %mul3A_2267 : i32
        %get3A_2270 = arith.index_cast %add3A_2269 : i32 to index
        %get3A_2271 = tpu.vector_load %arg7[%get3A_2270] {strides = array<i32>} : memref<2048xi32, #tpu.memory_space<vmem>>, vector<16xi32>,
        %add3A_2272 = arith.addi %add3A_2265, %get3A_2271 : vector<16xi32>
        %mul3A_2273 = arith.constant 16 : i32
        %mul3A_2274 = arith.muli %scan3A_2177, %mul3A_2273 : i32
        %add3A_2275 = arith.constant 896 : i32
        %add3A_2276 = arith.addi %add3A_2275, %mul3A_2274 : i32
        %get3A_2277 = arith.index_cast %add3A_2276 : i32 to index
        %get3A_2278 = tpu.vector_load %arg7[%get3A_2277] {strides = array<i32>} : memref<2048xi32, #tpu.memory_space<vmem>>, vector<16xi32>,
        %add3A_2279 = arith.addi %add3A_2272, %get3A_2278 : vector<16xi32>
        %mul3A_2280 = arith.constant 16 : i32
        %mul3A_2281 = arith.muli %scan3A_2177, %mul3A_2280 : i32
        %add3A_2282 = arith.constant 960 : i32
        %add3A_2283 = arith.addi %add3A_2282, %mul3A_2281 : i32
        %get3A_2284 = arith.index_cast %add3A_2283 : i32 to index
        %get3A_2285 = tpu.vector_load %arg7[%get3A_2284] {strides = array<i32>} : memref<2048xi32, #tpu.memory_space<vmem>>, vector<16xi32>,
        %add3A_2286 = arith.addi %add3A_2279, %get3A_2285 : vector<16xi32>
        %mul3A_2287 = arith.constant 16 : i32
        %mul3A_2288 = arith.muli %scan3A_2177, %mul3A_2287 : i32
        %swap3A_2289 = arith.index_cast %mul3A_2288 : i32 to index
        %swap3A_2290 = tpu.vector_load %arg8[%swap3A_2289] {strides = array<i32>} : memref<128xi32, #tpu.memory_space<vmem>>, vector<16xi32>,
        tpu.vector_store %arg8[%swap3A_2289], %add3A_2286 {strides = array<i32>} : memref<128xi32, #tpu.memory_space<vmem>>, vector<16xi32>,
        %scan3A_2291 = arith.constant 0 : i32
        %scan3A_2292 = arith.constant 2 : i32
        %mul3A_2293 = arith.constant 16 : i32
        %mul3A_2294 = arith.muli %scan3A_2292, %mul3A_2293 : i32
        %get3A_2295 = arith.index_cast %mul3A_2294 : i32 to index
        %get3A_2296 = tpu.vector_load %arg7[%get3A_2295] {strides = array<i32>} : memref<2048xi32, #tpu.memory_space<vmem>>, vector<16xi32>,
        %mul3A_2297 = arith.constant 16 : i32
        %mul3A_2298 = arith.muli %scan3A_2292, %mul3A_2297 : i32
        %add3A_2299 = arith.constant 64 : i32
        %add3A_2300 = arith.addi %add3A_2299, %mul3A_2298 : i32
        %get3A_2301 = arith.index_cast %add3A_2300 : i32 to index
        %get3A_2302 = tpu.vector_load %arg7[%get3A_2301] {strides = array<i32>} : memref<2048xi32, #tpu.memory_space<vmem>>, vector<16xi32>,
        %add3A_2303 = arith.addi %get3A_2296, %get3A_2302 : vector<16xi32>
        %mul3A_2304 = arith.constant 16 : i32
        %mul3A_2305 = arith.muli %scan3A_2292, %mul3A_2304 : i32
        %add3A_2306 = arith.constant 128 : i32
        %add3A_2307 = arith.addi %add3A_2306, %mul3A_2305 : i32
        %get3A_2308 = arith.index_cast %add3A_2307 : i32 to index
        %get3A_2309 = tpu.vector_load %arg7[%get3A_2308] {strides = array<i32>} : memref<2048xi32, #tpu.memory_space<vmem>>, vector<16xi32>,
        %add3A_2310 = arith.addi %add3A_2303, %get3A_2309 : vector<16xi32>
        %mul3A_2311 = arith.constant 16 : i32
        %mul3A_2312 = arith.muli %scan3A_2292, %mul3A_2311 : i32
        %add3A_2313 = arith.constant 192 : i32
        %add3A_2314 = arith.addi %add3A_2313, %mul3A_2312 : i32
        %get3A_2315 = arith.index_cast %add3A_2314 : i32 to index
        %get3A_2316 = tpu.vector_load %arg7[%get3A_2315] {strides = array<i32>} : memref<2048xi32, #tpu.memory_space<vmem>>, vector<16xi32>,
        %add3A_2317 = arith.addi %add3A_2310, %get3A_2316 : vector<16xi32>
        %mul3A_2318 = arith.constant 16 : i32
        %mul3A_2319 = arith.muli %scan3A_2292, %mul3A_2318 : i32
        %add3A_2320 = arith.constant 256 : i32
        %add3A_2321 = arith.addi %add3A_2320, %mul3A_2319 : i32
        %get3A_2322 = arith.index_cast %add3A_2321 : i32 to index
        %get3A_2323 = tpu.vector_load %arg7[%get3A_2322] {strides = array<i32>} : memref<2048xi32, #tpu.memory_space<vmem>>, vector<16xi32>,
        %add3A_2324 = arith.addi %add3A_2317, %get3A_2323 : vector<16xi32>
        %mul3A_2325 = arith.constant 16 : i32
        %mul3A_2326 = arith.muli %scan3A_2292, %mul3A_2325 : i32
        %add3A_2327 = arith.constant 320 : i32
        %add3A_2328 = arith.addi %add3A_2327, %mul3A_2326 : i32
        %get3A_2329 = arith.index_cast %add3A_2328 : i32 to index
        %get3A_2330 = tpu.vector_load %arg7[%get3A_2329] {strides = array<i32>} : memref<2048xi32, #tpu.memory_space<vmem>>, vector<16xi32>,
        %add3A_2331 = arith.addi %add3A_2324, %get3A_2330 : vector<16xi32>
        %mul3A_2332 = arith.constant 16 : i32
        %mul3A_2333 = arith.muli %scan3A_2292, %mul3A_2332 : i32
        %add3A_2334 = arith.constant 384 : i32
        %add3A_2335 = arith.addi %add3A_2334, %mul3A_2333 : i32
        %get3A_2336 = arith.index_cast %add3A_2335 : i32 to index
        %get3A_2337 = tpu.vector_load %arg7[%get3A_2336] {strides = array<i32>} : memref<2048xi32, #tpu.memory_space<vmem>>, vector<16xi32>,
        %add3A_2338 = arith.addi %add3A_2331, %get3A_2337 : vector<16xi32>
        %mul3A_2339 = arith.constant 16 : i32
        %mul3A_2340 = arith.muli %scan3A_2292, %mul3A_2339 : i32
        %add3A_2341 = arith.constant 448 : i32
        %add3A_2342 = arith.addi %add3A_2341, %mul3A_2340 : i32
        %get3A_2343 = arith.index_cast %add3A_2342 : i32 to index
        %get3A_2344 = tpu.vector_load %arg7[%get3A_2343] {strides = array<i32>} : memref<2048xi32, #tpu.memory_space<vmem>>, vector<16xi32>,
        %add3A_2345 = arith.addi %add3A_2338, %get3A_2344 : vector<16xi32>
        %mul3A_2346 = arith.constant 16 : i32
        %mul3A_2347 = arith.muli %scan3A_2292, %mul3A_2346 : i32
        %add3A_2348 = arith.constant 512 : i32
        %add3A_2349 = arith.addi %add3A_2348, %mul3A_2347 : i32
        %get3A_2350 = arith.index_cast %add3A_2349 : i32 to index
        %get3A_2351 = tpu.vector_load %arg7[%get3A_2350] {strides = array<i32>} : memref<2048xi32, #tpu.memory_space<vmem>>, vector<16xi32>,
        %add3A_2352 = arith.addi %add3A_2345, %get3A_2351 : vector<16xi32>
        %mul3A_2353 = arith.constant 16 : i32
        %mul3A_2354 = arith.muli %scan3A_2292, %mul3A_2353 : i32
        %add3A_2355 = arith.constant 576 : i32
        %add3A_2356 = arith.addi %add3A_2355, %mul3A_2354 : i32
        %get3A_2357 = arith.index_cast %add3A_2356 : i32 to index
        %get3A_2358 = tpu.vector_load %arg7[%get3A_2357] {strides = array<i32>} : memref<2048xi32, #tpu.memory_space<vmem>>, vector<16xi32>,
        %add3A_2359 = arith.addi %add3A_2352, %get3A_2358 : vector<16xi32>
        %mul3A_2360 = arith.constant 16 : i32
        %mul3A_2361 = arith.muli %scan3A_2292, %mul3A_2360 : i32
        %add3A_2362 = arith.constant 640 : i32
        %add3A_2363 = arith.addi %add3A_2362, %mul3A_2361 : i32
        %get3A_2364 = arith.index_cast %add3A_2363 : i32 to index
        %get3A_2365 = tpu.vector_load %arg7[%get3A_2364] {strides = array<i32>} : memref<2048xi32, #tpu.memory_space<vmem>>, vector<16xi32>,
        %add3A_2366 = arith.addi %add3A_2359, %get3A_2365 : vector<16xi32>
        %mul3A_2367 = arith.constant 16 : i32
        %mul3A_2368 = arith.muli %scan3A_2292, %mul3A_2367 : i32
        %add3A_2369 = arith.constant 704 : i32
        %add3A_2370 = arith.addi %add3A_2369, %mul3A_2368 : i32
        %get3A_2371 = arith.index_cast %add3A_2370 : i32 to index
        %get3A_2372 = tpu.vector_load %arg7[%get3A_2371] {strides = array<i32>} : memref<2048xi32, #tpu.memory_space<vmem>>, vector<16xi32>,
        %add3A_2373 = arith.addi %add3A_2366, %get3A_2372 : vector<16xi32>
        %mul3A_2374 = arith.constant 16 : i32
        %mul3A_2375 = arith.muli %scan3A_2292, %mul3A_2374 : i32
        %add3A_2376 = arith.constant 768 : i32
        %add3A_2377 = arith.addi %add3A_2376, %mul3A_2375 : i32
        %get3A_2378 = arith.index_cast %add3A_2377 : i32 to index
        %get3A_2379 = tpu.vector_load %arg7[%get3A_2378] {strides = array<i32>} : memref<2048xi32, #tpu.memory_space<vmem>>, vector<16xi32>,
        %add3A_2380 = arith.addi %add3A_2373, %get3A_2379 : vector<16xi32>
        %mul3A_2381 = arith.constant 16 : i32
        %mul3A_2382 = arith.muli %scan3A_2292, %mul3A_2381 : i32
        %add3A_2383 = arith.constant 832 : i32
        %add3A_2384 = arith.addi %add3A_2383, %mul3A_2382 : i32
        %get3A_2385 = arith.index_cast %add3A_2384 : i32 to index
        %get3A_2386 = tpu.vector_load %arg7[%get3A_2385] {strides = array<i32>} : memref<2048xi32, #tpu.memory_space<vmem>>, vector<16xi32>,
        %add3A_2387 = arith.addi %add3A_2380, %get3A_2386 : vector<16xi32>
        %mul3A_2388 = arith.constant 16 : i32
        %mul3A_2389 = arith.muli %scan3A_2292, %mul3A_2388 : i32
        %add3A_2390 = arith.constant 896 : i32
        %add3A_2391 = arith.addi %add3A_2390, %mul3A_2389 : i32
        %get3A_2392 = arith.index_cast %add3A_2391 : i32 to index
        %get3A_2393 = tpu.vector_load %arg7[%get3A_2392] {strides = array<i32>} : memref<2048xi32, #tpu.memory_space<vmem>>, vector<16xi32>,
        %add3A_2394 = arith.addi %add3A_2387, %get3A_2393 : vector<16xi32>
        %mul3A_2395 = arith.constant 16 : i32
        %mul3A_2396 = arith.muli %scan3A_2292, %mul3A_2395 : i32
        %add3A_2397 = arith.constant 960 : i32
        %add3A_2398 = arith.addi %add3A_2397, %mul3A_2396 : i32
        %get3A_2399 = arith.index_cast %add3A_2398 : i32 to index
        %get3A_2400 = tpu.vector_load %arg7[%get3A_2399] {strides = array<i32>} : memref<2048xi32, #tpu.memory_space<vmem>>, vector<16xi32>,
        %add3A_2401 = arith.addi %add3A_2394, %get3A_2400 : vector<16xi32>
        %mul3A_2402 = arith.constant 16 : i32
        %mul3A_2403 = arith.muli %scan3A_2292, %mul3A_2402 : i32
        %swap3A_2404 = arith.index_cast %mul3A_2403 : i32 to index
        %swap3A_2405 = tpu.vector_load %arg8[%swap3A_2404] {strides = array<i32>} : memref<128xi32, #tpu.memory_space<vmem>>, vector<16xi32>,
        tpu.vector_store %arg8[%swap3A_2404], %add3A_2401 {strides = array<i32>} : memref<128xi32, #tpu.memory_space<vmem>>, vector<16xi32>,
        %scan3A_2406 = arith.constant 0 : i32
        %scan3A_2407 = arith.constant 3 : i32
        %mul3A_2408 = arith.constant 16 : i32
        %mul3A_2409 = arith.muli %scan3A_2407, %mul3A_2408 : i32
        %get3A_2410 = arith.index_cast %mul3A_2409 : i32 to index
        %get3A_2411 = tpu.vector_load %arg7[%get3A_2410] {strides = array<i32>} : memref<2048xi32, #tpu.memory_space<vmem>>, vector<16xi32>,
        %mul3A_2412 = arith.constant 16 : i32
        %mul3A_2413 = arith.muli %scan3A_2407, %mul3A_2412 : i32
        %add3A_2414 = arith.constant 64 : i32
        %add3A_2415 = arith.addi %add3A_2414, %mul3A_2413 : i32
        %get3A_2416 = arith.index_cast %add3A_2415 : i32 to index
        %get3A_2417 = tpu.vector_load %arg7[%get3A_2416] {strides = array<i32>} : memref<2048xi32, #tpu.memory_space<vmem>>, vector<16xi32>,
        %add3A_2418 = arith.addi %get3A_2411, %get3A_2417 : vector<16xi32>
        %mul3A_2419 = arith.constant 16 : i32
        %mul3A_2420 = arith.muli %scan3A_2407, %mul3A_2419 : i32
        %add3A_2421 = arith.constant 128 : i32
        %add3A_2422 = arith.addi %add3A_2421, %mul3A_2420 : i32
        %get3A_2423 = arith.index_cast %add3A_2422 : i32 to index
        %get3A_2424 = tpu.vector_load %arg7[%get3A_2423] {strides = array<i32>} : memref<2048xi32, #tpu.memory_space<vmem>>, vector<16xi32>,
        %add3A_2425 = arith.addi %add3A_2418, %get3A_2424 : vector<16xi32>
        %mul3A_2426 = arith.constant 16 : i32
        %mul3A_2427 = arith.muli %scan3A_2407, %mul3A_2426 : i32
        %add3A_2428 = arith.constant 192 : i32
        %add3A_2429 = arith.addi %add3A_2428, %mul3A_2427 : i32
        %get3A_2430 = arith.index_cast %add3A_2429 : i32 to index
        %get3A_2431 = tpu.vector_load %arg7[%get3A_2430] {strides = array<i32>} : memref<2048xi32, #tpu.memory_space<vmem>>, vector<16xi32>,
        %add3A_2432 = arith.addi %add3A_2425, %get3A_2431 : vector<16xi32>
        %mul3A_2433 = arith.constant 16 : i32
        %mul3A_2434 = arith.muli %scan3A_2407, %mul3A_2433 : i32
        %add3A_2435 = arith.constant 256 : i32
        %add3A_2436 = arith.addi %add3A_2435, %mul3A_2434 : i32
        %get3A_2437 = arith.index_cast %add3A_2436 : i32 to index
        %get3A_2438 = tpu.vector_load %arg7[%get3A_2437] {strides = array<i32>} : memref<2048xi32, #tpu.memory_space<vmem>>, vector<16xi32>,
        %add3A_2439 = arith.addi %add3A_2432, %get3A_2438 : vector<16xi32>
        %mul3A_2440 = arith.constant 16 : i32
        %mul3A_2441 = arith.muli %scan3A_2407, %mul3A_2440 : i32
        %add3A_2442 = arith.constant 320 : i32
        %add3A_2443 = arith.addi %add3A_2442, %mul3A_2441 : i32
        %get3A_2444 = arith.index_cast %add3A_2443 : i32 to index
        %get3A_2445 = tpu.vector_load %arg7[%get3A_2444] {strides = array<i32>} : memref<2048xi32, #tpu.memory_space<vmem>>, vector<16xi32>,
        %add3A_2446 = arith.addi %add3A_2439, %get3A_2445 : vector<16xi32>
        %mul3A_2447 = arith.constant 16 : i32
        %mul3A_2448 = arith.muli %scan3A_2407, %mul3A_2447 : i32
        %add3A_2449 = arith.constant 384 : i32
        %add3A_2450 = arith.addi %add3A_2449, %mul3A_2448 : i32
        %get3A_2451 = arith.index_cast %add3A_2450 : i32 to index
        %get3A_2452 = tpu.vector_load %arg7[%get3A_2451] {strides = array<i32>} : memref<2048xi32, #tpu.memory_space<vmem>>, vector<16xi32>,
        %add3A_2453 = arith.addi %add3A_2446, %get3A_2452 : vector<16xi32>
        %mul3A_2454 = arith.constant 16 : i32
        %mul3A_2455 = arith.muli %scan3A_2407, %mul3A_2454 : i32
        %add3A_2456 = arith.constant 448 : i32
        %add3A_2457 = arith.addi %add3A_2456, %mul3A_2455 : i32
        %get3A_2458 = arith.index_cast %add3A_2457 : i32 to index
        %get3A_2459 = tpu.vector_load %arg7[%get3A_2458] {strides = array<i32>} : memref<2048xi32, #tpu.memory_space<vmem>>, vector<16xi32>,
        %add3A_2460 = arith.addi %add3A_2453, %get3A_2459 : vector<16xi32>
        %mul3A_2461 = arith.constant 16 : i32
        %mul3A_2462 = arith.muli %scan3A_2407, %mul3A_2461 : i32
        %add3A_2463 = arith.constant 512 : i32
        %add3A_2464 = arith.addi %add3A_2463, %mul3A_2462 : i32
        %get3A_2465 = arith.index_cast %add3A_2464 : i32 to index
        %get3A_2466 = tpu.vector_load %arg7[%get3A_2465] {strides = array<i32>} : memref<2048xi32, #tpu.memory_space<vmem>>, vector<16xi32>,
        %add3A_2467 = arith.addi %add3A_2460, %get3A_2466 : vector<16xi32>
        %mul3A_2468 = arith.constant 16 : i32
        %mul3A_2469 = arith.muli %scan3A_2407, %mul3A_2468 : i32
        %add3A_2470 = arith.constant 576 : i32
        %add3A_2471 = arith.addi %add3A_2470, %mul3A_2469 : i32
        %get3A_2472 = arith.index_cast %add3A_2471 : i32 to index
        %get3A_2473 = tpu.vector_load %arg7[%get3A_2472] {strides = array<i32>} : memref<2048xi32, #tpu.memory_space<vmem>>, vector<16xi32>,
        %add3A_2474 = arith.addi %add3A_2467, %get3A_2473 : vector<16xi32>
        %mul3A_2475 = arith.constant 16 : i32
        %mul3A_2476 = arith.muli %scan3A_2407, %mul3A_2475 : i32
        %add3A_2477 = arith.constant 640 : i32
        %add3A_2478 = arith.addi %add3A_2477, %mul3A_2476 : i32
        %get3A_2479 = arith.index_cast %add3A_2478 : i32 to index
        %get3A_2480 = tpu.vector_load %arg7[%get3A_2479] {strides = array<i32>} : memref<2048xi32, #tpu.memory_space<vmem>>, vector<16xi32>,
        %add3A_2481 = arith.addi %add3A_2474, %get3A_2480 : vector<16xi32>
        %mul3A_2482 = arith.constant 16 : i32
        %mul3A_2483 = arith.muli %scan3A_2407, %mul3A_2482 : i32
        %add3A_2484 = arith.constant 704 : i32
        %add3A_2485 = arith.addi %add3A_2484, %mul3A_2483 : i32
        %get3A_2486 = arith.index_cast %add3A_2485 : i32 to index
        %get3A_2487 = tpu.vector_load %arg7[%get3A_2486] {strides = array<i32>} : memref<2048xi32, #tpu.memory_space<vmem>>, vector<16xi32>,
        %add3A_2488 = arith.addi %add3A_2481, %get3A_2487 : vector<16xi32>
        %mul3A_2489 = arith.constant 16 : i32
        %mul3A_2490 = arith.muli %scan3A_2407, %mul3A_2489 : i32
        %add3A_2491 = arith.constant 768 : i32
        %add3A_2492 = arith.addi %add3A_2491, %mul3A_2490 : i32
        %get3A_2493 = arith.index_cast %add3A_2492 : i32 to index
        %get3A_2494 = tpu.vector_load %arg7[%get3A_2493] {strides = array<i32>} : memref<2048xi32, #tpu.memory_space<vmem>>, vector<16xi32>,
        %add3A_2495 = arith.addi %add3A_2488, %get3A_2494 : vector<16xi32>
        %mul3A_2496 = arith.constant 16 : i32
        %mul3A_2497 = arith.muli %scan3A_2407, %mul3A_2496 : i32
        %add3A_2498 = arith.constant 832 : i32
        %add3A_2499 = arith.addi %add3A_2498, %mul3A_2497 : i32
        %get3A_2500 = arith.index_cast %add3A_2499 : i32 to index
        %get3A_2501 = tpu.vector_load %arg7[%get3A_2500] {strides = array<i32>} : memref<2048xi32, #tpu.memory_space<vmem>>, vector<16xi32>,
        %add3A_2502 = arith.addi %add3A_2495, %get3A_2501 : vector<16xi32>
        %mul3A_2503 = arith.constant 16 : i32
        %mul3A_2504 = arith.muli %scan3A_2407, %mul3A_2503 : i32
        %add3A_2505 = arith.constant 896 : i32
        %add3A_2506 = arith.addi %add3A_2505, %mul3A_2504 : i32
        %get3A_2507 = arith.index_cast %add3A_2506 : i32 to index
        %get3A_2508 = tpu.vector_load %arg7[%get3A_2507] {strides = array<i32>} : memref<2048xi32, #tpu.memory_space<vmem>>, vector<16xi32>,
        %add3A_2509 = arith.addi %add3A_2502, %get3A_2508 : vector<16xi32>
        %mul3A_2510 = arith.constant 16 : i32
        %mul3A_2511 = arith.muli %scan3A_2407, %mul3A_2510 : i32
        %add3A_2512 = arith.constant 960 : i32
        %add3A_2513 = arith.addi %add3A_2512, %mul3A_2511 : i32
        %get3A_2514 = arith.index_cast %add3A_2513 : i32 to index
        %get3A_2515 = tpu.vector_load %arg7[%get3A_2514] {strides = array<i32>} : memref<2048xi32, #tpu.memory_space<vmem>>, vector<16xi32>,
        %add3A_2516 = arith.addi %add3A_2509, %get3A_2515 : vector<16xi32>
        %mul3A_2517 = arith.constant 16 : i32
        %mul3A_2518 = arith.muli %scan3A_2407, %mul3A_2517 : i32
        %swap3A_2519 = arith.index_cast %mul3A_2518 : i32 to index
        %swap3A_2520 = tpu.vector_load %arg8[%swap3A_2519] {strides = array<i32>} : memref<128xi32, #tpu.memory_space<vmem>>, vector<16xi32>,
        tpu.vector_store %arg8[%swap3A_2519], %add3A_2516 {strides = array<i32>} : memref<128xi32, #tpu.memory_space<vmem>>, vector<16xi32>,
        %scan3A_2521 = arith.constant 0 : i32
        %scan3A_2522 = arith.constant 4 : i32
        %scan3A_2523 = arith.constant 0 : i32
        %scan3A_2524 = arith.constant -1 : i32
        %scan3A_2525 = arith.constant 0 : i32
        %scan3A_2526 = arith.constant 0 : i32
        %scan3A_2527 = arith.constant 4 : i32
        %scan3A_2528 = arith.addi %scan3A_2526, %scan3A_2527 : i32
        %scan3A_2529 = arith.constant 1 : i32
        %scan3A_2530:3 = scf.for %scan3A_3065 = %scan3A_2526 to %scan3A_2528 step %scan3A_2529 iter_args(%scan3A_3066 = %scan3A_2523, %scan3A_3067 = %scan3A_2524, %scan3A_3068 = %scan3A_2525) -> (i32, i32, i32)  : i32 {
          %sub3A_3069 = arith.constant 3 : i32
          %sub3A_3070 = arith.subi %sub3A_3069, %scan3A_3065 : i32
          %mul3A_3071 = arith.constant 16 : i32
          %mul3A_3072 = arith.muli %sub3A_3070, %mul3A_3071 : i32
          %get3A_3073 = arith.index_cast %mul3A_3072 : i32 to index
          %get3A_3074 = tpu.vector_load %arg8[%get3A_3073] {strides = array<i32>} : memref<128xi32, #tpu.memory_space<vmem>>, vector<16xi32>,
          %broadcast_in_dim3A_3075 = arith.constant true
          %broadcast_in_dim3A_3076 = vector.broadcast %broadcast_in_dim3A_3075 : i1 to vector<16xi1>
          %masked_cumsum3A = tpu.scan <sum>, %get3A_3074 masked %broadcast_in_dim3A_3076 : vector<16xi32>, vector<16xi1> -> vector<16xi32>
          %slice3A_3077 = vector.extract_strided_slice %masked_cumsum3A {offsets = [15], sizes = [1], strides = [1]} : vector<16xi32> to vector<1xi32>
          %squeeze3A_3078 = vector.extract %slice3A_3077[0] : i32 from vector<1xi32>
          %add3A_3079 = arith.addi %scan3A_3066, %squeeze3A_3078 : i32
          %sub3A_3080 = vector.broadcast %add3A_3079 : i32 to vector<16xi32>
          %sub3A_3081 = arith.subi %sub3A_3080, %masked_cumsum3A : vector<16xi32>
          %add3A_3082 = arith.addi %sub3A_3081, %get3A_3074 : vector<16xi32>
          %ge3A = vector.broadcast %scan3A_2000#2 : i32 to vector<16xi32>
          %ge3A_3083 = arith.cmpi sge, %add3A_3082, %ge3A : vector<16xi32>
          %convert_element_type3A_3084 = arith.extui %ge3A_3083 : vector<16xi1> to vector<16xi32>
          %reduce_sum3A = arith.constant true
          %reduce_sum3A_3085 = vector.broadcast %reduce_sum3A : i1 to vector<16xi1>
          %reduce_sum3A_3086 = tpu.scan <sum>, %convert_element_type3A_3084 masked %reduce_sum3A_3085 : vector<16xi32>, vector<16xi1> -> vector<16xi32>
          %reduce_sum3A_3087 = vector.extract %reduce_sum3A_3086[15] : i32 from vector<16xi32>
          %sub3A_3088 = arith.constant 1 : i32
          %sub3A_3089 = arith.subi %reduce_sum3A_3087, %sub3A_3088 : i32
          %eq3A = vector.broadcast %sub3A_3089 : i32 to vector<16xi32>
          %eq3A_3090 = arith.cmpi eq, %iota3A, %eq3A : vector<16xi32>
          %sub3A_3091 = arith.subi %add3A_3082, %get3A_3074 : vector<16xi32>
          %jit3A_3092 = arith.constant 0 : i32
          %broadcast_in_dim3A_3093 = vector.broadcast %jit3A_3092 : i32 to vector<16xi32>
          %select_n3A_3094 = arith.select %eq3A_3090, %sub3A_3091, %broadcast_in_dim3A_3093 : vector<16xi1>, vector<16xi32>
          %reduce_sum3A_3095 = arith.constant true
          %reduce_sum3A_3096 = vector.broadcast %reduce_sum3A_3095 : i1 to vector<16xi1>
          %reduce_sum3A_3097 = tpu.scan <sum>, %select_n3A_3094 masked %reduce_sum3A_3096 : vector<16xi32>, vector<16xi1> -> vector<16xi32>
          %reduce_sum3A_3098 = vector.extract %reduce_sum3A_3097[15] : i32 from vector<16xi32>
          %ge3A_3099 = arith.constant 0 : i32
          %ge3A_3100 = arith.cmpi sge, %sub3A_3089, %ge3A_3099 : i32
          %lt3A = arith.constant 0 : i32
          %lt3A_3101 = arith.cmpi slt, %scan3A_3067, %lt3A : i32
          %and3A_3102 = arith.andi %ge3A_3100, %lt3A_3101 : i1
          %mul3A_3103 = arith.constant 16 : i32
          %mul3A_3104 = arith.muli %sub3A_3070, %mul3A_3103 : i32
          %add3A_3105 = arith.addi %mul3A_3104, %sub3A_3089 : i32
          %select_n3A_3106 = arith.select %and3A_3102, %add3A_3105, %scan3A_3067 : i32
          %sub3A_3107 = arith.subi %scan3A_2000#2, %reduce_sum3A_3098 : i32
          %select_n3A_3108 = arith.select %and3A_3102, %sub3A_3107, %scan3A_3068 : i32
          %add3A_3109 = arith.addi %scan3A_3066, %squeeze3A_3078 : i32
          scf.yield %add3A_3109, %select_n3A_3106, %select_n3A_3108 : i32, i32, i32
        }
        %scan3A_2531 = arith.constant 4 : i32
        %shift_left3A_2532 = arith.constant 6 : i32
        %shift_left3A_2533 = arith.shli %or3A_2004, %shift_left3A_2532 : i32
        %or3A_2534 = arith.ori %shift_left3A_2533, %scan3A_2530#1 : i32
        %while3A_2535 = arith.constant 0 : i32
        %while3A_2536 = arith.constant 0 : i32
        %while3A_2537 = arith.subi %select_n3A_2045, %while3A_2535 : i32
        %while3A_2538 = arith.addi %while3A_2535, %while3A_2537 : i32
        %while3A_2539 = arith.constant 1 : i32
        %while3A_2540 = arith.divsi %while3A_2537, %while3A_2539 : i32
        %while3A_2541 = arith.muli %while3A_2540, %while3A_2539 : i32
        %while3A_2542 = arith.addi %while3A_2535, %while3A_2541 : i32
        %while3A_2543 = arith.constant 1 : i32
        %while3A_2544 = scf.for %while3A_3065 = %while3A_2535 to %while3A_2542 step %while3A_2543 iter_args(%while3A_3066 = %while3A_2536) -> (i32)  : i32 {
          %mul3A_3067 = arith.constant 16 : i32
          %mul3A_3068 = arith.muli %while3A_3065, %mul3A_3067 : i32
          %get3A_3069 = arith.index_cast %mul3A_3068 : i32 to index
          %get3A_3070 = tpu.vector_load %arg6[%get3A_3069] {strides = array<i32>} : memref<32784xi32, #tpu.memory_space<vmem>>, vector<16xi32>,
          %mul3A_3071 = arith.constant 16 : i32
          %mul3A_3072 = arith.muli %while3A_3065, %mul3A_3071 : i32
          %add3A_3073 = vector.broadcast %mul3A_3072 : i32 to vector<16xi32>
          %add3A_3074 = arith.addi %add3A_3073, %iota3A : vector<16xi32>
          %lt3A = vector.broadcast %while3A_2016 : i32 to vector<16xi32>
          %lt3A_3075 = arith.cmpi slt, %add3A_3074, %lt3A : vector<16xi32>
          %shift_right_logical3A = arith.constant 6 : i32
          %shift_right_logical3A_3076 = vector.broadcast %shift_right_logical3A : i32 to vector<16xi32>
          %shift_right_logical3A_3077 = arith.shrui %get3A_3070, %shift_right_logical3A_3076 : vector<16xi32>
          %eq3A = vector.broadcast %or3A_2534 : i32 to vector<16xi32>
          %eq3A_3078 = arith.cmpi eq, %shift_right_logical3A_3077, %eq3A : vector<16xi32>
          %and3A_3079 = arith.andi %lt3A_3075, %eq3A_3078 : vector<16xi1>
          %swap3A_3080 = arith.index_cast %while3A_3066 : i32 to index
          %swap3A_3081 = tpu.vector_load %arg6[%swap3A_3080] masked %and3A_3079 {strides = array<i32>} : memref<32784xi32, #tpu.memory_space<vmem>>, vector<16xi32>, vector<16xi1>
          tpu.vector_store %arg6[%swap3A_3080], %get3A_3070 masked %and3A_3079 {strides = array<i32>} : memref<32784xi32, #tpu.memory_space<vmem>>, vector<16xi32>, vector<16xi1>
          %all_reduce_population_count3A = tpu.all_reduce %and3A_3079 {dim = 0 : i64, kind = #tpu.reduction_kind<sum>} : vector<16xi1> -> vector<16xi32>
          %slice3A_3082 = vector.extract_strided_slice %all_reduce_population_count3A {offsets = [0], sizes = [1], strides = [1]} : vector<16xi32> to vector<1xi32>
          %squeeze3A_3083 = vector.extract %slice3A_3082[0] : i32 from vector<1xi32>
          %add3A_3084 = arith.addi %while3A_3066, %squeeze3A_3083 : i32
          scf.yield %add3A_3084 : i32
        }
        %while3A_2545 = arith.constant 1 : i32
        %while3A_2546 = scf.for %while3A_3065 = %while3A_2542 to %while3A_2538 step %while3A_2545 iter_args(%while3A_3066 = %while3A_2544) -> (i32)  : i32 {
          %mul3A_3067 = arith.constant 16 : i32
          %mul3A_3068 = arith.muli %while3A_3065, %mul3A_3067 : i32
          %get3A_3069 = arith.index_cast %mul3A_3068 : i32 to index
          %get3A_3070 = tpu.vector_load %arg6[%get3A_3069] {strides = array<i32>} : memref<32784xi32, #tpu.memory_space<vmem>>, vector<16xi32>,
          %mul3A_3071 = arith.constant 16 : i32
          %mul3A_3072 = arith.muli %while3A_3065, %mul3A_3071 : i32
          %add3A_3073 = vector.broadcast %mul3A_3072 : i32 to vector<16xi32>
          %add3A_3074 = arith.addi %add3A_3073, %iota3A : vector<16xi32>
          %lt3A = vector.broadcast %while3A_2016 : i32 to vector<16xi32>
          %lt3A_3075 = arith.cmpi slt, %add3A_3074, %lt3A : vector<16xi32>
          %shift_right_logical3A = arith.constant 6 : i32
          %shift_right_logical3A_3076 = vector.broadcast %shift_right_logical3A : i32 to vector<16xi32>
          %shift_right_logical3A_3077 = arith.shrui %get3A_3070, %shift_right_logical3A_3076 : vector<16xi32>
          %eq3A = vector.broadcast %or3A_2534 : i32 to vector<16xi32>
          %eq3A_3078 = arith.cmpi eq, %shift_right_logical3A_3077, %eq3A : vector<16xi32>
          %and3A_3079 = arith.andi %lt3A_3075, %eq3A_3078 : vector<16xi1>
          %swap3A_3080 = arith.index_cast %while3A_3066 : i32 to index
          %swap3A_3081 = tpu.vector_load %arg6[%swap3A_3080] masked %and3A_3079 {strides = array<i32>} : memref<32784xi32, #tpu.memory_space<vmem>>, vector<16xi32>, vector<16xi1>
          tpu.vector_store %arg6[%swap3A_3080], %get3A_3070 masked %and3A_3079 {strides = array<i32>} : memref<32784xi32, #tpu.memory_space<vmem>>, vector<16xi32>, vector<16xi1>
          %all_reduce_population_count3A = tpu.all_reduce %and3A_3079 {dim = 0 : i64, kind = #tpu.reduction_kind<sum>} : vector<16xi1> -> vector<16xi32>
          %slice3A_3082 = vector.extract_strided_slice %all_reduce_population_count3A {offsets = [0], sizes = [1], strides = [1]} : vector<16xi32> to vector<1xi32>
          %squeeze3A_3083 = vector.extract %slice3A_3082[0] : i32 from vector<1xi32>
          %add3A_3084 = arith.addi %while3A_3066, %squeeze3A_3083 : i32
          scf.yield %add3A_3084 : i32
        }
        %parallel_loop3A_2547 = arith.constant 0 : i32
        %parallel_loop3A_2548 = arith.constant 64 : i32
        %parallel_loop3A_2549 = arith.constant 1 : i32
        scf.for %parallel_loop3A_3065 = %parallel_loop3A_2547 to %parallel_loop3A_2548 step %parallel_loop3A_2549  : i32 {
          %parallel_loop3A_3066 = arith.constant 0 : i32
          %parallel_loop3A_3067 = vector.broadcast %parallel_loop3A_3066 : i32 to vector<16xi32>
          %parallel_loop3A_3068 = arith.constant 16 : i32
          %parallel_loop3A_3069 = arith.muli %parallel_loop3A_3065, %parallel_loop3A_3068 : i32
          %parallel_loop3A_3070 = arith.index_cast %parallel_loop3A_3069 : i32 to index
          %parallel_loop3A_3071 = tpu.vector_load %arg7[%parallel_loop3A_3070] {strides = array<i32>} : memref<2048xi32, #tpu.memory_space<vmem>>, vector<16xi32>,
          tpu.vector_store %arg7[%parallel_loop3A_3070], %parallel_loop3A_3067 {strides = array<i32>} : memref<2048xi32, #tpu.memory_space<vmem>>, vector<16xi32>,
        } {sc.loop_unroll_factor = 8 : i64, sc.parallel_access}
        %add3A_2550 = arith.constant 15 : i32
        %add3A_2551 = arith.addi %while3A_2546, %add3A_2550 : i32
        %jit3A_2552 = arith.constant 16 : i32
        %div3A_2553 = arith.divsi %add3A_2551, %jit3A_2552 : i32
        %sign3A_2554 = arith.constant 0 : i32
        %sign3A_2555 = arith.cmpi sgt, %add3A_2551, %sign3A_2554 : i32
        %sign3A_2556 = arith.extui %sign3A_2555 : i1 to i32
        %sign3A_2557 = arith.constant 0 : i32
        %sign3A_2558 = arith.cmpi slt, %add3A_2551, %sign3A_2557 : i32
        %sign3A_2559 = arith.extui %sign3A_2558 : i1 to i32
        %sign3A_2560 = arith.subi %sign3A_2556, %sign3A_2559 : i32
        %sign3A_2561 = arith.constant 0 : i32
        %sign3A_2562 = arith.cmpi sgt, %jit3A_2552, %sign3A_2561 : i32
        %sign3A_2563 = arith.extui %sign3A_2562 : i1 to i32
        %sign3A_2564 = arith.constant 0 : i32
        %sign3A_2565 = arith.cmpi slt, %jit3A_2552, %sign3A_2564 : i32
        %sign3A_2566 = arith.extui %sign3A_2565 : i1 to i32
        %sign3A_2567 = arith.subi %sign3A_2563, %sign3A_2566 : i32
        %ne3A_2568 = arith.cmpi ne, %sign3A_2560, %sign3A_2567 : i32
        %rem3A_2569 = arith.remsi %add3A_2551, %jit3A_2552 : i32
        %ne3A_2570 = arith.constant 0 : i32
        %ne3A_2571 = arith.cmpi ne, %rem3A_2569, %ne3A_2570 : i32
        %and3A_2572 = arith.andi %ne3A_2568, %ne3A_2571 : i1
        %sub3A_2573 = arith.constant 1 : i32
        %sub3A_2574 = arith.subi %div3A_2553, %sub3A_2573 : i32
        %select_n3A_2575 = arith.select %and3A_2572, %sub3A_2574, %div3A_2553 : i32
        %mul3A_2576 = arith.constant 64 : i32
        %mul3A_2577 = vector.broadcast %mul3A_2576 : i32 to vector<16xi32>
        %mul3A_2578 = arith.muli %iota3A, %mul3A_2577 : vector<16xi32>
        %while3A_2579 = arith.constant 0 : i32
        %while3A_2580 = arith.constant 0 : i32
        %while3A_2581 = arith.subi %select_n3A_2575, %while3A_2579 : i32
        %while3A_2582 = arith.addi %while3A_2579, %while3A_2581 : i32
        %while3A_2583 = arith.constant 1 : i32
        %while3A_2584 = arith.divsi %while3A_2581, %while3A_2583 : i32
        %while3A_2585 = arith.muli %while3A_2584, %while3A_2583 : i32
        %while3A_2586 = arith.addi %while3A_2579, %while3A_2585 : i32
        %while3A_2587 = arith.constant 1 : i32
        %while3A_2588 = scf.for %while3A_3065 = %while3A_2579 to %while3A_2586 step %while3A_2587 iter_args(%while3A_3066 = %while3A_2580) -> (i32)  : i32 {
          %mul3A_3067 = arith.constant 16 : i32
          %mul3A_3068 = arith.muli %while3A_3065, %mul3A_3067 : i32
          %get3A_3069 = arith.index_cast %mul3A_3068 : i32 to index
          %get3A_3070 = tpu.vector_load %arg6[%get3A_3069] {strides = array<i32>} : memref<32784xi32, #tpu.memory_space<vmem>>, vector<16xi32>,
          %mul3A_3071 = arith.constant 16 : i32
          %mul3A_3072 = arith.muli %while3A_3065, %mul3A_3071 : i32
          %add3A_3073 = vector.broadcast %mul3A_3072 : i32 to vector<16xi32>
          %add3A_3074 = arith.addi %add3A_3073, %iota3A : vector<16xi32>
          %lt3A = vector.broadcast %while3A_2546 : i32 to vector<16xi32>
          %lt3A_3075 = arith.cmpi slt, %add3A_3074, %lt3A : vector<16xi32>
          %shift_right_logical3A = arith.constant 0 : i32
          %shift_right_logical3A_3076 = vector.broadcast %shift_right_logical3A : i32 to vector<16xi32>
          %shift_right_logical3A_3077 = arith.shrui %get3A_3070, %shift_right_logical3A_3076 : vector<16xi32>
          %and3A_3078 = arith.constant 63 : i32
          %and3A_3079 = vector.broadcast %and3A_3078 : i32 to vector<16xi32>
          %and3A_3080 = arith.andi %shift_right_logical3A_3077, %and3A_3079 : vector<16xi32>
          %add3A_3081 = arith.addi %mul3A_2578, %and3A_3080 : vector<16xi32>
          tpu.vector_store_idx %arg7[%add3A_3081], %broadcast_in_dim3A_2 masked %lt3A_3075 {add = true} : memref<2048xi32, #tpu.memory_space<vmem>>[vector<16xi32>], vector<16xi32>, vector<16xi1>
          %while3A_3082 = arith.constant 0 : i32
          scf.yield %while3A_3082 : i32
        }
        %while3A_2589 = arith.constant 1 : i32
        %while3A_2590 = scf.for %while3A_3065 = %while3A_2586 to %while3A_2582 step %while3A_2589 iter_args(%while3A_3066 = %while3A_2588) -> (i32)  : i32 {
          %mul3A_3067 = arith.constant 16 : i32
          %mul3A_3068 = arith.muli %while3A_3065, %mul3A_3067 : i32
          %get3A_3069 = arith.index_cast %mul3A_3068 : i32 to index
          %get3A_3070 = tpu.vector_load %arg6[%get3A_3069] {strides = array<i32>} : memref<32784xi32, #tpu.memory_space<vmem>>, vector<16xi32>,
          %mul3A_3071 = arith.constant 16 : i32
          %mul3A_3072 = arith.muli %while3A_3065, %mul3A_3071 : i32
          %add3A_3073 = vector.broadcast %mul3A_3072 : i32 to vector<16xi32>
          %add3A_3074 = arith.addi %add3A_3073, %iota3A : vector<16xi32>
          %lt3A = vector.broadcast %while3A_2546 : i32 to vector<16xi32>
          %lt3A_3075 = arith.cmpi slt, %add3A_3074, %lt3A : vector<16xi32>
          %shift_right_logical3A = arith.constant 0 : i32
          %shift_right_logical3A_3076 = vector.broadcast %shift_right_logical3A : i32 to vector<16xi32>
          %shift_right_logical3A_3077 = arith.shrui %get3A_3070, %shift_right_logical3A_3076 : vector<16xi32>
          %and3A_3078 = arith.constant 63 : i32
          %and3A_3079 = vector.broadcast %and3A_3078 : i32 to vector<16xi32>
          %and3A_3080 = arith.andi %shift_right_logical3A_3077, %and3A_3079 : vector<16xi32>
          %add3A_3081 = arith.addi %mul3A_2578, %and3A_3080 : vector<16xi32>
          tpu.vector_store_idx %arg7[%add3A_3081], %broadcast_in_dim3A_2 masked %lt3A_3075 {add = true} : memref<2048xi32, #tpu.memory_space<vmem>>[vector<16xi32>], vector<16xi32>, vector<16xi1>
          %while3A_3082 = arith.constant 0 : i32
          scf.yield %while3A_3082 : i32
        }
        %scan3A_2591 = arith.constant 0 : i32
        %scan3A_2592 = arith.constant 0 : i32
        %mul3A_2593 = arith.constant 16 : i32
        %mul3A_2594 = arith.muli %scan3A_2592, %mul3A_2593 : i32
        %get3A_2595 = arith.index_cast %mul3A_2594 : i32 to index
        %get3A_2596 = tpu.vector_load %arg7[%get3A_2595] {strides = array<i32>} : memref<2048xi32, #tpu.memory_space<vmem>>, vector<16xi32>,
        %mul3A_2597 = arith.constant 16 : i32
        %mul3A_2598 = arith.muli %scan3A_2592, %mul3A_2597 : i32
        %add3A_2599 = arith.constant 64 : i32
        %add3A_2600 = arith.addi %add3A_2599, %mul3A_2598 : i32
        %get3A_2601 = arith.index_cast %add3A_2600 : i32 to index
        %get3A_2602 = tpu.vector_load %arg7[%get3A_2601] {strides = array<i32>} : memref<2048xi32, #tpu.memory_space<vmem>>, vector<16xi32>,
        %add3A_2603 = arith.addi %get3A_2596, %get3A_2602 : vector<16xi32>
        %mul3A_2604 = arith.constant 16 : i32
        %mul3A_2605 = arith.muli %scan3A_2592, %mul3A_2604 : i32
        %add3A_2606 = arith.constant 128 : i32
        %add3A_2607 = arith.addi %add3A_2606, %mul3A_2605 : i32
        %get3A_2608 = arith.index_cast %add3A_2607 : i32 to index
        %get3A_2609 = tpu.vector_load %arg7[%get3A_2608] {strides = array<i32>} : memref<2048xi32, #tpu.memory_space<vmem>>, vector<16xi32>,
        %add3A_2610 = arith.addi %add3A_2603, %get3A_2609 : vector<16xi32>
        %mul3A_2611 = arith.constant 16 : i32
        %mul3A_2612 = arith.muli %scan3A_2592, %mul3A_2611 : i32
        %add3A_2613 = arith.constant 192 : i32
        %add3A_2614 = arith.addi %add3A_2613, %mul3A_2612 : i32
        %get3A_2615 = arith.index_cast %add3A_2614 : i32 to index
        %get3A_2616 = tpu.vector_load %arg7[%get3A_2615] {strides = array<i32>} : memref<2048xi32, #tpu.memory_space<vmem>>, vector<16xi32>,
        %add3A_2617 = arith.addi %add3A_2610, %get3A_2616 : vector<16xi32>
        %mul3A_2618 = arith.constant 16 : i32
        %mul3A_2619 = arith.muli %scan3A_2592, %mul3A_2618 : i32
        %add3A_2620 = arith.constant 256 : i32
        %add3A_2621 = arith.addi %add3A_2620, %mul3A_2619 : i32
        %get3A_2622 = arith.index_cast %add3A_2621 : i32 to index
        %get3A_2623 = tpu.vector_load %arg7[%get3A_2622] {strides = array<i32>} : memref<2048xi32, #tpu.memory_space<vmem>>, vector<16xi32>,
        %add3A_2624 = arith.addi %add3A_2617, %get3A_2623 : vector<16xi32>
        %mul3A_2625 = arith.constant 16 : i32
        %mul3A_2626 = arith.muli %scan3A_2592, %mul3A_2625 : i32
        %add3A_2627 = arith.constant 320 : i32
        %add3A_2628 = arith.addi %add3A_2627, %mul3A_2626 : i32
        %get3A_2629 = arith.index_cast %add3A_2628 : i32 to index
        %get3A_2630 = tpu.vector_load %arg7[%get3A_2629] {strides = array<i32>} : memref<2048xi32, #tpu.memory_space<vmem>>, vector<16xi32>,
        %add3A_2631 = arith.addi %add3A_2624, %get3A_2630 : vector<16xi32>
        %mul3A_2632 = arith.constant 16 : i32
        %mul3A_2633 = arith.muli %scan3A_2592, %mul3A_2632 : i32
        %add3A_2634 = arith.constant 384 : i32
        %add3A_2635 = arith.addi %add3A_2634, %mul3A_2633 : i32
        %get3A_2636 = arith.index_cast %add3A_2635 : i32 to index
        %get3A_2637 = tpu.vector_load %arg7[%get3A_2636] {strides = array<i32>} : memref<2048xi32, #tpu.memory_space<vmem>>, vector<16xi32>,
        %add3A_2638 = arith.addi %add3A_2631, %get3A_2637 : vector<16xi32>
        %mul3A_2639 = arith.constant 16 : i32
        %mul3A_2640 = arith.muli %scan3A_2592, %mul3A_2639 : i32
        %add3A_2641 = arith.constant 448 : i32
        %add3A_2642 = arith.addi %add3A_2641, %mul3A_2640 : i32
        %get3A_2643 = arith.index_cast %add3A_2642 : i32 to index
        %get3A_2644 = tpu.vector_load %arg7[%get3A_2643] {strides = array<i32>} : memref<2048xi32, #tpu.memory_space<vmem>>, vector<16xi32>,
        %add3A_2645 = arith.addi %add3A_2638, %get3A_2644 : vector<16xi32>
        %mul3A_2646 = arith.constant 16 : i32
        %mul3A_2647 = arith.muli %scan3A_2592, %mul3A_2646 : i32
        %add3A_2648 = arith.constant 512 : i32
        %add3A_2649 = arith.addi %add3A_2648, %mul3A_2647 : i32
        %get3A_2650 = arith.index_cast %add3A_2649 : i32 to index
        %get3A_2651 = tpu.vector_load %arg7[%get3A_2650] {strides = array<i32>} : memref<2048xi32, #tpu.memory_space<vmem>>, vector<16xi32>,
        %add3A_2652 = arith.addi %add3A_2645, %get3A_2651 : vector<16xi32>
        %mul3A_2653 = arith.constant 16 : i32
        %mul3A_2654 = arith.muli %scan3A_2592, %mul3A_2653 : i32
        %add3A_2655 = arith.constant 576 : i32
        %add3A_2656 = arith.addi %add3A_2655, %mul3A_2654 : i32
        %get3A_2657 = arith.index_cast %add3A_2656 : i32 to index
        %get3A_2658 = tpu.vector_load %arg7[%get3A_2657] {strides = array<i32>} : memref<2048xi32, #tpu.memory_space<vmem>>, vector<16xi32>,
        %add3A_2659 = arith.addi %add3A_2652, %get3A_2658 : vector<16xi32>
        %mul3A_2660 = arith.constant 16 : i32
        %mul3A_2661 = arith.muli %scan3A_2592, %mul3A_2660 : i32
        %add3A_2662 = arith.constant 640 : i32
        %add3A_2663 = arith.addi %add3A_2662, %mul3A_2661 : i32
        %get3A_2664 = arith.index_cast %add3A_2663 : i32 to index
        %get3A_2665 = tpu.vector_load %arg7[%get3A_2664] {strides = array<i32>} : memref<2048xi32, #tpu.memory_space<vmem>>, vector<16xi32>,
        %add3A_2666 = arith.addi %add3A_2659, %get3A_2665 : vector<16xi32>
        %mul3A_2667 = arith.constant 16 : i32
        %mul3A_2668 = arith.muli %scan3A_2592, %mul3A_2667 : i32
        %add3A_2669 = arith.constant 704 : i32
        %add3A_2670 = arith.addi %add3A_2669, %mul3A_2668 : i32
        %get3A_2671 = arith.index_cast %add3A_2670 : i32 to index
        %get3A_2672 = tpu.vector_load %arg7[%get3A_2671] {strides = array<i32>} : memref<2048xi32, #tpu.memory_space<vmem>>, vector<16xi32>,
        %add3A_2673 = arith.addi %add3A_2666, %get3A_2672 : vector<16xi32>
        %mul3A_2674 = arith.constant 16 : i32
        %mul3A_2675 = arith.muli %scan3A_2592, %mul3A_2674 : i32
        %add3A_2676 = arith.constant 768 : i32
        %add3A_2677 = arith.addi %add3A_2676, %mul3A_2675 : i32
        %get3A_2678 = arith.index_cast %add3A_2677 : i32 to index
        %get3A_2679 = tpu.vector_load %arg7[%get3A_2678] {strides = array<i32>} : memref<2048xi32, #tpu.memory_space<vmem>>, vector<16xi32>,
        %add3A_2680 = arith.addi %add3A_2673, %get3A_2679 : vector<16xi32>
        %mul3A_2681 = arith.constant 16 : i32
        %mul3A_2682 = arith.muli %scan3A_2592, %mul3A_2681 : i32
        %add3A_2683 = arith.constant 832 : i32
        %add3A_2684 = arith.addi %add3A_2683, %mul3A_2682 : i32
        %get3A_2685 = arith.index_cast %add3A_2684 : i32 to index
        %get3A_2686 = tpu.vector_load %arg7[%get3A_2685] {strides = array<i32>} : memref<2048xi32, #tpu.memory_space<vmem>>, vector<16xi32>,
        %add3A_2687 = arith.addi %add3A_2680, %get3A_2686 : vector<16xi32>
        %mul3A_2688 = arith.constant 16 : i32
        %mul3A_2689 = arith.muli %scan3A_2592, %mul3A_2688 : i32
        %add3A_2690 = arith.constant 896 : i32
        %add3A_2691 = arith.addi %add3A_2690, %mul3A_2689 : i32
        %get3A_2692 = arith.index_cast %add3A_2691 : i32 to index
        %get3A_2693 = tpu.vector_load %arg7[%get3A_2692] {strides = array<i32>} : memref<2048xi32, #tpu.memory_space<vmem>>, vector<16xi32>,
        %add3A_2694 = arith.addi %add3A_2687, %get3A_2693 : vector<16xi32>
        %mul3A_2695 = arith.constant 16 : i32
        %mul3A_2696 = arith.muli %scan3A_2592, %mul3A_2695 : i32
        %add3A_2697 = arith.constant 960 : i32
        %add3A_2698 = arith.addi %add3A_2697, %mul3A_2696 : i32
        %get3A_2699 = arith.index_cast %add3A_2698 : i32 to index
        %get3A_2700 = tpu.vector_load %arg7[%get3A_2699] {strides = array<i32>} : memref<2048xi32, #tpu.memory_space<vmem>>, vector<16xi32>,
        %add3A_2701 = arith.addi %add3A_2694, %get3A_2700 : vector<16xi32>
        %mul3A_2702 = arith.constant 16 : i32
        %mul3A_2703 = arith.muli %scan3A_2592, %mul3A_2702 : i32
        %swap3A_2704 = arith.index_cast %mul3A_2703 : i32 to index
        %swap3A_2705 = tpu.vector_load %arg8[%swap3A_2704] {strides = array<i32>} : memref<128xi32, #tpu.memory_space<vmem>>, vector<16xi32>,
        tpu.vector_store %arg8[%swap3A_2704], %add3A_2701 {strides = array<i32>} : memref<128xi32, #tpu.memory_space<vmem>>, vector<16xi32>,
        %scan3A_2706 = arith.constant 0 : i32
        %scan3A_2707 = arith.constant 1 : i32
        %mul3A_2708 = arith.constant 16 : i32
        %mul3A_2709 = arith.muli %scan3A_2707, %mul3A_2708 : i32
        %get3A_2710 = arith.index_cast %mul3A_2709 : i32 to index
        %get3A_2711 = tpu.vector_load %arg7[%get3A_2710] {strides = array<i32>} : memref<2048xi32, #tpu.memory_space<vmem>>, vector<16xi32>,
        %mul3A_2712 = arith.constant 16 : i32
        %mul3A_2713 = arith.muli %scan3A_2707, %mul3A_2712 : i32
        %add3A_2714 = arith.constant 64 : i32
        %add3A_2715 = arith.addi %add3A_2714, %mul3A_2713 : i32
        %get3A_2716 = arith.index_cast %add3A_2715 : i32 to index
        %get3A_2717 = tpu.vector_load %arg7[%get3A_2716] {strides = array<i32>} : memref<2048xi32, #tpu.memory_space<vmem>>, vector<16xi32>,
        %add3A_2718 = arith.addi %get3A_2711, %get3A_2717 : vector<16xi32>
        %mul3A_2719 = arith.constant 16 : i32
        %mul3A_2720 = arith.muli %scan3A_2707, %mul3A_2719 : i32
        %add3A_2721 = arith.constant 128 : i32
        %add3A_2722 = arith.addi %add3A_2721, %mul3A_2720 : i32
        %get3A_2723 = arith.index_cast %add3A_2722 : i32 to index
        %get3A_2724 = tpu.vector_load %arg7[%get3A_2723] {strides = array<i32>} : memref<2048xi32, #tpu.memory_space<vmem>>, vector<16xi32>,
        %add3A_2725 = arith.addi %add3A_2718, %get3A_2724 : vector<16xi32>
        %mul3A_2726 = arith.constant 16 : i32
        %mul3A_2727 = arith.muli %scan3A_2707, %mul3A_2726 : i32
        %add3A_2728 = arith.constant 192 : i32
        %add3A_2729 = arith.addi %add3A_2728, %mul3A_2727 : i32
        %get3A_2730 = arith.index_cast %add3A_2729 : i32 to index
        %get3A_2731 = tpu.vector_load %arg7[%get3A_2730] {strides = array<i32>} : memref<2048xi32, #tpu.memory_space<vmem>>, vector<16xi32>,
        %add3A_2732 = arith.addi %add3A_2725, %get3A_2731 : vector<16xi32>
        %mul3A_2733 = arith.constant 16 : i32
        %mul3A_2734 = arith.muli %scan3A_2707, %mul3A_2733 : i32
        %add3A_2735 = arith.constant 256 : i32
        %add3A_2736 = arith.addi %add3A_2735, %mul3A_2734 : i32
        %get3A_2737 = arith.index_cast %add3A_2736 : i32 to index
        %get3A_2738 = tpu.vector_load %arg7[%get3A_2737] {strides = array<i32>} : memref<2048xi32, #tpu.memory_space<vmem>>, vector<16xi32>,
        %add3A_2739 = arith.addi %add3A_2732, %get3A_2738 : vector<16xi32>
        %mul3A_2740 = arith.constant 16 : i32
        %mul3A_2741 = arith.muli %scan3A_2707, %mul3A_2740 : i32
        %add3A_2742 = arith.constant 320 : i32
        %add3A_2743 = arith.addi %add3A_2742, %mul3A_2741 : i32
        %get3A_2744 = arith.index_cast %add3A_2743 : i32 to index
        %get3A_2745 = tpu.vector_load %arg7[%get3A_2744] {strides = array<i32>} : memref<2048xi32, #tpu.memory_space<vmem>>, vector<16xi32>,
        %add3A_2746 = arith.addi %add3A_2739, %get3A_2745 : vector<16xi32>
        %mul3A_2747 = arith.constant 16 : i32
        %mul3A_2748 = arith.muli %scan3A_2707, %mul3A_2747 : i32
        %add3A_2749 = arith.constant 384 : i32
        %add3A_2750 = arith.addi %add3A_2749, %mul3A_2748 : i32
        %get3A_2751 = arith.index_cast %add3A_2750 : i32 to index
        %get3A_2752 = tpu.vector_load %arg7[%get3A_2751] {strides = array<i32>} : memref<2048xi32, #tpu.memory_space<vmem>>, vector<16xi32>,
        %add3A_2753 = arith.addi %add3A_2746, %get3A_2752 : vector<16xi32>
        %mul3A_2754 = arith.constant 16 : i32
        %mul3A_2755 = arith.muli %scan3A_2707, %mul3A_2754 : i32
        %add3A_2756 = arith.constant 448 : i32
        %add3A_2757 = arith.addi %add3A_2756, %mul3A_2755 : i32
        %get3A_2758 = arith.index_cast %add3A_2757 : i32 to index
        %get3A_2759 = tpu.vector_load %arg7[%get3A_2758] {strides = array<i32>} : memref<2048xi32, #tpu.memory_space<vmem>>, vector<16xi32>,
        %add3A_2760 = arith.addi %add3A_2753, %get3A_2759 : vector<16xi32>
        %mul3A_2761 = arith.constant 16 : i32
        %mul3A_2762 = arith.muli %scan3A_2707, %mul3A_2761 : i32
        %add3A_2763 = arith.constant 512 : i32
        %add3A_2764 = arith.addi %add3A_2763, %mul3A_2762 : i32
        %get3A_2765 = arith.index_cast %add3A_2764 : i32 to index
        %get3A_2766 = tpu.vector_load %arg7[%get3A_2765] {strides = array<i32>} : memref<2048xi32, #tpu.memory_space<vmem>>, vector<16xi32>,
        %add3A_2767 = arith.addi %add3A_2760, %get3A_2766 : vector<16xi32>
        %mul3A_2768 = arith.constant 16 : i32
        %mul3A_2769 = arith.muli %scan3A_2707, %mul3A_2768 : i32
        %add3A_2770 = arith.constant 576 : i32
        %add3A_2771 = arith.addi %add3A_2770, %mul3A_2769 : i32
        %get3A_2772 = arith.index_cast %add3A_2771 : i32 to index
        %get3A_2773 = tpu.vector_load %arg7[%get3A_2772] {strides = array<i32>} : memref<2048xi32, #tpu.memory_space<vmem>>, vector<16xi32>,
        %add3A_2774 = arith.addi %add3A_2767, %get3A_2773 : vector<16xi32>
        %mul3A_2775 = arith.constant 16 : i32
        %mul3A_2776 = arith.muli %scan3A_2707, %mul3A_2775 : i32
        %add3A_2777 = arith.constant 640 : i32
        %add3A_2778 = arith.addi %add3A_2777, %mul3A_2776 : i32
        %get3A_2779 = arith.index_cast %add3A_2778 : i32 to index
        %get3A_2780 = tpu.vector_load %arg7[%get3A_2779] {strides = array<i32>} : memref<2048xi32, #tpu.memory_space<vmem>>, vector<16xi32>,
        %add3A_2781 = arith.addi %add3A_2774, %get3A_2780 : vector<16xi32>
        %mul3A_2782 = arith.constant 16 : i32
        %mul3A_2783 = arith.muli %scan3A_2707, %mul3A_2782 : i32
        %add3A_2784 = arith.constant 704 : i32
        %add3A_2785 = arith.addi %add3A_2784, %mul3A_2783 : i32
        %get3A_2786 = arith.index_cast %add3A_2785 : i32 to index
        %get3A_2787 = tpu.vector_load %arg7[%get3A_2786] {strides = array<i32>} : memref<2048xi32, #tpu.memory_space<vmem>>, vector<16xi32>,
        %add3A_2788 = arith.addi %add3A_2781, %get3A_2787 : vector<16xi32>
        %mul3A_2789 = arith.constant 16 : i32
        %mul3A_2790 = arith.muli %scan3A_2707, %mul3A_2789 : i32
        %add3A_2791 = arith.constant 768 : i32
        %add3A_2792 = arith.addi %add3A_2791, %mul3A_2790 : i32
        %get3A_2793 = arith.index_cast %add3A_2792 : i32 to index
        %get3A_2794 = tpu.vector_load %arg7[%get3A_2793] {strides = array<i32>} : memref<2048xi32, #tpu.memory_space<vmem>>, vector<16xi32>,
        %add3A_2795 = arith.addi %add3A_2788, %get3A_2794 : vector<16xi32>
        %mul3A_2796 = arith.constant 16 : i32
        %mul3A_2797 = arith.muli %scan3A_2707, %mul3A_2796 : i32
        %add3A_2798 = arith.constant 832 : i32
        %add3A_2799 = arith.addi %add3A_2798, %mul3A_2797 : i32
        %get3A_2800 = arith.index_cast %add3A_2799 : i32 to index
        %get3A_2801 = tpu.vector_load %arg7[%get3A_2800] {strides = array<i32>} : memref<2048xi32, #tpu.memory_space<vmem>>, vector<16xi32>,
        %add3A_2802 = arith.addi %add3A_2795, %get3A_2801 : vector<16xi32>
        %mul3A_2803 = arith.constant 16 : i32
        %mul3A_2804 = arith.muli %scan3A_2707, %mul3A_2803 : i32
        %add3A_2805 = arith.constant 896 : i32
        %add3A_2806 = arith.addi %add3A_2805, %mul3A_2804 : i32
        %get3A_2807 = arith.index_cast %add3A_2806 : i32 to index
        %get3A_2808 = tpu.vector_load %arg7[%get3A_2807] {strides = array<i32>} : memref<2048xi32, #tpu.memory_space<vmem>>, vector<16xi32>,
        %add3A_2809 = arith.addi %add3A_2802, %get3A_2808 : vector<16xi32>
        %mul3A_2810 = arith.constant 16 : i32
        %mul3A_2811 = arith.muli %scan3A_2707, %mul3A_2810 : i32
        %add3A_2812 = arith.constant 960 : i32
        %add3A_2813 = arith.addi %add3A_2812, %mul3A_2811 : i32
        %get3A_2814 = arith.index_cast %add3A_2813 : i32 to index
        %get3A_2815 = tpu.vector_load %arg7[%get3A_2814] {strides = array<i32>} : memref<2048xi32, #tpu.memory_space<vmem>>, vector<16xi32>,
        %add3A_2816 = arith.addi %add3A_2809, %get3A_2815 : vector<16xi32>
        %mul3A_2817 = arith.constant 16 : i32
        %mul3A_2818 = arith.muli %scan3A_2707, %mul3A_2817 : i32
        %swap3A_2819 = arith.index_cast %mul3A_2818 : i32 to index
        %swap3A_2820 = tpu.vector_load %arg8[%swap3A_2819] {strides = array<i32>} : memref<128xi32, #tpu.memory_space<vmem>>, vector<16xi32>,
        tpu.vector_store %arg8[%swap3A_2819], %add3A_2816 {strides = array<i32>} : memref<128xi32, #tpu.memory_space<vmem>>, vector<16xi32>,
        %scan3A_2821 = arith.constant 0 : i32
        %scan3A_2822 = arith.constant 2 : i32
        %mul3A_2823 = arith.constant 16 : i32
        %mul3A_2824 = arith.muli %scan3A_2822, %mul3A_2823 : i32
        %get3A_2825 = arith.index_cast %mul3A_2824 : i32 to index
        %get3A_2826 = tpu.vector_load %arg7[%get3A_2825] {strides = array<i32>} : memref<2048xi32, #tpu.memory_space<vmem>>, vector<16xi32>,
        %mul3A_2827 = arith.constant 16 : i32
        %mul3A_2828 = arith.muli %scan3A_2822, %mul3A_2827 : i32
        %add3A_2829 = arith.constant 64 : i32
        %add3A_2830 = arith.addi %add3A_2829, %mul3A_2828 : i32
        %get3A_2831 = arith.index_cast %add3A_2830 : i32 to index
        %get3A_2832 = tpu.vector_load %arg7[%get3A_2831] {strides = array<i32>} : memref<2048xi32, #tpu.memory_space<vmem>>, vector<16xi32>,
        %add3A_2833 = arith.addi %get3A_2826, %get3A_2832 : vector<16xi32>
        %mul3A_2834 = arith.constant 16 : i32
        %mul3A_2835 = arith.muli %scan3A_2822, %mul3A_2834 : i32
        %add3A_2836 = arith.constant 128 : i32
        %add3A_2837 = arith.addi %add3A_2836, %mul3A_2835 : i32
        %get3A_2838 = arith.index_cast %add3A_2837 : i32 to index
        %get3A_2839 = tpu.vector_load %arg7[%get3A_2838] {strides = array<i32>} : memref<2048xi32, #tpu.memory_space<vmem>>, vector<16xi32>,
        %add3A_2840 = arith.addi %add3A_2833, %get3A_2839 : vector<16xi32>
        %mul3A_2841 = arith.constant 16 : i32
        %mul3A_2842 = arith.muli %scan3A_2822, %mul3A_2841 : i32
        %add3A_2843 = arith.constant 192 : i32
        %add3A_2844 = arith.addi %add3A_2843, %mul3A_2842 : i32
        %get3A_2845 = arith.index_cast %add3A_2844 : i32 to index
        %get3A_2846 = tpu.vector_load %arg7[%get3A_2845] {strides = array<i32>} : memref<2048xi32, #tpu.memory_space<vmem>>, vector<16xi32>,
        %add3A_2847 = arith.addi %add3A_2840, %get3A_2846 : vector<16xi32>
        %mul3A_2848 = arith.constant 16 : i32
        %mul3A_2849 = arith.muli %scan3A_2822, %mul3A_2848 : i32
        %add3A_2850 = arith.constant 256 : i32
        %add3A_2851 = arith.addi %add3A_2850, %mul3A_2849 : i32
        %get3A_2852 = arith.index_cast %add3A_2851 : i32 to index
        %get3A_2853 = tpu.vector_load %arg7[%get3A_2852] {strides = array<i32>} : memref<2048xi32, #tpu.memory_space<vmem>>, vector<16xi32>,
        %add3A_2854 = arith.addi %add3A_2847, %get3A_2853 : vector<16xi32>
        %mul3A_2855 = arith.constant 16 : i32
        %mul3A_2856 = arith.muli %scan3A_2822, %mul3A_2855 : i32
        %add3A_2857 = arith.constant 320 : i32
        %add3A_2858 = arith.addi %add3A_2857, %mul3A_2856 : i32
        %get3A_2859 = arith.index_cast %add3A_2858 : i32 to index
        %get3A_2860 = tpu.vector_load %arg7[%get3A_2859] {strides = array<i32>} : memref<2048xi32, #tpu.memory_space<vmem>>, vector<16xi32>,
        %add3A_2861 = arith.addi %add3A_2854, %get3A_2860 : vector<16xi32>
        %mul3A_2862 = arith.constant 16 : i32
        %mul3A_2863 = arith.muli %scan3A_2822, %mul3A_2862 : i32
        %add3A_2864 = arith.constant 384 : i32
        %add3A_2865 = arith.addi %add3A_2864, %mul3A_2863 : i32
        %get3A_2866 = arith.index_cast %add3A_2865 : i32 to index
        %get3A_2867 = tpu.vector_load %arg7[%get3A_2866] {strides = array<i32>} : memref<2048xi32, #tpu.memory_space<vmem>>, vector<16xi32>,
        %add3A_2868 = arith.addi %add3A_2861, %get3A_2867 : vector<16xi32>
        %mul3A_2869 = arith.constant 16 : i32
        %mul3A_2870 = arith.muli %scan3A_2822, %mul3A_2869 : i32
        %add3A_2871 = arith.constant 448 : i32
        %add3A_2872 = arith.addi %add3A_2871, %mul3A_2870 : i32
        %get3A_2873 = arith.index_cast %add3A_2872 : i32 to index
        %get3A_2874 = tpu.vector_load %arg7[%get3A_2873] {strides = array<i32>} : memref<2048xi32, #tpu.memory_space<vmem>>, vector<16xi32>,
        %add3A_2875 = arith.addi %add3A_2868, %get3A_2874 : vector<16xi32>
        %mul3A_2876 = arith.constant 16 : i32
        %mul3A_2877 = arith.muli %scan3A_2822, %mul3A_2876 : i32
        %add3A_2878 = arith.constant 512 : i32
        %add3A_2879 = arith.addi %add3A_2878, %mul3A_2877 : i32
        %get3A_2880 = arith.index_cast %add3A_2879 : i32 to index
        %get3A_2881 = tpu.vector_load %arg7[%get3A_2880] {strides = array<i32>} : memref<2048xi32, #tpu.memory_space<vmem>>, vector<16xi32>,
        %add3A_2882 = arith.addi %add3A_2875, %get3A_2881 : vector<16xi32>
        %mul3A_2883 = arith.constant 16 : i32
        %mul3A_2884 = arith.muli %scan3A_2822, %mul3A_2883 : i32
        %add3A_2885 = arith.constant 576 : i32
        %add3A_2886 = arith.addi %add3A_2885, %mul3A_2884 : i32
        %get3A_2887 = arith.index_cast %add3A_2886 : i32 to index
        %get3A_2888 = tpu.vector_load %arg7[%get3A_2887] {strides = array<i32>} : memref<2048xi32, #tpu.memory_space<vmem>>, vector<16xi32>,
        %add3A_2889 = arith.addi %add3A_2882, %get3A_2888 : vector<16xi32>
        %mul3A_2890 = arith.constant 16 : i32
        %mul3A_2891 = arith.muli %scan3A_2822, %mul3A_2890 : i32
        %add3A_2892 = arith.constant 640 : i32
        %add3A_2893 = arith.addi %add3A_2892, %mul3A_2891 : i32
        %get3A_2894 = arith.index_cast %add3A_2893 : i32 to index
        %get3A_2895 = tpu.vector_load %arg7[%get3A_2894] {strides = array<i32>} : memref<2048xi32, #tpu.memory_space<vmem>>, vector<16xi32>,
        %add3A_2896 = arith.addi %add3A_2889, %get3A_2895 : vector<16xi32>
        %mul3A_2897 = arith.constant 16 : i32
        %mul3A_2898 = arith.muli %scan3A_2822, %mul3A_2897 : i32
        %add3A_2899 = arith.constant 704 : i32
        %add3A_2900 = arith.addi %add3A_2899, %mul3A_2898 : i32
        %get3A_2901 = arith.index_cast %add3A_2900 : i32 to index
        %get3A_2902 = tpu.vector_load %arg7[%get3A_2901] {strides = array<i32>} : memref<2048xi32, #tpu.memory_space<vmem>>, vector<16xi32>,
        %add3A_2903 = arith.addi %add3A_2896, %get3A_2902 : vector<16xi32>
        %mul3A_2904 = arith.constant 16 : i32
        %mul3A_2905 = arith.muli %scan3A_2822, %mul3A_2904 : i32
        %add3A_2906 = arith.constant 768 : i32
        %add3A_2907 = arith.addi %add3A_2906, %mul3A_2905 : i32
        %get3A_2908 = arith.index_cast %add3A_2907 : i32 to index
        %get3A_2909 = tpu.vector_load %arg7[%get3A_2908] {strides = array<i32>} : memref<2048xi32, #tpu.memory_space<vmem>>, vector<16xi32>,
        %add3A_2910 = arith.addi %add3A_2903, %get3A_2909 : vector<16xi32>
        %mul3A_2911 = arith.constant 16 : i32
        %mul3A_2912 = arith.muli %scan3A_2822, %mul3A_2911 : i32
        %add3A_2913 = arith.constant 832 : i32
        %add3A_2914 = arith.addi %add3A_2913, %mul3A_2912 : i32
        %get3A_2915 = arith.index_cast %add3A_2914 : i32 to index
        %get3A_2916 = tpu.vector_load %arg7[%get3A_2915] {strides = array<i32>} : memref<2048xi32, #tpu.memory_space<vmem>>, vector<16xi32>,
        %add3A_2917 = arith.addi %add3A_2910, %get3A_2916 : vector<16xi32>
        %mul3A_2918 = arith.constant 16 : i32
        %mul3A_2919 = arith.muli %scan3A_2822, %mul3A_2918 : i32
        %add3A_2920 = arith.constant 896 : i32
        %add3A_2921 = arith.addi %add3A_2920, %mul3A_2919 : i32
        %get3A_2922 = arith.index_cast %add3A_2921 : i32 to index
        %get3A_2923 = tpu.vector_load %arg7[%get3A_2922] {strides = array<i32>} : memref<2048xi32, #tpu.memory_space<vmem>>, vector<16xi32>,
        %add3A_2924 = arith.addi %add3A_2917, %get3A_2923 : vector<16xi32>
        %mul3A_2925 = arith.constant 16 : i32
        %mul3A_2926 = arith.muli %scan3A_2822, %mul3A_2925 : i32
        %add3A_2927 = arith.constant 960 : i32
        %add3A_2928 = arith.addi %add3A_2927, %mul3A_2926 : i32
        %get3A_2929 = arith.index_cast %add3A_2928 : i32 to index
        %get3A_2930 = tpu.vector_load %arg7[%get3A_2929] {strides = array<i32>} : memref<2048xi32, #tpu.memory_space<vmem>>, vector<16xi32>,
        %add3A_2931 = arith.addi %add3A_2924, %get3A_2930 : vector<16xi32>
        %mul3A_2932 = arith.constant 16 : i32
        %mul3A_2933 = arith.muli %scan3A_2822, %mul3A_2932 : i32
        %swap3A_2934 = arith.index_cast %mul3A_2933 : i32 to index
        %swap3A_2935 = tpu.vector_load %arg8[%swap3A_2934] {strides = array<i32>} : memref<128xi32, #tpu.memory_space<vmem>>, vector<16xi32>,
        tpu.vector_store %arg8[%swap3A_2934], %add3A_2931 {strides = array<i32>} : memref<128xi32, #tpu.memory_space<vmem>>, vector<16xi32>,
        %scan3A_2936 = arith.constant 0 : i32
        %scan3A_2937 = arith.constant 3 : i32
        %mul3A_2938 = arith.constant 16 : i32
        %mul3A_2939 = arith.muli %scan3A_2937, %mul3A_2938 : i32
        %get3A_2940 = arith.index_cast %mul3A_2939 : i32 to index
        %get3A_2941 = tpu.vector_load %arg7[%get3A_2940] {strides = array<i32>} : memref<2048xi32, #tpu.memory_space<vmem>>, vector<16xi32>,
        %mul3A_2942 = arith.constant 16 : i32
        %mul3A_2943 = arith.muli %scan3A_2937, %mul3A_2942 : i32
        %add3A_2944 = arith.constant 64 : i32
        %add3A_2945 = arith.addi %add3A_2944, %mul3A_2943 : i32
        %get3A_2946 = arith.index_cast %add3A_2945 : i32 to index
        %get3A_2947 = tpu.vector_load %arg7[%get3A_2946] {strides = array<i32>} : memref<2048xi32, #tpu.memory_space<vmem>>, vector<16xi32>,
        %add3A_2948 = arith.addi %get3A_2941, %get3A_2947 : vector<16xi32>
        %mul3A_2949 = arith.constant 16 : i32
        %mul3A_2950 = arith.muli %scan3A_2937, %mul3A_2949 : i32
        %add3A_2951 = arith.constant 128 : i32
        %add3A_2952 = arith.addi %add3A_2951, %mul3A_2950 : i32
        %get3A_2953 = arith.index_cast %add3A_2952 : i32 to index
        %get3A_2954 = tpu.vector_load %arg7[%get3A_2953] {strides = array<i32>} : memref<2048xi32, #tpu.memory_space<vmem>>, vector<16xi32>,
        %add3A_2955 = arith.addi %add3A_2948, %get3A_2954 : vector<16xi32>
        %mul3A_2956 = arith.constant 16 : i32
        %mul3A_2957 = arith.muli %scan3A_2937, %mul3A_2956 : i32
        %add3A_2958 = arith.constant 192 : i32
        %add3A_2959 = arith.addi %add3A_2958, %mul3A_2957 : i32
        %get3A_2960 = arith.index_cast %add3A_2959 : i32 to index
        %get3A_2961 = tpu.vector_load %arg7[%get3A_2960] {strides = array<i32>} : memref<2048xi32, #tpu.memory_space<vmem>>, vector<16xi32>,
        %add3A_2962 = arith.addi %add3A_2955, %get3A_2961 : vector<16xi32>
        %mul3A_2963 = arith.constant 16 : i32
        %mul3A_2964 = arith.muli %scan3A_2937, %mul3A_2963 : i32
        %add3A_2965 = arith.constant 256 : i32
        %add3A_2966 = arith.addi %add3A_2965, %mul3A_2964 : i32
        %get3A_2967 = arith.index_cast %add3A_2966 : i32 to index
        %get3A_2968 = tpu.vector_load %arg7[%get3A_2967] {strides = array<i32>} : memref<2048xi32, #tpu.memory_space<vmem>>, vector<16xi32>,
        %add3A_2969 = arith.addi %add3A_2962, %get3A_2968 : vector<16xi32>
        %mul3A_2970 = arith.constant 16 : i32
        %mul3A_2971 = arith.muli %scan3A_2937, %mul3A_2970 : i32
        %add3A_2972 = arith.constant 320 : i32
        %add3A_2973 = arith.addi %add3A_2972, %mul3A_2971 : i32
        %get3A_2974 = arith.index_cast %add3A_2973 : i32 to index
        %get3A_2975 = tpu.vector_load %arg7[%get3A_2974] {strides = array<i32>} : memref<2048xi32, #tpu.memory_space<vmem>>, vector<16xi32>,
        %add3A_2976 = arith.addi %add3A_2969, %get3A_2975 : vector<16xi32>
        %mul3A_2977 = arith.constant 16 : i32
        %mul3A_2978 = arith.muli %scan3A_2937, %mul3A_2977 : i32
        %add3A_2979 = arith.constant 384 : i32
        %add3A_2980 = arith.addi %add3A_2979, %mul3A_2978 : i32
        %get3A_2981 = arith.index_cast %add3A_2980 : i32 to index
        %get3A_2982 = tpu.vector_load %arg7[%get3A_2981] {strides = array<i32>} : memref<2048xi32, #tpu.memory_space<vmem>>, vector<16xi32>,
        %add3A_2983 = arith.addi %add3A_2976, %get3A_2982 : vector<16xi32>
        %mul3A_2984 = arith.constant 16 : i32
        %mul3A_2985 = arith.muli %scan3A_2937, %mul3A_2984 : i32
        %add3A_2986 = arith.constant 448 : i32
        %add3A_2987 = arith.addi %add3A_2986, %mul3A_2985 : i32
        %get3A_2988 = arith.index_cast %add3A_2987 : i32 to index
        %get3A_2989 = tpu.vector_load %arg7[%get3A_2988] {strides = array<i32>} : memref<2048xi32, #tpu.memory_space<vmem>>, vector<16xi32>,
        %add3A_2990 = arith.addi %add3A_2983, %get3A_2989 : vector<16xi32>
        %mul3A_2991 = arith.constant 16 : i32
        %mul3A_2992 = arith.muli %scan3A_2937, %mul3A_2991 : i32
        %add3A_2993 = arith.constant 512 : i32
        %add3A_2994 = arith.addi %add3A_2993, %mul3A_2992 : i32
        %get3A_2995 = arith.index_cast %add3A_2994 : i32 to index
        %get3A_2996 = tpu.vector_load %arg7[%get3A_2995] {strides = array<i32>} : memref<2048xi32, #tpu.memory_space<vmem>>, vector<16xi32>,
        %add3A_2997 = arith.addi %add3A_2990, %get3A_2996 : vector<16xi32>
        %mul3A_2998 = arith.constant 16 : i32
        %mul3A_2999 = arith.muli %scan3A_2937, %mul3A_2998 : i32
        %add3A_3000 = arith.constant 576 : i32
        %add3A_3001 = arith.addi %add3A_3000, %mul3A_2999 : i32
        %get3A_3002 = arith.index_cast %add3A_3001 : i32 to index
        %get3A_3003 = tpu.vector_load %arg7[%get3A_3002] {strides = array<i32>} : memref<2048xi32, #tpu.memory_space<vmem>>, vector<16xi32>,
        %add3A_3004 = arith.addi %add3A_2997, %get3A_3003 : vector<16xi32>
        %mul3A_3005 = arith.constant 16 : i32
        %mul3A_3006 = arith.muli %scan3A_2937, %mul3A_3005 : i32
        %add3A_3007 = arith.constant 640 : i32
        %add3A_3008 = arith.addi %add3A_3007, %mul3A_3006 : i32
        %get3A_3009 = arith.index_cast %add3A_3008 : i32 to index
        %get3A_3010 = tpu.vector_load %arg7[%get3A_3009] {strides = array<i32>} : memref<2048xi32, #tpu.memory_space<vmem>>, vector<16xi32>,
        %add3A_3011 = arith.addi %add3A_3004, %get3A_3010 : vector<16xi32>
        %mul3A_3012 = arith.constant 16 : i32
        %mul3A_3013 = arith.muli %scan3A_2937, %mul3A_3012 : i32
        %add3A_3014 = arith.constant 704 : i32
        %add3A_3015 = arith.addi %add3A_3014, %mul3A_3013 : i32
        %get3A_3016 = arith.index_cast %add3A_3015 : i32 to index
        %get3A_3017 = tpu.vector_load %arg7[%get3A_3016] {strides = array<i32>} : memref<2048xi32, #tpu.memory_space<vmem>>, vector<16xi32>,
        %add3A_3018 = arith.addi %add3A_3011, %get3A_3017 : vector<16xi32>
        %mul3A_3019 = arith.constant 16 : i32
        %mul3A_3020 = arith.muli %scan3A_2937, %mul3A_3019 : i32
        %add3A_3021 = arith.constant 768 : i32
        %add3A_3022 = arith.addi %add3A_3021, %mul3A_3020 : i32
        %get3A_3023 = arith.index_cast %add3A_3022 : i32 to index
        %get3A_3024 = tpu.vector_load %arg7[%get3A_3023] {strides = array<i32>} : memref<2048xi32, #tpu.memory_space<vmem>>, vector<16xi32>,
        %add3A_3025 = arith.addi %add3A_3018, %get3A_3024 : vector<16xi32>
        %mul3A_3026 = arith.constant 16 : i32
        %mul3A_3027 = arith.muli %scan3A_2937, %mul3A_3026 : i32
        %add3A_3028 = arith.constant 832 : i32
        %add3A_3029 = arith.addi %add3A_3028, %mul3A_3027 : i32
        %get3A_3030 = arith.index_cast %add3A_3029 : i32 to index
        %get3A_3031 = tpu.vector_load %arg7[%get3A_3030] {strides = array<i32>} : memref<2048xi32, #tpu.memory_space<vmem>>, vector<16xi32>,
        %add3A_3032 = arith.addi %add3A_3025, %get3A_3031 : vector<16xi32>
        %mul3A_3033 = arith.constant 16 : i32
        %mul3A_3034 = arith.muli %scan3A_2937, %mul3A_3033 : i32
        %add3A_3035 = arith.constant 896 : i32
        %add3A_3036 = arith.addi %add3A_3035, %mul3A_3034 : i32
        %get3A_3037 = arith.index_cast %add3A_3036 : i32 to index
        %get3A_3038 = tpu.vector_load %arg7[%get3A_3037] {strides = array<i32>} : memref<2048xi32, #tpu.memory_space<vmem>>, vector<16xi32>,
        %add3A_3039 = arith.addi %add3A_3032, %get3A_3038 : vector<16xi32>
        %mul3A_3040 = arith.constant 16 : i32
        %mul3A_3041 = arith.muli %scan3A_2937, %mul3A_3040 : i32
        %add3A_3042 = arith.constant 960 : i32
        %add3A_3043 = arith.addi %add3A_3042, %mul3A_3041 : i32
        %get3A_3044 = arith.index_cast %add3A_3043 : i32 to index
        %get3A_3045 = tpu.vector_load %arg7[%get3A_3044] {strides = array<i32>} : memref<2048xi32, #tpu.memory_space<vmem>>, vector<16xi32>,
        %add3A_3046 = arith.addi %add3A_3039, %get3A_3045 : vector<16xi32>
        %mul3A_3047 = arith.constant 16 : i32
        %mul3A_3048 = arith.muli %scan3A_2937, %mul3A_3047 : i32
        %swap3A_3049 = arith.index_cast %mul3A_3048 : i32 to index
        %swap3A_3050 = tpu.vector_load %arg8[%swap3A_3049] {strides = array<i32>} : memref<128xi32, #tpu.memory_space<vmem>>, vector<16xi32>,
        tpu.vector_store %arg8[%swap3A_3049], %add3A_3046 {strides = array<i32>} : memref<128xi32, #tpu.memory_space<vmem>>, vector<16xi32>,
        %scan3A_3051 = arith.constant 0 : i32
        %scan3A_3052 = arith.constant 4 : i32
        %scan3A_3053 = arith.constant 0 : i32
        %scan3A_3054 = arith.constant -1 : i32
        %scan3A_3055 = arith.constant 0 : i32
        %scan3A_3056 = arith.constant 0 : i32
        %scan3A_3057 = arith.constant 4 : i32
        %scan3A_3058 = arith.addi %scan3A_3056, %scan3A_3057 : i32
        %scan3A_3059 = arith.constant 1 : i32
        %scan3A_3060:3 = scf.for %scan3A_3065 = %scan3A_3056 to %scan3A_3058 step %scan3A_3059 iter_args(%scan3A_3066 = %scan3A_3053, %scan3A_3067 = %scan3A_3054, %scan3A_3068 = %scan3A_3055) -> (i32, i32, i32)  : i32 {
          %sub3A_3069 = arith.constant 3 : i32
          %sub3A_3070 = arith.subi %sub3A_3069, %scan3A_3065 : i32
          %mul3A_3071 = arith.constant 16 : i32
          %mul3A_3072 = arith.muli %sub3A_3070, %mul3A_3071 : i32
          %get3A_3073 = arith.index_cast %mul3A_3072 : i32 to index
          %get3A_3074 = tpu.vector_load %arg8[%get3A_3073] {strides = array<i32>} : memref<128xi32, #tpu.memory_space<vmem>>, vector<16xi32>,
          %broadcast_in_dim3A_3075 = arith.constant true
          %broadcast_in_dim3A_3076 = vector.broadcast %broadcast_in_dim3A_3075 : i1 to vector<16xi1>
          %masked_cumsum3A = tpu.scan <sum>, %get3A_3074 masked %broadcast_in_dim3A_3076 : vector<16xi32>, vector<16xi1> -> vector<16xi32>
          %slice3A_3077 = vector.extract_strided_slice %masked_cumsum3A {offsets = [15], sizes = [1], strides = [1]} : vector<16xi32> to vector<1xi32>
          %squeeze3A_3078 = vector.extract %slice3A_3077[0] : i32 from vector<1xi32>
          %add3A_3079 = arith.addi %scan3A_3066, %squeeze3A_3078 : i32
          %sub3A_3080 = vector.broadcast %add3A_3079 : i32 to vector<16xi32>
          %sub3A_3081 = arith.subi %sub3A_3080, %masked_cumsum3A : vector<16xi32>
          %add3A_3082 = arith.addi %sub3A_3081, %get3A_3074 : vector<16xi32>
          %ge3A = vector.broadcast %scan3A_2530#2 : i32 to vector<16xi32>
          %ge3A_3083 = arith.cmpi sge, %add3A_3082, %ge3A : vector<16xi32>
          %convert_element_type3A_3084 = arith.extui %ge3A_3083 : vector<16xi1> to vector<16xi32>
          %reduce_sum3A = arith.constant true
          %reduce_sum3A_3085 = vector.broadcast %reduce_sum3A : i1 to vector<16xi1>
          %reduce_sum3A_3086 = tpu.scan <sum>, %convert_element_type3A_3084 masked %reduce_sum3A_3085 : vector<16xi32>, vector<16xi1> -> vector<16xi32>
          %reduce_sum3A_3087 = vector.extract %reduce_sum3A_3086[15] : i32 from vector<16xi32>
          %sub3A_3088 = arith.constant 1 : i32
          %sub3A_3089 = arith.subi %reduce_sum3A_3087, %sub3A_3088 : i32
          %eq3A = vector.broadcast %sub3A_3089 : i32 to vector<16xi32>
          %eq3A_3090 = arith.cmpi eq, %iota3A, %eq3A : vector<16xi32>
          %sub3A_3091 = arith.subi %add3A_3082, %get3A_3074 : vector<16xi32>
          %jit3A_3092 = arith.constant 0 : i32
          %broadcast_in_dim3A_3093 = vector.broadcast %jit3A_3092 : i32 to vector<16xi32>
          %select_n3A_3094 = arith.select %eq3A_3090, %sub3A_3091, %broadcast_in_dim3A_3093 : vector<16xi1>, vector<16xi32>
          %reduce_sum3A_3095 = arith.constant true
          %reduce_sum3A_3096 = vector.broadcast %reduce_sum3A_3095 : i1 to vector<16xi1>
          %reduce_sum3A_3097 = tpu.scan <sum>, %select_n3A_3094 masked %reduce_sum3A_3096 : vector<16xi32>, vector<16xi1> -> vector<16xi32>
          %reduce_sum3A_3098 = vector.extract %reduce_sum3A_3097[15] : i32 from vector<16xi32>
          %ge3A_3099 = arith.constant 0 : i32
          %ge3A_3100 = arith.cmpi sge, %sub3A_3089, %ge3A_3099 : i32
          %lt3A = arith.constant 0 : i32
          %lt3A_3101 = arith.cmpi slt, %scan3A_3067, %lt3A : i32
          %and3A_3102 = arith.andi %ge3A_3100, %lt3A_3101 : i1
          %mul3A_3103 = arith.constant 16 : i32
          %mul3A_3104 = arith.muli %sub3A_3070, %mul3A_3103 : i32
          %add3A_3105 = arith.addi %mul3A_3104, %sub3A_3089 : i32
          %select_n3A_3106 = arith.select %and3A_3102, %add3A_3105, %scan3A_3067 : i32
          %sub3A_3107 = arith.subi %scan3A_2530#2, %reduce_sum3A_3098 : i32
          %select_n3A_3108 = arith.select %and3A_3102, %sub3A_3107, %scan3A_3068 : i32
          %add3A_3109 = arith.addi %scan3A_3066, %squeeze3A_3078 : i32
          scf.yield %add3A_3109, %select_n3A_3106, %select_n3A_3108 : i32, i32, i32
        }
        %scan3A_3061 = arith.constant 4 : i32
        %shift_left3A_3062 = arith.constant 6 : i32
        %shift_left3A_3063 = arith.shli %or3A_2534, %shift_left3A_3062 : i32
        %or3A_3064 = arith.ori %shift_left3A_3063, %scan3A_3060#1 : i32
        scf.yield %or3A_3064 : i32
      }
      %parallel_loop3A_1482 = arith.constant 0 : i32
      %parallel_loop3A_1483 = arith.constant 2048 : i32
      %parallel_loop3A_1484 = arith.constant 1 : i32
      scf.for %parallel_loop3A_1487 = %parallel_loop3A_1482 to %parallel_loop3A_1483 step %parallel_loop3A_1484  : i32 {
        %parallel_loop3A_1488 = arith.constant 16 : i32
        %parallel_loop3A_1489 = arith.muli %parallel_loop3A_1487, %parallel_loop3A_1488 : i32
        %parallel_loop3A_1490 = arith.index_cast %parallel_loop3A_1489 : i32 to index
        %parallel_loop3A_1491 = tpu.vector_load %arg5[%parallel_loop3A_1490] {strides = array<i32>} : memref<32768xf32, #tpu.memory_space<vmem>>, vector<16xf32>,
        %parallel_loop3A_1492 = vector.bitcast %parallel_loop3A_1491 : vector<16xf32> to vector<16xi32>
        %parallel_loop3A_1493 = vector.broadcast %scan3A : i32 to vector<16xi32>
        %parallel_loop3A_1494 = arith.andi %parallel_loop3A_1492, %parallel_loop3A_1493 : vector<16xi32>
        %parallel_loop3A_1495 = vector.broadcast %cond3A_1481 : i32 to vector<16xi32>
        %parallel_loop3A_1496 = arith.cmpi sge, %parallel_loop3A_1494, %parallel_loop3A_1495 : vector<16xi32>
        %parallel_loop3A_1497 = arith.constant 0.000000e+00 : f32
        %parallel_loop3A_1498 = vector.broadcast %parallel_loop3A_1497 : f32 to vector<16xf32>
        %parallel_loop3A_1499 = arith.select %parallel_loop3A_1496, %parallel_loop3A_1491, %parallel_loop3A_1498 : vector<16xi1>, vector<16xf32>
        %parallel_loop3A_1500 = arith.constant 16 : i32
        %parallel_loop3A_1501 = arith.muli %parallel_loop3A_1487, %parallel_loop3A_1500 : i32
        %parallel_loop3A_1502 = arith.index_cast %parallel_loop3A_1501 : i32 to index
        %parallel_loop3A_1503 = tpu.vector_load %arg5[%parallel_loop3A_1502] {strides = array<i32>} : memref<32768xf32, #tpu.memory_space<vmem>>, vector<16xf32>,
        tpu.vector_store %arg5[%parallel_loop3A_1502], %parallel_loop3A_1499 {strides = array<i32>} : memref<32768xf32, #tpu.memory_space<vmem>>, vector<16xf32>,
      } {sc.loop_unroll_factor = 16 : i64, sc.parallel_access}
      %add3A_1485 = arith.addi %mul3A_4, %scan3A_12 : i32
      "tpu.region"() ({
        %run_scoped3A = tpu.sem_alloc : memref<!tpu.dma_semaphore, #tpu.memory_space<semaphore_mem>>
        %dma_start3A = arith.constant 0 : i32
        %dma_start3A_1487 = tpu.memref_slice %arg4[%add3A_1485, %dma_start3A] : memref<128x32768xf32, #tpu.memory_space<hbm>> -> memref<1x32768xf32, #tpu.memory_space<hbm>>
        %dma_start3A_1488 = tpu.memref_squeeze %dma_start3A_1487 : memref<1x32768xf32, #tpu.memory_space<hbm>> -> memref<32768xf32, #tpu.memory_space<hbm>>
        %dma_start3A_1489 = arith.constant 0 : i32
        %dma_start3A_1490 = tpu.memref_slice %arg4[%add3A_1485, %dma_start3A_1489] : memref<128x32768xf32, #tpu.memory_space<hbm>> -> memref<1x32768xf32, #tpu.memory_space<hbm>>
        %dma_start3A_1491 = tpu.memref_squeeze %dma_start3A_1490 : memref<1x32768xf32, #tpu.memory_space<hbm>> -> memref<32768xf32, #tpu.memory_space<hbm>>
        tpu.enqueue_dma source(%arg5 : memref<32768xf32, #tpu.memory_space<vmem>>) target(%dma_start3A_1491 : memref<32768xf32, #tpu.memory_space<hbm>>) target_semaphore(%run_scoped3A : memref<!tpu.dma_semaphore, #tpu.memory_space<semaphore_mem>>)
        %dma_wait3A = arith.constant 0 : i32
        %dma_wait3A_1492 = tpu.memref_slice %arg4[%add3A_1485, %dma_wait3A] : memref<128x32768xf32, #tpu.memory_space<hbm>> -> memref<1x32768xf32, #tpu.memory_space<hbm>>
        %dma_wait3A_1493 = tpu.memref_squeeze %dma_wait3A_1492 : memref<1x32768xf32, #tpu.memory_space<hbm>> -> memref<32768xf32, #tpu.memory_space<hbm>>
        %dma_wait3A_1494 = arith.constant 0 : i32
        %dma_wait3A_1495 = tpu.memref_slice %arg4[%add3A_1485, %dma_wait3A_1494] : memref<128x32768xf32, #tpu.memory_space<hbm>> -> memref<1x32768xf32, #tpu.memory_space<hbm>>
        %dma_wait3A_1496 = tpu.memref_squeeze %dma_wait3A_1495 : memref<1x32768xf32, #tpu.memory_space<hbm>> -> memref<32768xf32, #tpu.memory_space<hbm>>
        tpu.wait_dma2 semaphore(%run_scoped3A : memref<!tpu.dma_semaphore, #tpu.memory_space<semaphore_mem>>) src(%arg5 : memref<32768xf32, #tpu.memory_space<vmem>>) dst(%dma_wait3A_1496 : memref<32768xf32, #tpu.memory_space<hbm>>)
        tpu.yield
      }) : () -> ()
      %scan3A_1486 = arith.constant 0 : i32
      scf.yield %scan3A_1486 : i32
    }
    %scan3A_11 = arith.constant 4 : i32
    return
  }
}

</mosaic_0001>

<sc_bundles>
// kernel: _run.3.cloned.1.call-start
scs
__scs_entry_jumppad:
0x0: {  	(pc) =	sbr.rel $0x88, $3  }
0x1: {  	(tag) =	ssettag $0x0;
	lr =	simm.s32 $0x1  }
0x2: {  	[smem:$0x3F9F] =	sst lr;
	_ =	strace $0xD0000000  }
0x3: {  	_ = 	snop  }
0x4: {  	_ = 	snop  }
0x5: {  	_ = 	snop  }
0x6: {  	_ = 	snop  }
0x7: {  	_ = 	snop  }
__scs_overlays_trampoline_lowered:
0x8: {  	[smem:$0x3FAE] =	sst s0  }
0x9: {  	[smem:$0x3FAF] =	sst s1  }
0xa: {  	[smem:$0x3FB0] =	sst s2  }
0xb: {  	[smem:$0x3FB1] =	sst s3  }
0xc: {  	[smem:$0x3FB2] =	sst s4  }
0xd: {  	[smem:$0x3FB3] =	sst s5  }
0xe: {  	[smem:$0x3FB4] =	sst s6  }
0xf: {  	[smem:$0x3FB5] =	sst s7  }
0x10: {  	[smem:$0x3FB6] =	sst s8  }
0x11: {  	[smem:$0x3FB7] =	sst s9;
	s0 =	simm.s32 @!p0 $0x0  }
0x12: {  	s1 =	sld [smem:$0x3F9D];
	s0 =	simm.s32 @p0 $0x1  }
0x13: {  	[smem:$0x3FB8] =	sst s0;
	s0 =	simm.s32 @!p1 $0x0  }
0x14: {  	s2 =	sld [smem:$0x3F9C];
	s0 =	simm.s32 @p1 $0x1  }
0x15: {  	[smem:$0x3FB9] =	sst s0;
	s0 =	simm.s32 @!p2 $0x0  }
0x16: {  	s3 =	sld [smem:$0x3FDB];
	s0 =	simm.s32 @p2 $0x1  }
0x17: {  	s4 =	simm.s32 $0x1BF5;
	[smem:$0x3FBB] =	sst s0  }
0x18: {  	s0 =	sld [smem:$0x3F9E];
	_ =	swait.ge [sflag:s4], $0x0  }
0x19: {  	s7 =	sld [smem:$0x3F9F]  }
0x1a: {  	s8 =	sadd.s32 $0xFFFFE003, lr  }
0x1b: {  	s9 =	sadd.s32 $0xFFFFFEF7, lr;
	s5 =	simm.s32 $0xFFFFFFFF;
	p2 =	slt.u32 s8, $0xFFFFF086  }
0x1c: {  	p1 =	slt.u32 s9, $0xF7A;
	s5 =	simm.s32 @!p2 $0x0  }
0x1d: {  	s5 =	simm.s32 @p1 $0x1;
	p0 =	seq.s32 s7, s2  }
0x1e: {  	s7 =	smul.u32 @!p0 $0xF7A, s2;
	p2 =	seq.s32 @!p0 s5, $0x0  }
0x1f: {  	s9 =	smul.u32 $0xF7A, s1;
	s8 =	simm.s32 @!p0 $0x1BF5;
	p2 =	por !p2, p0  }
0x20: {  	[sflag:s8] =	ssyncset.s32 @!p0 $0xFFFFF086;
	s6 =	sadd.s32 @!p0 s3, s7;
	s7 =	simm.s32 @!p0 $0x108  }
0x21: {  	s3 =	sadd.s32 s3, s9;
	s6 =	sadd.s32 @!p0 $0x88, s6;
	s7 =	simm.s32 @p2 $0x1082  }
0x22: {  	[simem:s7], [sflag:s8] =	dma.local @!p0 [hbm:s6], $0xF7A  }
0x23: {  	s9 =	sor.u32 $0xD0000000, s2;
	s6 =	simm.s32 $0x108;
	_ =	swait.ge @!p0 [sflag:s8], $0x0  }
0x24: {  	s3 =	sadd.s32 $0x88, s3;
	s6 =	simm.s32 @!p1 $0x1082;
	[sflag:s4] =	ssyncset.s32 $0xFFFFF086  }
0x25: {  	[simem:s6], [sflag:s4] =	dma.local [hbm:s3], $0xF7A  }
0x26: {  	[smem:$0x3F9F] =	sst s1;
	(tag) =	ssettag s2;
	_ =	strace s9  }
0x27: {  	s1 =	sld [smem:$0x3FAF]  }
0x28: {  	s2 =	sld [smem:$0x3FB0]  }
0x29: {  	s4 =	sld [smem:$0x3FB2]  }
0x2a: {  	p0 =	seq.s32 s5, $0x0;
	s5 =	sld [smem:$0x3FB3]  }
0x2b: {  	s6 =	sld [smem:$0x3FB4]  }
0x2c: {  	s7 =	sld [smem:$0x3FB5]  }
0x2d: {  	s3 =	simm.s32 $0x108;
	s8 =	sld [smem:$0x3FB6]  }
0x2e: {  	s3 =	simm.s32 @!p0 $0x1082;
	s9 =	sld [smem:$0x3FB7]  }
0x2f: {  	lr =	sadd.s32 s0, s3;
	s0 =	sld [smem:$0x3FAE]  }
0x30: {  	s3 =	sld [smem:$0x3FB1]  }
0x31: {  	[smem:$0x3FBA] =	sst s10  }
0x32: {  	s10 =	sld [smem:$0x3FB8];
	_ =	sdelay $0x3  }
0x33: {  	p0 =	seq.s32 s10, $0x1;
	s10 =	sld [smem:$0x3FBA];
	_ =	sdelay $0x3  }
0x34: {  	[smem:$0x3FBA] =	sst s10  }
0x35: {  	s10 =	sld [smem:$0x3FB9];
	_ =	sdelay $0x3  }
0x36: {  	p1 =	seq.s32 s10, $0x1;
	s10 =	sld [smem:$0x3FBA];
	_ =	sdelay $0x3  }
0x37: {  	[smem:$0x3FBA] =	sst s10  }
0x38: {  	s10 =	sld [smem:$0x3FBB]  }
0x39: {  	_ = 	snop;
	(pc) =	sbr.ind lr, $3  }
0x3a: {  	_ = 	snop  }
0x3b: {  	_ = 	snop  }
0x3c: {  	p2 =	seq.s32 s10, $0x1;
	s10 =	sld [smem:$0x3FBA]  }
0x3d: {  	_ =	shalt  }
0x3e: {  	_ =	shalt  }
0x3f: {  	_ =	shalt  }
0x40: {  	_ =	shalt  }
0x41: {  	_ =	shalt  }
0x42: {  	_ =	shalt  }
0x43: {  	_ =	shalt  }
0x44: {  	_ =	shalt  }
0x45: {  	_ =	shalt  }
0x46: {  	_ =	shalt  }
0x47: {  	_ =	shalt  }
0x48: {  	_ =	shalt  }
0x49: {  	_ =	shalt  }
0x4a: {  	_ =	shalt  }
0x4b: {  	_ =	shalt  }
0x4c: {  	_ =	shalt  }
0x4d: {  	_ =	shalt  }
0x4e: {  	_ =	shalt  }
0x4f: {  	_ =	shalt  }
0x50: {  	_ =	shalt  }
0x51: {  	_ =	shalt  }
0x52: {  	_ =	shalt  }
0x53: {  	_ =	shalt  }
0x54: {  	_ =	shalt  }
0x55: {  	_ =	shalt  }
0x56: {  	_ =	shalt  }
0x57: {  	_ =	shalt  }
0x58: {  	_ =	shalt  }
0x59: {  	_ =	shalt  }
0x5a: {  	_ =	shalt  }
0x5b: {  	_ =	shalt  }
0x5c: {  	_ =	shalt  }
0x5d: {  	_ =	shalt  }
0x5e: {  	_ =	shalt  }
0x5f: {  	_ =	shalt  }
0x60: {  	_ =	shalt  }
0x61: {  	_ =	shalt  }
0x62: {  	_ =	shalt  }
0x63: {  	_ =	shalt  }
0x64: {  	_ =	shalt  }
0x65: {  	_ =	shalt  }
0x66: {  	_ =	shalt  }
0x67: {  	_ =	shalt  }
0x68: {  	_ =	shalt  }
0x69: {  	_ =	shalt  }
0x6a: {  	_ =	shalt  }
0x6b: {  	_ =	shalt  }
0x6c: {  	_ =	shalt  }
0x6d: {  	_ =	shalt  }
0x6e: {  	_ =	shalt  }
0x6f: {  	_ =	shalt  }
0x70: {  	_ =	shalt  }
0x71: {  	_ =	shalt  }
0x72: {  	_ =	shalt  }
0x73: {  	_ =	shalt  }
0x74: {  	_ =	shalt  }
0x75: {  	_ =	shalt  }
0x76: {  	_ =	shalt  }
0x77: {  	_ =	shalt  }
0x78: {  	_ =	shalt  }
0x79: {  	_ =	shalt  }
0x7a: {  	_ =	shalt  }
0x7b: {  	_ =	shalt  }
0x7c: {  	_ =	shalt  }
0x7d: {  	_ =	shalt  }
0x7e: {  	_ =	shalt  }
0x7f: {  	_ =	shalt  }
0x80: {  	_ =	shalt  }
0x81: {  	_ =	shalt  }
0x82: {  	_ =	shalt  }
0x83: {  	_ =	shalt  }
0x84: {  	_ =	shalt  }
0x85: {  	_ =	shalt  }
0x86: {  	_ =	shalt  }
0x87: {  	_ =	shalt  }
.Lfunc_end0:
.L_simem_size_0:
called_computation_lowered:
.L_overlay_start_0:
0x88: {  	s2 =	sld [smem:$0x3FD9]  }
0x89: {  	s3 =	sld [smem:$0x3FFE];
	_ =	sdelay $0x1  }
0x8a: {  	s1 =	srdreg.scid  }
0x8b: {  	s0 =	sand.u32 $0x1, s1  }
0x8c: {  	s18 =	sshll.u32 s0, $0xA;
	s2 =	sadd.s32 s3, s2  }
0x8d: {  	s2 =	sadd.s32 s2, s18  }
0x8e: {  	[smem:$0x3FC6] =	sst s2  }
0x8f: {  	_ = 	snop  }
0x90: {  	s2 =	sld [smem:$0x3FC9]  }
0x91: {  	s19 =	sld [smem:$0x3FC8]  }
0x92: {  	s4 =	sld [smem:$0x3FD0];
	(tm) =	ssettm $0x1  }
0x93: {  	s5 =	sld [smem:$0x3FFB];
	_ =	sdelay $0x3  }
0x94: {  	_ =	strace s5  }
0x95: {  	s5 =	sld [smem:$0x3FFC];
	_ =	sdelay $0x3  }
0x96: {  	_ =	strace s5  }
0x97: {  	s5 =	sld [smem:$0x3FFD];
	_ =	sdelay $0x3  }
0x98: {  	_ =	strace s5  }
0x99: {  	_ =	strace $0x8FFFFFFF  }
0x9a: {  	s20 =	sld [smem:$0x3FDB];
	_ =	sdelay $0x1  }
0x9b: {  	s6 =	simm.s32 $_scs_section_size  }
0x9c: {  	s7 =	simm.s32 $_size__tile_overlayer_lowered;
	s8 =	simm.s32 $_tile_overlayer_lowered  }
0x9d: {  	s23 =	simm.s32 $0x1BFF;
	s22 =	sshll.u32 s8, $0x1;
	s5 =	sadd.s32 s6, s20  }
0x9e: {  	s9 =	simm.s32 $0x0;
	s21 =	sshll.u32 s7, $0x1;
	s7 =	sadd.s32 s22, s5  }
0x9f: {  	[timem:s9], [sflag:s23] =	dma.local [hbm:s7], s21  }
0xa0: {  	_ =	swait.ge [sflag:s23], s21  }
0xa1: {  	s6 =	ssub.s32 $0x0, s21;
	[sflag:s23] =	ssyncset.done $0x0  }
0xa2: {  	[sflag:s23] =	ssyncadd.s32 s6;
	_ =	sdelay $0x1  }
0xa3: {  	s24 =	simm.s32 $0x1B8B  }
0xa4: {  	_ =	swait.ge [sflag:s24], $0x1  }
0xa5: {  	[sflag:s24] =	ssyncset.done $0x0  }
0xa6: {  	s25 =	simm.s32 $0x1B8E;
	[sflag:s24] =	ssyncadd.s32 $0xFFFFFFFF  }
0xa7: {  	s26 =	simm.s32 $execute0_lowered;
	[smem:$0x3FD2] =	sst s25  }
0xa8: {  	s6 =	sshll.u32 s26, $0x1;
	_ =	strace $0x80000046;
	[dreg:$0x1] =	wrdreg $0xFFFFFFFF  }
0xa9: {  	s28 =	simm.s32 $_size_execute0_lowered;
	s5 =	sadd.s32 s5, s6;
	[dreg:$0x0] =	wrdreg $0x0  }
0xaa: {  	s6 =	sshll.u32 s28, $0x1;
	[dreg:$0x2] =	wrdreg s5  }
0xab: {  	[dreg:$0x3] =	wrdreg s6  }
0xac: {  	[dreg:$0x4] =	wrdreg $0xC0  }
0xad: {  	_ =	task [dreg:s9], $0x5FFFF  }
0xae: {  	[dreg:$0x1] =	wrdreg $0xFFFFFFFF  }
0xaf: {  	[dreg:$0x0] =	wrdreg $0x60  }
0xb0: {  	[dreg:$0x2] =	wrdreg s2  }
0xb1: {  	[dreg:$0x3] =	wrdreg s19  }
0xb2: {  	[dreg:$0x4] =	wrdreg s4  }
0xb3: {  	[dreg:$0x5] =	wrdreg $0x9  }
0xb4: {  	_ =	task.clear_ibuf [dreg:s9], $0x6FFFF;
	_ =	strace $0x90000046  }
0xb5: {  	s29 =	simm.s32 $0x9;
	_ =	strace $0x80000048  }
0xb6: {  	_ =	swait.ge [sflag:s29], $0x1  }
0xb7: {  	[sflag:s29] =	ssyncadd.s32 $0xFFFFFFFF  }
0xb8: {  	_ =	strace $0x90000048  }
0xb9: {  	_ =	sfence  }
0xba: {  	s30 =	sld [smem:$0x0];
	_ =	sdelay $0x2  }
0xbb: {  	s31 =	sshll.u32 s1, $0xD;
	s1 =	sshrl.u32 s1, $0x2  }
0xbc: {  	s3 =	sand.u32 $0x4000, s31;
	s1 =	sadd.s32 s1, s30  }
0xbd: {  	s0 =	sor.u32 s3, s0;
	s1 =	sshll.u32 s1, $0x11  }
0xbe: {  	s0 =	sor.u32 s1, s0  }
0xbf: {  	s0 =	sadd.s32 $0x8F2B, s0  }
0xc0: {  	[sflag:s0] =	ssyncadd.remote.s32 $0x1  }
0xc1: {  	_ =	sfence.sel $0xFFFF  }
0xc2: {  	[dreg:$0x0] =	wrdreg $0xFFFFFFFF;
	(pc) =	sbr.abs _section_cstart, $3  }
0xc3: {  	[dreg:$0x1] =	wrdreg $0xFFFFFFFF  }
0xc4: {  	_ =	task.clear_ibuf [dreg:s9], $0x2FFFF;
	_ =	strace $0x9FFFFFFF  }
0xc5: {  	(tm) =	ssettm $0x7FFFFFFF  }
tec
execute0_lowered:
.L_overlay_start_1:
0x0: {  	(tag) =	ssettag $0x1  }
0x1: {  	s1 =	rddreg [dreg:$0x0]  }
0x2: {  	s0 =	srdreg.scid;
	s3 =	rddreg [dreg:$0x2];
	s5 =	simm.s32 $0x0  }
0x3: {  	s29 =	stileid.u32;
	s9 =	simm.s32 $0x1;
	s6 =	sand.u32 $0x1, s0  }
.Ltmp0:
0x4: {  	s10 =	simm.s32 $0x80;
	s7 =	ssub.s32 $0x2, s6;
	(pc) =	sbr.rel .LBB2_1-.Ltmp0, $4  }
0x5: {  	s11 =	simm.s32 $0x400;
	s12 =	simm.s32 $0x10080;
	s8 =	sshrl.u32 s7, $0x1  }
0x6: {  	s2 =	simm.s32 $0x0;
	[smem:$0x7FF] =	sst s5;
	s7 =	ssub.s32 s7, s8  }
0x7: {  	v0 =	vimm.s32 $0x0;
	v1 =	vlaneseq.u32;
	s30 =	sshll.u32 s29, $0xF;
	s6 =	sshll.u32 s6, $0x6;
	s31 =	smax.u32 s7, $0x1  }
0x8: {  	v3 =	vimm.s32 $0x1;
	v2 =	vmul.u32 $0x80, v1;
	v4 =	vmul.u32 $0x40, v1;
	_ =	strace $0x80000047;
	s6 =	sor.u32 s30, s6;
	[dreg:$0x4] =	wrdreg s31  }
.LBB2_81:
0x9: {  	s2 =	rddreg [dreg:$0x5]  }
0xa: {  	s0 =	rddreg [dreg:$0x4];
	s2 =	sadd.s32 $0x1, s2  }
0xb: {  	p0 =	sne.s32 s2, s0  }
.Ltmp1:
0xc: {  	_ = 	snop;
	(pc) =	sbr.rel @!p0 .LBB2_82-.Ltmp1, $1  }
0xd: {  	_ =	sdelay $0x3  }
.LBB2_1:
0xe: {  	[dreg:$0x5] =	wrdreg s2  }
0xf: {  	s0 =	rddreg [dreg:$0x1];
	s31 =	simm.s32 $0x10900  }
0x10: {  	[tilespmem:s31], [sflag:$0x1] =	stream.linear.gather [hbm4b:s0+s5], $0x80, $0x38;
	[tilespmem:$0x10980] =	vst v63  }
0x11: {  	_ =	swait.ge [sflag:s9], $0x80  }
0x12: {  	[sflag:s9] =	ssyncset.done $0x0  }
0x13: {  	[sflag:s9] =	ssyncadd.s32 $0xFFFFFF80  }
0x14: {  	v5 =	vld [tilespmem:$0x10900];
	_ =	sdelay $0x4  }
0x15: {  	(v2sf) =	vpush v5, $0x0;
	_ =	sdelay $0xe  }
0x16: {  	s15 =	simm.s32 $0x0;
	v5 =	vbroadcast v5, $0x0;
	s14 =	spop (v2sf)  }
.LBB2_2:
0x17: {  	s16 =	sshll.u32 s15, $0x4  }
0x18: {  	s16 =	sadd.s32 s6, s16  }
0x19: {  	s17 =	sadd.s32 s1, s16  }
0x1a: {  	[tilespmem:s5], [sflag:$0x1] =	stream.strided.gather [hbm4b:s17+s10], $0x8000, s11, s10, $0x38;
	[tilespmem:$0x10980] =	vst v63  }
0x1b: {  	_ =	swait.ge [sflag:s9], $0x8000  }
0x1c: {  	[sflag:s9] =	ssyncset.done $0x0  }
0x1d: {  	s18 =	simm.s32 $0x100C0;
	[sflag:s9] =	ssyncadd.s32 $0xFFFF8000  }
0x1e: {  	[tilespmem:s18+$0xFFFFFFC0] =	vst v0  }
0x1f: {  	[tilespmem:s18+$0x30] =	vst v0  }
0x20: {  	[tilespmem:s18+$0x20] =	vst v0  }
0x21: {  	[tilespmem:s18+$0x10] =	vst v0  }
0x22: {  	[tilespmem:s18+$0x0] =	vst v0  }
0x23: {  	[tilespmem:s18+$0xFFFFFFF0] =	vst v0  }
0x24: {  	s19 =	simm.s32 $0x0;
	[tilespmem:s18+$0xFFFFFFE0] =	vst v0  }
.LBB2_3:
0x25: {  	s19 =	sadd.s32 $0x8, s19;
	[tilespmem:s18+$0xFFFFFFD0] =	vst v0;
	s18 =	sadd.s32 $0x80, s18  }
0x26: {  	[tilespmem:s18+$0xFFFFFFC0] =	vst v0;
	p0 =	slt.u32 s19, $0x78  }
0x27: {  	[tilespmem:s18+$0x30] =	vst v0  }
.Ltmp2:
0x28: {  	[tilespmem:s18+$0x20] =	vst v0;
	(pc) =	sbr.rel @p0 .LBB2_3-.Ltmp2, $4  }
0x29: {  	[tilespmem:s18+$0x10] =	vst v0  }
0x2a: {  	[tilespmem:s18+$0x0] =	vst v0  }
0x2b: {  	[tilespmem:s18+$0xFFFFFFF0] =	vst v0  }
0x2c: {  	s17 =	simm.s32 $0x80;
	[tilespmem:s18+$0xFFFFFFE0] =	vst v0  }
0x2d: {  	[tilespmem:s18+$0xFFFFFFD0] =	vst v0  }
0x2e: {  	v6 =	vld [tilespmem:s17+$0xFFFFFF80]  }
0x2f: {  	v7 =	vld [tilespmem:s17+$0xFFFFFFB0]  }
0x30: {  	v8 =	vld [tilespmem:s17+$0x70]  }
0x31: {  	v11 =	vld [tilespmem:s17+$0x40]  }
0x32: {  	v9 =	vld [tilespmem:s17+$0x60]  }
0x33: {  	v10 =	vld [tilespmem:s17+$0x50]  }
0x34: {  	v12 =	vld [tilespmem:s17+$0x30]  }
0x35: {  	v13 =	vld [tilespmem:s17+$0x20];
	v8 =	vshrl.u32 v8, $0x18  }
0x36: {  	v16 =	vld [tilespmem:s17+$0xFFFFFFF0];
	v11 =	vshrl.u32 v11, $0x18;
	v8 =	vand.u32 $0x7F, v8  }
0x37: {  	v19 =	vld [tilespmem:s17+$0xFFFFFFC0];
	v11 =	vand.u32 $0x7F, v11;
	v8 =	vor.u32 v2, v8  }
0x38: {  	v15 =	vld [tilespmem:s17+$0x0];
	v10 =	vshrl.u32 v10, $0x18;
	v11 =	vor.u32 v2, v11  }
0x39: {  	v17 =	vld [tilespmem:s17+$0xFFFFFFE0];
	v9 =	vshrl.u32 v9, $0x18;
	v10 =	vand.u32 $0x7F, v10  }
0x3a: {  	v18 =	vld [tilespmem:s17+$0xFFFFFFD0];
	v12 =	vshrl.u32 v12, $0x18;
	v9 =	vand.u32 $0x7F, v9;
	v10 =	vor.u32 v2, v10  }
0x3b: {  	v60 =	vld [tilespmem:s17+$0xFFFFFFA0];
	v6 =	vshrl.u32 v6, $0x18;
	v16 =	vshrl.u32 v16, $0x18;
	v9 =	vor.u32 v2, v9  }
0x3c: {  	v62 =	vshrl.u32 v19, $0x18;
	v12 =	vand.u32 $0x7F, v12;
	[tilespmem:v8+s12+$0x0] =	vst.idx.add.s32.msk $0xffff, v3;
	v8 =	vshrl.u32 v13, $0x18  }
0x3d: {  	v12 =	vor.u32 v2, v12;
	[tilespmem:v11+s12+$0x0] =	vst.idx.add.s32.msk $0xffff, v3;
	v11 =	vshrl.u32 v15, $0x18;
	v8 =	vand.u32 $0x7F, v8  }
0x3e: {  	v20 =	vld [tilespmem:s17+$0xFFFFFF90];
	v6 =	vand.u32 $0x7F, v6;
	v11 =	vand.u32 $0x7F, v11;
	v8 =	vor.u32 v2, v8  }
0x3f: {  	v6 =	vor.u32 v2, v6;
	[tilespmem:v10+s12+$0x0] =	vst.idx.add.s32.msk $0xffff, v3;
	v10 =	vor.u32 v2, v11;
	v11 =	vand.u32 $0x7F, v62  }
0x40: {  	v17 =	vshrl.u32 v17, $0x18;
	v16 =	vand.u32 $0x7F, v16;
	[tilespmem:v9+s12+$0x0] =	vst.idx.add.s32.msk $0xffff, v3;
	v9 =	vor.u32 v2, v11  }
0x41: {  	v14 =	vld [tilespmem:s17+$0x10];
	v7 =	vshrl.u32 v7, $0x18;
	v61 =	vand.u32 $0x7F, v17;
	v16 =	vor.u32 v2, v16  }
0x42: {  	v7 =	vand.u32 $0x7F, v7;
	[tilespmem:v12+s12+$0x0] =	vst.idx.add.s32.msk $0xffff, v3;
	v15 =	vor.u32 v2, v61  }
0x43: {  	v11 =	vor.u32 v2, v7;
	v7 =	vshrl.u32 v18, $0x18;
	[tilespmem:v8+s12+$0x0] =	vst.idx.add.s32.msk $0xffff, v3;
	v8 =	vshrl.u32 v20, $0x18  }
0x44: {  	[tilespmem:v6+s12+$0x0] =	vst.idx.add.s32.msk $0xffff, v3;
	v63 =	vand.u32 $0x7F, v7;
	v7 =	vand.u32 $0x7F, v8;
	v8 =	vshrl.u32 v60, $0x18  }
0x45: {  	[tilespmem:v9+s12+$0x0] =	vst.idx.add.s32.msk $0xffff, v3;
	v9 =	vor.u32 v2, v63;
	v8 =	vand.u32 $0x7F, v8  }
0x46: {  	v6 =	vshrl.u32 v14, $0x18;
	[tilespmem:v16+s12+$0x0] =	vst.idx.add.s32.msk $0xffff, v3;
	v8 =	vor.u32 v2, v8  }
0x47: {  	v6 =	vand.u32 $0x7F, v6;
	[tilespmem:v15+s12+$0x0] =	vst.idx.add.s32.msk $0xffff, v3;
	v7 =	vor.u32 v2, v7  }
0x48: {  	v6 =	vor.u32 v2, v6;
	[tilespmem:v10+s12+$0x0] =	vst.idx.add.s32.msk $0xffff, v3  }
0x49: {  	s18 =	simm.s32 $0x0;
	[tilespmem:v11+s12+$0x0] =	vst.idx.add.s32.msk $0xffff, v3  }
.LBB2_5:
0x4a: {  	s18 =	sadd.s32 $0x10, s18;
	[tilespmem:v9+s12+$0x0] =	vst.idx.add.s32.msk $0xffff, v3;
	s17 =	sadd.s32 $0x100, s17  }
0x4b: {  	p0 =	slt.u32 s18, $0x7F0;
	[tilespmem:v8+s12+$0x0] =	vst.idx.add.s32.msk $0xffff, v3  }
0x4c: {  	[tilespmem:v7+s12+$0x0] =	vst.idx.add.s32.msk $0xffff, v3  }
0x4d: {  	[tilespmem:v6+s12+$0x0] =	vst.idx.add.s32.msk $0xffff, v3  }
0x4e: {  	v6 =	vld [tilespmem:s17+$0xFFFFFF80]  }
0x4f: {  	v7 =	vld [tilespmem:s17+$0xFFFFFFB0]  }
0x50: {  	v8 =	vld [tilespmem:s17+$0x70]  }
0x51: {  	v9 =	vld [tilespmem:s17+$0x60]  }
0x52: {  	v10 =	vld [tilespmem:s17+$0x50]  }
0x53: {  	v6 =	vshrl.u32 v6, $0x18;
	v11 =	vld [tilespmem:s17+$0x40]  }
0x54: {  	v6 =	vand.u32 $0x7F, v6;
	v12 =	vld [tilespmem:s17+$0x30]  }
0x55: {  	v13 =	vld [tilespmem:s17+$0x20];
	v8 =	vshrl.u32 v8, $0x18  }
0x56: {  	v14 =	vld [tilespmem:s17+$0x10];
	v9 =	vshrl.u32 v9, $0x18;
	v8 =	vand.u32 $0x7F, v8  }
0x57: {  	v15 =	vld [tilespmem:s17+$0x0];
	v10 =	vshrl.u32 v10, $0x18;
	v8 =	vor.u32 v2, v8  }
0x58: {  	v6 =	vor.u32 v2, v6;
	v16 =	vld [tilespmem:s17+$0xFFFFFFF0];
	v11 =	vshrl.u32 v11, $0x18;
	v10 =	vand.u32 $0x7F, v10  }
0x59: {  	v9 =	vand.u32 $0x7F, v9;
	v17 =	vld [tilespmem:s17+$0xFFFFFFE0];
	v12 =	vshrl.u32 v12, $0x18;
	v11 =	vand.u32 $0x7F, v11  }
0x5a: {  	v18 =	vld [tilespmem:s17+$0xFFFFFFD0];
	v13 =	vshrl.u32 v13, $0x18;
	v12 =	vand.u32 $0x7F, v12;
	v11 =	vor.u32 v2, v11  }
0x5b: {  	v19 =	vld [tilespmem:s17+$0xFFFFFFC0];
	v14 =	vshrl.u32 v14, $0x18;
	v13 =	vand.u32 $0x7F, v13;
	v12 =	vor.u32 v2, v12  }
0x5c: {  	v9 =	vor.u32 v2, v9;
	v10 =	vor.u32 v2, v10;
	[tilespmem:v8+s12+$0x0] =	vst.idx.add.s32.msk $0xffff, v3  }
0x5d: {  	v15 =	vshrl.u32 v15, $0x18;
	v14 =	vand.u32 $0x7F, v14;
	v8 =	vld [tilespmem:s17+$0xFFFFFFA0];
	v16 =	vshrl.u32 v16, $0x18  }
0x5e: {  	v15 =	vand.u32 $0x7F, v15;
	v20 =	vld [tilespmem:s17+$0xFFFFFF90];
	v17 =	vshrl.u32 v17, $0x18;
	v16 =	vand.u32 $0x7F, v16  }
0x5f: {  	v13 =	vor.u32 v2, v13;
	v17 =	vand.u32 $0x7F, v17;
	v16 =	vor.u32 v2, v16;
	[tilespmem:v11+s12+$0x0] =	vst.idx.add.s32.msk $0xffff, v3  }
0x60: {  	v15 =	vor.u32 v2, v15;
	v11 =	vshrl.u32 v19, $0x18;
	v17 =	vor.u32 v2, v17;
	[tilespmem:v12+s12+$0x0] =	vst.idx.add.s32.msk $0xffff, v3  }
0x61: {  	v7 =	vshrl.u32 v7, $0x18;
	v12 =	vshrl.u32 v18, $0x18;
	v11 =	vand.u32 $0x7F, v11;
	[tilespmem:v10+s12+$0x0] =	vst.idx.add.s32.msk $0xffff, v3  }
0x62: {  	v7 =	vand.u32 $0x7F, v7;
	v10 =	vor.u32 v2, v11;
	v11 =	vand.u32 $0x7F, v12;
	[tilespmem:v9+s12+$0x0] =	vst.idx.add.s32.msk $0xffff, v3  }
0x63: {  	v12 =	vor.u32 v2, v7;
	[tilespmem:v6+s12+$0x0] =	vst.idx.add.s32.msk $0xffff, v3;
	v9 =	vshrl.u32 v20, $0x18;
	v6 =	vor.u32 v2, v14  }
0x64: {  	v8 =	vshrl.u32 v8, $0x18;
	v7 =	vand.u32 $0x7F, v9;
	[tilespmem:v13+s12+$0x0] =	vst.idx.add.s32.msk $0xffff, v3  }
.Ltmp3:
0x65: {  	v8 =	vand.u32 $0x7F, v8;
	v9 =	vor.u32 v2, v11;
	v7 =	vor.u32 v2, v7;
	[tilespmem:v16+s12+$0x0] =	vst.idx.add.s32.msk $0xffff, v3;
	(pc) =	sbr.rel @p0 .LBB2_5-.Ltmp3, $4  }
0x66: {  	v8 =	vor.u32 v2, v8;
	[tilespmem:v17+s12+$0x0] =	vst.idx.add.s32.msk $0xffff, v3  }
0x67: {  	[tilespmem:v15+s12+$0x0] =	vst.idx.add.s32.msk $0xffff, v3  }
0x68: {  	[tilespmem:v10+s12+$0x0] =	vst.idx.add.s32.msk $0xffff, v3  }
0x69: {  	[tilespmem:v12+s12+$0x0] =	vst.idx.add.s32.msk $0xffff, v3  }
0x6a: {  	_ =	sdelay $0x3  }
0x6b: {  	[tilespmem:v9+s12+$0x0] =	vst.idx.add.s32.msk $0xffff, v3  }
0x6c: {  	[tilespmem:v8+s12+$0x0] =	vst.idx.add.s32.msk $0xffff, v3  }
0x6d: {  	[tilespmem:v7+s12+$0x0] =	vst.idx.add.s32.msk $0xffff, v3  }
0x6e: {  	[tilespmem:v6+s12+$0x0] =	vst.idx.add.s32.msk $0xffff, v3  }
0x6f: {  	v13 =	vld [tilespmem:$0x10080]  }
0x70: {  	v12 =	vld [tilespmem:$0x10100]  }
0x71: {  	v14 =	vld [tilespmem:$0x10180]  }
0x72: {  	v16 =	vld [tilespmem:$0x10200]  }
0x73: {  	v17 =	vld [tilespmem:$0x10280]  }
0x74: {  	v19 =	vld [tilespmem:$0x10300]  }
0x75: {  	v21 =	vld [tilespmem:$0x10380]  }
0x76: {  	v22 =	vld [tilespmem:$0x10400]  }
0x77: {  	v24 =	vld [tilespmem:$0x10480]  }
0x78: {  	v45 =	vld [tilespmem:$0x10500]  }
0x79: {  	v47 =	vld [tilespmem:$0x10580]  }
0x7a: {  	v50 =	vld [tilespmem:$0x10600]  }
0x7b: {  	v53 =	vld [tilespmem:$0x10680]  }
0x7c: {  	v6 =	vld [tilespmem:$0x10700]  }
0x7d: {  	v25 =	vld [tilespmem:$0x10090]  }
0x7e: {  	v26 =	vld [tilespmem:$0x10110]  }
0x7f: {  	v27 =	vld [tilespmem:$0x10190]  }
0x80: {  	v28 =	vld [tilespmem:$0x10210]  }
0x81: {  	v29 =	vld [tilespmem:$0x10290]  }
0x82: {  	v30 =	vld [tilespmem:$0x10310]  }
0x83: {  	v31 =	vld [tilespmem:$0x10390]  }
0x84: {  	v32 =	vld [tilespmem:$0x10410]  }
0x85: {  	v33 =	vld [tilespmem:$0x10490]  }
0x86: {  	v34 =	vld [tilespmem:$0x10510]  }
0x87: {  	v35 =	vld [tilespmem:$0x10590]  }
0x88: {  	v36 =	vld [tilespmem:$0x10610]  }
0x89: {  	v37 =	vld [tilespmem:$0x10690]  }
0x8a: {  	v38 =	vld [tilespmem:$0x10710]  }
0x8b: {  	v39 =	vld [tilespmem:$0x10790]  }
0x8c: {  	v46 =	vld [tilespmem:$0x10810]  }
0x8d: {  	v41 =	vld [tilespmem:$0x100A0]  }
0x8e: {  	v63 =	vld [tilespmem:$0x10740]  }
0x8f: {  	[tilespmem:$0x1FE20] =	vst v6;
	v6 =	vld [tilespmem:$0x10780]  }
0x90: {  	v42 =	vld [tilespmem:$0x10120]  }
0x91: {  	v43 =	vld [tilespmem:$0x101A0]  }
0x92: {  	v44 =	vld [tilespmem:$0x10220]  }
0x93: {  	[tilespmem:$0x1FF50] =	vst v63;
	v63 =	vld [tilespmem:$0x107C0]  }
0x94: {  	[tilespmem:$0x1FE30] =	vst v6;
	v6 =	vld [tilespmem:$0x10800]  }
0x95: {  	v49 =	vld [tilespmem:$0x102A0]  }
0x96: {  	v52 =	vld [tilespmem:$0x10320]  }
0x97: {  	v54 =	vld [tilespmem:$0x100B0]  }
0x98: {  	[tilespmem:$0x1FF70] =	vst v63;
	v63 =	vld [tilespmem:$0x10840]  }
0x99: {  	[tilespmem:$0x1FE40] =	vst v6;
	v6 =	vld [tilespmem:$0x103A0]  }
0x9a: {  	v55 =	vld [tilespmem:$0x10130]  }
0x9b: {  	v56 =	vld [tilespmem:$0x101B0]  }
0x9c: {  	v57 =	vld [tilespmem:$0x10230]  }
0x9d: {  	[tilespmem:$0x1FFA0] =	vst v63;
	v63 =	vld [tilespmem:$0x100D0]  }
0x9e: {  	[tilespmem:$0x1FE50] =	vst v6;
	v6 =	vld [tilespmem:$0x10420]  }
0x9f: {  	v58 =	vld [tilespmem:$0x102B0]  }
0xa0: {  	v59 =	vld [tilespmem:$0x10330]  }
0xa1: {  	v60 =	vld [tilespmem:$0x103B0]  }
0xa2: {  	[tilespmem:$0x1FF80] =	vst v63;
	v63 =	vld [tilespmem:$0x10150]  }
0xa3: {  	[tilespmem:$0x1FE60] =	vst v6;
	v6 =	vld [tilespmem:$0x104A0]  }
0xa4: {  	v61 =	vld [tilespmem:$0x10430]  }
0xa5: {  	v62 =	vld [tilespmem:$0x104B0]  }
0xa6: {  	v7 =	vld [tilespmem:$0x100C0]  }
0xa7: {  	[tilespmem:$0x1FF90] =	vst v63;
	v63 =	vld [tilespmem:$0x101D0]  }
0xa8: {  	[tilespmem:$0x1FE70] =	vst v6;
	v6 =	vld [tilespmem:$0x10520]  }
0xa9: {  	v8 =	vld [tilespmem:$0x101C0]  }
0xaa: {  	v9 =	vld [tilespmem:$0x10240]  }
0xab: {  	v10 =	vld [tilespmem:$0x102C0]  }
0xac: {  	[tilespmem:$0x1FFB0] =	vst v63;
	v63 =	vld [tilespmem:$0x10250]  }
0xad: {  	[tilespmem:$0x1FE80] =	vst v6;
	v6 =	vld [tilespmem:$0x105A0]  }
0xae: {  	v11 =	vld [tilespmem:$0x10340]  }
0xaf: {  	v15 =	vld [tilespmem:$0x103C0]  }
0xb0: {  	v18 =	vld [tilespmem:$0x10440]  }
0xb1: {  	[tilespmem:$0x1FFC0] =	vst v63;
	v63 =	vld [tilespmem:$0x102D0]  }
0xb2: {  	[tilespmem:$0x1FE90] =	vst v6;
	v6 =	vld [tilespmem:$0x10620]  }
0xb3: {  	v20 =	vld [tilespmem:$0x104C0]  }
0xb4: {  	v23 =	vld [tilespmem:$0x10540]  }
0xb5: {  	v40 =	vld [tilespmem:$0x105C0]  }
0xb6: {  	[tilespmem:$0x1FFD0] =	vst v63;
	v63 =	vld [tilespmem:$0x10350]  }
0xb7: {  	[tilespmem:$0x1FEB0] =	vst v6;
	v6 =	vld [tilespmem:$0x106A0]  }
0xb8: {  	v48 =	vld [tilespmem:$0x10640]  }
0xb9: {  	v51 =	vld [tilespmem:$0x106C0]  }
0xba: {  	v12 =	vadd.s32 v13, v12;
	v13 =	vld [tilespmem:$0x10450]  }
0xbb: {  	[tilespmem:$0x1FFE0] =	vst v63;
	v63 =	vld [tilespmem:$0x103D0]  }
0xbc: {  	v12 =	vadd.s32 v14, v12;
	[tilespmem:$0x1FED0] =	vst v6;
	v6 =	vld [tilespmem:$0x10720]  }
0xbd: {  	v55 =	vadd.s32 v54, v55;
	v54 =	vld [tilespmem:$0x10170];
	v12 =	vadd.s32 v16, v12  }
0xbe: {  	v12 =	vadd.s32 v17, v12;
	v17 =	vld [tilespmem:$0x10750]  }
0xbf: {  	v12 =	vadd.s32 v19, v12;
	v19 =	vld [tilespmem:$0x10650]  }
0xc0: {  	[tilespmem:$0x1FFF0] =	vst v63;
	v63 =	vadd.s32 v25, v26;
	v25 =	vld [tilespmem:$0x104D0]  }
0xc1: {  	[tilespmem:$0x1FEF0] =	vst v6;
	v6 =	vld [tilespmem:$0x107A0]  }
0xc2: {  	v26 =	vld [tilespmem:$0x10550]  }
0xc3: {  	v14 =	vadd.s32 v27, v63;
	v27 =	vld [tilespmem:$0x105D0]  }
0xc4: {  	v63 =	vld [tilespmem:$0x1FE50]  }
0xc5: {  	v14 =	vadd.s32 v28, v14;
	v28 =	vld [tilespmem:$0x10160]  }
0xc6: {  	[tilespmem:$0x1FF10] =	vst v6;
	v6 =	vld [tilespmem:$0x10820]  }
0xc7: {  	v14 =	vadd.s32 v29, v14;
	v29 =	vadd.s32 v21, v12;
	v12 =	vld [tilespmem:$0x106D0]  }
0xc8: {  	v16 =	vadd.s32 v22, v29;
	v29 =	vld [tilespmem:$0x101E0]  }
0xc9: {  	v14 =	vadd.s32 v30, v14;
	v30 =	vld [tilespmem:$0x10260]  }
0xca: {  	v14 =	vadd.s32 v31, v14;
	v31 =	vadd.s32 v24, v16;
	v16 =	vld [tilespmem:$0x107D0]  }
0xcb: {  	[tilespmem:$0x1FF30] =	vst v6;
	v6 =	vld [tilespmem:$0x10530]  }
0xcc: {  	v24 =	vld [tilespmem:$0x100E0]  }
0xcd: {  	v21 =	vadd.s32 v45, v31;
	v45 =	vld [tilespmem:$0x1FE20]  }
0xce: {  	v14 =	vadd.s32 v32, v14;
	v31 =	vld [tilespmem:$0x102E0]  }
0xcf: {  	v33 =	vadd.s32 v33, v14;
	v14 =	vld [tilespmem:$0x10850]  }
0xd0: {  	[tilespmem:$0x1FEA0] =	vst v6;
	v6 =	vld [tilespmem:$0x105B0]  }
0xd1: {  	v21 =	vadd.s32 v47, v21;
	v47 =	vld [tilespmem:$0x1FE30]  }
0xd2: {  	v21 =	vadd.s32 v50, v21;
	v50 =	vld [tilespmem:$0x1FE40]  }
0xd3: {  	v22 =	vadd.s32 v34, v33;
	v33 =	vld [tilespmem:$0x10360]  }
0xd4: {  	v22 =	vadd.s32 v35, v22;
	v35 =	vld [tilespmem:$0x103E0]  }
0xd5: {  	[tilespmem:$0x1FEC0] =	vst v6;
	v6 =	vld [tilespmem:$0x10630]  }
0xd6: {  	v21 =	vadd.s32 v53, v21;
	v53 =	vadd.s32 v41, v42;
	v41 =	vld [tilespmem:$0x1FE60]  }
0xd7: {  	v34 =	vadd.s32 v56, v55;
	v42 =	vld [tilespmem:$0x1FE70]  }
0xd8: {  	v34 =	vadd.s32 v57, v34;
	v57 =	vld [tilespmem:$0x101F0]  }
0xd9: {  	v32 =	vadd.s32 v43, v53;
	v43 =	vld [tilespmem:$0x1FE80]  }
0xda: {  	[tilespmem:$0x1FEE0] =	vst v6;
	v6 =	vld [tilespmem:$0x106B0]  }
0xdb: {  	v22 =	vadd.s32 v36, v22;
	v36 =	vld [tilespmem:$0x100F0]  }
0xdc: {  	v32 =	vadd.s32 v44, v32;
	v44 =	vld [tilespmem:$0x1FE90]  }
0xdd: {  	v55 =	vld [tilespmem:$0x1FF10]  }
0xde: {  	v34 =	vadd.s32 v58, v34;
	v32 =	vadd.s32 v49, v32;
	v49 =	vld [tilespmem:$0x1FED0]  }
0xdf: {  	v34 =	vadd.s32 v59, v34;
	[tilespmem:$0x1FF00] =	vst v6;
	v6 =	vld [tilespmem:$0x10730]  }
0xe0: {  	v22 =	vadd.s32 v37, v22;
	v34 =	vadd.s32 v60, v34;
	v60 =	vld [tilespmem:$0x1FF50]  }
0xe1: {  	v22 =	vadd.s32 v38, v22;
	v32 =	vadd.s32 v52, v32;
	v52 =	vld [tilespmem:$0x1FEF0]  }
0xe2: {  	v22 =	vadd.s32 v39, v22;
	v34 =	vadd.s32 v61, v34;
	v61 =	vld [tilespmem:$0x10270]  }
0xe3: {  	v22 =	vadd.s32 v46, v22;
	v32 =	vadd.s32 v63, v32;
	v46 =	vld [tilespmem:$0x1FEB0]  }
0xe4: {  	v32 =	vadd.s32 v41, v32;
	[tilespmem:$0x1FF20] =	vst v6;
	v6 =	vld [tilespmem:$0x107B0]  }
0xe5: {  	v63 =	vld [tilespmem:$0x1FF70];
	v32 =	vadd.s32 v42, v32  }
0xe6: {  	v58 =	vld [tilespmem:$0x1FF30];
	v32 =	vadd.s32 v43, v32  }
0xe7: {  	v32 =	vadd.s32 v44, v32;
	v44 =	vld [tilespmem:$0x1FF80]  }
0xe8: {  	v32 =	vadd.s32 v46, v32;
	v46 =	vld [tilespmem:$0x102F0]  }
0xe9: {  	[tilespmem:$0x1FF40] =	vst v6;
	v6 =	vld [tilespmem:$0x10830]  }
0xea: {  	v32 =	vadd.s32 v49, v32;
	v49 =	vld [tilespmem:$0x10370]  }
0xeb: {  	v21 =	vadd.s32 v45, v21;
	v45 =	vld [tilespmem:$0x1FEA0]  }
0xec: {  	v32 =	vadd.s32 v52, v32;
	v52 =	vld [tilespmem:$0x103F0]  }
0xed: {  	v32 =	vadd.s32 v55, v32;
	v55 =	vld [tilespmem:$0x1FFE0]  }
0xee: {  	[tilespmem:$0x1FF60] =	vst v6;
	v6 =	vld [tilespmem:$0x10140]  }
0xef: {  	v32 =	vadd.s32 v58, v32;
	v58 =	vld [tilespmem:$0x10570]  }
0xf0: {  	v21 =	vadd.s32 v47, v21;
	v34 =	vadd.s32 v62, v34;
	v47 =	vld [tilespmem:$0x1FEC0]  }
0xf1: {  	v34 =	vadd.s32 v45, v34;
	v45 =	vld [tilespmem:$0x1FF90]  }
0xf2: {  	v21 =	vadd.s32 v50, v21;
	v50 =	vld [tilespmem:$0x1FEE0]  }
0xf3: {  	v53 =	vld [tilespmem:$0x1FF00];
	v6 =	vadd.s32 v7, v6  }
0xf4: {  	v56 =	vld [tilespmem:$0x1FF20];
	v6 =	vadd.s32 v8, v6  }
0xf5: {  	v34 =	vadd.s32 v47, v34;
	v47 =	vld [tilespmem:$0x1FFA0];
	v6 =	vadd.s32 v9, v6  }
0xf6: {  	v59 =	vld [tilespmem:$0x1FF40];
	v6 =	vadd.s32 v10, v6  }
0xf7: {  	v34 =	vadd.s32 v50, v34;
	v50 =	vld [tilespmem:$0x1FFC0];
	v6 =	vadd.s32 v11, v6  }
0xf8: {  	v34 =	vadd.s32 v53, v34;
	v53 =	vld [tilespmem:$0x1FFD0];
	v6 =	vadd.s32 v15, v6  }
0xf9: {  	v34 =	vadd.s32 v56, v34;
	v56 =	vld [tilespmem:$0x104F0];
	v6 =	vadd.s32 v18, v6  }
0xfa: {  	v62 =	vld [tilespmem:$0x1FF60];
	v6 =	vadd.s32 v20, v6  }
0xfb: {  	v34 =	vadd.s32 v59, v34;
	v59 =	vld [tilespmem:$0x105F0];
	v6 =	vadd.s32 v23, v6  }
0xfc: {  	v7 =	vld [tilespmem:$0x10460];
	v6 =	vadd.s32 v40, v6  }
0xfd: {  	v6 =	vadd.s32 v48, v6;
	v48 =	vld [tilespmem:$0x1FFB0]  }
0xfe: {  	v8 =	vld [tilespmem:$0x104E0]  }
0xff: {  	v24 =	vadd.s32 v24, v28;
	v34 =	vadd.s32 v62, v34;
	v62 =	vld [tilespmem:$0x106F0]  }
0x100: {  	v24 =	vadd.s32 v29, v24;
	v9 =	vld [tilespmem:$0x10560];
	v6 =	vadd.s32 v51, v6;
	v51 =	vadd.s32 v36, v54  }
0x101: {  	v24 =	vadd.s32 v30, v24;
	v40 =	vadd.s32 v44, v45;
	v29 =	vadd.s32 v57, v51;
	v57 =	vld [tilespmem:$0x1FFF0]  }
0x102: {  	v24 =	vadd.s32 v31, v24;
	v10 =	vld [tilespmem:$0x105E0];
	v40 =	vadd.s32 v48, v40  }
0x103: {  	v24 =	vadd.s32 v33, v24;
	v11 =	vld [tilespmem:$0x10660];
	v40 =	vadd.s32 v50, v40  }
0x104: {  	v24 =	vadd.s32 v35, v24;
	v54 =	vld [tilespmem:$0x10470];
	v37 =	vadd.s32 v53, v40  }
0x105: {  	v15 =	vld [tilespmem:$0x106E0];
	v7 =	vadd.s32 v7, v24;
	v29 =	vadd.s32 v61, v29;
	v37 =	vadd.s32 v55, v37  }
0x106: {  	v18 =	vld [tilespmem:$0x10760];
	v7 =	vadd.s32 v8, v7;
	v29 =	vadd.s32 v46, v29;
	v37 =	vadd.s32 v57, v37  }
0x107: {  	v20 =	vld [tilespmem:$0x107E0];
	v7 =	vadd.s32 v9, v7;
	v28 =	vadd.s32 v49, v29;
	v13 =	vadd.s32 v13, v37  }
0x108: {  	v6 =	vadd.s32 v60, v6;
	v61 =	vld [tilespmem:$0x10670];
	v60 =	vadd.s32 v52, v28;
	v13 =	vadd.s32 v25, v13  }
0x109: {  	v9 =	vld [tilespmem:$0x10770];
	v7 =	vadd.s32 v10, v7;
	v8 =	vadd.s32 v54, v60;
	v13 =	vadd.s32 v26, v13  }
0x10a: {  	v23 =	vld [tilespmem:$0x10860];
	v7 =	vadd.s32 v11, v7;
	v8 =	vadd.s32 v56, v8;
	v13 =	vadd.s32 v27, v13  }
0x10b: {  	[tilespmem:$0x10880] =	vst v21;
	v10 =	vld [tilespmem:$0x107F0];
	v7 =	vadd.s32 v15, v7;
	v8 =	vadd.s32 v58, v8;
	v13 =	vadd.s32 v19, v13  }
0x10c: {  	[tilespmem:$0x10890] =	vst v22;
	v11 =	vld [tilespmem:$0x10870];
	v7 =	vadd.s32 v18, v7;
	v8 =	vadd.s32 v59, v8;
	v12 =	vadd.s32 v12, v13  }
0x10d: {  	[tilespmem:$0x108A0] =	vst v32;
	v6 =	vadd.s32 v63, v6;
	v8 =	vadd.s32 v61, v8;
	v12 =	vadd.s32 v17, v12  }
0x10e: {  	[tilespmem:$0x108B0] =	vst v34;
	v6 =	vadd.s32 v47, v6;
	v8 =	vadd.s32 v62, v8;
	v12 =	vadd.s32 v16, v12  }
0x10f: {  	v7 =	vadd.s32 v20, v7;
	[tilespmem:$0x108C0] =	vst v6;
	v8 =	vadd.s32 v9, v8;
	v6 =	vadd.s32 v14, v12  }
0x110: {  	[tilespmem:$0x108D0] =	vst v6;
	v6 =	vadd.s32 v23, v7;
	v7 =	vadd.s32 v10, v8  }
0x111: {  	[tilespmem:$0x108E0] =	vst v6;
	v6 =	vadd.s32 v11, v7  }
0x112: {  	s19 =	simm.s32 $0x108F0;
	[tilespmem:$0x108F0] =	vst v6  }
0x113: {  	v6 =	vld [tilespmem:s19+$0x0];
	_ =	sdelay $0x4  }
0x114: {  	(xrf0) =	vadd.scan.msk.s32 $0xffff, v6;
	_ =	sdelay $0x5  }
0x115: {  	v7, _, _ =	vpop (xrf0)  }
0x116: {  	(v2sf) =	vpush v7, $0xF;
	_ =	sdelay $0x3  }
0x117: {  	s23 =	simm.s32 $0x108E0  }
0x118: {  	v8 =	vld [tilespmem:s23+$0x0];
	_ =	sdelay $0x4  }
0x119: {  	(xrf0) =	vadd.scan.msk.s32 $0xffff, v8;
	_ =	sdelay $0x4  }
0x11a: {  	s24 =	spop (v2sf)  }
0x11b: {  	v9, _, _ =	vpop (xrf0);
	s19 =	sadd.s32 $0x0, s24  }
0x11c: {  	(v2sf) =	vpush v9, $0xF;
	v7 =	vsub.s32 s19, v7  }
0x11d: {  	v6 =	vadd.s32 v6, v7  }
0x11e: {  	vm0 =	vge.s32 v6, v5  }
0x11f: {  	v6 =	vsel vm0, $0x1, v0  }
0x120: {  	(xrf0) =	vadd.scan.msk.s32 $0xffff, v6;
	_ =	sdelay $0x5  }
0x121: {  	v6, _, _ =	vpop (xrf0)  }
0x122: {  	s20 =	simm.s32 $0x108D0;
	(v2sf) =	vpush v6, $0xF  }
0x123: {  	v10 =	vld [tilespmem:s20+$0x0];
	_ =	sdelay $0x2  }
0x124: {  	s25 =	spop (v2sf)  }
0x125: {  	s19 =	sadd.s32 s19, s25  }
0x126: {  	v9 =	vsub.s32 s19, v9;
	(xrf0) =	vadd.scan.msk.s32 $0xffff, v10  }
0x127: {  	v6 =	vadd.s32 v8, v9  }
0x128: {  	s26 =	simm.s32 $0x108C0;
	vm11 =	vge.s32 v6, v5  }
0x129: {  	v11 =	vld [tilespmem:s26+$0x0];
	v6 =	vsel vm11, $0x1, v0  }
0x12a: {  	(xrf0) =	vadd.scan.msk.s32 $0xffff, v6;
	_ =	sdelay $0x1  }
0x12b: {  	v6, _, _ =	vpop (xrf0)  }
0x12c: {  	(v2sf) =	vpush v6, $0xF  }
0x12d: {  	(xrf0) =	vadd.scan.msk.s32 $0xffff, v11  }
0x12e: {  	s30 =	spop (v2sf)  }
0x12f: {  	v8, _, _ =	vpop (xrf0);
	s22 =	sadd.s32 $0xFFFFFFFF, s30  }
0x130: {  	(v2sf) =	vpush v8, $0xF;
	v8 =	vmov s22;
	_ =	sdelay $0x2  }
0x131: {  	vm12 =	veq.s32 v8, v1;
	v8, _, _ =	vpop (xrf0)  }
0x132: {  	(v2sf) =	vpush v8, $0xF;
	_ =	sdelay $0x1  }
0x133: {  	v7 =	vnsel vm12, $0x0, v7  }
0x134: {  	(xrf0) =	vadd.scan.msk.s32 $0xffff, v7;
	_ =	sdelay $0x3  }
0x135: {  	s21 =	spop (v2sf)  }
0x136: {  	s19 =	sadd.s32 s19, s21  }
0x137: {  	s31 =	simm.s32 $0x108B0;
	v6 =	vsub.s32 s19, v6;
	v7, _, _ =	vpop (xrf0)  }
0x138: {  	v10 =	vadd.s32 v10, v6;
	(v2sf) =	vpush v7, $0xF;
	v7 =	vld [tilespmem:s31+$0x0]  }
0x139: {  	vm13 =	vge.s32 v10, v5  }
0x13a: {  	v10 =	vsel vm13, $0x1, v0  }
0x13b: {  	(xrf0) =	vadd.scan.msk.s32 $0xffff, v10  }
0x13c: {  	s21 =	spop (v2sf)  }
0x13d: {  	(xrf0) =	vadd.scan.msk.s32 $0xffff, v7;
	s23 =	spop (v2sf)  }
0x13e: {  	s25 =	sadd.s32 s19, s23  }
0x13f: {  	v8 =	vsub.s32 s25, v8  }
0x140: {  	v10 =	vadd.s32 v11, v8  }
0x141: {  	v11, _, _ =	vpop (xrf0)  }
0x142: {  	(v2sf) =	vpush v11, $0xF  }
0x143: {  	s28 =	sadd.s32 $0xFFFFFFFF, s21;
	vm15 =	vge.s32 v10, v5;
	v10, _, _ =	vpop (xrf0)  }
0x144: {  	v63 =	vmov s28;
	(v2sf) =	vpush v10, $0xF  }
0x145: {  	vm14 =	veq.s32 v63, v1  }
0x146: {  	s26 =	simm.s32 $0x108A0;
	v9 =	vnsel vm14, $0x0, v9  }
0x147: {  	(xrf0) =	vadd.scan.msk.s32 $0xffff, v9;
	v9 =	vld [tilespmem:s26+$0x0]  }
0x148: {  	p1 =	por $0x1, $0x1;
	p0 =	sgt.s32 s22, $0xFFFFFFFF  }
0x149: {  	s17 =	simm.s32 $0xFFFFFFFF;
	p0 =	por !p1, !p0;
	v11 =	vsel vm15, $0x1, v0  }
0x14a: {  	s18 =	simm.s32 $0x0;
	s29 =	sadd.s32 $0x6F, s30;
	p0 =	por !p0, !p0;
	(xrf0) =	vadd.scan.msk.s32 $0xffff, v11  }
0x14b: {  	s20 =	simm.s32 $0x2F;
	s24 =	simm.s32 $0x5F;
	s17 =	smov.u32 @p0 s29  }
0x14c: {  	s22 =	simm.s32 $0x3F;
	p2 =	slt.s32 s17, $0x0;
	p6 =	sgt.s32 s28, $0xFFFFFFFF;
	(xrf0) =	vadd.scan.msk.s32 $0xffff, v9  }
0x14d: {  	s29 =	simm.s32 $0xF;
	p1 =	por !p2, !p6;
	s28 =	spop (v2sf);
	v11, _, _ =	vpop (xrf0)  }
0x14e: {  	s23 =	simm.s32 $0x4F;
	s19 =	simm.s32 $0x1F;
	s28 =	ssub.s32 s14, s28;
	(v2sf) =	vpush v11, $0xF  }
.LBB2_7:
0x14f: {  	p2 =	seq.s32 s29, $0xFFFFFFFF  }
0x150: {  	v11, _, _ =	vpop (xrf0);
	s18 =	smov.u32 @p0 s28;
	s28 =	smov.u32 s29;
	s29 =	sadd.s32 $0xFFFFFFF0, s29  }
0x151: {  	p0 =	por !p1, !p1;
	s24 =	sadd.s32 s24, s21;
	(v2sf) =	vpush v11, $0xF;
	s21 =	spop (v2sf)  }
0x152: {  	s17 =	smov.u32 @p0 s24;
	s24 =	smov.u32 s23;
	v11, _, _ =	vpop (xrf0);
	s30 =	sadd.s32 $0xFFFFFFFF, s21  }
0x153: {  	p3 =	slt.s32 s17, $0x0;
	(v2sf) =	vpush v11, $0xF;
	s23 =	spop (v2sf);
	v12 =	vmov s30;
	p1 =	sgt.s32 s30, $0xFFFFFFFF  }
0x154: {  	s25 =	sadd.s32 s25, s23;
	vm0 =	veq.s32 v12, v1;
	p1 =	por !p3, !p1;
	s23 =	smov.u32 s22  }
0x155: {  	s26 =	sadd.s32 $0xFFFFFFF0, s26;
	s22 =	smov.u32 s20;
	s20 =	smov.u32 s19;
	v12 =	vnsel vm0, $0x0, v6;
	v6 =	vmovc v8;
	v8 =	vsub.s32 s25, v10;
	v10 =	vmov v11  }
0x156: {  	s19 =	smov.u32 s28;
	v11 =	vadd.s32 v7, v8;
	(xrf0) =	vadd.scan.msk.s32 $0xffff, v12;
	v7 =	vmov v9;
	v9 =	vld [tilespmem:s26+$0x0]  }
0x157: {  	vm0 =	vge.s32 v11, v5  }
0x158: {  	v11 =	vsel vm0, $0x1, v0  }
0x159: {  	(xrf0) =	vadd.scan.msk.s32 $0xffff, v11  }
.Ltmp4:
0x15a: {  	(pc) =	sbr.rel @!p2 .LBB2_7-.Ltmp4, $4  }
0x15b: {  	(xrf0) =	vadd.scan.msk.s32 $0xffff, v9  }
0x15c: {  	v11, _, _ =	vpop (xrf0)  }
0x15d: {  	(v2sf) =	vpush v11, $0xF;
	s28 =	spop (v2sf)  }
0x15e: {  	s28 =	ssub.s32 s14, s28  }
0x15f: {  	_ = 	snop  }
0x160: {  	v11, _, _ =	vpop (xrf0)  }
0x161: {  	(v2sf) =	vpush v11, $0xF;
	v11, _, _ =	vpop (xrf0)  }
0x162: {  	(v2sf) =	vpush v11, $0xF;
	_ =	sdelay $0xa  }
0x163: {  	s29 =	spop (v2sf)  }
0x164: {  	s30 =	spop (v2sf)  }
0x165: {  	s31 =	sadd.s32 $0xFFFFFFFF, s29;
	s25 =	sadd.s32 s25, s30;
	s26 =	spop (v2sf)  }
0x166: {  	v12 =	vmov s31;
	v10 =	vsub.s32 s25, v10;
	s30 =	spop (v2sf)  }
0x167: {  	vm0 =	veq.s32 v12, v1;
	v7 =	vadd.s32 v7, v10;
	s0 =	spop (v2sf)  }
0x168: {  	v6 =	vnsel vm0, $0x0, v6;
	vm0 =	vge.s32 v7, v5;
	s4 =	sadd.s32 $0xFFFFFFFF, s30;
	s0 =	sadd.s32 s25, s0  }
0x169: {  	(xrf0) =	vadd.scan.msk.s32 $0xffff, v6;
	v6 =	vsel vm0, $0x1, v0;
	v7 =	vmov s4;
	v11 =	vsub.s32 s0, v11  }
0x16a: {  	(xrf0) =	vadd.scan.msk.s32 $0xffff, v6;
	vm0 =	veq.s32 v7, v1;
	v7 =	vadd.s32 v9, v11  }
0x16b: {  	v6 =	vnsel vm0, $0x0, v8;
	vm0 =	vge.s32 v7, v5  }
0x16c: {  	(xrf0) =	vadd.scan.msk.s32 $0xffff, v6;
	v6 =	vsel vm0, $0x1, v0;
	_ =	sdelay $0x1  }
0x16d: {  	(xrf0) =	vadd.scan.msk.s32 $0xffff, v6  }
0x16e: {  	v6, _, _ =	vpop (xrf0)  }
0x16f: {  	v7, _, _ =	vpop (xrf0);
	(v2sf) =	vpush v6, $0xF  }
0x170: {  	(v2sf) =	vpush v7, $0xF;
	_ =	sdelay $0x1  }
0x171: {  	v6, _, _ =	vpop (xrf0)  }
0x172: {  	(v2sf) =	vpush v6, $0xF;
	v6, _, _ =	vpop (xrf0)  }
0x173: {  	(v2sf) =	vpush v6, $0xF;
	_ =	sdelay $0x9  }
0x174: {  	s0 =	spop (v2sf)  }
0x175: {  	s25 =	spop (v2sf)  }
0x176: {  	s2 =	sadd.s32 $0xFFFFFFFF, s25  }
0x177: {  	v6 =	vmov s2  }
0x178: {  	s8 =	spop (v2sf);
	vm0 =	veq.s32 v6, v1  }
0x179: {  	s7 =	spop (v2sf);
	v6 =	vnsel vm0, $0x0, v10  }
0x17a: {  	s13 =	sadd.s32 $0xFFFFFFFF, s7;
	(xrf0) =	vadd.scan.msk.s32 $0xffff, v6  }
0x17b: {  	v7 =	vmov s13  }
0x17c: {  	vm0 =	veq.s32 v7, v1  }
0x17d: {  	v6 =	vnsel vm0, $0x0, v11;
	_ =	sdelay $0x2  }
0x17e: {  	(xrf0) =	vadd.scan.msk.s32 $0xffff, v6;
	v6, _, _ =	vpop (xrf0)  }
0x17f: {  	s21 =	sadd.s32 s24, s21;
	p1 =	por !p1, !p1;
	(v2sf) =	vpush v6, $0xF  }
0x180: {  	s17 =	smov.u32 @p1 s21  }
0x181: {  	p3 =	slt.s32 s17, $0x0;
	p2 =	sgt.s32 s31, $0xFFFFFFFF  }
0x182: {  	p2 =	por !p3, !p2  }
0x183: {  	s21 =	sadd.s32 s23, s29;
	p2 =	por !p2, !p2  }
0x184: {  	s17 =	smov.u32 @p2 s21  }
0x185: {  	p5 =	sgt.s32 s4, $0xFFFFFFFF;
	s4 =	sadd.s32 s22, s30;
	s30 =	simm.s32 $0x40  }
0x186: {  	p4 =	slt.s32 s17, $0x0;
	v12 =	vld [tilespmem:s30+$0xFFFFFFE0]  }
0x187: {  	p6 =	por !p4, !p5;
	v13 =	vld [tilespmem:s30+$0xFFFFFFD0]  }
0x188: {  	s18 =	smov.u32 @p0 s28;
	s21 =	ssub.s32 s14, s26;
	v14 =	vld [tilespmem:s30+$0xFFFFFFC0];
	p0 =	por !p6, !p6  }
0x189: {  	s18 =	smov.u32 @p1 s21;
	v8 =	vld [tilespmem:s30+$0x20];
	s17 =	smov.u32 @p0 s4  }
0x18a: {  	v9 =	vld [tilespmem:s30+$0x10];
	p4 =	slt.s32 s17, $0x0;
	s0 =	ssub.s32 s14, s0;
	p3 =	sgt.s32 s2, $0xFFFFFFFF  }
0x18b: {  	s18 =	smov.u32 @p2 s0;
	s0 =	ssub.s32 s14, s8;
	p1 =	por !p4, !p3;
	v10 =	vld [tilespmem:s30+$0x0]  }
0x18c: {  	s18 =	smov.u32 @p0 s0;
	s0 =	sadd.s32 s20, s25;
	p0 =	por !p1, !p1;
	v7 =	vld [tilespmem:s30+$0x30]  }
0x18d: {  	s17 =	smov.u32 @p0 s0;
	v11 =	vld [tilespmem:s30+$0xFFFFFFF0]  }
0x18e: {  	v12 =	vand.u32 $0x7FFFFFFF, v12;
	v25 =	vand.u32 $0x7FFFFFFF, v14;
	p5 =	sgt.s32 s13, $0xFFFFFFFF;
	p6 =	slt.s32 s17, $0x0;
	v6, _, _ =	vpop (xrf0);
	s28 =	spop (v2sf)  }
0x18f: {  	v15 =	vand.u32 $0x7FFFFFFF, v13;
	v8 =	vand.u32 $0x7FFFFFFF, v8;
	p1 =	por !p6, !p5;
	(v2sf) =	vpush v6, $0xF;
	s0 =	ssub.s32 s14, s28  }
0x190: {  	v14 =	vshrl.u32 v25, $0x18;
	v9 =	vand.u32 $0x7FFFFFFF, v9;
	s2 =	sadd.s32 s19, s7;
	v10 =	vand.u32 $0x7FFFFFFF, v10;
	s18 =	smov.u32 @p0 s0;
	p0 =	por !p1, !p1  }
0x191: {  	v17 =	vshrl.u32 v8, $0x18;
	v16 =	vshrl.u32 v9, $0x18;
	v18 =	vshrl.u32 v10, $0x18;
	s17 =	smov.u32 @p0 s2  }
0x192: {  	v7 =	vand.u32 $0x7FFFFFFF, v7;
	v11 =	vand.u32 $0x7FFFFFFF, v11;
	v6 =	vmov s17  }
0x193: {  	s31 =	simm.s32 $0xC0;
	v13 =	vshrl.u32 v7, $0x18;
	vm1 =	veq.s32 v14, v6;
	v14 =	vshrl.u32 v15, $0x18  }
0x194: {  	v19 =	vld [tilespmem:s31+$0x30];
	vm8 =	veq.s32 v18, v6;
	vm9 =	veq.s32 v16, v6;
	vm2 =	veq.s32 v17, v6  }
0x195: {  	v21 =	vld [tilespmem:s31+$0x20];
	v20 =	vmpcnt.ones.xlane vm1;
	vm0 =	veq.s32 v14, v6;
	v14 =	vshrl.u32 v12, $0x18  }
0x196: {  	v23 =	vld [tilespmem:s31+$0x10];
	v22 =	vmpcnt.ones.xlane vm0;
	vm3 =	veq.s32 v14, v6;
	v14 =	vshrl.u32 v11, $0x18  }
0x197: {  	v26 =	vld [tilespmem:s31+$0x0];
	v24 =	vmpcnt.ones.xlane vm3;
	vm4 =	veq.s32 v14, v6;
	(v2sf) =	vpush v20, $0x0  }
0x198: {  	vm5 =	veq.s32 v13, v6;
	v17 =	vld [tilespmem:s31+$0xFFFFFFC0];
	v14 =	vmpcnt.ones.xlane vm4;
	(v2sf) =	vpush v22, $0x0  }
0x199: {  	v18 =	vld [tilespmem:s31+$0xFFFFFFF0];
	v16 =	vmpcnt.ones.xlane vm9;
	v20 =	vmpcnt.ones.xlane vm8;
	(v2sf) =	vpush v24, $0x0  }
0x19a: {  	v13 =	vmpcnt.ones.xlane vm5;
	vm7 =	vmmov vm0;
	v22 =	vld [tilespmem:s31+$0xFFFFFFE0];
	(v2sf) =	vpush v14, $0x0  }
0x19b: {  	vm0 =	vmmov vm9;
	v24 =	vld [tilespmem:s31+$0xFFFFFFD0];
	v14 =	vmpcnt.ones.xlane vm2;
	(v2sf) =	vpush v20, $0x0  }
0x19c: {  	vm6 =	vmmov vm3;
	vm3 =	vmmov vm8;
	(v2sf) =	vpush v16, $0x0  }
0x19d: {  	vm4 =	vmmov vm4;
	v17 =	vand.u32 $0x7FFFFFFF, v17;
	(v2sf) =	vpush v14, $0x0  }
0x19e: {  	s29 =	spop (v2sf);
	v16 =	vand.u32 $0x7FFFFFFF, v23;
	v14 =	vand.u32 $0x7FFFFFFF, v21;
	(v2sf) =	vpush v13, $0x0  }
0x19f: {  	v20 =	vand.u32 $0x7FFFFFFF, v22;
	v13 =	vand.u32 $0x7FFFFFFF, v19;
	v19 =	vand.u32 $0x7FFFFFFF, v18  }
0x1a0: {  	v18 =	vand.u32 $0x7FFFFFFF, v26;
	v21 =	vand.u32 $0x7FFFFFFF, v24;
	v26 =	vshrl.u32 v17, $0x18  }
0x1a1: {  	s21 =	simm.s32 $0x8;
	s20 =	simm.s32 $0x0;
	s0 =	ssub.s32 s14, s29;
	v24 =	vshrl.u32 v16, $0x18;
	v23 =	vshrl.u32 v14, $0x18;
	v22 =	vshrl.u32 v13, $0x18  }
0x1a2: {  	s22 =	simm.s32 $0x140;
	s19 =	simm.s32 $0x0;
	s18 =	smov.u32 @p0 s0;
	[tilespmem:s20+$0x8000] =	vst.msk vm1, v25;
	vm1 =	veq.s32 v26, v6;
	v26 =	vshrl.u32 v21, $0x18;
	v25 =	vshrl.u32 v18, $0x18  }
.LBB2_9:
0x1a3: {  	v28 =	vmpcnt.ones.xlane vm1;
	vm11 =	veq.s32 v26, v6  }
0x1a4: {  	v27 =	vld [tilespmem:s22+$0x30];
	v26 =	vshrl.u32 v20, $0x18;
	vm9 =	vmmov vm2;
	vm8 =	vmmov vm5  }
0x1a5: {  	v29 =	vld [tilespmem:s22+$0x20];
	v30 =	vmpcnt.ones.xlane vm11;
	vm10 =	veq.s32 v26, v6;
	v26 =	vshrl.u32 v19, $0x18  }
0x1a6: {  	v31 =	vld [tilespmem:s22+$0x10];
	v32 =	vmpcnt.ones.xlane vm10;
	vm13 =	veq.s32 v26, v6;
	(v2sf) =	vpush v28, $0x0;
	s0 =	spop (v2sf)  }
0x1a7: {  	vm12 =	veq.s32 v25, v6;
	v26 =	vld [tilespmem:s22+$0x0];
	v28 =	vmpcnt.ones.xlane vm13;
	(v2sf) =	vpush v30, $0x0;
	s0 =	sadd.s32 s20, s0;
	s2 =	spop (v2sf)  }
0x1a8: {  	vm14 =	veq.s32 v24, v6;
	v30 =	vmpcnt.ones.xlane vm12;
	v25 =	vld [tilespmem:s22+$0xFFFFFFF0];
	(v2sf) =	vpush v32, $0x0;
	[tilespmem:s0+$0x8000] =	vst.msk vm7, v15;
	s0 =	sadd.s32 s0, s2;
	s2 =	spop (v2sf);
	v15 =	vmovc v21  }
0x1a9: {  	vm2 =	veq.s32 v23, v6;
	v24 =	vmpcnt.ones.xlane vm14;
	v21 =	vld [tilespmem:s22+$0xFFFFFFE0];
	(v2sf) =	vpush v28, $0x0;
	[tilespmem:s0+$0x8000] =	vst.msk vm6, v12;
	s0 =	sadd.s32 s0, s2;
	s2 =	spop (v2sf);
	v12 =	vmovc v20  }
0x1aa: {  	vm5 =	veq.s32 v22, v6;
	v20 =	vmpcnt.ones.xlane vm2;
	v23 =	vld [tilespmem:s22+$0xFFFFFFD0];
	(v2sf) =	vpush v30, $0x0;
	[tilespmem:s0+$0x8000] =	vst.msk vm4, v11;
	s0 =	sadd.s32 s0, s2;
	s2 =	spop (v2sf);
	v11 =	vmovc v19  }
0x1ab: {  	s21 =	sadd.s32 $0x8, s21;
	vm7 =	vmmov vm11;
	v19 =	vmpcnt.ones.xlane vm5;
	v22 =	vld [tilespmem:s22+$0xFFFFFFC0];
	(v2sf) =	vpush v24, $0x0;
	[tilespmem:s0+$0x8000] =	vst.msk vm3, v10;
	s0 =	sadd.s32 s0, s2;
	s2 =	spop (v2sf);
	v10 =	vmovc v18  }
0x1ac: {  	p0 =	slt.u32 s21, $0x7F8;
	vm6 =	vmmov vm10;
	vm4 =	vmmov vm13;
	(v2sf) =	vpush v20, $0x0;
	[tilespmem:s0+$0x8000] =	vst.msk vm0, v9;
	s0 =	sadd.s32 s0, s2;
	s2 =	spop (v2sf);
	v9 =	vmovc v16  }
0x1ad: {  	vm3 =	vmmov vm12;
	vm0 =	vmmov vm14;
	(v2sf) =	vpush v19, $0x0;
	[tilespmem:s0+$0x8000] =	vst.msk vm9, v8;
	s0 =	sadd.s32 s0, s2;
	s2 =	spop (v2sf);
	v8 =	vmovc v14  }
.Ltmp5:
0x1ae: {  	v16 =	vand.u32 $0x7FFFFFFF, v31;
	v14 =	vand.u32 $0x7FFFFFFF, v29;
	[tilespmem:s0+$0x8000] =	vst.msk vm8, v7;
	s20 =	sadd.s32 s0, s2;
	v7 =	vmovc v13;
	v13 =	vand.u32 $0x7FFFFFFF, v27;
	(pc) =	sbr.rel @p0 .LBB2_9-.Ltmp5, $4  }
0x1af: {  	v18 =	vand.u32 $0x7FFFFFFF, v26;
	v19 =	vand.u32 $0x7FFFFFFF, v25;
	v20 =	vand.u32 $0x7FFFFFFF, v21;
	[tilespmem:s20+$0x8000] =	vst.msk vm1, v17  }
0x1b0: {  	v21 =	vand.u32 $0x7FFFFFFF, v23;
	v17 =	vand.u32 $0x7FFFFFFF, v22;
	v22 =	vshrl.u32 v13, $0x18  }
0x1b1: {  	v24 =	vshrl.u32 v16, $0x18;
	v23 =	vshrl.u32 v14, $0x18;
	v25 =	vshrl.u32 v17, $0x18  }
0x1b2: {  	s22 =	sadd.s32 $0x80, s22;
	v26 =	vshrl.u32 v21, $0x18;
	vm1 =	veq.s32 v25, v6;
	v25 =	vshrl.u32 v18, $0x18  }
0x1b3: {  	v27 =	vmpcnt.ones.xlane vm1;
	vm13 =	veq.s32 v26, v6;
	v62 =	vshrl.u32 v20, $0x18  }
0x1b4: {  	v63 =	vshrl.u32 v19, $0x18;
	v28 =	vmpcnt.ones.xlane vm13;
	vm12 =	veq.s32 v62, v6  }
0x1b5: {  	vm11 =	veq.s32 v63, v6;
	v29 =	vmpcnt.ones.xlane vm12;
	(v2sf) =	vpush v27, $0x0  }
0x1b6: {  	vm10 =	veq.s32 v25, v6;
	v26 =	vmpcnt.ones.xlane vm11;
	(v2sf) =	vpush v28, $0x0  }
0x1b7: {  	vm9 =	veq.s32 v24, v6;
	v25 =	vmpcnt.ones.xlane vm10;
	(v2sf) =	vpush v29, $0x0  }
0x1b8: {  	vm8 =	veq.s32 v23, v6;
	v24 =	vmpcnt.ones.xlane vm9;
	(v2sf) =	vpush v26, $0x0  }
0x1b9: {  	v23 =	vmpcnt.ones.xlane vm8;
	(v2sf) =	vpush v25, $0x0  }
0x1ba: {  	(v2sf) =	vpush v24, $0x0  }
0x1bb: {  	(v2sf) =	vpush v23, $0x0  }
0x1bc: {  	s0 =	spop (v2sf)  }
0x1bd: {  	s2 =	spop (v2sf);
	s0 =	sadd.s32 s20, s0  }
0x1be: {  	[tilespmem:s0+$0x8000] =	vst.msk vm7, v15;
	s4 =	spop (v2sf);
	s0 =	sadd.s32 s0, s2  }
0x1bf: {  	s8 =	spop (v2sf);
	[tilespmem:s0+$0x8000] =	vst.msk vm6, v12;
	s0 =	sadd.s32 s0, s4  }
0x1c0: {  	vm15 =	veq.s32 v22, v6;
	s13 =	spop (v2sf);
	[tilespmem:s0+$0x8000] =	vst.msk vm4, v11;
	s0 =	sadd.s32 s0, s8  }
0x1c1: {  	v6 =	vmpcnt.ones.xlane vm15;
	s20 =	spop (v2sf);
	[tilespmem:s0+$0x8000] =	vst.msk vm3, v10;
	s0 =	sadd.s32 s0, s13  }
0x1c2: {  	vm2 =	vmmov vm2;
	[tilespmem:s0+$0x8000] =	vst.msk vm0, v9;
	s0 =	sadd.s32 s0, s20;
	s21 =	spop (v2sf)  }
0x1c3: {  	vm4 =	vmmov vm5;
	(v2sf) =	vpush v6, $0x0;
	[tilespmem:s0+$0x8000] =	vst.msk vm2, v8;
	s0 =	sadd.s32 s0, s21;
	s22 =	spop (v2sf)  }
0x1c4: {  	[tilespmem:s0+$0x8000] =	vst.msk vm4, v7;
	s0 =	sadd.s32 s0, s22;
	s23 =	spop (v2sf)  }
0x1c5: {  	vm5 =	vmmov vm13;
	[tilespmem:s0+$0x8000] =	vst.msk vm1, v17;
	s0 =	sadd.s32 s0, s23;
	s24 =	spop (v2sf)  }
0x1c6: {  	vm7 =	vmmov vm12;
	[tilespmem:s0+$0x8000] =	vst.msk vm5, v21;
	s0 =	sadd.s32 s0, s24;
	s25 =	spop (v2sf)  }
0x1c7: {  	vm11 =	vmmov vm11;
	[tilespmem:s0+$0x8000] =	vst.msk vm7, v20;
	s0 =	sadd.s32 s0, s25;
	s26 =	spop (v2sf)  }
0x1c8: {  	vm12 =	vmmov vm10;
	[tilespmem:s0+$0x8000] =	vst.msk vm11, v19;
	s0 =	sadd.s32 s0, s26;
	s28 =	spop (v2sf)  }
0x1c9: {  	vm13 =	vmmov vm9;
	[tilespmem:s0+$0x8000] =	vst.msk vm12, v18;
	s0 =	sadd.s32 s0, s28;
	s29 =	spop (v2sf)  }
0x1ca: {  	vm14 =	vmmov vm8;
	[tilespmem:s0+$0x8000] =	vst.msk vm13, v16;
	s0 =	sadd.s32 s0, s29;
	s30 =	spop (v2sf)  }
0x1cb: {  	vm15 =	vmmov vm15;
	[tilespmem:s0+$0x8000] =	vst.msk vm14, v14;
	s0 =	sadd.s32 s0, s30  }
0x1cc: {  	s21 =	simm.s32 $0x100C0;
	[tilespmem:s0+$0x8000] =	vst.msk vm15, v13  }
0x1cd: {  	[tilespmem:s21+$0xFFFFFFC0] =	vst v0  }
0x1ce: {  	[tilespmem:s21+$0x30] =	vst v0  }
0x1cf: {  	[tilespmem:s21+$0x20] =	vst v0  }
0x1d0: {  	[tilespmem:s21+$0x10] =	vst v0  }
0x1d1: {  	[tilespmem:s21+$0x0] =	vst v0  }
0x1d2: {  	s31 =	spop (v2sf);
	[tilespmem:s21+$0xFFFFFFF0] =	vst v0  }
0x1d3: {  	s22 =	sadd.s32 s0, s31;
	[tilespmem:s21+$0xFFFFFFE0] =	vst v0  }
.LBB2_11:
0x1d4: {  	s19 =	sadd.s32 $0x8, s19;
	[tilespmem:s21+$0xFFFFFFD0] =	vst v0;
	s21 =	sadd.s32 $0x80, s21  }
0x1d5: {  	[tilespmem:s21+$0xFFFFFFC0] =	vst v0;
	p0 =	slt.u32 s19, $0x38  }
0x1d6: {  	[tilespmem:s21+$0x30] =	vst v0  }
.Ltmp6:
0x1d7: {  	[tilespmem:s21+$0x20] =	vst v0;
	(pc) =	sbr.rel @p0 .LBB2_11-.Ltmp6, $4  }
0x1d8: {  	[tilespmem:s21+$0x10] =	vst v0  }
0x1d9: {  	[tilespmem:s21+$0x0] =	vst v0  }
0x1da: {  	[tilespmem:s21+$0xFFFFFFF0] =	vst v0  }
0x1db: {  	[tilespmem:s21+$0xFFFFFFE0] =	vst v0  }
0x1dc: {  	s0 =	sadd.s32 $0xF, s22  }
0x1dd: {  	s2 =	sand.u32 $0xF, s0  }
0x1de: {  	s31 =	sshra.s32 s0, $0x1F;
	p1 =	slt.s32 s0, $0x1;
	p0 =	sne.s32 s2, $0x0  }
0x1df: {  	s2 =	sshrl.u32 s31, $0x1C;
	p0 =	por !p1, !p0  }
0x1e0: {  	s0 =	sadd.s32 s2, s0;
	s2 =	simm.s32 $0x1;
	p0 =	por !p0, !p0  }
0x1e1: {  	s0 =	sshra.s32 s0, $0x4;
	s2 =	simm.s32 @!p0 $0x0  }
0x1e2: {  	s20 =	ssub.s32 s0, s2  }
0x1e3: {  	p1 =	slt.s32 s20, $0x1  }
.Ltmp7:
0x1e4: {  	_ = 	snop;
	(pc) =	sbr.rel @p1 .LBB2_19-.Ltmp7, $2  }
0x1e5: {  	_ =	sdelay $0x2  }
0x1e6: {  	[tilespmem:s21+$0xFFFFFFD0] =	vst v0;
	v6 =	vmov s22;
	p0 =	sne.s32 s20, $0x1  }
.Ltmp8:
0x1e7: {  	(pc) =	sbr.rel @!p0 .LBB2_14-.Ltmp8, $3  }
0x1e8: {  	_ =	sdelay $0x1  }
0x1e9: {  	s0 =	simm.s32 $0x8000  }
0x1ea: {  	s19 =	simm.s32 $0x0;
	s21 =	sadd.s32 $0xFFFFFFFF, s20;
	p2 =	por $0x0, $0x0;
	v7 =	vld [tilespmem:s0+$0x0]  }
0x1eb: {  	_ =	sdelay $0x3  }
0x1ec: {  	v8 =	vor.u32 s19, v1;
	v7 =	vshrl.u32 v7, $0x12  }
0x1ed: {  	vm0 =	vlt.s32 v8, v6;
	v7 =	vand.u32 $0x3F, v7  }
0x1ee: {  	v7 =	vor.u32 v4, v7  }
0x1ef: {  	p3 =	sne.s32 s21, $0x1  }
.Ltmp9:
0x1f0: {  	_ = 	snop;
	(pc) =	sbr.rel @!p3 .LBB2_16-.Ltmp9, $3  }
0x1f1: {  	_ =	sdelay $0x1  }
0x1f2: {  	s22 =	simm.s32 $0x8010;
	[tilespmem:v7+s12+$0x0] =	vst.idx.add.s32.msk vm0, v3  }
0x1f3: {  	s23 =	sadd.s32 $0xFFFFFFFF, s21;
	p2 =	por $0x1, $0x1;
	s21 =	simm.s32 $0x0;
	v7 =	vld [tilespmem:s22+$0x0]  }
.LBB2_17:
0x1f4: {  	p3 =	sne.s32 s23, $0x1;
	_ =	sdelay $0x2  }
0x1f5: {  	s21 =	sadd.s32 $0x10, s21  }
0x1f6: {  	v8 =	vor.u32 s21, v1;
	v7 =	vshrl.u32 v7, $0x12  }
0x1f7: {  	vm0 =	vlt.s32 v8, v6;
	v7 =	vand.u32 $0x3F, v7  }
0x1f8: {  	v7 =	vor.u32 v4, v7;
	_ =	sdelay $0x1  }
.Ltmp10:
0x1f9: {  	(pc) =	sbr.rel @p3 .LBB2_17-.Ltmp10, $3  }
0x1fa: {  	_ =	sdelay $0x1  }
0x1fb: {  	s22 =	sadd.s32 $0x10, s22;
	[tilespmem:v7+s12+$0x0] =	vst.idx.add.s32.msk vm0, v3  }
0x1fc: {  	s23 =	sadd.s32 $0xFFFFFFFF, s23;
	v7 =	vld [tilespmem:s22+$0x0]  }
.LBB2_18:
0x1fd: {  	_ =	sdelay $0x1  }
0x1fe: {  	s0 =	sadd.s32 @p2 $0x10, s21  }
0x1ff: {  	s19 =	smov.u32 @p2 s0  }
0x200: {  	v8 =	vor.u32 s19, v1;
	v7 =	vshrl.u32 v7, $0x12  }
0x201: {  	vm0 =	vlt.s32 v8, v6;
	v7 =	vand.u32 $0x3F, v7  }
0x202: {  	v7 =	vor.u32 v4, v7;
	_ =	sdelay $0x4  }
0x203: {  	[tilespmem:v7+s12+$0x0] =	vst.idx.add.s32.msk vm0, v3  }
.LBB2_19:
0x204: {  	v7 =	vld [tilespmem:$0x10080]  }
0x205: {  	v8 =	vld [tilespmem:$0x100C0]  }
0x206: {  	v9 =	vld [tilespmem:$0x10100]  }
0x207: {  	v10 =	vld [tilespmem:$0x10140]  }
0x208: {  	v11 =	vld [tilespmem:$0x10180]  }
0x209: {  	v12 =	vld [tilespmem:$0x101C0]  }
0x20a: {  	v13 =	vld [tilespmem:$0x10200]  }
0x20b: {  	v14 =	vld [tilespmem:$0x10240]  }
0x20c: {  	v15 =	vld [tilespmem:$0x10280]  }
0x20d: {  	v16 =	vld [tilespmem:$0x102C0]  }
0x20e: {  	v17 =	vld [tilespmem:$0x10300]  }
0x20f: {  	v18 =	vld [tilespmem:$0x10340]  }
0x210: {  	v19 =	vld [tilespmem:$0x10380]  }
0x211: {  	v20 =	vld [tilespmem:$0x103C0]  }
0x212: {  	v21 =	vld [tilespmem:$0x10400]  }
0x213: {  	v22 =	vld [tilespmem:$0x10440]  }
0x214: {  	v23 =	vld [tilespmem:$0x10090]  }
0x215: {  	v24 =	vld [tilespmem:$0x100D0]  }
0x216: {  	v25 =	vld [tilespmem:$0x10110]  }
0x217: {  	v26 =	vld [tilespmem:$0x10150]  }
0x218: {  	v27 =	vld [tilespmem:$0x10190]  }
0x219: {  	v28 =	vld [tilespmem:$0x101D0]  }
0x21a: {  	v29 =	vld [tilespmem:$0x10210]  }
0x21b: {  	v30 =	vld [tilespmem:$0x10250]  }
0x21c: {  	v31 =	vld [tilespmem:$0x10290]  }
0x21d: {  	v32 =	vld [tilespmem:$0x102D0]  }
0x21e: {  	v33 =	vld [tilespmem:$0x10310]  }
0x21f: {  	v34 =	vld [tilespmem:$0x10350]  }
0x220: {  	v35 =	vld [tilespmem:$0x10390]  }
0x221: {  	v36 =	vld [tilespmem:$0x103D0]  }
0x222: {  	v37 =	vld [tilespmem:$0x10410]  }
0x223: {  	v38 =	vld [tilespmem:$0x10450]  }
0x224: {  	v39 =	vld [tilespmem:$0x100A0]  }
0x225: {  	v40 =	vld [tilespmem:$0x100E0]  }
0x226: {  	v41 =	vld [tilespmem:$0x10120]  }
0x227: {  	v42 =	vld [tilespmem:$0x10160]  }
0x228: {  	v43 =	vld [tilespmem:$0x101A0]  }
0x229: {  	v44 =	vld [tilespmem:$0x101E0]  }
0x22a: {  	v45 =	vld [tilespmem:$0x10220]  }
0x22b: {  	v62 =	vld [tilespmem:$0x10360]  }
0x22c: {  	v63 =	vld [tilespmem:$0x103A0];
	v7 =	vadd.s32 v7, v8  }
0x22d: {  	v46 =	vld [tilespmem:$0x100B0];
	v7 =	vadd.s32 v9, v7  }
0x22e: {  	v47 =	vld [tilespmem:$0x100F0];
	v7 =	vadd.s32 v10, v7  }
0x22f: {  	v48 =	vld [tilespmem:$0x10130];
	v7 =	vadd.s32 v11, v7  }
0x230: {  	v49 =	vld [tilespmem:$0x10170];
	v7 =	vadd.s32 v12, v7  }
0x231: {  	v51 =	vld [tilespmem:$0x101B0];
	v7 =	vadd.s32 v13, v7  }
0x232: {  	v53 =	vld [tilespmem:$0x101F0];
	v7 =	vadd.s32 v14, v7  }
0x233: {  	v54 =	vld [tilespmem:$0x10230];
	v7 =	vadd.s32 v15, v7  }
0x234: {  	v55 =	vld [tilespmem:$0x10270];
	v7 =	vadd.s32 v16, v7  }
0x235: {  	v56 =	vld [tilespmem:$0x102B0];
	v7 =	vadd.s32 v17, v7  }
0x236: {  	v57 =	vld [tilespmem:$0x102F0];
	v7 =	vadd.s32 v18, v7  }
0x237: {  	v58 =	vld [tilespmem:$0x10330];
	v7 =	vadd.s32 v19, v7  }
0x238: {  	v59 =	vld [tilespmem:$0x10370];
	v50 =	vadd.s32 v23, v24;
	v52 =	vadd.s32 v39, v40;
	v7 =	vadd.s32 v20, v7  }
0x239: {  	v60 =	vld [tilespmem:$0x103B0];
	v17 =	vadd.s32 v46, v47;
	v7 =	vadd.s32 v21, v7;
	v21 =	vadd.s32 v25, v50  }
0x23a: {  	v8 =	vld [tilespmem:$0x10260];
	v7 =	vadd.s32 v22, v7;
	v21 =	vadd.s32 v26, v21;
	v22 =	vadd.s32 v41, v52  }
0x23b: {  	v9 =	vld [tilespmem:$0x102A0];
	v17 =	vadd.s32 v48, v17;
	v21 =	vadd.s32 v27, v21;
	v22 =	vadd.s32 v42, v22  }
0x23c: {  	v10 =	vld [tilespmem:$0x102E0];
	v17 =	vadd.s32 v49, v17;
	v21 =	vadd.s32 v28, v21;
	v22 =	vadd.s32 v43, v22  }
0x23d: {  	v11 =	vld [tilespmem:$0x10320];
	v17 =	vadd.s32 v51, v17;
	v21 =	vadd.s32 v29, v21;
	v22 =	vadd.s32 v44, v22  }
0x23e: {  	v14 =	vld [tilespmem:$0x103E0];
	v17 =	vadd.s32 v53, v17;
	v21 =	vadd.s32 v30, v21;
	v22 =	vadd.s32 v45, v22  }
0x23f: {  	v15 =	vld [tilespmem:$0x10420];
	v17 =	vadd.s32 v54, v17;
	v21 =	vadd.s32 v31, v21;
	v8 =	vadd.s32 v8, v22  }
0x240: {  	v16 =	vld [tilespmem:$0x10460];
	v21 =	vadd.s32 v32, v21;
	v8 =	vadd.s32 v9, v8;
	v9 =	vadd.s32 v55, v17  }
0x241: {  	v61 =	vadd.s32 v33, v21;
	v8 =	vadd.s32 v10, v8;
	v9 =	vadd.s32 v56, v9;
	v10 =	vld [tilespmem:$0x103F0]  }
0x242: {  	v19 =	vadd.s32 v34, v61;
	v8 =	vadd.s32 v11, v8;
	v9 =	vadd.s32 v57, v9;
	v11 =	vld [tilespmem:$0x10430]  }
0x243: {  	v19 =	vadd.s32 v35, v19;
	v8 =	vadd.s32 v62, v8;
	v9 =	vadd.s32 v58, v9;
	v62 =	vld [tilespmem:$0x10470]  }
0x244: {  	v19 =	vadd.s32 v36, v19;
	v8 =	vadd.s32 v63, v8;
	v9 =	vadd.s32 v59, v9  }
0x245: {  	v63 =	vadd.s32 v37, v19;
	v8 =	vadd.s32 v14, v8;
	v9 =	vadd.s32 v60, v9  }
0x246: {  	[tilespmem:$0x10880] =	vst v7;
	v7 =	vadd.s32 v38, v63;
	v8 =	vadd.s32 v15, v8;
	v9 =	vadd.s32 v10, v9  }
0x247: {  	[tilespmem:$0x10890] =	vst v7;
	v7 =	vadd.s32 v16, v8;
	v8 =	vadd.s32 v11, v9  }
0x248: {  	[tilespmem:$0x108A0] =	vst v7;
	v7 =	vadd.s32 v62, v8  }
0x249: {  	s0 =	simm.s32 $0x108B0;
	[tilespmem:$0x108B0] =	vst v7  }
0x24a: {  	v8 =	vld [tilespmem:s0+$0x0];
	_ =	sdelay $0x4  }
0x24b: {  	(xrf0) =	vadd.scan.msk.s32 $0xffff, v8;
	_ =	sdelay $0x5  }
0x24c: {  	v7, _, _ =	vpop (xrf0)  }
0x24d: {  	(v2sf) =	vpush v7, $0xF;
	_ =	sdelay $0xe  }
0x24e: {  	s30 =	spop (v2sf)  }
0x24f: {  	s0 =	sadd.s32 $0x0, s30  }
0x250: {  	v9 =	vsub.s32 s0, v7  }
0x251: {  	v7 =	vmov s18;
	v8 =	vadd.s32 v8, v9  }
0x252: {  	vm0 =	vge.s32 v8, v7  }
0x253: {  	v8 =	vsel vm0, $0x1, v0  }
0x254: {  	(xrf0) =	vadd.scan.msk.s32 $0xffff, v8;
	_ =	sdelay $0x5  }
0x255: {  	v8, _, _ =	vpop (xrf0)  }
0x256: {  	(v2sf) =	vpush v8, $0xF;
	_ =	sdelay $0x1  }
0x257: {  	s22 =	simm.s32 $0x108A0  }
0x258: {  	v10 =	vld [tilespmem:s22+$0x0];
	_ =	sdelay $0x4  }
0x259: {  	(xrf0) =	vadd.scan.msk.s32 $0xffff, v10;
	_ =	sdelay $0x5  }
0x25a: {  	v8, _, _ =	vpop (xrf0)  }
0x25b: {  	(v2sf) =	vpush v8, $0xF;
	s2 =	spop (v2sf)  }
0x25c: {  	s4 =	sadd.s32 $0xFFFFFFFF, s2  }
0x25d: {  	v11 =	vmov s4  }
0x25e: {  	vm14 =	veq.s32 v11, v1  }
0x25f: {  	v9 =	vnsel vm14, $0x0, v9  }
0x260: {  	(xrf0) =	vadd.scan.msk.s32 $0xffff, v9;
	_ =	sdelay $0x5  }
0x261: {  	v9, _, _ =	vpop (xrf0)  }
0x262: {  	(v2sf) =	vpush v9, $0xF;
	_ =	sdelay $0x2  }
0x263: {  	s7 =	spop (v2sf)  }
0x264: {  	s24 =	sadd.s32 s0, s7  }
0x265: {  	v8 =	vsub.s32 s24, v8  }
0x266: {  	v9 =	vadd.s32 v10, v8  }
0x267: {  	vm15 =	vge.s32 v9, v7  }
0x268: {  	v9 =	vsel vm15, $0x1, v0  }
0x269: {  	(xrf0) =	vadd.scan.msk.s32 $0xffff, v9;
	_ =	sdelay $0x3  }
0x26a: {  	s21 =	simm.s32 $0xFFFFFFFF;
	s19 =	simm.s32 $0x0  }
0x26b: {  	s23 =	simm.s32 $0x1F;
	p3 =	por $0x1, $0x1;
	p2 =	sgt.s32 s4, $0xFFFFFFFF  }
0x26c: {  	s25 =	simm.s32 $0xF;
	p2 =	por !p3, !p2;
	v9, _, _ =	vpop (xrf0);
	s31 =	spop (v2sf)  }
0x26d: {  	s28 =	sadd.s32 $0x2F, s2;
	p3 =	por !p2, !p2;
	(v2sf) =	vpush v9, $0xF;
	s26 =	ssub.s32 s18, s31  }
.LBB2_20:
0x26e: {  	p2 =	sne.s32 s25, $0xFFFFFFFF;
	s21 =	smov.u32 @p3 s28  }
0x26f: {  	s19 =	smov.u32 @p3 s26;
	s26 =	smov.u32 s23;
	s23 =	smov.u32 s25  }
0x270: {  	s25 =	sadd.s32 $0xFFFFFFF0, s25;
	s22 =	sadd.s32 $0xFFFFFFF0, s22  }
0x271: {  	v9 =	vld [tilespmem:s22+$0x0];
	_ =	sdelay $0x4  }
0x272: {  	(xrf0) =	vadd.scan.msk.s32 $0xffff, v9;
	_ =	sdelay $0x5  }
0x273: {  	v10, _, _ =	vpop (xrf0)  }
0x274: {  	(v2sf) =	vpush v10, $0xF;
	s0 =	spop (v2sf)  }
0x275: {  	s2 =	sadd.s32 $0xFFFFFFFF, s0  }
0x276: {  	p4 =	slt.s32 s21, $0x0;
	v11 =	vmov s2;
	p3 =	sgt.s32 s2, $0xFFFFFFFF  }
0x277: {  	vm0 =	veq.s32 v11, v1;
	p3 =	por !p4, !p3  }
0x278: {  	v8 =	vnsel vm0, $0x0, v8  }
0x279: {  	(xrf0) =	vadd.scan.msk.s32 $0xffff, v8;
	_ =	sdelay $0x5  }
0x27a: {  	v8, _, _ =	vpop (xrf0)  }
0x27b: {  	(v2sf) =	vpush v8, $0xF;
	_ =	sdelay $0x2  }
0x27c: {  	s2 =	spop (v2sf)  }
0x27d: {  	s24 =	sadd.s32 s24, s2  }
0x27e: {  	v8 =	vsub.s32 s24, v10  }
0x27f: {  	v9 =	vadd.s32 v9, v8  }
0x280: {  	vm0 =	vge.s32 v9, v7  }
0x281: {  	v9 =	vsel vm0, $0x1, v0  }
0x282: {  	(xrf0) =	vadd.scan.msk.s32 $0xffff, v9;
	_ =	sdelay $0x2  }
.Ltmp11:
0x283: {  	(pc) =	sbr.rel @p2 .LBB2_20-.Ltmp11, $3  }
0x284: {  	_ =	sdelay $0x1  }
0x285: {  	v9, _, _ =	vpop (xrf0);
	s2 =	spop (v2sf)  }
0x286: {  	s28 =	sadd.s32 s26, s0;
	p3 =	por !p3, !p3;
	(v2sf) =	vpush v9, $0xF;
	s26 =	ssub.s32 s18, s2  }
0x287: {  	_ =	sdelay $0xd  }
0x288: {  	s0 =	spop (v2sf)  }
0x289: {  	s2 =	sadd.s32 $0xFFFFFFFF, s0  }
0x28a: {  	v7 =	vmov s2  }
0x28b: {  	vm0 =	veq.s32 v7, v1  }
0x28c: {  	v7 =	vnsel vm0, $0x0, v8  }
0x28d: {  	(xrf0) =	vadd.scan.msk.s32 $0xffff, v7;
	_ =	sdelay $0x5  }
0x28e: {  	v7, _, _ =	vpop (xrf0)  }
0x28f: {  	(v2sf) =	vpush v7, $0xF;
	_ =	sdelay $0xc  }
.Ltmp12:
0x290: {  	s21 =	smov.u32 @p3 s28;
	(pc) =	sbr.rel @p1 .LBB2_22-.Ltmp12, $4  }
0x291: {  	p4 =	slt.s32 s21, $0x0;
	p2 =	sgt.s32 s2, $0xFFFFFFFF  }
0x292: {  	s19 =	smov.u32 @p3 s26;
	p2 =	por !p4, !p2;
	s31 =	spop (v2sf)  }
0x293: {  	s0 =	sadd.s32 s23, s0;
	p2 =	por !p2, !p2;
	s2 =	ssub.s32 s18, s31  }
0x294: {  	s21 =	smov.u32 @p2 s0;
	s19 =	smov.u32 @p2 s2  }
.Ltmp13:
0x295: {  	(pc) =	sbr.rel @!p0 .LBB2_25-.Ltmp13, $4  }
0x296: {  	_ = 	snop  }
0x297: {  	s0 =	sshll.u32 s17, $0x6  }
0x298: {  	s31 =	simm.s32 $0x8000;
	s18 =	sor.u32 s0, s21  }
0x299: {  	s17 =	simm.s32 $0x0;
	s20 =	sadd.s32 $0xFFFFFFFF, s20;
	p1 =	por $0x0, $0x0;
	v8 =	vld [tilespmem:s31+$0x0];
	v7 =	vmov s18  }
0x29a: {  	_ =	sdelay $0x3  }
0x29b: {  	v9 =	vor.u32 s17, v1;
	v10 =	vshrl.u32 v8, $0x12  }
0x29c: {  	vm0 =	vlt.s32 v9, v6;
	vm1 =	veq.s32 v10, v7  }
0x29d: {  	vm0 =	vmand vm0, vm1  }
0x29e: {  	v9 =	vmpcnt.ones.xlane vm0;
	_ =	sdelay $0x1  }
0x29f: {  	(v2sf) =	vpush v9, $0x0  }
0x2a0: {  	p0 =	sne.s32 s20, $0x1  }
.Ltmp14:
0x2a1: {  	_ = 	snop;
	(pc) =	sbr.rel @!p0 .LBB2_27-.Ltmp14, $3  }
0x2a2: {  	_ =	sdelay $0x1  }
0x2a3: {  	s22 =	simm.s32 $0x8010;
	s23 =	sadd.s32 $0xFFFFFFFF, s20;
	[tilespmem:s17+$0x8000] =	vst.msk vm0, v8  }
0x2a4: {  	p1 =	por $0x1, $0x1;
	s21 =	simm.s32 $0x0;
	s20 =	simm.s32 $0x0;
	v8 =	vld [tilespmem:s22+$0x0]  }
.LBB2_28:
0x2a5: {  	p0 =	sne.s32 s23, $0x1;
	_ =	sdelay $0x2  }
0x2a6: {  	s21 =	sadd.s32 $0x10, s21  }
0x2a7: {  	v9 =	vor.u32 s21, v1;
	v10 =	vshrl.u32 v8, $0x12  }
0x2a8: {  	vm0 =	vlt.s32 v9, v6;
	vm1 =	veq.s32 v10, v7  }
0x2a9: {  	vm0 =	vmand vm0, vm1  }
0x2aa: {  	v9 =	vmpcnt.ones.xlane vm0  }
0x2ab: {  	s0 =	spop (v2sf)  }
0x2ac: {  	(v2sf) =	vpush v9, $0x0;
	s20 =	sadd.s32 s20, s0  }
0x2ad: {  	[tilespmem:s20+$0x8000] =	vst.msk vm0, v8  }
.Ltmp15:
0x2ae: {  	(pc) =	sbr.rel @p0 .LBB2_28-.Ltmp15, $3  }
0x2af: {  	_ =	sdelay $0x1  }
0x2b0: {  	s22 =	sadd.s32 $0x10, s22  }
0x2b1: {  	s23 =	sadd.s32 $0xFFFFFFFF, s23;
	v8 =	vld [tilespmem:s22+$0x0]  }
.LBB2_29:
0x2b2: {  	_ =	sdelay $0x1  }
0x2b3: {  	s0 =	sadd.s32 @p1 $0x10, s21;
	s2 =	simm.s32 $0x0  }
0x2b4: {  	s2 =	smov.u32 @p1 s0  }
0x2b5: {  	v9 =	vor.u32 s2, v1;
	v10 =	vshrl.u32 v8, $0x12  }
0x2b6: {  	vm0 =	vlt.s32 v9, v6;
	vm1 =	veq.s32 v10, v7  }
0x2b7: {  	vm0 =	vmand vm0, vm1  }
0x2b8: {  	v6 =	vmpcnt.ones.xlane vm0;
	_ =	sdelay $0x1  }
0x2b9: {  	(v2sf) =	vpush v6, $0x0;
	_ =	sdelay $0xc  }
0x2ba: {  	s0 =	spop @p1 (v2sf)  }
0x2bb: {  	s0 =	sadd.s32 @p1 s20, s0  }
0x2bc: {  	s17 =	smov.u32 @p1 s0;
	s31 =	spop (v2sf)  }
0x2bd: {  	s21 =	sadd.s32 s17, s31  }
0x2be: {  	p0 =	sgt.s32 s21, $0x10  }
.Ltmp16:
0x2bf: {  	_ = 	snop;
	(pc) =	sbr.rel @!p0 .LBB2_23-.Ltmp16, $2  }
0x2c0: {  	_ =	sdelay $0x2  }
0x2c1: {  	[tilespmem:s17+$0x8000] =	vst.msk vm0, v8  }
0x2c2: {  	s17 =	simm.s32 $0x100C0  }
0x2c3: {  	[tilespmem:s17+$0xFFFFFFC0] =	vst v0  }
0x2c4: {  	[tilespmem:s17+$0x30] =	vst v0  }
0x2c5: {  	[tilespmem:s17+$0x20] =	vst v0  }
0x2c6: {  	[tilespmem:s17+$0x10] =	vst v0  }
0x2c7: {  	[tilespmem:s17+$0x0] =	vst v0  }
0x2c8: {  	[tilespmem:s17+$0xFFFFFFF0] =	vst v0  }
0x2c9: {  	s20 =	simm.s32 $0x0;
	[tilespmem:s17+$0xFFFFFFE0] =	vst v0  }
.LBB2_31:
0x2ca: {  	s20 =	sadd.s32 $0x8, s20;
	[tilespmem:s17+$0xFFFFFFD0] =	vst v0;
	s17 =	sadd.s32 $0x80, s17  }
0x2cb: {  	[tilespmem:s17+$0xFFFFFFC0] =	vst v0;
	p0 =	slt.u32 s20, $0x38  }
0x2cc: {  	[tilespmem:s17+$0x30] =	vst v0  }
.Ltmp17:
0x2cd: {  	[tilespmem:s17+$0x20] =	vst v0;
	(pc) =	sbr.rel @p0 .LBB2_31-.Ltmp17, $4  }
0x2ce: {  	[tilespmem:s17+$0x10] =	vst v0  }
0x2cf: {  	[tilespmem:s17+$0x0] =	vst v0  }
0x2d0: {  	[tilespmem:s17+$0xFFFFFFF0] =	vst v0  }
0x2d1: {  	[tilespmem:s17+$0xFFFFFFE0] =	vst v0  }
0x2d2: {  	s0 =	sadd.s32 $0xF, s21  }
0x2d3: {  	s2 =	sand.u32 $0xF, s0  }
0x2d4: {  	s31 =	sshra.s32 s0, $0x1F;
	p1 =	slt.s32 s0, $0x0;
	p0 =	sne.s32 s2, $0x0  }
0x2d5: {  	s2 =	sshrl.u32 s31, $0x1C;
	p0 =	por !p1, !p0  }
0x2d6: {  	s0 =	sadd.s32 s2, s0;
	s2 =	simm.s32 $0x1;
	p0 =	por !p0, !p0  }
0x2d7: {  	s0 =	sshra.s32 s0, $0x4;
	s2 =	simm.s32 @!p0 $0x0  }
0x2d8: {  	s20 =	ssub.s32 s0, s2  }
0x2d9: {  	p0 =	slt.s32 s20, $0x1  }
.Ltmp18:
0x2da: {  	_ = 	snop;
	(pc) =	sbr.rel @p0 .LBB2_39-.Ltmp18, $2  }
0x2db: {  	_ =	sdelay $0x2  }
0x2dc: {  	[tilespmem:s17+$0xFFFFFFD0] =	vst v0;
	v6 =	vmov s21  }
0x2dd: {  	p2 =	sne.s32 s20, $0x1  }
.Ltmp19:
0x2de: {  	_ = 	snop;
	(pc) =	sbr.rel @!p2 .LBB2_34-.Ltmp19, $3  }
0x2df: {  	_ =	sdelay $0x1  }
0x2e0: {  	s0 =	simm.s32 $0x8000  }
0x2e1: {  	s17 =	simm.s32 $0x0;
	s21 =	sadd.s32 $0xFFFFFFFF, s20;
	p1 =	por $0x0, $0x0;
	v7 =	vld [tilespmem:s0+$0x0]  }
0x2e2: {  	_ =	sdelay $0x3  }
0x2e3: {  	v8 =	vor.u32 s17, v1;
	v7 =	vshrl.u32 v7, $0xC  }
0x2e4: {  	vm0 =	vlt.s32 v8, v6;
	v7 =	vand.u32 $0x3F, v7  }
0x2e5: {  	v7 =	vor.u32 v4, v7  }
0x2e6: {  	p2 =	sne.s32 s21, $0x1  }
.Ltmp20:
0x2e7: {  	_ = 	snop;
	(pc) =	sbr.rel @!p2 .LBB2_36-.Ltmp20, $3  }
0x2e8: {  	_ =	sdelay $0x1  }
0x2e9: {  	s22 =	simm.s32 $0x8010;
	[tilespmem:v7+s12+$0x0] =	vst.idx.add.s32.msk vm0, v3  }
0x2ea: {  	s23 =	sadd.s32 $0xFFFFFFFF, s21;
	p1 =	por $0x1, $0x1;
	s21 =	simm.s32 $0x0;
	v7 =	vld [tilespmem:s22+$0x0]  }
.LBB2_37:
0x2eb: {  	p2 =	sne.s32 s23, $0x1;
	_ =	sdelay $0x2  }
0x2ec: {  	s21 =	sadd.s32 $0x10, s21  }
0x2ed: {  	v8 =	vor.u32 s21, v1;
	v7 =	vshrl.u32 v7, $0xC  }
0x2ee: {  	vm0 =	vlt.s32 v8, v6;
	v7 =	vand.u32 $0x3F, v7  }
0x2ef: {  	v7 =	vor.u32 v4, v7;
	_ =	sdelay $0x1  }
.Ltmp21:
0x2f0: {  	(pc) =	sbr.rel @p2 .LBB2_37-.Ltmp21, $3  }
0x2f1: {  	_ =	sdelay $0x1  }
0x2f2: {  	s22 =	sadd.s32 $0x10, s22;
	[tilespmem:v7+s12+$0x0] =	vst.idx.add.s32.msk vm0, v3  }
0x2f3: {  	s23 =	sadd.s32 $0xFFFFFFFF, s23;
	v7 =	vld [tilespmem:s22+$0x0]  }
.LBB2_38:
0x2f4: {  	_ =	sdelay $0x1  }
0x2f5: {  	s0 =	sadd.s32 @p1 $0x10, s21  }
0x2f6: {  	s17 =	smov.u32 @p1 s0  }
0x2f7: {  	v8 =	vor.u32 s17, v1;
	v7 =	vshrl.u32 v7, $0xC  }
0x2f8: {  	vm0 =	vlt.s32 v8, v6;
	v7 =	vand.u32 $0x3F, v7  }
0x2f9: {  	v7 =	vor.u32 v4, v7;
	_ =	sdelay $0x4  }
0x2fa: {  	[tilespmem:v7+s12+$0x0] =	vst.idx.add.s32.msk vm0, v3  }
.LBB2_39:
0x2fb: {  	v7 =	vld [tilespmem:$0x10080]  }
0x2fc: {  	v8 =	vld [tilespmem:$0x100C0]  }
0x2fd: {  	v9 =	vld [tilespmem:$0x10100]  }
0x2fe: {  	v10 =	vld [tilespmem:$0x10140]  }
0x2ff: {  	v11 =	vld [tilespmem:$0x10180]  }
0x300: {  	v12 =	vld [tilespmem:$0x101C0]  }
0x301: {  	v13 =	vld [tilespmem:$0x10200]  }
0x302: {  	v14 =	vld [tilespmem:$0x10240]  }
0x303: {  	v15 =	vld [tilespmem:$0x10280]  }
0x304: {  	v16 =	vld [tilespmem:$0x102C0]  }
0x305: {  	v17 =	vld [tilespmem:$0x10300]  }
0x306: {  	v18 =	vld [tilespmem:$0x10340]  }
0x307: {  	v19 =	vld [tilespmem:$0x10380]  }
0x308: {  	v20 =	vld [tilespmem:$0x103C0]  }
0x309: {  	v21 =	vld [tilespmem:$0x10400]  }
0x30a: {  	v22 =	vld [tilespmem:$0x10440]  }
0x30b: {  	v23 =	vld [tilespmem:$0x10090]  }
0x30c: {  	v24 =	vld [tilespmem:$0x100D0]  }
0x30d: {  	v25 =	vld [tilespmem:$0x10110]  }
0x30e: {  	v26 =	vld [tilespmem:$0x10150]  }
0x30f: {  	v27 =	vld [tilespmem:$0x10190]  }
0x310: {  	v28 =	vld [tilespmem:$0x101D0]  }
0x311: {  	v29 =	vld [tilespmem:$0x10210]  }
0x312: {  	v30 =	vld [tilespmem:$0x10250]  }
0x313: {  	v31 =	vld [tilespmem:$0x10290]  }
0x314: {  	v32 =	vld [tilespmem:$0x102D0]  }
0x315: {  	v33 =	vld [tilespmem:$0x10310]  }
0x316: {  	v34 =	vld [tilespmem:$0x10350]  }
0x317: {  	v35 =	vld [tilespmem:$0x10390]  }
0x318: {  	v36 =	vld [tilespmem:$0x103D0]  }
0x319: {  	v37 =	vld [tilespmem:$0x10410]  }
0x31a: {  	v38 =	vld [tilespmem:$0x10450]  }
0x31b: {  	v39 =	vld [tilespmem:$0x100A0]  }
0x31c: {  	v40 =	vld [tilespmem:$0x100E0]  }
0x31d: {  	v41 =	vld [tilespmem:$0x10120]  }
0x31e: {  	v42 =	vld [tilespmem:$0x10160]  }
0x31f: {  	v43 =	vld [tilespmem:$0x101A0]  }
0x320: {  	v44 =	vld [tilespmem:$0x101E0]  }
0x321: {  	v45 =	vld [tilespmem:$0x10220]  }
0x322: {  	v62 =	vld [tilespmem:$0x10360]  }
0x323: {  	v63 =	vld [tilespmem:$0x103A0];
	v7 =	vadd.s32 v7, v8  }
0x324: {  	v46 =	vld [tilespmem:$0x100B0];
	v7 =	vadd.s32 v9, v7  }
0x325: {  	v47 =	vld [tilespmem:$0x100F0];
	v7 =	vadd.s32 v10, v7  }
0x326: {  	v48 =	vld [tilespmem:$0x10130];
	v7 =	vadd.s32 v11, v7  }
0x327: {  	v49 =	vld [tilespmem:$0x10170];
	v7 =	vadd.s32 v12, v7  }
0x328: {  	v51 =	vld [tilespmem:$0x101B0];
	v7 =	vadd.s32 v13, v7  }
0x329: {  	v53 =	vld [tilespmem:$0x101F0];
	v7 =	vadd.s32 v14, v7  }
0x32a: {  	v54 =	vld [tilespmem:$0x10230];
	v7 =	vadd.s32 v15, v7  }
0x32b: {  	v55 =	vld [tilespmem:$0x10270];
	v7 =	vadd.s32 v16, v7  }
0x32c: {  	v56 =	vld [tilespmem:$0x102B0];
	v7 =	vadd.s32 v17, v7  }
0x32d: {  	v57 =	vld [tilespmem:$0x102F0];
	v7 =	vadd.s32 v18, v7  }
0x32e: {  	v58 =	vld [tilespmem:$0x10330];
	v7 =	vadd.s32 v19, v7  }
0x32f: {  	v59 =	vld [tilespmem:$0x10370];
	v50 =	vadd.s32 v23, v24;
	v52 =	vadd.s32 v39, v40;
	v7 =	vadd.s32 v20, v7  }
0x330: {  	v60 =	vld [tilespmem:$0x103B0];
	v17 =	vadd.s32 v46, v47;
	v7 =	vadd.s32 v21, v7;
	v21 =	vadd.s32 v25, v50  }
0x331: {  	v8 =	vld [tilespmem:$0x10260];
	v7 =	vadd.s32 v22, v7;
	v21 =	vadd.s32 v26, v21;
	v22 =	vadd.s32 v41, v52  }
0x332: {  	v9 =	vld [tilespmem:$0x102A0];
	v17 =	vadd.s32 v48, v17;
	v21 =	vadd.s32 v27, v21;
	v22 =	vadd.s32 v42, v22  }
0x333: {  	v10 =	vld [tilespmem:$0x102E0];
	v17 =	vadd.s32 v49, v17;
	v21 =	vadd.s32 v28, v21;
	v22 =	vadd.s32 v43, v22  }
0x334: {  	v11 =	vld [tilespmem:$0x10320];
	v17 =	vadd.s32 v51, v17;
	v21 =	vadd.s32 v29, v21;
	v22 =	vadd.s32 v44, v22  }
0x335: {  	v14 =	vld [tilespmem:$0x103E0];
	v17 =	vadd.s32 v53, v17;
	v21 =	vadd.s32 v30, v21;
	v22 =	vadd.s32 v45, v22  }
0x336: {  	v15 =	vld [tilespmem:$0x10420];
	v17 =	vadd.s32 v54, v17;
	v21 =	vadd.s32 v31, v21;
	v8 =	vadd.s32 v8, v22  }
0x337: {  	v16 =	vld [tilespmem:$0x10460];
	v21 =	vadd.s32 v32, v21;
	v8 =	vadd.s32 v9, v8;
	v9 =	vadd.s32 v55, v17  }
0x338: {  	v61 =	vadd.s32 v33, v21;
	v8 =	vadd.s32 v10, v8;
	v9 =	vadd.s32 v56, v9;
	v10 =	vld [tilespmem:$0x103F0]  }
0x339: {  	v19 =	vadd.s32 v34, v61;
	v8 =	vadd.s32 v11, v8;
	v9 =	vadd.s32 v57, v9;
	v11 =	vld [tilespmem:$0x10430]  }
0x33a: {  	v19 =	vadd.s32 v35, v19;
	v8 =	vadd.s32 v62, v8;
	v9 =	vadd.s32 v58, v9;
	v62 =	vld [tilespmem:$0x10470]  }
0x33b: {  	v19 =	vadd.s32 v36, v19;
	v8 =	vadd.s32 v63, v8;
	v9 =	vadd.s32 v59, v9  }
0x33c: {  	v63 =	vadd.s32 v37, v19;
	v8 =	vadd.s32 v14, v8;
	v9 =	vadd.s32 v60, v9  }
0x33d: {  	[tilespmem:$0x10880] =	vst v7;
	v7 =	vadd.s32 v38, v63;
	v8 =	vadd.s32 v15, v8;
	v9 =	vadd.s32 v10, v9  }
0x33e: {  	[tilespmem:$0x10890] =	vst v7;
	v7 =	vadd.s32 v16, v8;
	v8 =	vadd.s32 v11, v9  }
0x33f: {  	[tilespmem:$0x108A0] =	vst v7;
	v7 =	vadd.s32 v62, v8  }
0x340: {  	s0 =	simm.s32 $0x108B0;
	[tilespmem:$0x108B0] =	vst v7  }
0x341: {  	v8 =	vld [tilespmem:s0+$0x0];
	_ =	sdelay $0x4  }
0x342: {  	(xrf0) =	vadd.scan.msk.s32 $0xffff, v8;
	_ =	sdelay $0x5  }
0x343: {  	v7, _, _ =	vpop (xrf0)  }
0x344: {  	(v2sf) =	vpush v7, $0xF;
	_ =	sdelay $0xe  }
0x345: {  	s30 =	spop (v2sf)  }
0x346: {  	s0 =	sadd.s32 $0x0, s30  }
0x347: {  	v9 =	vsub.s32 s0, v7  }
0x348: {  	v7 =	vmov s19;
	v8 =	vadd.s32 v8, v9  }
0x349: {  	vm0 =	vge.s32 v8, v7  }
0x34a: {  	v8 =	vsel vm0, $0x1, v0  }
0x34b: {  	(xrf0) =	vadd.scan.msk.s32 $0xffff, v8;
	_ =	sdelay $0x5  }
0x34c: {  	v8, _, _ =	vpop (xrf0)  }
0x34d: {  	(v2sf) =	vpush v8, $0xF;
	_ =	sdelay $0x1  }
0x34e: {  	s22 =	simm.s32 $0x108A0  }
0x34f: {  	v10 =	vld [tilespmem:s22+$0x0];
	_ =	sdelay $0x4  }
0x350: {  	(xrf0) =	vadd.scan.msk.s32 $0xffff, v10;
	_ =	sdelay $0x5  }
0x351: {  	v8, _, _ =	vpop (xrf0)  }
0x352: {  	(v2sf) =	vpush v8, $0xF;
	s2 =	spop (v2sf)  }
0x353: {  	s4 =	sadd.s32 $0xFFFFFFFF, s2  }
0x354: {  	v11 =	vmov s4  }
0x355: {  	vm14 =	veq.s32 v11, v1  }
0x356: {  	v9 =	vnsel vm14, $0x0, v9  }
0x357: {  	(xrf0) =	vadd.scan.msk.s32 $0xffff, v9;
	_ =	sdelay $0x5  }
0x358: {  	v9, _, _ =	vpop (xrf0)  }
0x359: {  	(v2sf) =	vpush v9, $0xF;
	_ =	sdelay $0x2  }
0x35a: {  	s7 =	spop (v2sf)  }
0x35b: {  	s24 =	sadd.s32 s0, s7  }
0x35c: {  	v8 =	vsub.s32 s24, v8  }
0x35d: {  	v9 =	vadd.s32 v10, v8  }
0x35e: {  	vm15 =	vge.s32 v9, v7  }
0x35f: {  	v9 =	vsel vm15, $0x1, v0  }
0x360: {  	(xrf0) =	vadd.scan.msk.s32 $0xffff, v9;
	_ =	sdelay $0x3  }
0x361: {  	s21 =	simm.s32 $0xFFFFFFFF;
	s17 =	simm.s32 $0x0  }
0x362: {  	s23 =	simm.s32 $0x1F;
	p2 =	por $0x1, $0x1;
	p1 =	sgt.s32 s4, $0xFFFFFFFF  }
0x363: {  	s25 =	simm.s32 $0xF;
	p1 =	por !p2, !p1;
	v9, _, _ =	vpop (xrf0);
	s31 =	spop (v2sf)  }
0x364: {  	s28 =	sadd.s32 $0x2F, s2;
	p2 =	por !p1, !p1;
	(v2sf) =	vpush v9, $0xF;
	s26 =	ssub.s32 s19, s31  }
.LBB2_40:
0x365: {  	p1 =	sne.s32 s25, $0xFFFFFFFF;
	s21 =	smov.u32 @p2 s28  }
0x366: {  	s17 =	smov.u32 @p2 s26;
	s26 =	smov.u32 s23;
	s23 =	smov.u32 s25  }
0x367: {  	s25 =	sadd.s32 $0xFFFFFFF0, s25;
	s22 =	sadd.s32 $0xFFFFFFF0, s22  }
0x368: {  	v9 =	vld [tilespmem:s22+$0x0];
	_ =	sdelay $0x4  }
0x369: {  	(xrf0) =	vadd.scan.msk.s32 $0xffff, v9;
	_ =	sdelay $0x5  }
0x36a: {  	v10, _, _ =	vpop (xrf0)  }
0x36b: {  	(v2sf) =	vpush v10, $0xF;
	s0 =	spop (v2sf)  }
0x36c: {  	s2 =	sadd.s32 $0xFFFFFFFF, s0  }
0x36d: {  	p3 =	slt.s32 s21, $0x0;
	v11 =	vmov s2;
	p2 =	sgt.s32 s2, $0xFFFFFFFF  }
0x36e: {  	vm0 =	veq.s32 v11, v1;
	p2 =	por !p3, !p2  }
0x36f: {  	v8 =	vnsel vm0, $0x0, v8  }
0x370: {  	(xrf0) =	vadd.scan.msk.s32 $0xffff, v8;
	_ =	sdelay $0x5  }
0x371: {  	v8, _, _ =	vpop (xrf0)  }
0x372: {  	(v2sf) =	vpush v8, $0xF;
	_ =	sdelay $0x2  }
0x373: {  	s2 =	spop (v2sf)  }
0x374: {  	s24 =	sadd.s32 s24, s2  }
0x375: {  	v8 =	vsub.s32 s24, v10  }
0x376: {  	v9 =	vadd.s32 v9, v8  }
0x377: {  	vm0 =	vge.s32 v9, v7  }
0x378: {  	v9 =	vsel vm0, $0x1, v0  }
0x379: {  	(xrf0) =	vadd.scan.msk.s32 $0xffff, v9;
	_ =	sdelay $0x2  }
.Ltmp22:
0x37a: {  	(pc) =	sbr.rel @p1 .LBB2_40-.Ltmp22, $3  }
0x37b: {  	_ =	sdelay $0x1  }
0x37c: {  	v9, _, _ =	vpop (xrf0);
	s2 =	spop (v2sf)  }
0x37d: {  	s28 =	sadd.s32 s26, s0;
	p2 =	por !p2, !p2;
	(v2sf) =	vpush v9, $0xF;
	s26 =	ssub.s32 s19, s2  }
0x37e: {  	_ =	sdelay $0xd  }
0x37f: {  	s0 =	spop (v2sf)  }
0x380: {  	s2 =	sadd.s32 $0xFFFFFFFF, s0  }
0x381: {  	v7 =	vmov s2  }
0x382: {  	vm0 =	veq.s32 v7, v1  }
0x383: {  	v7 =	vnsel vm0, $0x0, v8  }
0x384: {  	(xrf0) =	vadd.scan.msk.s32 $0xffff, v7;
	_ =	sdelay $0x5  }
0x385: {  	v7, _, _ =	vpop (xrf0)  }
0x386: {  	(v2sf) =	vpush v7, $0xF;
	_ =	sdelay $0xb  }
0x387: {  	s21 =	smov.u32 @p2 s28  }
.Ltmp23:
0x388: {  	p3 =	slt.s32 s21, $0x0;
	p1 =	sgt.s32 s2, $0xFFFFFFFF;
	(pc) =	sbr.rel @p0 .LBB2_42-.Ltmp23, $4  }
0x389: {  	s17 =	smov.u32 @p2 s26;
	p1 =	por !p3, !p1  }
0x38a: {  	s0 =	sadd.s32 s23, s0;
	p1 =	por !p1, !p1;
	s30 =	spop (v2sf)  }
0x38b: {  	s31 =	sshll.u32 s18, $0x6;
	s21 =	smov.u32 @p1 s0;
	s2 =	ssub.s32 s19, s30  }
0x38c: {  	s19 =	sor.u32 s31, s21;
	s17 =	smov.u32 @p1 s2  }
0x38d: {  	p1 =	seq.s32 s20, $0x1  }
.Ltmp24:
0x38e: {  	_ = 	snop;
	(pc) =	sbr.rel @p1 .LBB2_49-.Ltmp24, $3  }
0x38f: {  	_ =	sdelay $0x1  }
0x390: {  	s21 =	simm.s32 $0x8000  }
0x391: {  	v7 =	vmov s19;
	s18 =	simm.s32 $0x0;
	s20 =	sadd.s32 $0xFFFFFFFF, s20;
	p0 =	por $0x0, $0x0;
	v8 =	vld [tilespmem:s21+$0x0]  }
0x392: {  	_ =	sdelay $0x3  }
0x393: {  	v9 =	vor.u32 s18, v1;
	v10 =	vshrl.u32 v8, $0xC  }
0x394: {  	vm0 =	vlt.s32 v9, v6;
	vm1 =	veq.s32 v10, v7  }
0x395: {  	vm0 =	vmand vm0, vm1  }
0x396: {  	v9 =	vmpcnt.ones.xlane vm0;
	_ =	sdelay $0x1  }
0x397: {  	(v2sf) =	vpush v9, $0x0  }
0x398: {  	p1 =	seq.s32 s20, $0x1  }
.Ltmp25:
0x399: {  	_ = 	snop;
	(pc) =	sbr.rel @p1 .LBB2_51-.Ltmp25, $3  }
0x39a: {  	_ =	sdelay $0x1  }
0x39b: {  	s22 =	simm.s32 $0x8010;
	s23 =	sadd.s32 $0xFFFFFFFF, s20;
	[tilespmem:s18+$0x8000] =	vst.msk vm0, v8  }
0x39c: {  	p0 =	por $0x1, $0x1;
	s21 =	simm.s32 $0x0;
	s20 =	simm.s32 $0x0;
	v8 =	vld [tilespmem:s22+$0x0]  }
.LBB2_52:
0x39d: {  	p1 =	seq.s32 s23, $0x1;
	_ =	sdelay $0x2  }
0x39e: {  	s21 =	sadd.s32 $0x10, s21  }
0x39f: {  	v9 =	vor.u32 s21, v1;
	v10 =	vshrl.u32 v8, $0xC  }
0x3a0: {  	vm0 =	vlt.s32 v9, v6;
	vm1 =	veq.s32 v10, v7  }
0x3a1: {  	vm0 =	vmand vm0, vm1  }
0x3a2: {  	v9 =	vmpcnt.ones.xlane vm0  }
0x3a3: {  	s0 =	spop (v2sf)  }
0x3a4: {  	(v2sf) =	vpush v9, $0x0;
	s20 =	sadd.s32 s20, s0  }
0x3a5: {  	[tilespmem:s20+$0x8000] =	vst.msk vm0, v8  }
.Ltmp26:
0x3a6: {  	(pc) =	sbr.rel @!p1 .LBB2_52-.Ltmp26, $3  }
0x3a7: {  	_ =	sdelay $0x1  }
0x3a8: {  	s22 =	sadd.s32 $0x10, s22  }
0x3a9: {  	s23 =	sadd.s32 $0xFFFFFFFF, s23;
	v8 =	vld [tilespmem:s22+$0x0]  }
.LBB2_53:
0x3aa: {  	_ =	sdelay $0x1  }
0x3ab: {  	s0 =	sadd.s32 @p0 $0x10, s21;
	s2 =	simm.s32 $0x0  }
0x3ac: {  	s2 =	smov.u32 @p0 s0  }
0x3ad: {  	v9 =	vor.u32 s2, v1;
	v10 =	vshrl.u32 v8, $0xC  }
0x3ae: {  	vm0 =	vlt.s32 v9, v6;
	vm1 =	veq.s32 v10, v7  }
0x3af: {  	vm0 =	vmand vm0, vm1  }
0x3b0: {  	v6 =	vmpcnt.ones.xlane vm0;
	_ =	sdelay $0x1  }
0x3b1: {  	(v2sf) =	vpush v6, $0x0;
	_ =	sdelay $0xb  }
.Ltmp27:
0x3b2: {  	_ = 	snop;
	(pc) =	sbr.rel .LBB2_43-.Ltmp27, $4  }
0x3b3: {  	s0 =	spop @p0 (v2sf)  }
0x3b4: {  	s0 =	sadd.s32 @p0 s20, s0  }
0x3b5: {  	s18 =	smov.u32 @p0 s0;
	s31 =	spop (v2sf)  }
0x3b6: {  	[tilespmem:s18+$0x8000] =	vst.msk vm0, v8;
	s18 =	sadd.s32 s18, s31  }
.LBB2_22:
0x3b7: {  	s21 =	simm.s32 $0x0  }
.LBB2_23:
0x3b8: {  	v6 =	vld [tilespmem:$0x8000];
	_ =	sdelay $0x2  }
0x3b9: {  	v7 =	vmov s21  }
0x3ba: {  	vm0 =	vgt.s32 v7, v1  }
0x3bb: {  	v6 =	vnsel vm0, $0xFFFFFFFF, v6  }
0x3bc: {  	(xrf1) =	vsort.ascd.msk.u32 $0xffff, v6, v6;
	_ =	sdelay $0xb  }
0x3bd: {  	s0 =	ssub.s32 $0x10, s19  }
0x3be: {  	v6 =	vmov s0  }
0x3bf: {  	vm15 =	veq.s32 v6, v1;
	v7, _, _ =	vpop (xrf1)  }
0x3c0: {  	v6 =	vnsel vm15, $0x0, v7  }
0x3c1: {  	(xrf0) =	vadd.scan.msk.s32 $0xffff, v6;
	_ =	sdelay $0x5  }
0x3c2: {  	v6, _, _ =	vpop (xrf0)  }
0x3c3: {  	(v2sf) =	vpush v6, $0xF;
	_ =	sdelay $0xa  }
.Ltmp28:
0x3c4: {  	_ = 	snop;
	(pc) =	sbr.rel .LBB2_78-.Ltmp28, $2  }
0x3c5: {  	_ =	sdelay $0x2  }
0x3c6: {  	s18 =	spop (v2sf)  }
.LBB2_42:
0x3c7: {  	s18 =	simm.s32 $0x0  }
.LBB2_43:
0x3c8: {  	s21 =	simm.s32 $0x100C0  }
0x3c9: {  	[tilespmem:s21+$0xFFFFFFC0] =	vst v0  }
0x3ca: {  	[tilespmem:s21+$0x30] =	vst v0  }
0x3cb: {  	[tilespmem:s21+$0x20] =	vst v0  }
0x3cc: {  	[tilespmem:s21+$0x10] =	vst v0  }
0x3cd: {  	[tilespmem:s21+$0x0] =	vst v0  }
0x3ce: {  	[tilespmem:s21+$0xFFFFFFF0] =	vst v0  }
0x3cf: {  	s20 =	simm.s32 $0x0;
	[tilespmem:s21+$0xFFFFFFE0] =	vst v0  }
.LBB2_44:
0x3d0: {  	s20 =	sadd.s32 $0x8, s20;
	[tilespmem:s21+$0xFFFFFFD0] =	vst v0;
	s21 =	sadd.s32 $0x80, s21  }
0x3d1: {  	[tilespmem:s21+$0xFFFFFFC0] =	vst v0;
	p0 =	slt.u32 s20, $0x38  }
0x3d2: {  	[tilespmem:s21+$0x30] =	vst v0  }
.Ltmp29:
0x3d3: {  	[tilespmem:s21+$0x20] =	vst v0;
	(pc) =	sbr.rel @p0 .LBB2_44-.Ltmp29, $4  }
0x3d4: {  	[tilespmem:s21+$0x10] =	vst v0  }
0x3d5: {  	[tilespmem:s21+$0x0] =	vst v0  }
0x3d6: {  	[tilespmem:s21+$0xFFFFFFF0] =	vst v0  }
0x3d7: {  	[tilespmem:s21+$0xFFFFFFE0] =	vst v0  }
0x3d8: {  	s0 =	sadd.s32 $0xF, s18  }
0x3d9: {  	s2 =	sand.u32 $0xF, s0  }
0x3da: {  	s31 =	sshra.s32 s0, $0x1F;
	p1 =	slt.s32 s0, $0x1;
	p0 =	sne.s32 s2, $0x0  }
0x3db: {  	s2 =	sshrl.u32 s31, $0x1C;
	p0 =	por !p1, !p0  }
0x3dc: {  	s0 =	sadd.s32 s2, s0;
	s2 =	simm.s32 $0x1;
	p0 =	por !p0, !p0  }
0x3dd: {  	s0 =	sshra.s32 s0, $0x4;
	s2 =	simm.s32 @!p0 $0x0  }
0x3de: {  	s20 =	ssub.s32 s0, s2  }
0x3df: {  	p0 =	slt.s32 s20, $0x1  }
.Ltmp30:
0x3e0: {  	_ = 	snop;
	(pc) =	sbr.rel @p0 .LBB2_58-.Ltmp30, $2  }
0x3e1: {  	_ =	sdelay $0x2  }
0x3e2: {  	[tilespmem:s21+$0xFFFFFFD0] =	vst v0;
	v6 =	vmov s18  }
0x3e3: {  	p2 =	sne.s32 s20, $0x1  }
.Ltmp31:
0x3e4: {  	_ = 	snop;
	(pc) =	sbr.rel @!p2 .LBB2_47-.Ltmp31, $3  }
0x3e5: {  	_ =	sdelay $0x1  }
0x3e6: {  	s0 =	simm.s32 $0x8000  }
0x3e7: {  	s18 =	simm.s32 $0x0;
	s21 =	sadd.s32 $0xFFFFFFFF, s20;
	p1 =	por $0x0, $0x0;
	v7 =	vld [tilespmem:s0+$0x0]  }
0x3e8: {  	_ =	sdelay $0x3  }
0x3e9: {  	v8 =	vor.u32 s18, v1;
	v7 =	vshrl.u32 v7, $0x6  }
0x3ea: {  	vm0 =	vlt.s32 v8, v6;
	v7 =	vand.u32 $0x3F, v7  }
0x3eb: {  	v7 =	vor.u32 v4, v7  }
0x3ec: {  	p2 =	sne.s32 s21, $0x1  }
.Ltmp32:
0x3ed: {  	_ = 	snop;
	(pc) =	sbr.rel @!p2 .LBB2_55-.Ltmp32, $3  }
0x3ee: {  	_ =	sdelay $0x1  }
0x3ef: {  	s22 =	simm.s32 $0x8010;
	[tilespmem:v7+s12+$0x0] =	vst.idx.add.s32.msk vm0, v3  }
0x3f0: {  	s23 =	sadd.s32 $0xFFFFFFFF, s21;
	p1 =	por $0x1, $0x1;
	s21 =	simm.s32 $0x0;
	v7 =	vld [tilespmem:s22+$0x0]  }
.LBB2_56:
0x3f1: {  	p2 =	sne.s32 s23, $0x1;
	_ =	sdelay $0x2  }
0x3f2: {  	s21 =	sadd.s32 $0x10, s21  }
0x3f3: {  	v8 =	vor.u32 s21, v1;
	v7 =	vshrl.u32 v7, $0x6  }
0x3f4: {  	vm0 =	vlt.s32 v8, v6;
	v7 =	vand.u32 $0x3F, v7  }
0x3f5: {  	v7 =	vor.u32 v4, v7;
	_ =	sdelay $0x1  }
.Ltmp33:
0x3f6: {  	(pc) =	sbr.rel @p2 .LBB2_56-.Ltmp33, $3  }
0x3f7: {  	_ =	sdelay $0x1  }
0x3f8: {  	s22 =	sadd.s32 $0x10, s22;
	[tilespmem:v7+s12+$0x0] =	vst.idx.add.s32.msk vm0, v3  }
0x3f9: {  	s23 =	sadd.s32 $0xFFFFFFFF, s23;
	v7 =	vld [tilespmem:s22+$0x0]  }
.LBB2_57:
0x3fa: {  	_ =	sdelay $0x1  }
0x3fb: {  	s0 =	sadd.s32 @p1 $0x10, s21  }
0x3fc: {  	s18 =	smov.u32 @p1 s0  }
0x3fd: {  	v8 =	vor.u32 s18, v1;
	v7 =	vshrl.u32 v7, $0x6  }
0x3fe: {  	vm0 =	vlt.s32 v8, v6;
	v7 =	vand.u32 $0x3F, v7  }
0x3ff: {  	v7 =	vor.u32 v4, v7;
	_ =	sdelay $0x4  }
0x400: {  	[tilespmem:v7+s12+$0x0] =	vst.idx.add.s32.msk vm0, v3  }
.LBB2_58:
0x401: {  	v7 =	vld [tilespmem:$0x10080]  }
0x402: {  	v8 =	vld [tilespmem:$0x100C0]  }
0x403: {  	v9 =	vld [tilespmem:$0x10100]  }
0x404: {  	v10 =	vld [tilespmem:$0x10140]  }
0x405: {  	v11 =	vld [tilespmem:$0x10180]  }
0x406: {  	v12 =	vld [tilespmem:$0x101C0]  }
0x407: {  	v13 =	vld [tilespmem:$0x10200]  }
0x408: {  	v14 =	vld [tilespmem:$0x10240]  }
0x409: {  	v15 =	vld [tilespmem:$0x10280]  }
0x40a: {  	v16 =	vld [tilespmem:$0x102C0]  }
0x40b: {  	v17 =	vld [tilespmem:$0x10300]  }
0x40c: {  	v18 =	vld [tilespmem:$0x10340]  }
0x40d: {  	v19 =	vld [tilespmem:$0x10380]  }
0x40e: {  	v20 =	vld [tilespmem:$0x103C0]  }
0x40f: {  	v21 =	vld [tilespmem:$0x10400]  }
0x410: {  	v22 =	vld [tilespmem:$0x10440]  }
0x411: {  	v23 =	vld [tilespmem:$0x10090]  }
0x412: {  	v24 =	vld [tilespmem:$0x100D0]  }
0x413: {  	v25 =	vld [tilespmem:$0x10110]  }
0x414: {  	v26 =	vld [tilespmem:$0x10150]  }
0x415: {  	v27 =	vld [tilespmem:$0x10190]  }
0x416: {  	v28 =	vld [tilespmem:$0x101D0]  }
0x417: {  	v29 =	vld [tilespmem:$0x10210]  }
0x418: {  	v30 =	vld [tilespmem:$0x10250]  }
0x419: {  	v31 =	vld [tilespmem:$0x10290]  }
0x41a: {  	v32 =	vld [tilespmem:$0x102D0]  }
0x41b: {  	v33 =	vld [tilespmem:$0x10310]  }
0x41c: {  	v34 =	vld [tilespmem:$0x10350]  }
0x41d: {  	v35 =	vld [tilespmem:$0x10390]  }
0x41e: {  	v36 =	vld [tilespmem:$0x103D0]  }
0x41f: {  	v37 =	vld [tilespmem:$0x10410]  }
0x420: {  	v38 =	vld [tilespmem:$0x10450]  }
0x421: {  	v39 =	vld [tilespmem:$0x100A0]  }
0x422: {  	v40 =	vld [tilespmem:$0x100E0]  }
0x423: {  	v41 =	vld [tilespmem:$0x10120]  }
0x424: {  	v42 =	vld [tilespmem:$0x10160]  }
0x425: {  	v43 =	vld [tilespmem:$0x101A0]  }
0x426: {  	v44 =	vld [tilespmem:$0x101E0]  }
0x427: {  	v45 =	vld [tilespmem:$0x10220]  }
0x428: {  	v62 =	vld [tilespmem:$0x10360]  }
0x429: {  	v63 =	vld [tilespmem:$0x103A0];
	v7 =	vadd.s32 v7, v8  }
0x42a: {  	v46 =	vld [tilespmem:$0x100B0];
	v7 =	vadd.s32 v9, v7  }
0x42b: {  	v47 =	vld [tilespmem:$0x100F0];
	v7 =	vadd.s32 v10, v7  }
0x42c: {  	v48 =	vld [tilespmem:$0x10130];
	v7 =	vadd.s32 v11, v7  }
0x42d: {  	v49 =	vld [tilespmem:$0x10170];
	v7 =	vadd.s32 v12, v7  }
0x42e: {  	v51 =	vld [tilespmem:$0x101B0];
	v7 =	vadd.s32 v13, v7  }
0x42f: {  	v53 =	vld [tilespmem:$0x101F0];
	v7 =	vadd.s32 v14, v7  }
0x430: {  	v54 =	vld [tilespmem:$0x10230];
	v7 =	vadd.s32 v15, v7  }
0x431: {  	v55 =	vld [tilespmem:$0x10270];
	v7 =	vadd.s32 v16, v7  }
0x432: {  	v56 =	vld [tilespmem:$0x102B0];
	v7 =	vadd.s32 v17, v7  }
0x433: {  	v57 =	vld [tilespmem:$0x102F0];
	v7 =	vadd.s32 v18, v7  }
0x434: {  	v58 =	vld [tilespmem:$0x10330];
	v7 =	vadd.s32 v19, v7  }
0x435: {  	v59 =	vld [tilespmem:$0x10370];
	v50 =	vadd.s32 v23, v24;
	v52 =	vadd.s32 v39, v40;
	v7 =	vadd.s32 v20, v7  }
0x436: {  	v60 =	vld [tilespmem:$0x103B0];
	v17 =	vadd.s32 v46, v47;
	v7 =	vadd.s32 v21, v7;
	v21 =	vadd.s32 v25, v50  }
0x437: {  	v8 =	vld [tilespmem:$0x10260];
	v7 =	vadd.s32 v22, v7;
	v21 =	vadd.s32 v26, v21;
	v22 =	vadd.s32 v41, v52  }
0x438: {  	v9 =	vld [tilespmem:$0x102A0];
	v17 =	vadd.s32 v48, v17;
	v21 =	vadd.s32 v27, v21;
	v22 =	vadd.s32 v42, v22  }
0x439: {  	v10 =	vld [tilespmem:$0x102E0];
	v17 =	vadd.s32 v49, v17;
	v21 =	vadd.s32 v28, v21;
	v22 =	vadd.s32 v43, v22  }
0x43a: {  	v11 =	vld [tilespmem:$0x10320];
	v17 =	vadd.s32 v51, v17;
	v21 =	vadd.s32 v29, v21;
	v22 =	vadd.s32 v44, v22  }
0x43b: {  	v14 =	vld [tilespmem:$0x103E0];
	v17 =	vadd.s32 v53, v17;
	v21 =	vadd.s32 v30, v21;
	v22 =	vadd.s32 v45, v22  }
0x43c: {  	v15 =	vld [tilespmem:$0x10420];
	v17 =	vadd.s32 v54, v17;
	v21 =	vadd.s32 v31, v21;
	v8 =	vadd.s32 v8, v22  }
0x43d: {  	v16 =	vld [tilespmem:$0x10460];
	v21 =	vadd.s32 v32, v21;
	v8 =	vadd.s32 v9, v8;
	v9 =	vadd.s32 v55, v17  }
0x43e: {  	v61 =	vadd.s32 v33, v21;
	v8 =	vadd.s32 v10, v8;
	v9 =	vadd.s32 v56, v9;
	v10 =	vld [tilespmem:$0x103F0]  }
0x43f: {  	v19 =	vadd.s32 v34, v61;
	v8 =	vadd.s32 v11, v8;
	v9 =	vadd.s32 v57, v9;
	v11 =	vld [tilespmem:$0x10430]  }
0x440: {  	v19 =	vadd.s32 v35, v19;
	v8 =	vadd.s32 v62, v8;
	v9 =	vadd.s32 v58, v9;
	v62 =	vld [tilespmem:$0x10470]  }
0x441: {  	v19 =	vadd.s32 v36, v19;
	v8 =	vadd.s32 v63, v8;
	v9 =	vadd.s32 v59, v9  }
0x442: {  	v63 =	vadd.s32 v37, v19;
	v8 =	vadd.s32 v14, v8;
	v9 =	vadd.s32 v60, v9  }
0x443: {  	[tilespmem:$0x10880] =	vst v7;
	v7 =	vadd.s32 v38, v63;
	v8 =	vadd.s32 v15, v8;
	v9 =	vadd.s32 v10, v9  }
0x444: {  	[tilespmem:$0x10890] =	vst v7;
	v7 =	vadd.s32 v16, v8;
	v8 =	vadd.s32 v11, v9  }
0x445: {  	[tilespmem:$0x108A0] =	vst v7;
	v7 =	vadd.s32 v62, v8  }
0x446: {  	s0 =	simm.s32 $0x108B0;
	[tilespmem:$0x108B0] =	vst v7  }
0x447: {  	v8 =	vld [tilespmem:s0+$0x0];
	_ =	sdelay $0x4  }
0x448: {  	(xrf0) =	vadd.scan.msk.s32 $0xffff, v8;
	_ =	sdelay $0x5  }
0x449: {  	v7, _, _ =	vpop (xrf0)  }
0x44a: {  	(v2sf) =	vpush v7, $0xF;
	_ =	sdelay $0xe  }
0x44b: {  	s30 =	spop (v2sf)  }
0x44c: {  	s0 =	sadd.s32 $0x0, s30  }
0x44d: {  	v9 =	vsub.s32 s0, v7  }
0x44e: {  	v7 =	vmov s17;
	v8 =	vadd.s32 v8, v9  }
0x44f: {  	vm0 =	vge.s32 v8, v7  }
0x450: {  	v8 =	vsel vm0, $0x1, v0  }
0x451: {  	(xrf0) =	vadd.scan.msk.s32 $0xffff, v8;
	_ =	sdelay $0x5  }
0x452: {  	v8, _, _ =	vpop (xrf0)  }
0x453: {  	(v2sf) =	vpush v8, $0xF;
	_ =	sdelay $0x1  }
0x454: {  	s22 =	simm.s32 $0x108A0  }
0x455: {  	v10 =	vld [tilespmem:s22+$0x0];
	_ =	sdelay $0x4  }
0x456: {  	(xrf0) =	vadd.scan.msk.s32 $0xffff, v10;
	_ =	sdelay $0x5  }
0x457: {  	v8, _, _ =	vpop (xrf0)  }
0x458: {  	(v2sf) =	vpush v8, $0xF;
	s2 =	spop (v2sf)  }
0x459: {  	s4 =	sadd.s32 $0xFFFFFFFF, s2  }
0x45a: {  	v11 =	vmov s4  }
0x45b: {  	vm14 =	veq.s32 v11, v1  }
0x45c: {  	v9 =	vnsel vm14, $0x0, v9  }
0x45d: {  	(xrf0) =	vadd.scan.msk.s32 $0xffff, v9;
	_ =	sdelay $0x5  }
0x45e: {  	v9, _, _ =	vpop (xrf0)  }
0x45f: {  	(v2sf) =	vpush v9, $0xF;
	_ =	sdelay $0x2  }
0x460: {  	s7 =	spop (v2sf)  }
0x461: {  	s24 =	sadd.s32 s0, s7  }
0x462: {  	v8 =	vsub.s32 s24, v8  }
0x463: {  	v9 =	vadd.s32 v10, v8  }
0x464: {  	vm15 =	vge.s32 v9, v7  }
0x465: {  	v9 =	vsel vm15, $0x1, v0  }
0x466: {  	(xrf0) =	vadd.scan.msk.s32 $0xffff, v9;
	_ =	sdelay $0x3  }
0x467: {  	s21 =	simm.s32 $0xFFFFFFFF;
	s18 =	simm.s32 $0x0  }
0x468: {  	s23 =	simm.s32 $0x1F;
	p2 =	por $0x1, $0x1;
	p1 =	sgt.s32 s4, $0xFFFFFFFF  }
0x469: {  	s25 =	simm.s32 $0xF;
	p1 =	por !p2, !p1;
	v9, _, _ =	vpop (xrf0);
	s31 =	spop (v2sf)  }
0x46a: {  	s28 =	sadd.s32 $0x2F, s2;
	p2 =	por !p1, !p1;
	(v2sf) =	vpush v9, $0xF;
	s26 =	ssub.s32 s17, s31  }
.LBB2_59:
0x46b: {  	p1 =	sne.s32 s25, $0xFFFFFFFF;
	s21 =	smov.u32 @p2 s28  }
0x46c: {  	s18 =	smov.u32 @p2 s26;
	s26 =	smov.u32 s23;
	s23 =	smov.u32 s25  }
0x46d: {  	s25 =	sadd.s32 $0xFFFFFFF0, s25;
	s22 =	sadd.s32 $0xFFFFFFF0, s22  }
0x46e: {  	v9 =	vld [tilespmem:s22+$0x0];
	_ =	sdelay $0x4  }
0x46f: {  	(xrf0) =	vadd.scan.msk.s32 $0xffff, v9;
	_ =	sdelay $0x5  }
0x470: {  	v10, _, _ =	vpop (xrf0)  }
0x471: {  	(v2sf) =	vpush v10, $0xF;
	s0 =	spop (v2sf)  }
0x472: {  	s2 =	sadd.s32 $0xFFFFFFFF, s0  }
0x473: {  	p3 =	slt.s32 s21, $0x0;
	v11 =	vmov s2;
	p2 =	sgt.s32 s2, $0xFFFFFFFF  }
0x474: {  	vm0 =	veq.s32 v11, v1;
	p2 =	por !p3, !p2  }
0x475: {  	v8 =	vnsel vm0, $0x0, v8  }
0x476: {  	(xrf0) =	vadd.scan.msk.s32 $0xffff, v8;
	_ =	sdelay $0x5  }
0x477: {  	v8, _, _ =	vpop (xrf0)  }
0x478: {  	(v2sf) =	vpush v8, $0xF;
	_ =	sdelay $0x2  }
0x479: {  	s2 =	spop (v2sf)  }
0x47a: {  	s24 =	sadd.s32 s24, s2  }
0x47b: {  	v8 =	vsub.s32 s24, v10  }
0x47c: {  	v9 =	vadd.s32 v9, v8  }
0x47d: {  	vm0 =	vge.s32 v9, v7  }
0x47e: {  	v9 =	vsel vm0, $0x1, v0  }
0x47f: {  	(xrf0) =	vadd.scan.msk.s32 $0xffff, v9;
	_ =	sdelay $0x2  }
.Ltmp34:
0x480: {  	(pc) =	sbr.rel @p1 .LBB2_59-.Ltmp34, $3  }
0x481: {  	_ =	sdelay $0x1  }
0x482: {  	v9, _, _ =	vpop (xrf0);
	s2 =	spop (v2sf)  }
0x483: {  	s28 =	sadd.s32 s26, s0;
	p2 =	por !p2, !p2;
	(v2sf) =	vpush v9, $0xF;
	s26 =	ssub.s32 s17, s2  }
0x484: {  	_ =	sdelay $0xd  }
0x485: {  	s0 =	spop (v2sf)  }
0x486: {  	s2 =	sadd.s32 $0xFFFFFFFF, s0  }
0x487: {  	v7 =	vmov s2  }
0x488: {  	vm0 =	veq.s32 v7, v1  }
0x489: {  	v7 =	vnsel vm0, $0x0, v8  }
0x48a: {  	(xrf0) =	vadd.scan.msk.s32 $0xffff, v7;
	_ =	sdelay $0x5  }
0x48b: {  	v7, _, _ =	vpop (xrf0)  }
0x48c: {  	(v2sf) =	vpush v7, $0xF;
	_ =	sdelay $0xb  }
0x48d: {  	s21 =	smov.u32 @p2 s28  }
.Ltmp35:
0x48e: {  	p3 =	slt.s32 s21, $0x0;
	p1 =	sgt.s32 s2, $0xFFFFFFFF;
	(pc) =	sbr.rel @p0 .LBB2_61-.Ltmp35, $4  }
0x48f: {  	s18 =	smov.u32 @p2 s26;
	p1 =	por !p3, !p1  }
0x490: {  	s0 =	sadd.s32 s23, s0;
	p1 =	por !p1, !p1;
	s30 =	spop (v2sf)  }
0x491: {  	s31 =	sshll.u32 s19, $0x6;
	s21 =	smov.u32 @p1 s0;
	s2 =	ssub.s32 s17, s30  }
0x492: {  	s17 =	sor.u32 s31, s21;
	s18 =	smov.u32 @p1 s2  }
0x493: {  	p1 =	seq.s32 s20, $0x1  }
.Ltmp36:
0x494: {  	_ = 	snop;
	(pc) =	sbr.rel @p1 .LBB2_68-.Ltmp36, $3  }
0x495: {  	_ =	sdelay $0x1  }
0x496: {  	s21 =	simm.s32 $0x8000  }
0x497: {  	v7 =	vmov s17;
	s19 =	simm.s32 $0x0;
	s20 =	sadd.s32 $0xFFFFFFFF, s20;
	p0 =	por $0x0, $0x0;
	v8 =	vld [tilespmem:s21+$0x0]  }
0x498: {  	_ =	sdelay $0x3  }
0x499: {  	v9 =	vor.u32 s19, v1;
	v10 =	vshrl.u32 v8, $0x6  }
0x49a: {  	vm0 =	vlt.s32 v9, v6;
	vm1 =	veq.s32 v10, v7  }
0x49b: {  	vm0 =	vmand vm0, vm1  }
0x49c: {  	v9 =	vmpcnt.ones.xlane vm0;
	_ =	sdelay $0x1  }
0x49d: {  	(v2sf) =	vpush v9, $0x0  }
0x49e: {  	p1 =	seq.s32 s20, $0x1  }
.Ltmp37:
0x49f: {  	_ = 	snop;
	(pc) =	sbr.rel @p1 .LBB2_70-.Ltmp37, $3  }
0x4a0: {  	_ =	sdelay $0x1  }
0x4a1: {  	s22 =	simm.s32 $0x8010;
	s23 =	sadd.s32 $0xFFFFFFFF, s20;
	[tilespmem:s19+$0x8000] =	vst.msk vm0, v8  }
0x4a2: {  	p0 =	por $0x1, $0x1;
	s21 =	simm.s32 $0x0;
	s20 =	simm.s32 $0x0;
	v8 =	vld [tilespmem:s22+$0x0]  }
.LBB2_71:
0x4a3: {  	p1 =	seq.s32 s23, $0x1;
	_ =	sdelay $0x2  }
0x4a4: {  	s21 =	sadd.s32 $0x10, s21  }
0x4a5: {  	v9 =	vor.u32 s21, v1;
	v10 =	vshrl.u32 v8, $0x6  }
0x4a6: {  	vm0 =	vlt.s32 v9, v6;
	vm1 =	veq.s32 v10, v7  }
0x4a7: {  	vm0 =	vmand vm0, vm1  }
0x4a8: {  	v9 =	vmpcnt.ones.xlane vm0  }
0x4a9: {  	s0 =	spop (v2sf)  }
0x4aa: {  	(v2sf) =	vpush v9, $0x0;
	s20 =	sadd.s32 s20, s0  }
0x4ab: {  	[tilespmem:s20+$0x8000] =	vst.msk vm0, v8  }
.Ltmp38:
0x4ac: {  	(pc) =	sbr.rel @!p1 .LBB2_71-.Ltmp38, $3  }
0x4ad: {  	_ =	sdelay $0x1  }
0x4ae: {  	s22 =	sadd.s32 $0x10, s22  }
0x4af: {  	s23 =	sadd.s32 $0xFFFFFFFF, s23;
	v8 =	vld [tilespmem:s22+$0x0]  }
.LBB2_72:
0x4b0: {  	_ =	sdelay $0x1  }
0x4b1: {  	s0 =	sadd.s32 @p0 $0x10, s21;
	s2 =	simm.s32 $0x0  }
0x4b2: {  	s2 =	smov.u32 @p0 s0  }
0x4b3: {  	v9 =	vor.u32 s2, v1;
	v10 =	vshrl.u32 v8, $0x6  }
0x4b4: {  	vm0 =	vlt.s32 v9, v6;
	vm1 =	veq.s32 v10, v7  }
0x4b5: {  	vm0 =	vmand vm0, vm1  }
0x4b6: {  	v6 =	vmpcnt.ones.xlane vm0;
	_ =	sdelay $0x1  }
0x4b7: {  	(v2sf) =	vpush v6, $0x0;
	_ =	sdelay $0xb  }
.Ltmp39:
0x4b8: {  	_ = 	snop;
	(pc) =	sbr.rel .LBB2_62-.Ltmp39, $4  }
0x4b9: {  	s0 =	spop @p0 (v2sf)  }
0x4ba: {  	s0 =	sadd.s32 @p0 s20, s0  }
0x4bb: {  	s19 =	smov.u32 @p0 s0;
	s31 =	spop (v2sf)  }
0x4bc: {  	[tilespmem:s19+$0x8000] =	vst.msk vm0, v8;
	s19 =	sadd.s32 s19, s31  }
.LBB2_61:
0x4bd: {  	s19 =	simm.s32 $0x0  }
.LBB2_62:
0x4be: {  	s20 =	simm.s32 $0x100C0  }
0x4bf: {  	[tilespmem:s20+$0xFFFFFFC0] =	vst v0  }
0x4c0: {  	[tilespmem:s20+$0x30] =	vst v0  }
0x4c1: {  	[tilespmem:s20+$0x20] =	vst v0  }
0x4c2: {  	[tilespmem:s20+$0x10] =	vst v0  }
0x4c3: {  	[tilespmem:s20+$0x0] =	vst v0  }
0x4c4: {  	[tilespmem:s20+$0xFFFFFFF0] =	vst v0  }
0x4c5: {  	s21 =	simm.s32 $0x0;
	[tilespmem:s20+$0xFFFFFFE0] =	vst v0  }
.LBB2_63:
0x4c6: {  	s21 =	sadd.s32 $0x8, s21;
	[tilespmem:s20+$0xFFFFFFD0] =	vst v0;
	s20 =	sadd.s32 $0x80, s20  }
0x4c7: {  	[tilespmem:s20+$0xFFFFFFC0] =	vst v0;
	p0 =	slt.u32 s21, $0x38  }
0x4c8: {  	[tilespmem:s20+$0x30] =	vst v0  }
.Ltmp40:
0x4c9: {  	[tilespmem:s20+$0x20] =	vst v0;
	(pc) =	sbr.rel @p0 .LBB2_63-.Ltmp40, $4  }
0x4ca: {  	[tilespmem:s20+$0x10] =	vst v0  }
0x4cb: {  	[tilespmem:s20+$0x0] =	vst v0  }
0x4cc: {  	[tilespmem:s20+$0xFFFFFFF0] =	vst v0  }
0x4cd: {  	[tilespmem:s20+$0xFFFFFFE0] =	vst v0  }
0x4ce: {  	s0 =	sadd.s32 $0xF, s19  }
0x4cf: {  	s2 =	sand.u32 $0xF, s0  }
0x4d0: {  	s4 =	sshra.s32 s0, $0x1F;
	p0 =	slt.s32 s0, $0x1;
	p1 =	sne.s32 s2, $0x0  }
0x4d1: {  	s31 =	sshrl.u32 s4, $0x1C;
	p0 =	por !p0, !p1  }
0x4d2: {  	s2 =	simm.s32 $0x1;
	s0 =	sadd.s32 s31, s0;
	p0 =	por !p0, !p0  }
0x4d3: {  	s0 =	sshra.s32 s0, $0x4;
	s2 =	simm.s32 @!p0 $0x0  }
0x4d4: {  	s21 =	ssub.s32 s0, s2  }
0x4d5: {  	p0 =	slt.s32 s21, $0x1  }
.Ltmp41:
0x4d6: {  	_ = 	snop;
	(pc) =	sbr.rel @p0 .LBB2_77-.Ltmp41, $2  }
0x4d7: {  	_ =	sdelay $0x2  }
0x4d8: {  	[tilespmem:s20+$0xFFFFFFD0] =	vst v0  }
0x4d9: {  	p1 =	sne.s32 s21, $0x1  }
.Ltmp42:
0x4da: {  	_ = 	snop;
	(pc) =	sbr.rel @!p1 .LBB2_66-.Ltmp42, $3  }
0x4db: {  	_ =	sdelay $0x1  }
0x4dc: {  	s0 =	simm.s32 $0x8000  }
0x4dd: {  	v6 =	vmov s19;
	s19 =	simm.s32 $0x0;
	s20 =	sadd.s32 $0xFFFFFFFF, s21;
	p0 =	por $0x0, $0x0;
	v7 =	vld [tilespmem:s0+$0x0]  }
0x4de: {  	_ =	sdelay $0x2  }
0x4df: {  	v8 =	vor.u32 s19, v1  }
0x4e0: {  	vm0 =	vlt.s32 v8, v6;
	v7 =	vand.u32 $0x3F, v7  }
0x4e1: {  	v7 =	vor.u32 v4, v7  }
0x4e2: {  	p1 =	sne.s32 s20, $0x1  }
.Ltmp43:
0x4e3: {  	_ = 	snop;
	(pc) =	sbr.rel @!p1 .LBB2_74-.Ltmp43, $3  }
0x4e4: {  	_ =	sdelay $0x1  }
0x4e5: {  	s21 =	simm.s32 $0x8010;
	[tilespmem:v7+s12+$0x0] =	vst.idx.add.s32.msk vm0, v3  }
0x4e6: {  	s22 =	sadd.s32 $0xFFFFFFFF, s20;
	p0 =	por $0x1, $0x1;
	s20 =	simm.s32 $0x0;
	v7 =	vld [tilespmem:s21+$0x0]  }
.LBB2_75:
0x4e7: {  	p1 =	sne.s32 s22, $0x1;
	_ =	sdelay $0x1  }
0x4e8: {  	s20 =	sadd.s32 $0x10, s20  }
0x4e9: {  	v8 =	vor.u32 s20, v1  }
0x4ea: {  	vm0 =	vlt.s32 v8, v6;
	v7 =	vand.u32 $0x3F, v7  }
0x4eb: {  	v7 =	vor.u32 v4, v7;
	_ =	sdelay $0x1  }
.Ltmp44:
0x4ec: {  	(pc) =	sbr.rel @p1 .LBB2_75-.Ltmp44, $3  }
0x4ed: {  	_ =	sdelay $0x1  }
0x4ee: {  	s21 =	sadd.s32 $0x10, s21;
	[tilespmem:v7+s12+$0x0] =	vst.idx.add.s32.msk vm0, v3  }
0x4ef: {  	s22 =	sadd.s32 $0xFFFFFFFF, s22;
	v7 =	vld [tilespmem:s21+$0x0]  }
.LBB2_76:
0x4f0: {  	_ = 	snop  }
0x4f1: {  	s0 =	sadd.s32 @p0 $0x10, s20  }
0x4f2: {  	s19 =	smov.u32 @p0 s0  }
0x4f3: {  	v8 =	vor.u32 s19, v1  }
0x4f4: {  	vm0 =	vlt.s32 v8, v6;
	v6 =	vand.u32 $0x3F, v7  }
0x4f5: {  	v6 =	vor.u32 v4, v6;
	_ =	sdelay $0x4  }
0x4f6: {  	[tilespmem:v6+s12+$0x0] =	vst.idx.add.s32.msk vm0, v3  }
.LBB2_77:
0x4f7: {  	v6 =	vld [tilespmem:$0x100A0]  }
0x4f8: {  	v7 =	vld [tilespmem:$0x100E0]  }
0x4f9: {  	v8 =	vld [tilespmem:$0x10120]  }
0x4fa: {  	v9 =	vld [tilespmem:$0x100B0]  }
0x4fb: {  	v10 =	vld [tilespmem:$0x100F0]  }
0x4fc: {  	v11 =	vld [tilespmem:$0x10130]  }
0x4fd: {  	v12 =	vld [tilespmem:$0x10170]  }
0x4fe: {  	v13 =	vld [tilespmem:$0x101B0]  }
0x4ff: {  	v14 =	vld [tilespmem:$0x101F0]  }
0x500: {  	v47 =	vld [tilespmem:$0x10230];
	v9 =	vadd.s32 v9, v10  }
0x501: {  	v48 =	vld [tilespmem:$0x10270];
	v9 =	vadd.s32 v11, v9  }
0x502: {  	v49 =	vld [tilespmem:$0x102B0];
	v9 =	vadd.s32 v12, v9  }
0x503: {  	v50 =	vld [tilespmem:$0x102F0];
	v9 =	vadd.s32 v13, v9  }
0x504: {  	v51 =	vld [tilespmem:$0x10330];
	v9 =	vadd.s32 v14, v9  }
0x505: {  	v52 =	vld [tilespmem:$0x10370];
	v9 =	vadd.s32 v47, v9  }
0x506: {  	v53 =	vld [tilespmem:$0x103B0];
	v9 =	vadd.s32 v48, v9  }
0x507: {  	v54 =	vld [tilespmem:$0x103F0];
	v9 =	vadd.s32 v49, v9  }
0x508: {  	v55 =	vld [tilespmem:$0x10430];
	v9 =	vadd.s32 v50, v9  }
0x509: {  	v56 =	vld [tilespmem:$0x10470];
	v9 =	vadd.s32 v51, v9  }
0x50a: {  	v15 =	vld [tilespmem:$0x10160];
	v9 =	vadd.s32 v52, v9  }
0x50b: {  	v57 =	vld [tilespmem:$0x101A0];
	v9 =	vadd.s32 v53, v9  }
0x50c: {  	v58 =	vld [tilespmem:$0x101E0];
	v9 =	vadd.s32 v54, v9  }
0x50d: {  	v6 =	vadd.s32 v6, v7;
	v7 =	vld [tilespmem:$0x10220];
	v9 =	vadd.s32 v55, v9  }
0x50e: {  	v59 =	vld [tilespmem:$0x10260];
	v8 =	vadd.s32 v8, v6;
	v6 =	vadd.s32 v56, v9  }
0x50f: {  	v60 =	vld [tilespmem:$0x102A0];
	v8 =	vadd.s32 v15, v8;
	(xrf0) =	vadd.scan.msk.s32 $0xffff, v6  }
0x510: {  	v61 =	vld [tilespmem:$0x102E0];
	v8 =	vadd.s32 v57, v8  }
0x511: {  	v62 =	vld [tilespmem:$0x10320];
	v8 =	vadd.s32 v58, v8  }
0x512: {  	v63 =	vld [tilespmem:$0x10360];
	v7 =	vadd.s32 v7, v8  }
0x513: {  	v16 =	vld [tilespmem:$0x103A0];
	v7 =	vadd.s32 v59, v7  }
0x514: {  	v17 =	vld [tilespmem:$0x103E0];
	v7 =	vadd.s32 v60, v7  }
0x515: {  	v18 =	vld [tilespmem:$0x10420];
	v7 =	vadd.s32 v61, v7;
	v19, _, _ =	vpop (xrf0)  }
0x516: {  	v20 =	vld [tilespmem:$0x10460];
	v7 =	vadd.s32 v62, v7;
	v21 =	vbroadcast v19, $0xF  }
0x517: {  	v7 =	vadd.s32 v63, v7;
	v22 =	vsub.s32 v6, v19  }
0x518: {  	v7 =	vadd.s32 v16, v7;
	v8 =	vadd.s32 v21, v22  }
0x519: {  	v7 =	vadd.s32 v17, v7;
	vm0 =	vge.s32 v8, s18  }
0x51a: {  	v7 =	vadd.s32 v18, v7;
	v8 =	vsel vm0, $0x1, v0  }
0x51b: {  	v7 =	vadd.s32 v20, v7;
	(xrf0) =	vadd.scan.msk.s32 $0xffff, v8  }
0x51c: {  	(xrf0) =	vadd.scan.msk.s32 $0xffff, v7  }
0x51d: {  	v23 =	vld [tilespmem:$0x10090]  }
0x51e: {  	v24 =	vld [tilespmem:$0x100D0]  }
0x51f: {  	v25 =	vld [tilespmem:$0x10110]  }
0x520: {  	v26 =	vld [tilespmem:$0x10150]  }
0x521: {  	v27 =	vld [tilespmem:$0x10190];
	(v2sf) =	vpush v19, $0xF;
	v28, _, _ =	vpop (xrf0)  }
0x522: {  	v29 =	vld [tilespmem:$0x101D0];
	(v2sf) =	vpush v28, $0xF;
	v30, _, _ =	vpop (xrf0)  }
0x523: {  	v31 =	vld [tilespmem:$0x10210];
	v8 =	vadd.s32 v23, v24;
	(v2sf) =	vpush v30, $0xF  }
0x524: {  	v32 =	vld [tilespmem:$0x10250];
	v8 =	vadd.s32 v25, v8  }
0x525: {  	v33 =	vld [tilespmem:$0x10290];
	v8 =	vadd.s32 v26, v8  }
0x526: {  	v34 =	vld [tilespmem:$0x102D0];
	v8 =	vadd.s32 v27, v8  }
0x527: {  	v35 =	vld [tilespmem:$0x10310];
	v8 =	vadd.s32 v29, v8  }
0x528: {  	v36 =	vld [tilespmem:$0x10350];
	v8 =	vadd.s32 v31, v8  }
0x529: {  	v37 =	vld [tilespmem:$0x10390];
	v8 =	vadd.s32 v32, v8  }
0x52a: {  	v38 =	vld [tilespmem:$0x103D0];
	v8 =	vadd.s32 v33, v8  }
0x52b: {  	v39 =	vld [tilespmem:$0x10410];
	v8 =	vadd.s32 v34, v8  }
0x52c: {  	v40 =	vld [tilespmem:$0x10450];
	v8 =	vadd.s32 v35, v8  }
0x52d: {  	v8 =	vadd.s32 v36, v8  }
0x52e: {  	v8 =	vadd.s32 v37, v8  }
0x52f: {  	v8 =	vadd.s32 v38, v8  }
0x530: {  	s0 =	spop (v2sf);
	v8 =	vadd.s32 v39, v8  }
0x531: {  	v8 =	vadd.s32 v40, v8;
	s19 =	spop (v2sf)  }
0x532: {  	[tilespmem:$0x10890] =	vst v8;
	s2 =	spop (v2sf)  }
0x533: {  	v41 =	vsub.s32 v7, v30;
	v42 =	vld [tilespmem:$0x10890];
	s0 =	sadd.s32 s0, s2  }
0x534: {  	v8 =	vadd.s32 s0, v41  }
0x535: {  	vm13 =	vge.s32 v8, s18  }
0x536: {  	v8 =	vsel vm13, $0x1, v0  }
0x537: {  	(xrf0) =	vadd.scan.msk.s32 $0xffff, v8  }
0x538: {  	(xrf0) =	vadd.scan.msk.s32 $0xffff, v42  }
0x539: {  	v43 =	vld [tilespmem:$0x10080]  }
0x53a: {  	v44 =	vld [tilespmem:$0x100C0]  }
0x53b: {  	v45 =	vld [tilespmem:$0x10100]  }
0x53c: {  	v46 =	vld [tilespmem:$0x10140]  }
0x53d: {  	v47 =	vld [tilespmem:$0x10180];
	v48, _, _ =	vpop (xrf0)  }
0x53e: {  	v49 =	vld [tilespmem:$0x101C0];
	(v2sf) =	vpush v48, $0xF;
	v50, _, _ =	vpop (xrf0)  }
0x53f: {  	v51 =	vld [tilespmem:$0x10200];
	v8 =	vadd.s32 v43, v44;
	(v2sf) =	vpush v50, $0xF  }
0x540: {  	v52 =	vld [tilespmem:$0x10240];
	v8 =	vadd.s32 v45, v8  }
0x541: {  	v53 =	vld [tilespmem:$0x10280];
	v8 =	vadd.s32 v46, v8  }
0x542: {  	v54 =	vld [tilespmem:$0x102C0];
	v8 =	vadd.s32 v47, v8  }
0x543: {  	v55 =	vld [tilespmem:$0x10300];
	v8 =	vadd.s32 v49, v8  }
0x544: {  	v56 =	vld [tilespmem:$0x10340];
	v8 =	vadd.s32 v51, v8  }
0x545: {  	v57 =	vld [tilespmem:$0x10380];
	v8 =	vadd.s32 v52, v8  }
0x546: {  	v58 =	vld [tilespmem:$0x103C0];
	v8 =	vadd.s32 v53, v8  }
0x547: {  	v59 =	vld [tilespmem:$0x10400];
	v8 =	vadd.s32 v54, v8  }
0x548: {  	v60 =	vld [tilespmem:$0x10440];
	v8 =	vadd.s32 v55, v8  }
0x549: {  	v8 =	vadd.s32 v56, v8  }
0x54a: {  	v8 =	vadd.s32 v57, v8  }
0x54b: {  	v8 =	vadd.s32 v58, v8  }
0x54c: {  	v8 =	vadd.s32 v59, v8  }
0x54d: {  	v8 =	vadd.s32 v60, v8;
	s24 =	spop (v2sf)  }
0x54e: {  	[tilespmem:$0x10880] =	vst v8;
	s4 =	spop (v2sf)  }
0x54f: {  	v61 =	vsub.s32 v42, v50;
	v62 =	vld [tilespmem:$0x10880];
	s0 =	sadd.s32 s0, s4  }
0x550: {  	v8 =	vadd.s32 s0, v61  }
0x551: {  	vm14 =	vge.s32 v8, s18  }
0x552: {  	v8 =	vsel vm14, $0x1, v0  }
0x553: {  	(xrf0) =	vadd.scan.msk.s32 $0xffff, v8  }
0x554: {  	(xrf0) =	vadd.scan.msk.s32 $0xffff, v62;
	_ =	sdelay $0x4  }
0x555: {  	v8, _, _ =	vpop (xrf0)  }
0x556: {  	(v2sf) =	vpush v8, $0xF;
	v63, _, _ =	vpop (xrf0)  }
0x557: {  	(v2sf) =	vpush v63, $0xF;
	_ =	sdelay $0xd  }
0x558: {  	s25 =	spop (v2sf)  }
0x559: {  	s7 =	spop (v2sf)  }
0x55a: {  	v8 =	vsub.s32 v62, v63;
	s0 =	sadd.s32 s0, s7  }
0x55b: {  	v8 =	vadd.s32 s0, v8  }
0x55c: {  	vm15 =	vge.s32 v8, s18  }
0x55d: {  	v8 =	vsel vm15, $0x1, v0  }
0x55e: {  	(xrf0) =	vadd.scan.msk.s32 $0xffff, v8;
	_ =	sdelay $0x5  }
0x55f: {  	v8, _, _ =	vpop (xrf0)  }
0x560: {  	(v2sf) =	vpush v8, $0xF;
	_ =	sdelay $0x7  }
0x561: {  	s26 =	sadd.s32 $0xFFFFFFFF, s19  }
0x562: {  	p0 =	sgt.s32 s26, $0xFFFFFFFF;
	s0 =	sadd.s32 $0x2F, s19  }
0x563: {  	s28 =	sadd.s32 $0xFFFFFFFF, s24;
	s0 =	simm.s32 @!p0 $0xFFFFFFFF  }
0x564: {  	s2 =	sadd.s32 $0x1F, s24;
	p0 =	sgt.s32 s28, $0xFFFFFFFF;
	s7 =	smov.u32 s0  }
0x565: {  	p1 =	slt.s32 s0, $0x0;
	s7 =	smov.u32 @p0 s2  }
0x566: {  	s29 =	sadd.s32 $0xFFFFFFFF, s25;
	s0 =	smov.u32 @p1 s7  }
0x567: {  	p0 =	sgt.s32 s29, $0xFFFFFFFF;
	s2 =	sadd.s32 $0xF, s25;
	s4 =	smov.u32 s0  }
0x568: {  	p1 =	slt.s32 s0, $0x0;
	s4 =	smov.u32 @p0 s2;
	s30 =	spop (v2sf)  }
0x569: {  	s0 =	smov.u32 @p1 s4;
	s2 =	sadd.s32 $0xFFFFFFFF, s30  }
0x56a: {  	s4 =	smov.u32 s0;
	p0 =	sgt.s32 s2, $0xFFFFFFFF  }
0x56b: {  	p1 =	slt.s32 s0, $0x0;
	s4 =	smov.u32 @p0 s2  }
0x56c: {  	s31 =	sshll.u32 s17, $0x6;
	[tilespmem:$0x108A0] =	vst v7;
	s0 =	smov.u32 @p1 s4  }
0x56d: {  	[tilespmem:$0x108B0] =	vst v6;
	s18 =	sor.u32 s31, s0  }
.LBB2_78:
0x56e: {  	s17 =	simm.s32 $0x80  }
0x56f: {  	v7 =	vld [tilespmem:s17+$0x70]  }
0x570: {  	v8 =	vld [tilespmem:s17+$0xFFFFFF90]  }
0x571: {  	v9 =	vld [tilespmem:s17+$0xFFFFFFA0]  }
0x572: {  	v10 =	vld [tilespmem:s17+$0xFFFFFFB0]  }
0x573: {  	v11 =	vld [tilespmem:s17+$0xFFFFFFC0]  }
0x574: {  	v6 =	vmov s18;
	v12 =	vld [tilespmem:s17+$0xFFFFFFD0];
	v13 =	vand.u32 $0x7FFFFFFF, v7  }
0x575: {  	v15 =	vld [tilespmem:s17+$0xFFFFFFE0];
	v14 =	vand.u32 $0x7FFFFFFF, v8;
	vm0 =	vgt.s32 v6, v13  }
0x576: {  	vm1 =	vgt.s32 v6, v14;
	v13 =	vand.u32 $0x7FFFFFFF, v9;
	v14 =	vld [tilespmem:s17+$0xFFFFFFF0];
	v7 =	vsel vm0, $0x0, v7  }
0x577: {  	v16 =	vld [tilespmem:s17+$0x0];
	v8 =	vsel vm1, $0x0, v8;
	vm0 =	vgt.s32 v6, v13;
	v13 =	vand.u32 $0x7FFFFFFF, v10;
	[tilespmem:s17+$0x70] =	vst v7  }
0x578: {  	[tilespmem:s17+$0xFFFFFF90] =	vst v8;
	v7 =	vsel vm0, $0x0, v9;
	vm0 =	vgt.s32 v6, v13;
	v9 =	vand.u32 $0x7FFFFFFF, v11;
	v8 =	vld [tilespmem:s17+$0x10]  }
0x579: {  	[tilespmem:s17+$0xFFFFFFA0] =	vst v7;
	v7 =	vsel vm0, $0x0, v10;
	vm0 =	vgt.s32 v6, v9;
	v10 =	vand.u32 $0x7FFFFFFF, v12;
	v9 =	vld [tilespmem:s17+$0x20]  }
0x57a: {  	[tilespmem:s17+$0xFFFFFFB0] =	vst v7;
	v7 =	vsel vm0, $0x0, v11;
	vm0 =	vgt.s32 v6, v10;
	v11 =	vand.u32 $0x7FFFFFFF, v15;
	v10 =	vld [tilespmem:s17+$0x30]  }
0x57b: {  	v13 =	vld [tilespmem:s17+$0x40];
	[tilespmem:s17+$0xFFFFFFC0] =	vst v7;
	v7 =	vsel vm0, $0x0, v12;
	vm0 =	vgt.s32 v6, v11;
	v11 =	vand.u32 $0x7FFFFFFF, v14  }
0x57c: {  	v12 =	vand.u32 $0x7FFFFFFF, v16;
	[tilespmem:s17+$0xFFFFFFD0] =	vst v7;
	v7 =	vsel vm0, $0x0, v15;
	vm0 =	vgt.s32 v6, v11;
	v11 =	vld [tilespmem:s17+$0x50]  }
0x57d: {  	[tilespmem:s17+$0xFFFFFFE0] =	vst v7;
	v14 =	vsel vm0, $0x0, v14;
	vm0 =	vgt.s32 v6, v12;
	v15 =	vand.u32 $0x7FFFFFFF, v8;
	v12 =	vld [tilespmem:s17+$0x60]  }
0x57e: {  	s18 =	simm.s32 $0x0;
	s19 =	simm.s32 $0x180;
	v7 =	vld [tilespmem:s17+$0xFFFFFF80];
	[tilespmem:s17+$0xFFFFFFF0] =	vst v14;
	v14 =	vsel vm0, $0x0, v16;
	vm0 =	vgt.s32 v6, v15;
	v15 =	vand.u32 $0x7FFFFFFF, v9  }
.LBB2_79:
0x57f: {  	v16 =	vld [tilespmem:s19+$0x70];
	s18 =	sadd.s32 $0x10, s18;
	[tilespmem:s17+$0x0] =	vst v14;
	v8 =	vsel vm0, $0x0, v8;
	vm0 =	vgt.s32 v6, v15;
	v14 =	vand.u32 $0x7FFFFFFF, v10  }
0x580: {  	v15 =	vld [tilespmem:s19+$0xFFFFFF90];
	p0 =	slt.u32 s18, $0x7F0;
	[tilespmem:s17+$0x10] =	vst v8;
	v8 =	vsel vm0, $0x0, v9;
	vm0 =	vgt.s32 v6, v14;
	v9 =	vand.u32 $0x7FFFFFFF, v13  }
0x581: {  	v14 =	vld [tilespmem:s19+$0xFFFFFFA0];
	[tilespmem:s17+$0x20] =	vst v8;
	v8 =	vsel vm0, $0x0, v10;
	vm0 =	vgt.s32 v6, v9;
	v9 =	vand.u32 $0x7FFFFFFF, v11  }
0x582: {  	v10 =	vld [tilespmem:s19+$0xFFFFFFB0];
	[tilespmem:s17+$0x30] =	vst v8;
	v8 =	vsel vm0, $0x0, v13;
	vm0 =	vgt.s32 v6, v9;
	v9 =	vand.u32 $0x7FFFFFFF, v12  }
0x583: {  	v13 =	vld [tilespmem:s19+$0xFFFFFFC0];
	v17 =	vand.u32 $0x7FFFFFFF, v7;
	[tilespmem:s17+$0x40] =	vst v8;
	v8 =	vsel vm0, $0x0, v11;
	vm0 =	vgt.s32 v6, v9  }
0x584: {  	v11 =	vld [tilespmem:s19+$0xFFFFFFD0];
	v9 =	vand.u32 $0x7FFFFFFF, v16;
	vm1 =	vgt.s32 v6, v17;
	[tilespmem:s17+$0x50] =	vst v8;
	v8 =	vsel vm0, $0x0, v12  }
0x585: {  	v12 =	vand.u32 $0x7FFFFFFF, v15;
	v17 =	vld [tilespmem:s19+$0xFFFFFFE0];
	vm0 =	vgt.s32 v6, v9;
	v7 =	vsel vm1, $0x0, v7;
	[tilespmem:s17+$0x60] =	vst v8  }
0x586: {  	vm1 =	vgt.s32 v6, v12;
	v8 =	vand.u32 $0x7FFFFFFF, v14;
	v12 =	vld [tilespmem:s19+$0xFFFFFFF0];
	v9 =	vsel vm0, $0x0, v16;
	[tilespmem:s17+$0xFFFFFF80] =	vst v7;
	s17 =	smov.u32 s19  }
0x587: {  	v7 =	vsel vm1, $0x0, v15;
	vm0 =	vgt.s32 v6, v8;
	v8 =	vand.u32 $0x7FFFFFFF, v10;
	v15 =	vld [tilespmem:s19+$0x0];
	[tilespmem:s19+$0x70] =	vst v9  }
0x588: {  	[tilespmem:s19+$0xFFFFFF90] =	vst v7;
	v7 =	vsel vm0, $0x0, v14;
	vm0 =	vgt.s32 v6, v8;
	v9 =	vand.u32 $0x7FFFFFFF, v13;
	v8 =	vld [tilespmem:s19+$0x10]  }
0x589: {  	[tilespmem:s19+$0xFFFFFFA0] =	vst v7;
	v7 =	vsel vm0, $0x0, v10;
	vm0 =	vgt.s32 v6, v9;
	v10 =	vand.u32 $0x7FFFFFFF, v11;
	v9 =	vld [tilespmem:s19+$0x20]  }
.Ltmp45:
0x58a: {  	[tilespmem:s19+$0xFFFFFFB0] =	vst v7;
	v7 =	vsel vm0, $0x0, v13;
	vm0 =	vgt.s32 v6, v10;
	v13 =	vand.u32 $0x7FFFFFFF, v17;
	v10 =	vld [tilespmem:s19+$0x30];
	(pc) =	sbr.rel @p0 .LBB2_79-.Ltmp45, $4  }
0x58b: {  	[tilespmem:s19+$0xFFFFFFC0] =	vst v7;
	v7 =	vsel vm0, $0x0, v11;
	vm0 =	vgt.s32 v6, v13;
	v11 =	vand.u32 $0x7FFFFFFF, v12;
	v13 =	vld [tilespmem:s19+$0x40]  }
0x58c: {  	[tilespmem:s19+$0xFFFFFFD0] =	vst v7;
	v7 =	vsel vm0, $0x0, v17;
	vm0 =	vgt.s32 v6, v11;
	v14 =	vand.u32 $0x7FFFFFFF, v15;
	v11 =	vld [tilespmem:s19+$0x50]  }
0x58d: {  	[tilespmem:s19+$0xFFFFFFE0] =	vst v7;
	v16 =	vsel vm0, $0x0, v12;
	vm0 =	vgt.s32 v6, v14;
	v17 =	vand.u32 $0x7FFFFFFF, v8;
	v12 =	vld [tilespmem:s19+$0x60]  }
0x58e: {  	s19 =	sadd.s32 $0x100, s19;
	v7 =	vld [tilespmem:s17+$0xFFFFFF80];
	[tilespmem:s17+$0xFFFFFFF0] =	vst v16;
	v14 =	vsel vm0, $0x0, v15;
	vm0 =	vgt.s32 v6, v17;
	v15 =	vand.u32 $0x7FFFFFFF, v9  }
0x58f: {  	[tilespmem:s17+$0x0] =	vst v14;
	v8 =	vsel vm0, $0x0, v8;
	vm11 =	vgt.s32 v6, v15;
	v55 =	vand.u32 $0x7FFFFFFF, v10  }
0x590: {  	[tilespmem:s17+$0x10] =	vst v8;
	v56 =	vsel vm11, $0x0, v9;
	vm12 =	vgt.s32 v6, v55;
	v57 =	vand.u32 $0x7FFFFFFF, v13  }
0x591: {  	[tilespmem:s17+$0x20] =	vst v56;
	v58 =	vsel vm12, $0x0, v10;
	vm13 =	vgt.s32 v6, v57;
	v59 =	vand.u32 $0x7FFFFFFF, v11  }
0x592: {  	[tilespmem:s17+$0x30] =	vst v58;
	v60 =	vsel vm13, $0x0, v13;
	vm14 =	vgt.s32 v6, v59;
	v61 =	vand.u32 $0x7FFFFFFF, v12  }
0x593: {  	v62 =	vand.u32 $0x7FFFFFFF, v7;
	[tilespmem:s17+$0x40] =	vst v60;
	v63 =	vsel vm14, $0x0, v11;
	vm15 =	vgt.s32 v6, v61  }
0x594: {  	vm1 =	vgt.s32 v6, v62;
	[tilespmem:s17+$0x50] =	vst v63;
	v6 =	vsel vm15, $0x0, v12  }
0x595: {  	s15 =	sadd.s32 $0x1, s15;
	v7 =	vsel vm1, $0x0, v7;
	[tilespmem:s17+$0x60] =	vst v6  }
0x596: {  	s0 =	sadd.s32 s3, s16;
	p0 =	sne.s32 s15, $0x4;
	[tilespmem:s17+$0xFFFFFF80] =	vst v7  }
0x597: {  	[hbm4b:s0+s10] =	stream.strided.scatter [tilespmem:s5], [sflag:$0x1], $0x8000, s11, s10, $0x38;
	[tilespmem:$0x10980] =	vst v63  }
.Ltmp46:
0x598: {  	_ = 	snop;
	(pc) =	sbr.rel @p0 .LBB2_2-.Ltmp46, $4  }
.Ltmp47:
0x599: {  	_ = 	snop;
	(pc) =	sbr.rel @!p0 .LBB2_81-.Ltmp47, $4  }
0x59a: {  	_ =	swait.ge [sflag:s9], $0x8000  }
0x59b: {  	[sflag:s9] =	ssyncset.done $0x0  }
0x59c: {  	[sflag:s9] =	ssyncadd.s32 $0xFFFF8000  }
0x59d: {  	_ = 	snop  }
.LBB2_14:
.Ltmp48:
0x59e: {  	(pc) =	sbr.rel .LBB2_18-.Ltmp48, $2  }
0x59f: {  	_ =	sdelay $0x2  }
0x5a0: {  	s21 =	simm.s32 $0x0  }
.LBB2_25:
.Ltmp49:
0x5a1: {  	(pc) =	sbr.rel .LBB2_29-.Ltmp49, $2  }
0x5a2: {  	_ =	sdelay $0x2  }
0x5a3: {  	s21 =	simm.s32 $0x0;
	s20 =	simm.s32 $0x0  }
.LBB2_16:
.Ltmp50:
0x5a4: {  	(pc) =	sbr.rel .LBB2_18-.Ltmp50, $2  }
0x5a5: {  	_ =	sdelay $0x2  }
0x5a6: {  	s21 =	simm.s32 $0x0  }
.LBB2_27:
.Ltmp51:
0x5a7: {  	(pc) =	sbr.rel .LBB2_29-.Ltmp51, $2  }
0x5a8: {  	_ =	sdelay $0x2  }
0x5a9: {  	s21 =	simm.s32 $0x0;
	s20 =	simm.s32 $0x0  }
.LBB2_34:
.Ltmp52:
0x5aa: {  	(pc) =	sbr.rel .LBB2_38-.Ltmp52, $2  }
0x5ab: {  	_ =	sdelay $0x2  }
0x5ac: {  	s21 =	simm.s32 $0x0  }
.LBB2_49:
.Ltmp53:
0x5ad: {  	(pc) =	sbr.rel .LBB2_53-.Ltmp53, $2  }
0x5ae: {  	_ =	sdelay $0x2  }
0x5af: {  	s21 =	simm.s32 $0x0;
	s20 =	simm.s32 $0x0  }
.LBB2_47:
.Ltmp54:
0x5b0: {  	(pc) =	sbr.rel .LBB2_57-.Ltmp54, $2  }
0x5b1: {  	_ =	sdelay $0x2  }
0x5b2: {  	s21 =	simm.s32 $0x0  }
.LBB2_68:
.Ltmp55:
0x5b3: {  	(pc) =	sbr.rel .LBB2_72-.Ltmp55, $2  }
0x5b4: {  	_ =	sdelay $0x2  }
0x5b5: {  	s21 =	simm.s32 $0x0;
	s20 =	simm.s32 $0x0  }
.LBB2_66:
.Ltmp56:
0x5b6: {  	(pc) =	sbr.rel .LBB2_76-.Ltmp56, $2  }
0x5b7: {  	_ =	sdelay $0x2  }
0x5b8: {  	s20 =	simm.s32 $0x0  }
.LBB2_36:
.Ltmp57:
0x5b9: {  	(pc) =	sbr.rel .LBB2_38-.Ltmp57, $2  }
0x5ba: {  	_ =	sdelay $0x2  }
0x5bb: {  	s21 =	simm.s32 $0x0  }
.LBB2_51:
.Ltmp58:
0x5bc: {  	(pc) =	sbr.rel .LBB2_53-.Ltmp58, $2  }
0x5bd: {  	_ =	sdelay $0x2  }
0x5be: {  	s21 =	simm.s32 $0x0;
	s20 =	simm.s32 $0x0  }
.LBB2_55:
.Ltmp59:
0x5bf: {  	(pc) =	sbr.rel .LBB2_57-.Ltmp59, $2  }
0x5c0: {  	_ =	sdelay $0x2  }
0x5c1: {  	s21 =	simm.s32 $0x0  }
.LBB2_70:
.Ltmp60:
0x5c2: {  	(pc) =	sbr.rel .LBB2_72-.Ltmp60, $2  }
0x5c3: {  	_ =	sdelay $0x2  }
0x5c4: {  	s21 =	simm.s32 $0x0;
	s20 =	simm.s32 $0x0  }
.LBB2_74:
.Ltmp61:
0x5c5: {  	(pc) =	sbr.rel .LBB2_76-.Ltmp61, $2  }
0x5c6: {  	_ =	sdelay $0x2  }
0x5c7: {  	s20 =	simm.s32 $0x0  }
.LBB2_82:
0x5c8: {  	_ =	sfence.sel $0x180000  }
0x5c9: {  	[bflag:$0x0] =	sbarrier.arrive $0xFFFF  }
0x5ca: {  	_ =	strace $0x90000047  }
0x5cb: {  	s0 =	stileid.u32;
	[bflag:$0x2] =	sbarrier.arrive $0xFFFF  }
0x5cc: {  	p0 =	sne.s32 s0, $0x0;
	s0 =	rddreg [dreg:$0x3]  }
0x5cd: {  	s0 =	sadd.s32 @!p0 $0x100000, s0  }
0x5ce: {  	[sflag:s0] =	ssyncadd.tile.s32 @!p0 $0x1;
	_ =	shalt  }
.Lfunc_end2:
_tile_overlayer_lowered:
.L_overlay_start_2:
0x5cf: {  	(tag) =	ssettag $0x2  }
0x5d0: {  	s0 =	rddreg [dreg:$0x0];
	s2 =	stileid.u32  }
0x5d1: {  	s1 =	rddreg [dreg:$0x1];
	p0 =	sne.s32 s2, $0x0  }
0x5d2: {  	s3 =	rddreg [dreg:$0x2];
	[bflag:$0x3] =	sbarrier.arrive $0xFFFF;
	s2 =	simm.s32 @!p0 $0x1C01  }
0x5d3: {  	[timem:s3], [sflag:s2] =	dma.local @!p0 [hbm:s0], s1  }
0x5d4: {  	s0 =	simm.s32 @!p0 $0x1  }
0x5d5: {  	_ =	swait.ge @!p0 [sflag:s0], s1  }
0x5d6: {  	s1 =	ssub.s32 @!p0 $0x0, s1;
	[sflag:s0] =	ssyncset.done @!p0 $0x0  }
0x5d7: {  	[sflag:s0] =	ssyncadd.s32 @!p0 s1  }
0x5d8: {  	[bflag:$0x3] =	sbarrier.arrive $0xFFFF  }
0x5d9: {  	_ =	shalt  }

</sc_bundles>
